<compile_context>
chip_gen: v7x
topology: tpu7x:2x2x1
jax: 0.10.2.dev20260603
libtpu: 0.0.44.dev20260713+nightly
codegen_flags: <defaults>
</compile_context>

<pallas_src>
import functools

import jax
import jax.numpy as jnp
from jax import lax
from jax.experimental import pallas as pl
from jax.experimental.pallas import tpu as pltpu
from jax.experimental.pallas import tpu_sc as plsc

VOCAB = 1000000
EMBED_DIM = 64
SEQ_LEN = 200
BATCH = 4096

_NC = 2
_NS = 16
_NW = _NC * _NS

_XTC = 548864
_V2TC = _XTC // 2
_RBT = 4096
_GRIDT = _V2TC // _RBT
_TPBT = _RBT // 128


def _remap_body(x_ref, o_ref):
    v = x_ref[...]
    shuf = (v & jnp.int32(-256)) | ((v & 1) << 7) | ((v >> 1) & 127)
    o_ref[...] = jnp.where(v < _XTC, shuf, v)


def _remap(x):
    return pl.pallas_call(
        _remap_body,
        in_specs=[pl.BlockSpec((BATCH, SEQ_LEN), lambda: (0, 0))],
        out_specs=pl.BlockSpec((BATCH, SEQ_LEN), lambda: (0, 0)),
        out_shape=jax.ShapeDtypeStruct((BATCH, SEQ_LEN), jnp.int32),
    )(x)


def _rowmean_tc_body(tab_ref, out_ref):
    a = tab_ref[...]
    lane = lax.broadcasted_iota(jnp.int32, (128, 128), 0)
    col = lax.broadcasted_iota(jnp.int32, (128, 128), 1)
    par = jnp.where((lane // 64) == (col % 2), 1.0 / EMBED_DIM, 0.0)
    z = lax.dot_general(a, par.astype(jnp.float32), (((1,), (0,)), ((), ())),
                        precision=lax.Precision.HIGHEST,
                        preferred_element_type=jnp.float32)
    z3 = z.reshape(_TPBT, 128, 128)
    t = jnp.swapaxes(z3, 1, 2)
    out_ref[...] = t[:, 0:2, :]


def _rowmean_tc(table2):
    return pl.pallas_call(
        _rowmean_tc_body,
        grid=(_GRIDT,),
        in_specs=[pl.BlockSpec((_RBT, 128), lambda i: (i, 0))],
        out_specs=pl.BlockSpec((_TPBT, 2, 128), lambda i: (i, 0, 0)),
        out_shape=jax.ShapeDtypeStruct((_GRIDT * _TPBT, 2, 128), jnp.float32),
    )(table2)


_NSC = VOCAB - _XTC
_CH = 256
_SLC = 14336
_SLC_LAST = _NSC - 31 * _SLC
_NPAIR = 28
_NPAIR_LAST = 13
_TAIL_LAST = _SLC_LAST - 26 * _CH


def _rm_compute(buf, ob, ngroups):

    def grp(g, rows):
        acc = jnp.zeros((16,), jnp.float32)
        for d in range(EMBED_DIM):
            col = jnp.full((16,), d, jnp.int32)
            acc = acc + plsc.load_gather(buf, [rows, col])
        ob[pl.ds(g * 16, 16)] = acc * (1.0 / EMBED_DIM)
        return rows + 16

    lax.fori_loop(0, ngroups, grp, lax.iota(jnp.int32, 16))


def _rowmean_sc_body(tab_hbm, rm_hbm, buf0, buf1, ob0, ob1, sem0, sem1):
    wid = lax.axis_index("s") * _NC + lax.axis_index("c")
    v0 = wid * _SLC

    def cstart(c, buf, sem):
        pltpu.make_async_copy(
            tab_hbm.at[pl.ds(v0 + c * _CH, _CH), :], buf, sem).start()

    def cwait(buf, sem):
        pltpu.make_async_copy(
            tab_hbm.at[pl.ds(0, _CH), :], buf, sem).wait()

    is_last = wid == _NW - 1
    npair = jnp.where(is_last, _NPAIR_LAST, _NPAIR)
    nfull = 2 * npair

    cstart(0, buf0, sem0)
    cstart(1, buf1, sem1)

    def pair(j, carry):
        c0 = 2 * j
        for (buf, ob, sem, c) in ((buf0, ob0, sem0, c0),
                                  (buf1, ob1, sem1, c0 + 1)):
            cwait(buf, sem)
            _rm_compute(buf, ob, _CH // 16)
            pltpu.sync_copy(ob, rm_hbm.at[pl.ds(v0 + c * _CH, _CH)])

            @pl.when(c + 2 < nfull)
            def _():
                cstart(c + 2, buf, sem)
        return carry

    lax.fori_loop(0, npair, pair, 0)

    @pl.when(is_last)
    def _():
        pltpu.make_async_copy(
            tab_hbm.at[pl.ds(v0 + 26 * _CH, _TAIL_LAST), :],
            buf0.at[pl.ds(0, _TAIL_LAST), :], sem0).start()
        pltpu.make_async_copy(
            tab_hbm.at[pl.ds(0, _TAIL_LAST), :],
            buf0.at[pl.ds(0, _TAIL_LAST), :], sem0).wait()
        _rm_compute(buf0, ob0, _TAIL_LAST // 16)
        pltpu.sync_copy(ob0.at[pl.ds(0, _TAIL_LAST)],
                        rm_hbm.at[pl.ds(v0 + 26 * _CH, _TAIL_LAST)])


def _rowmean_sc(table_sc):
    mesh = plsc.VectorSubcoreMesh(core_axis_name="c", subcore_axis_name="s")
    f = functools.partial(
        pl.kernel,
        mesh=mesh,
        compiler_params=pltpu.CompilerParams(needs_layout_passes=False),
        out_type=jax.ShapeDtypeStruct((_NSC,), jnp.float32),
        scratch_types=[
            pltpu.VMEM((_CH, EMBED_DIM), jnp.float32),
            pltpu.VMEM((_CH, EMBED_DIM), jnp.float32),
            pltpu.VMEM((_CH,), jnp.float32),
            pltpu.VMEM((_CH,), jnp.float32),
            pltpu.SemaphoreType.DMA,
            pltpu.SemaphoreType.DMA,
        ],
    )(_rowmean_sc_body)
    return f(table_sc)



def _concat_body(a_ref, b_ref, out_ref):
    out_ref[pl.ds(0, _XTC)] = a_ref[...]
    out_ref[pl.ds(_XTC, _NSC)] = b_ref[...]


def _concat(rm_tc, rm_sc):
    return pl.pallas_call(
        _concat_body,
        in_specs=[pl.BlockSpec(memory_space=pltpu.VMEM),
                  pl.BlockSpec(memory_space=pltpu.VMEM)],
        out_specs=pl.BlockSpec(memory_space=pltpu.VMEM),
        out_shape=jax.ShapeDtypeStruct((VOCAB,), jnp.float32),
    )(rm_tc, rm_sc)


_N_IDX = BATCH * SEQ_LEN
_CHUNK = _N_IDX // _NW


def _gather_body(idx_hbm, rm_hbm, out_hbm, idx_v, val_v, sem):
    wid = lax.axis_index("s") * _NC + lax.axis_index("c")
    base = wid * _CHUNK
    pltpu.sync_copy(idx_hbm.at[pl.ds(base, _CHUNK)], idx_v)
    pltpu.async_copy(rm_hbm.at[idx_v], val_v, sem).wait()
    pltpu.sync_copy(val_v, out_hbm.at[pl.ds(base, _CHUNK)])


def _gather(idx_flat, rowmean):
    mesh = plsc.VectorSubcoreMesh(core_axis_name="c", subcore_axis_name="s")
    f = functools.partial(
        pl.kernel,
        mesh=mesh,
        out_type=jax.ShapeDtypeStruct((_N_IDX,), jnp.float32),
        scratch_types=[
            pltpu.VMEM((_CHUNK,), jnp.int32),
            pltpu.VMEM((_CHUNK,), jnp.float32),
            pltpu.SemaphoreType.DMA,
        ],
    )(_gather_body)
    return f(idx_flat, rowmean)


def _head_body(m_ref, w_ref, b_ref, out_ref):
    z = jnp.sum(m_ref[...] * w_ref[...], axis=1) + b_ref[0]
    out_ref[...] = 1.0 / (1.0 + jnp.exp(-z))


def _head(m, W, b):
    return pl.pallas_call(
        _head_body,
        in_specs=[
            pl.BlockSpec((BATCH, SEQ_LEN), lambda: (0, 0)),
            pl.BlockSpec((1, SEQ_LEN), lambda: (0, 0)),
            pl.BlockSpec(memory_space=pltpu.SMEM),
        ],
        out_specs=pl.BlockSpec((BATCH,), lambda: (0,)),
        out_shape=jax.ShapeDtypeStruct((BATCH,), jnp.float32),
    )(m, W, b)


def kernel(x, table, W, b):
    xp = _remap(x)
    rm_tc = _rowmean_tc(table[:_XTC].reshape(_V2TC, 128)).reshape(-1)
    rm_sc = _rowmean_sc(table[_XTC:])
    rowmean = _concat(rm_tc, rm_sc)
    m = _gather(xp.reshape(-1), rowmean)
    return _head(m.reshape(BATCH, SEQ_LEN), W, b)

# --- scband reference (transcript-rebuilt; emitter-appended) ---
"""Pipeline reference for scband-classifier-78108275245609 (READ-ONLY COPY).

The authoritative reference and input builder live on the scoring server;
editing this copy changes nothing except your own understanding.
"""

import jax, jax.numpy as jnp
import numpy as np

VOCAB = 1000000
EMBED_DIM = 64
SEQ_LEN = 200
BATCH = 4096


def setup_inputs(seed: int = 0) -> dict:
    key = jax.random.key(seed)
    k1, k2, k3 = jax.random.split(key, 3)
    x = jax.random.randint(k1, (BATCH, SEQ_LEN), 0, VOCAB, dtype=jnp.int32)
    table = jax.random.normal(k2, (VOCAB, EMBED_DIM), dtype=jnp.float32) * 0.02
    W = jax.random.normal(k3, (1, SEQ_LEN), dtype=jnp.float32) * 0.05
    b = jnp.zeros((1,), dtype=jnp.float32)
    return {"x": x, "table": table, "W": W, "b": b}


def reference(x, table, W, b):
    # x = self.embeddings(x)  -> gather rows from embedding table
    emb = jnp.take(table, x, axis=0)            # [B, S, D]
    # x = mean(x, -1)  -> mean over embedding dim
    m = jnp.mean(emb, axis=-1)                  # [B, S]
    # x = self.fc(x)   -> Linear(seq_len, 1)
    out = m @ W.T + b                           # [B, 1]
    # sigmoid(x).squeeze()
    return jax.nn.sigmoid(out).squeeze(-1)      # [B]

if __name__ == "__main__":
    import jax
    _d = setup_inputs()
    print(jax.jit(kernel)(*tuple(_d.values())))

</pallas_src>

<mosaic_0001>
#map = affine_map<(d0, d1) -> (0)>
module attributes {stable_mosaic.version = 14 : i64} {
  func.func @_gather_body(%arg0: i32, %arg1: i32, %arg2: memref<819200xi32, #tpu.memory_space<hbm>>, %arg3: memref<1000000xf32, #tpu.memory_space<hbm>>, %arg4: memref<819200xf32, #tpu.memory_space<hbm>>, %arg5: memref<25600xi32, #tpu.memory_space<vmem>>, %arg6: memref<25600xf32, #tpu.memory_space<vmem>>, %arg7: memref<!tpu.dma_semaphore, #tpu.memory_space<semaphore_mem>>) attributes {dimension_semantics = [#tpu.dimension_semantics<core_parallel>, #tpu.dimension_semantics<subcore_parallel>], iteration_bounds = array<i64: 2, 16>, scalar_prefetch = 0 : i64, scratch_operands = 3 : i64, tpu.core_type = #tpu.core_type<sc_vector_subcore>, window_params = [{transform_indices = #map}, {transform_indices = #map}, {transform_indices = #map}]} {
    %mul3A = arith.constant 2 : i32
    %mul3A_0 = arith.muli %arg1, %mul3A : i32
    %add3A = arith.addi %mul3A_0, %arg0 : i32
    %mul3A_1 = arith.constant 25600 : i32
    %mul3A_2 = arith.muli %add3A, %mul3A_1 : i32
    "tpu.region"() ({
      %run_scoped3A = tpu.sem_alloc : memref<!tpu.dma_semaphore, #tpu.memory_space<semaphore_mem>>
      %dma_start3A_5 = tpu.memref_slice %arg2[%mul3A_2] : memref<819200xi32, #tpu.memory_space<hbm>> -> memref<25600xi32, #tpu.memory_space<hbm>>
      %dma_start3A_6 = tpu.memref_slice %arg2[%mul3A_2] : memref<819200xi32, #tpu.memory_space<hbm>> -> memref<25600xi32, #tpu.memory_space<hbm>>
      tpu.enqueue_dma source(%dma_start3A_6 : memref<25600xi32, #tpu.memory_space<hbm>>) target(%arg5 : memref<25600xi32, #tpu.memory_space<vmem>>) target_semaphore(%run_scoped3A : memref<!tpu.dma_semaphore, #tpu.memory_space<semaphore_mem>>)
      %dma_wait3A_7 = tpu.memref_slice %arg2[%mul3A_2] : memref<819200xi32, #tpu.memory_space<hbm>> -> memref<25600xi32, #tpu.memory_space<hbm>>
      %dma_wait3A_8 = tpu.memref_slice %arg2[%mul3A_2] : memref<819200xi32, #tpu.memory_space<hbm>> -> memref<25600xi32, #tpu.memory_space<hbm>>
      tpu.wait_dma2 semaphore(%run_scoped3A : memref<!tpu.dma_semaphore, #tpu.memory_space<semaphore_mem>>) src(%dma_wait3A_8 : memref<25600xi32, #tpu.memory_space<hbm>>) dst(%arg5 : memref<25600xi32, #tpu.memory_space<vmem>>)
      tpu.yield
    }) : () -> ()
    %dma_start3A = arith.constant 0 : i32
    %dma_start3A_3 = tpu.memref_slice %arg3[%dma_start3A] : memref<1000000xf32, #tpu.memory_space<hbm>> -> memref<1000000xf32, #tpu.memory_space<hbm>>
    tpu.enqueue_indirect_dma source(%dma_start3A_3 : memref<1000000xf32, #tpu.memory_space<hbm>>) target(%arg6 : memref<25600xf32, #tpu.memory_space<vmem>>) offsets(%arg5 : memref<25600xi32, #tpu.memory_space<vmem>>) semaphore(%arg7 : memref<!tpu.dma_semaphore, #tpu.memory_space<semaphore_mem>>)
    %dma_wait3A = arith.constant 0 : i32
    %dma_wait3A_4 = tpu.memref_slice %arg3[%dma_wait3A] : memref<1000000xf32, #tpu.memory_space<hbm>> -> memref<1000000xf32, #tpu.memory_space<hbm>>
    tpu.wait_indirect_dma semaphore(%arg7 : memref<!tpu.dma_semaphore, #tpu.memory_space<semaphore_mem>>) src(%dma_wait3A_4 : memref<1000000xf32, #tpu.memory_space<hbm>>) dst(%arg6 : memref<25600xf32, #tpu.memory_space<vmem>>)
    "tpu.region"() ({
      %run_scoped3A = tpu.sem_alloc : memref<!tpu.dma_semaphore, #tpu.memory_space<semaphore_mem>>
      %dma_start3A_5 = tpu.memref_slice %arg4[%mul3A_2] : memref<819200xf32, #tpu.memory_space<hbm>> -> memref<25600xf32, #tpu.memory_space<hbm>>
      %dma_start3A_6 = tpu.memref_slice %arg4[%mul3A_2] : memref<819200xf32, #tpu.memory_space<hbm>> -> memref<25600xf32, #tpu.memory_space<hbm>>
      tpu.enqueue_dma source(%arg6 : memref<25600xf32, #tpu.memory_space<vmem>>) target(%dma_start3A_6 : memref<25600xf32, #tpu.memory_space<hbm>>) target_semaphore(%run_scoped3A : memref<!tpu.dma_semaphore, #tpu.memory_space<semaphore_mem>>)
      %dma_wait3A_7 = tpu.memref_slice %arg4[%mul3A_2] : memref<819200xf32, #tpu.memory_space<hbm>> -> memref<25600xf32, #tpu.memory_space<hbm>>
      %dma_wait3A_8 = tpu.memref_slice %arg4[%mul3A_2] : memref<819200xf32, #tpu.memory_space<hbm>> -> memref<25600xf32, #tpu.memory_space<hbm>>
      tpu.wait_dma2 semaphore(%run_scoped3A : memref<!tpu.dma_semaphore, #tpu.memory_space<semaphore_mem>>) src(%arg6 : memref<25600xf32, #tpu.memory_space<vmem>>) dst(%dma_wait3A_8 : memref<25600xf32, #tpu.memory_space<hbm>>)
      tpu.yield
    }) : () -> ()
    return
  }
}

#map = affine_map<(d0, d1) -> (0, 0)>
#map1 = affine_map<(d0, d1) -> (0)>
module attributes {stable_mosaic.version = 14 : i64} {
  func.func @_rowmean_sc_body(%arg0: i32, %arg1: i32, %arg2: memref<451136x64xf32, #tpu.memory_space<hbm>>, %arg3: memref<451136xf32, #tpu.memory_space<hbm>>, %arg4: memref<256x64xf32, #tpu.memory_space<vmem>>, %arg5: memref<256x64xf32, #tpu.memory_space<vmem>>, %arg6: memref<256xf32, #tpu.memory_space<vmem>>, %arg7: memref<256xf32, #tpu.memory_space<vmem>>, %arg8: memref<!tpu.dma_semaphore, #tpu.memory_space<semaphore_mem>>, %arg9: memref<!tpu.dma_semaphore, #tpu.memory_space<semaphore_mem>>) attributes {dimension_semantics = [#tpu.dimension_semantics<core_parallel>, #tpu.dimension_semantics<subcore_parallel>], iteration_bounds = array<i64: 2, 16>, scalar_prefetch = 0 : i64, scratch_operands = 6 : i64, tpu.core_type = #tpu.core_type<sc_vector_subcore>, window_params = [{transform_indices = #map}, {transform_indices = #map1}]} {
    %mul3A = arith.constant 2 : i32
    %mul3A_0 = arith.muli %arg1, %mul3A : i32
    %add3A = arith.addi %mul3A_0, %arg0 : i32
    %mul3A_1 = arith.constant 14336 : i32
    %mul3A_2 = arith.muli %add3A, %mul3A_1 : i32
    %eq3A = arith.constant 31 : i32
    %eq3A_3 = arith.cmpi eq, %add3A, %eq3A : i32
    %jit3A = arith.constant 13 : i32
    %jit3A_4 = arith.constant 28 : i32
    %select_n3A = arith.select %eq3A_3, %jit3A, %jit3A_4 : i32
    %mul3A_5 = arith.constant 2 : i32
    %mul3A_6 = arith.muli %mul3A_5, %select_n3A : i32
    %add3A_7 = arith.constant 0 : i32
    %add3A_8 = arith.addi %mul3A_2, %add3A_7 : i32
    %dma_start3A = arith.constant 0 : i32
    %dma_start3A_9 = tpu.memref_slice %arg2[%add3A_8, %dma_start3A] : memref<451136x64xf32, #tpu.memory_space<hbm>> -> memref<256x64xf32, #tpu.memory_space<hbm>>
    %dma_start3A_10 = arith.constant 0 : i32
    %dma_start3A_11 = tpu.memref_slice %arg2[%add3A_8, %dma_start3A_10] : memref<451136x64xf32, #tpu.memory_space<hbm>> -> memref<256x64xf32, #tpu.memory_space<hbm>>
    tpu.enqueue_dma source(%dma_start3A_11 : memref<256x64xf32, #tpu.memory_space<hbm>>) target(%arg4 : memref<256x64xf32, #tpu.memory_space<vmem>>) target_semaphore(%arg8 : memref<!tpu.dma_semaphore, #tpu.memory_space<semaphore_mem>>)
    %add3A_12 = arith.constant 256 : i32
    %add3A_13 = arith.addi %mul3A_2, %add3A_12 : i32
    %dma_start3A_14 = arith.constant 0 : i32
    %dma_start3A_15 = tpu.memref_slice %arg2[%add3A_13, %dma_start3A_14] : memref<451136x64xf32, #tpu.memory_space<hbm>> -> memref<256x64xf32, #tpu.memory_space<hbm>>
    %dma_start3A_16 = arith.constant 0 : i32
    %dma_start3A_17 = tpu.memref_slice %arg2[%add3A_13, %dma_start3A_16] : memref<451136x64xf32, #tpu.memory_space<hbm>> -> memref<256x64xf32, #tpu.memory_space<hbm>>
    tpu.enqueue_dma source(%dma_start3A_17 : memref<256x64xf32, #tpu.memory_space<hbm>>) target(%arg5 : memref<256x64xf32, #tpu.memory_space<vmem>>) target_semaphore(%arg9 : memref<!tpu.dma_semaphore, #tpu.memory_space<semaphore_mem>>)
    %while3A = arith.constant 0 : i32
    %while3A_18 = arith.constant 0 : i32
    %while3A_19 = arith.subi %select_n3A, %while3A_18 : i32
    %while3A_20 = arith.addi %while3A_18, %while3A_19 : i32
    %while3A_21 = arith.constant 1 : i32
    %while3A_22 = arith.divsi %while3A_19, %while3A_21 : i32
    %while3A_23 = arith.muli %while3A_22, %while3A_21 : i32
    %while3A_24 = arith.addi %while3A_18, %while3A_23 : i32
    %while3A_25 = arith.constant 1 : i32
    scf.for %while3A_28 = %while3A_18 to %while3A_24 step %while3A_25  : i32 {
      %mul3A_29 = arith.constant 2 : i32
      %mul3A_30 = arith.muli %mul3A_29, %while3A_28 : i32
      %add3A_31 = arith.constant 1 : i32
      %add3A_32 = arith.addi %mul3A_30, %add3A_31 : i32
      %dma_wait3A = arith.constant 0 : i32
      %dma_wait3A_33 = arith.constant 0 : i32
      %dma_wait3A_34 = tpu.memref_slice %arg2[%dma_wait3A, %dma_wait3A_33] : memref<451136x64xf32, #tpu.memory_space<hbm>> -> memref<256x64xf32, #tpu.memory_space<hbm>>
      %dma_wait3A_35 = arith.constant 0 : i32
      %dma_wait3A_36 = arith.constant 0 : i32
      %dma_wait3A_37 = tpu.memref_slice %arg2[%dma_wait3A_35, %dma_wait3A_36] : memref<451136x64xf32, #tpu.memory_space<hbm>> -> memref<256x64xf32, #tpu.memory_space<hbm>>
      tpu.wait_dma2 semaphore(%arg8 : memref<!tpu.dma_semaphore, #tpu.memory_space<semaphore_mem>>) src(%dma_wait3A_37 : memref<256x64xf32, #tpu.memory_space<hbm>>) dst(%arg4 : memref<256x64xf32, #tpu.memory_space<vmem>>)
      %iota3A = tpu.iota {dimensions = array<i32: 0>} : vector<16xi32>
      %scan3A = arith.constant 0 : i32
      %scan3A_38 = arith.constant 16 : i32
      %scan3A_39 = arith.addi %scan3A, %scan3A_38 : i32
      %scan3A_40 = arith.constant 1 : i32
      %scan3A_41 = scf.for %scan3A_73 = %scan3A to %scan3A_39 step %scan3A_40 iter_args(%scan3A_74 = %iota3A) -> (vector<16xi32>)  : i32 {
        %broadcast_in_dim3A = arith.constant 0.000000e+00 : f32
        %broadcast_in_dim3A_75 = vector.broadcast %broadcast_in_dim3A : f32 to vector<16xf32>
        %broadcast_in_dim3A_76 = arith.constant 0 : i32
        %broadcast_in_dim3A_77 = vector.broadcast %broadcast_in_dim3A_76 : i32 to vector<16xi32>
        %gather3A = tpu.vector_load_idx %arg4[%scan3A_74, %broadcast_in_dim3A_77] : memref<256x64xf32, #tpu.memory_space<vmem>>[vector<16xi32>, vector<16xi32>], vector<16xf32>,
        %add3A_78 = arith.addf %broadcast_in_dim3A_75, %gather3A : vector<16xf32>
        %broadcast_in_dim3A_79 = arith.constant 1 : i32
        %broadcast_in_dim3A_80 = vector.broadcast %broadcast_in_dim3A_79 : i32 to vector<16xi32>
        %gather3A_81 = tpu.vector_load_idx %arg4[%scan3A_74, %broadcast_in_dim3A_80] : memref<256x64xf32, #tpu.memory_space<vmem>>[vector<16xi32>, vector<16xi32>], vector<16xf32>,
        %add3A_82 = arith.addf %add3A_78, %gather3A_81 : vector<16xf32>
        %broadcast_in_dim3A_83 = arith.constant 2 : i32
        %broadcast_in_dim3A_84 = vector.broadcast %broadcast_in_dim3A_83 : i32 to vector<16xi32>
        %gather3A_85 = tpu.vector_load_idx %arg4[%scan3A_74, %broadcast_in_dim3A_84] : memref<256x64xf32, #tpu.memory_space<vmem>>[vector<16xi32>, vector<16xi32>], vector<16xf32>,
        %add3A_86 = arith.addf %add3A_82, %gather3A_85 : vector<16xf32>
        %broadcast_in_dim3A_87 = arith.constant 3 : i32
        %broadcast_in_dim3A_88 = vector.broadcast %broadcast_in_dim3A_87 : i32 to vector<16xi32>
        %gather3A_89 = tpu.vector_load_idx %arg4[%scan3A_74, %broadcast_in_dim3A_88] : memref<256x64xf32, #tpu.memory_space<vmem>>[vector<16xi32>, vector<16xi32>], vector<16xf32>,
        %add3A_90 = arith.addf %add3A_86, %gather3A_89 : vector<16xf32>
        %broadcast_in_dim3A_91 = arith.constant 4 : i32
        %broadcast_in_dim3A_92 = vector.broadcast %broadcast_in_dim3A_91 : i32 to vector<16xi32>
        %gather3A_93 = tpu.vector_load_idx %arg4[%scan3A_74, %broadcast_in_dim3A_92] : memref<256x64xf32, #tpu.memory_space<vmem>>[vector<16xi32>, vector<16xi32>], vector<16xf32>,
        %add3A_94 = arith.addf %add3A_90, %gather3A_93 : vector<16xf32>
        %broadcast_in_dim3A_95 = arith.constant 5 : i32
        %broadcast_in_dim3A_96 = vector.broadcast %broadcast_in_dim3A_95 : i32 to vector<16xi32>
        %gather3A_97 = tpu.vector_load_idx %arg4[%scan3A_74, %broadcast_in_dim3A_96] : memref<256x64xf32, #tpu.memory_space<vmem>>[vector<16xi32>, vector<16xi32>], vector<16xf32>,
        %add3A_98 = arith.addf %add3A_94, %gather3A_97 : vector<16xf32>
        %broadcast_in_dim3A_99 = arith.constant 6 : i32
        %broadcast_in_dim3A_100 = vector.broadcast %broadcast_in_dim3A_99 : i32 to vector<16xi32>
        %gather3A_101 = tpu.vector_load_idx %arg4[%scan3A_74, %broadcast_in_dim3A_100] : memref<256x64xf32, #tpu.memory_space<vmem>>[vector<16xi32>, vector<16xi32>], vector<16xf32>,
        %add3A_102 = arith.addf %add3A_98, %gather3A_101 : vector<16xf32>
        %broadcast_in_dim3A_103 = arith.constant 7 : i32
        %broadcast_in_dim3A_104 = vector.broadcast %broadcast_in_dim3A_103 : i32 to vector<16xi32>
        %gather3A_105 = tpu.vector_load_idx %arg4[%scan3A_74, %broadcast_in_dim3A_104] : memref<256x64xf32, #tpu.memory_space<vmem>>[vector<16xi32>, vector<16xi32>], vector<16xf32>,
        %add3A_106 = arith.addf %add3A_102, %gather3A_105 : vector<16xf32>
        %broadcast_in_dim3A_107 = arith.constant 8 : i32
        %broadcast_in_dim3A_108 = vector.broadcast %broadcast_in_dim3A_107 : i32 to vector<16xi32>
        %gather3A_109 = tpu.vector_load_idx %arg4[%scan3A_74, %broadcast_in_dim3A_108] : memref<256x64xf32, #tpu.memory_space<vmem>>[vector<16xi32>, vector<16xi32>], vector<16xf32>,
        %add3A_110 = arith.addf %add3A_106, %gather3A_109 : vector<16xf32>
        %broadcast_in_dim3A_111 = arith.constant 9 : i32
        %broadcast_in_dim3A_112 = vector.broadcast %broadcast_in_dim3A_111 : i32 to vector<16xi32>
        %gather3A_113 = tpu.vector_load_idx %arg4[%scan3A_74, %broadcast_in_dim3A_112] : memref<256x64xf32, #tpu.memory_space<vmem>>[vector<16xi32>, vector<16xi32>], vector<16xf32>,
        %add3A_114 = arith.addf %add3A_110, %gather3A_113 : vector<16xf32>
        %broadcast_in_dim3A_115 = arith.constant 10 : i32
        %broadcast_in_dim3A_116 = vector.broadcast %broadcast_in_dim3A_115 : i32 to vector<16xi32>
        %gather3A_117 = tpu.vector_load_idx %arg4[%scan3A_74, %broadcast_in_dim3A_116] : memref<256x64xf32, #tpu.memory_space<vmem>>[vector<16xi32>, vector<16xi32>], vector<16xf32>,
        %add3A_118 = arith.addf %add3A_114, %gather3A_117 : vector<16xf32>
        %broadcast_in_dim3A_119 = arith.constant 11 : i32
        %broadcast_in_dim3A_120 = vector.broadcast %broadcast_in_dim3A_119 : i32 to vector<16xi32>
        %gather3A_121 = tpu.vector_load_idx %arg4[%scan3A_74, %broadcast_in_dim3A_120] : memref<256x64xf32, #tpu.memory_space<vmem>>[vector<16xi32>, vector<16xi32>], vector<16xf32>,
        %add3A_122 = arith.addf %add3A_118, %gather3A_121 : vector<16xf32>
        %broadcast_in_dim3A_123 = arith.constant 12 : i32
        %broadcast_in_dim3A_124 = vector.broadcast %broadcast_in_dim3A_123 : i32 to vector<16xi32>
        %gather3A_125 = tpu.vector_load_idx %arg4[%scan3A_74, %broadcast_in_dim3A_124] : memref<256x64xf32, #tpu.memory_space<vmem>>[vector<16xi32>, vector<16xi32>], vector<16xf32>,
        %add3A_126 = arith.addf %add3A_122, %gather3A_125 : vector<16xf32>
        %broadcast_in_dim3A_127 = arith.constant 13 : i32
        %broadcast_in_dim3A_128 = vector.broadcast %broadcast_in_dim3A_127 : i32 to vector<16xi32>
        %gather3A_129 = tpu.vector_load_idx %arg4[%scan3A_74, %broadcast_in_dim3A_128] : memref<256x64xf32, #tpu.memory_space<vmem>>[vector<16xi32>, vector<16xi32>], vector<16xf32>,
        %add3A_130 = arith.addf %add3A_126, %gather3A_129 : vector<16xf32>
        %broadcast_in_dim3A_131 = arith.constant 14 : i32
        %broadcast_in_dim3A_132 = vector.broadcast %broadcast_in_dim3A_131 : i32 to vector<16xi32>
        %gather3A_133 = tpu.vector_load_idx %arg4[%scan3A_74, %broadcast_in_dim3A_132] : memref<256x64xf32, #tpu.memory_space<vmem>>[vector<16xi32>, vector<16xi32>], vector<16xf32>,
        %add3A_134 = arith.addf %add3A_130, %gather3A_133 : vector<16xf32>
        %broadcast_in_dim3A_135 = arith.constant 15 : i32
        %broadcast_in_dim3A_136 = vector.broadcast %broadcast_in_dim3A_135 : i32 to vector<16xi32>
        %gather3A_137 = tpu.vector_load_idx %arg4[%scan3A_74, %broadcast_in_dim3A_136] : memref<256x64xf32, #tpu.memory_space<vmem>>[vector<16xi32>, vector<16xi32>], vector<16xf32>,
        %add3A_138 = arith.addf %add3A_134, %gather3A_137 : vector<16xf32>
        %broadcast_in_dim3A_139 = arith.constant 16 : i32
        %broadcast_in_dim3A_140 = vector.broadcast %broadcast_in_dim3A_139 : i32 to vector<16xi32>
        %gather3A_141 = tpu.vector_load_idx %arg4[%scan3A_74, %broadcast_in_dim3A_140] : memref<256x64xf32, #tpu.memory_space<vmem>>[vector<16xi32>, vector<16xi32>], vector<16xf32>,
        %add3A_142 = arith.addf %add3A_138, %gather3A_141 : vector<16xf32>
        %broadcast_in_dim3A_143 = arith.constant 17 : i32
        %broadcast_in_dim3A_144 = vector.broadcast %broadcast_in_dim3A_143 : i32 to vector<16xi32>
        %gather3A_145 = tpu.vector_load_idx %arg4[%scan3A_74, %broadcast_in_dim3A_144] : memref<256x64xf32, #tpu.memory_space<vmem>>[vector<16xi32>, vector<16xi32>], vector<16xf32>,
        %add3A_146 = arith.addf %add3A_142, %gather3A_145 : vector<16xf32>
        %broadcast_in_dim3A_147 = arith.constant 18 : i32
        %broadcast_in_dim3A_148 = vector.broadcast %broadcast_in_dim3A_147 : i32 to vector<16xi32>
        %gather3A_149 = tpu.vector_load_idx %arg4[%scan3A_74, %broadcast_in_dim3A_148] : memref<256x64xf32, #tpu.memory_space<vmem>>[vector<16xi32>, vector<16xi32>], vector<16xf32>,
        %add3A_150 = arith.addf %add3A_146, %gather3A_149 : vector<16xf32>
        %broadcast_in_dim3A_151 = arith.constant 19 : i32
        %broadcast_in_dim3A_152 = vector.broadcast %broadcast_in_dim3A_151 : i32 to vector<16xi32>
        %gather3A_153 = tpu.vector_load_idx %arg4[%scan3A_74, %broadcast_in_dim3A_152] : memref<256x64xf32, #tpu.memory_space<vmem>>[vector<16xi32>, vector<16xi32>], vector<16xf32>,
        %add3A_154 = arith.addf %add3A_150, %gather3A_153 : vector<16xf32>
        %broadcast_in_dim3A_155 = arith.constant 20 : i32
        %broadcast_in_dim3A_156 = vector.broadcast %broadcast_in_dim3A_155 : i32 to vector<16xi32>
        %gather3A_157 = tpu.vector_load_idx %arg4[%scan3A_74, %broadcast_in_dim3A_156] : memref<256x64xf32, #tpu.memory_space<vmem>>[vector<16xi32>, vector<16xi32>], vector<16xf32>,
        %add3A_158 = arith.addf %add3A_154, %gather3A_157 : vector<16xf32>
        %broadcast_in_dim3A_159 = arith.constant 21 : i32
        %broadcast_in_dim3A_160 = vector.broadcast %broadcast_in_dim3A_159 : i32 to vector<16xi32>
        %gather3A_161 = tpu.vector_load_idx %arg4[%scan3A_74, %broadcast_in_dim3A_160] : memref<256x64xf32, #tpu.memory_space<vmem>>[vector<16xi32>, vector<16xi32>], vector<16xf32>,
        %add3A_162 = arith.addf %add3A_158, %gather3A_161 : vector<16xf32>
        %broadcast_in_dim3A_163 = arith.constant 22 : i32
        %broadcast_in_dim3A_164 = vector.broadcast %broadcast_in_dim3A_163 : i32 to vector<16xi32>
        %gather3A_165 = tpu.vector_load_idx %arg4[%scan3A_74, %broadcast_in_dim3A_164] : memref<256x64xf32, #tpu.memory_space<vmem>>[vector<16xi32>, vector<16xi32>], vector<16xf32>,
        %add3A_166 = arith.addf %add3A_162, %gather3A_165 : vector<16xf32>
        %broadcast_in_dim3A_167 = arith.constant 23 : i32
        %broadcast_in_dim3A_168 = vector.broadcast %broadcast_in_dim3A_167 : i32 to vector<16xi32>
        %gather3A_169 = tpu.vector_load_idx %arg4[%scan3A_74, %broadcast_in_dim3A_168] : memref<256x64xf32, #tpu.memory_space<vmem>>[vector<16xi32>, vector<16xi32>], vector<16xf32>,
        %add3A_170 = arith.addf %add3A_166, %gather3A_169 : vector<16xf32>
        %broadcast_in_dim3A_171 = arith.constant 24 : i32
        %broadcast_in_dim3A_172 = vector.broadcast %broadcast_in_dim3A_171 : i32 to vector<16xi32>
        %gather3A_173 = tpu.vector_load_idx %arg4[%scan3A_74, %broadcast_in_dim3A_172] : memref<256x64xf32, #tpu.memory_space<vmem>>[vector<16xi32>, vector<16xi32>], vector<16xf32>,
        %add3A_174 = arith.addf %add3A_170, %gather3A_173 : vector<16xf32>
        %broadcast_in_dim3A_175 = arith.constant 25 : i32
        %broadcast_in_dim3A_176 = vector.broadcast %broadcast_in_dim3A_175 : i32 to vector<16xi32>
        %gather3A_177 = tpu.vector_load_idx %arg4[%scan3A_74, %broadcast_in_dim3A_176] : memref<256x64xf32, #tpu.memory_space<vmem>>[vector<16xi32>, vector<16xi32>], vector<16xf32>,
        %add3A_178 = arith.addf %add3A_174, %gather3A_177 : vector<16xf32>
        %broadcast_in_dim3A_179 = arith.constant 26 : i32
        %broadcast_in_dim3A_180 = vector.broadcast %broadcast_in_dim3A_179 : i32 to vector<16xi32>
        %gather3A_181 = tpu.vector_load_idx %arg4[%scan3A_74, %broadcast_in_dim3A_180] : memref<256x64xf32, #tpu.memory_space<vmem>>[vector<16xi32>, vector<16xi32>], vector<16xf32>,
        %add3A_182 = arith.addf %add3A_178, %gather3A_181 : vector<16xf32>
        %broadcast_in_dim3A_183 = arith.constant 27 : i32
        %broadcast_in_dim3A_184 = vector.broadcast %broadcast_in_dim3A_183 : i32 to vector<16xi32>
        %gather3A_185 = tpu.vector_load_idx %arg4[%scan3A_74, %broadcast_in_dim3A_184] : memref<256x64xf32, #tpu.memory_space<vmem>>[vector<16xi32>, vector<16xi32>], vector<16xf32>,
        %add3A_186 = arith.addf %add3A_182, %gather3A_185 : vector<16xf32>
        %broadcast_in_dim3A_187 = arith.constant 28 : i32
        %broadcast_in_dim3A_188 = vector.broadcast %broadcast_in_dim3A_187 : i32 to vector<16xi32>
        %gather3A_189 = tpu.vector_load_idx %arg4[%scan3A_74, %broadcast_in_dim3A_188] : memref<256x64xf32, #tpu.memory_space<vmem>>[vector<16xi32>, vector<16xi32>], vector<16xf32>,
        %add3A_190 = arith.addf %add3A_186, %gather3A_189 : vector<16xf32>
        %broadcast_in_dim3A_191 = arith.constant 29 : i32
        %broadcast_in_dim3A_192 = vector.broadcast %broadcast_in_dim3A_191 : i32 to vector<16xi32>
        %gather3A_193 = tpu.vector_load_idx %arg4[%scan3A_74, %broadcast_in_dim3A_192] : memref<256x64xf32, #tpu.memory_space<vmem>>[vector<16xi32>, vector<16xi32>], vector<16xf32>,
        %add3A_194 = arith.addf %add3A_190, %gather3A_193 : vector<16xf32>
        %broadcast_in_dim3A_195 = arith.constant 30 : i32
        %broadcast_in_dim3A_196 = vector.broadcast %broadcast_in_dim3A_195 : i32 to vector<16xi32>
        %gather3A_197 = tpu.vector_load_idx %arg4[%scan3A_74, %broadcast_in_dim3A_196] : memref<256x64xf32, #tpu.memory_space<vmem>>[vector<16xi32>, vector<16xi32>], vector<16xf32>,
        %add3A_198 = arith.addf %add3A_194, %gather3A_197 : vector<16xf32>
        %broadcast_in_dim3A_199 = arith.constant 31 : i32
        %broadcast_in_dim3A_200 = vector.broadcast %broadcast_in_dim3A_199 : i32 to vector<16xi32>
        %gather3A_201 = tpu.vector_load_idx %arg4[%scan3A_74, %broadcast_in_dim3A_200] : memref<256x64xf32, #tpu.memory_space<vmem>>[vector<16xi32>, vector<16xi32>], vector<16xf32>,
        %add3A_202 = arith.addf %add3A_198, %gather3A_201 : vector<16xf32>
        %broadcast_in_dim3A_203 = arith.constant 32 : i32
        %broadcast_in_dim3A_204 = vector.broadcast %broadcast_in_dim3A_203 : i32 to vector<16xi32>
        %gather3A_205 = tpu.vector_load_idx %arg4[%scan3A_74, %broadcast_in_dim3A_204] : memref<256x64xf32, #tpu.memory_space<vmem>>[vector<16xi32>, vector<16xi32>], vector<16xf32>,
        %add3A_206 = arith.addf %add3A_202, %gather3A_205 : vector<16xf32>
        %broadcast_in_dim3A_207 = arith.constant 33 : i32
        %broadcast_in_dim3A_208 = vector.broadcast %broadcast_in_dim3A_207 : i32 to vector<16xi32>
        %gather3A_209 = tpu.vector_load_idx %arg4[%scan3A_74, %broadcast_in_dim3A_208] : memref<256x64xf32, #tpu.memory_space<vmem>>[vector<16xi32>, vector<16xi32>], vector<16xf32>,
        %add3A_210 = arith.addf %add3A_206, %gather3A_209 : vector<16xf32>
        %broadcast_in_dim3A_211 = arith.constant 34 : i32
        %broadcast_in_dim3A_212 = vector.broadcast %broadcast_in_dim3A_211 : i32 to vector<16xi32>
        %gather3A_213 = tpu.vector_load_idx %arg4[%scan3A_74, %broadcast_in_dim3A_212] : memref<256x64xf32, #tpu.memory_space<vmem>>[vector<16xi32>, vector<16xi32>], vector<16xf32>,
        %add3A_214 = arith.addf %add3A_210, %gather3A_213 : vector<16xf32>
        %broadcast_in_dim3A_215 = arith.constant 35 : i32
        %broadcast_in_dim3A_216 = vector.broadcast %broadcast_in_dim3A_215 : i32 to vector<16xi32>
        %gather3A_217 = tpu.vector_load_idx %arg4[%scan3A_74, %broadcast_in_dim3A_216] : memref<256x64xf32, #tpu.memory_space<vmem>>[vector<16xi32>, vector<16xi32>], vector<16xf32>,
        %add3A_218 = arith.addf %add3A_214, %gather3A_217 : vector<16xf32>
        %broadcast_in_dim3A_219 = arith.constant 36 : i32
        %broadcast_in_dim3A_220 = vector.broadcast %broadcast_in_dim3A_219 : i32 to vector<16xi32>
        %gather3A_221 = tpu.vector_load_idx %arg4[%scan3A_74, %broadcast_in_dim3A_220] : memref<256x64xf32, #tpu.memory_space<vmem>>[vector<16xi32>, vector<16xi32>], vector<16xf32>,
        %add3A_222 = arith.addf %add3A_218, %gather3A_221 : vector<16xf32>
        %broadcast_in_dim3A_223 = arith.constant 37 : i32
        %broadcast_in_dim3A_224 = vector.broadcast %broadcast_in_dim3A_223 : i32 to vector<16xi32>
        %gather3A_225 = tpu.vector_load_idx %arg4[%scan3A_74, %broadcast_in_dim3A_224] : memref<256x64xf32, #tpu.memory_space<vmem>>[vector<16xi32>, vector<16xi32>], vector<16xf32>,
        %add3A_226 = arith.addf %add3A_222, %gather3A_225 : vector<16xf32>
        %broadcast_in_dim3A_227 = arith.constant 38 : i32
        %broadcast_in_dim3A_228 = vector.broadcast %broadcast_in_dim3A_227 : i32 to vector<16xi32>
        %gather3A_229 = tpu.vector_load_idx %arg4[%scan3A_74, %broadcast_in_dim3A_228] : memref<256x64xf32, #tpu.memory_space<vmem>>[vector<16xi32>, vector<16xi32>], vector<16xf32>,
        %add3A_230 = arith.addf %add3A_226, %gather3A_229 : vector<16xf32>
        %broadcast_in_dim3A_231 = arith.constant 39 : i32
        %broadcast_in_dim3A_232 = vector.broadcast %broadcast_in_dim3A_231 : i32 to vector<16xi32>
        %gather3A_233 = tpu.vector_load_idx %arg4[%scan3A_74, %broadcast_in_dim3A_232] : memref<256x64xf32, #tpu.memory_space<vmem>>[vector<16xi32>, vector<16xi32>], vector<16xf32>,
        %add3A_234 = arith.addf %add3A_230, %gather3A_233 : vector<16xf32>
        %broadcast_in_dim3A_235 = arith.constant 40 : i32
        %broadcast_in_dim3A_236 = vector.broadcast %broadcast_in_dim3A_235 : i32 to vector<16xi32>
        %gather3A_237 = tpu.vector_load_idx %arg4[%scan3A_74, %broadcast_in_dim3A_236] : memref<256x64xf32, #tpu.memory_space<vmem>>[vector<16xi32>, vector<16xi32>], vector<16xf32>,
        %add3A_238 = arith.addf %add3A_234, %gather3A_237 : vector<16xf32>
        %broadcast_in_dim3A_239 = arith.constant 41 : i32
        %broadcast_in_dim3A_240 = vector.broadcast %broadcast_in_dim3A_239 : i32 to vector<16xi32>
        %gather3A_241 = tpu.vector_load_idx %arg4[%scan3A_74, %broadcast_in_dim3A_240] : memref<256x64xf32, #tpu.memory_space<vmem>>[vector<16xi32>, vector<16xi32>], vector<16xf32>,
        %add3A_242 = arith.addf %add3A_238, %gather3A_241 : vector<16xf32>
        %broadcast_in_dim3A_243 = arith.constant 42 : i32
        %broadcast_in_dim3A_244 = vector.broadcast %broadcast_in_dim3A_243 : i32 to vector<16xi32>
        %gather3A_245 = tpu.vector_load_idx %arg4[%scan3A_74, %broadcast_in_dim3A_244] : memref<256x64xf32, #tpu.memory_space<vmem>>[vector<16xi32>, vector<16xi32>], vector<16xf32>,
        %add3A_246 = arith.addf %add3A_242, %gather3A_245 : vector<16xf32>
        %broadcast_in_dim3A_247 = arith.constant 43 : i32
        %broadcast_in_dim3A_248 = vector.broadcast %broadcast_in_dim3A_247 : i32 to vector<16xi32>
        %gather3A_249 = tpu.vector_load_idx %arg4[%scan3A_74, %broadcast_in_dim3A_248] : memref<256x64xf32, #tpu.memory_space<vmem>>[vector<16xi32>, vector<16xi32>], vector<16xf32>,
        %add3A_250 = arith.addf %add3A_246, %gather3A_249 : vector<16xf32>
        %broadcast_in_dim3A_251 = arith.constant 44 : i32
        %broadcast_in_dim3A_252 = vector.broadcast %broadcast_in_dim3A_251 : i32 to vector<16xi32>
        %gather3A_253 = tpu.vector_load_idx %arg4[%scan3A_74, %broadcast_in_dim3A_252] : memref<256x64xf32, #tpu.memory_space<vmem>>[vector<16xi32>, vector<16xi32>], vector<16xf32>,
        %add3A_254 = arith.addf %add3A_250, %gather3A_253 : vector<16xf32>
        %broadcast_in_dim3A_255 = arith.constant 45 : i32
        %broadcast_in_dim3A_256 = vector.broadcast %broadcast_in_dim3A_255 : i32 to vector<16xi32>
        %gather3A_257 = tpu.vector_load_idx %arg4[%scan3A_74, %broadcast_in_dim3A_256] : memref<256x64xf32, #tpu.memory_space<vmem>>[vector<16xi32>, vector<16xi32>], vector<16xf32>,
        %add3A_258 = arith.addf %add3A_254, %gather3A_257 : vector<16xf32>
        %broadcast_in_dim3A_259 = arith.constant 46 : i32
        %broadcast_in_dim3A_260 = vector.broadcast %broadcast_in_dim3A_259 : i32 to vector<16xi32>
        %gather3A_261 = tpu.vector_load_idx %arg4[%scan3A_74, %broadcast_in_dim3A_260] : memref<256x64xf32, #tpu.memory_space<vmem>>[vector<16xi32>, vector<16xi32>], vector<16xf32>,
        %add3A_262 = arith.addf %add3A_258, %gather3A_261 : vector<16xf32>
        %broadcast_in_dim3A_263 = arith.constant 47 : i32
        %broadcast_in_dim3A_264 = vector.broadcast %broadcast_in_dim3A_263 : i32 to vector<16xi32>
        %gather3A_265 = tpu.vector_load_idx %arg4[%scan3A_74, %broadcast_in_dim3A_264] : memref<256x64xf32, #tpu.memory_space<vmem>>[vector<16xi32>, vector<16xi32>], vector<16xf32>,
        %add3A_266 = arith.addf %add3A_262, %gather3A_265 : vector<16xf32>
        %broadcast_in_dim3A_267 = arith.constant 48 : i32
        %broadcast_in_dim3A_268 = vector.broadcast %broadcast_in_dim3A_267 : i32 to vector<16xi32>
        %gather3A_269 = tpu.vector_load_idx %arg4[%scan3A_74, %broadcast_in_dim3A_268] : memref<256x64xf32, #tpu.memory_space<vmem>>[vector<16xi32>, vector<16xi32>], vector<16xf32>,
        %add3A_270 = arith.addf %add3A_266, %gather3A_269 : vector<16xf32>
        %broadcast_in_dim3A_271 = arith.constant 49 : i32
        %broadcast_in_dim3A_272 = vector.broadcast %broadcast_in_dim3A_271 : i32 to vector<16xi32>
        %gather3A_273 = tpu.vector_load_idx %arg4[%scan3A_74, %broadcast_in_dim3A_272] : memref<256x64xf32, #tpu.memory_space<vmem>>[vector<16xi32>, vector<16xi32>], vector<16xf32>,
        %add3A_274 = arith.addf %add3A_270, %gather3A_273 : vector<16xf32>
        %broadcast_in_dim3A_275 = arith.constant 50 : i32
        %broadcast_in_dim3A_276 = vector.broadcast %broadcast_in_dim3A_275 : i32 to vector<16xi32>
        %gather3A_277 = tpu.vector_load_idx %arg4[%scan3A_74, %broadcast_in_dim3A_276] : memref<256x64xf32, #tpu.memory_space<vmem>>[vector<16xi32>, vector<16xi32>], vector<16xf32>,
        %add3A_278 = arith.addf %add3A_274, %gather3A_277 : vector<16xf32>
        %broadcast_in_dim3A_279 = arith.constant 51 : i32
        %broadcast_in_dim3A_280 = vector.broadcast %broadcast_in_dim3A_279 : i32 to vector<16xi32>
        %gather3A_281 = tpu.vector_load_idx %arg4[%scan3A_74, %broadcast_in_dim3A_280] : memref<256x64xf32, #tpu.memory_space<vmem>>[vector<16xi32>, vector<16xi32>], vector<16xf32>,
        %add3A_282 = arith.addf %add3A_278, %gather3A_281 : vector<16xf32>
        %broadcast_in_dim3A_283 = arith.constant 52 : i32
        %broadcast_in_dim3A_284 = vector.broadcast %broadcast_in_dim3A_283 : i32 to vector<16xi32>
        %gather3A_285 = tpu.vector_load_idx %arg4[%scan3A_74, %broadcast_in_dim3A_284] : memref<256x64xf32, #tpu.memory_space<vmem>>[vector<16xi32>, vector<16xi32>], vector<16xf32>,
        %add3A_286 = arith.addf %add3A_282, %gather3A_285 : vector<16xf32>
        %broadcast_in_dim3A_287 = arith.constant 53 : i32
        %broadcast_in_dim3A_288 = vector.broadcast %broadcast_in_dim3A_287 : i32 to vector<16xi32>
        %gather3A_289 = tpu.vector_load_idx %arg4[%scan3A_74, %broadcast_in_dim3A_288] : memref<256x64xf32, #tpu.memory_space<vmem>>[vector<16xi32>, vector<16xi32>], vector<16xf32>,
        %add3A_290 = arith.addf %add3A_286, %gather3A_289 : vector<16xf32>
        %broadcast_in_dim3A_291 = arith.constant 54 : i32
        %broadcast_in_dim3A_292 = vector.broadcast %broadcast_in_dim3A_291 : i32 to vector<16xi32>
        %gather3A_293 = tpu.vector_load_idx %arg4[%scan3A_74, %broadcast_in_dim3A_292] : memref<256x64xf32, #tpu.memory_space<vmem>>[vector<16xi32>, vector<16xi32>], vector<16xf32>,
        %add3A_294 = arith.addf %add3A_290, %gather3A_293 : vector<16xf32>
        %broadcast_in_dim3A_295 = arith.constant 55 : i32
        %broadcast_in_dim3A_296 = vector.broadcast %broadcast_in_dim3A_295 : i32 to vector<16xi32>
        %gather3A_297 = tpu.vector_load_idx %arg4[%scan3A_74, %broadcast_in_dim3A_296] : memref<256x64xf32, #tpu.memory_space<vmem>>[vector<16xi32>, vector<16xi32>], vector<16xf32>,
        %add3A_298 = arith.addf %add3A_294, %gather3A_297 : vector<16xf32>
        %broadcast_in_dim3A_299 = arith.constant 56 : i32
        %broadcast_in_dim3A_300 = vector.broadcast %broadcast_in_dim3A_299 : i32 to vector<16xi32>
        %gather3A_301 = tpu.vector_load_idx %arg4[%scan3A_74, %broadcast_in_dim3A_300] : memref<256x64xf32, #tpu.memory_space<vmem>>[vector<16xi32>, vector<16xi32>], vector<16xf32>,
        %add3A_302 = arith.addf %add3A_298, %gather3A_301 : vector<16xf32>
        %broadcast_in_dim3A_303 = arith.constant 57 : i32
        %broadcast_in_dim3A_304 = vector.broadcast %broadcast_in_dim3A_303 : i32 to vector<16xi32>
        %gather3A_305 = tpu.vector_load_idx %arg4[%scan3A_74, %broadcast_in_dim3A_304] : memref<256x64xf32, #tpu.memory_space<vmem>>[vector<16xi32>, vector<16xi32>], vector<16xf32>,
        %add3A_306 = arith.addf %add3A_302, %gather3A_305 : vector<16xf32>
        %broadcast_in_dim3A_307 = arith.constant 58 : i32
        %broadcast_in_dim3A_308 = vector.broadcast %broadcast_in_dim3A_307 : i32 to vector<16xi32>
        %gather3A_309 = tpu.vector_load_idx %arg4[%scan3A_74, %broadcast_in_dim3A_308] : memref<256x64xf32, #tpu.memory_space<vmem>>[vector<16xi32>, vector<16xi32>], vector<16xf32>,
        %add3A_310 = arith.addf %add3A_306, %gather3A_309 : vector<16xf32>
        %broadcast_in_dim3A_311 = arith.constant 59 : i32
        %broadcast_in_dim3A_312 = vector.broadcast %broadcast_in_dim3A_311 : i32 to vector<16xi32>
        %gather3A_313 = tpu.vector_load_idx %arg4[%scan3A_74, %broadcast_in_dim3A_312] : memref<256x64xf32, #tpu.memory_space<vmem>>[vector<16xi32>, vector<16xi32>], vector<16xf32>,
        %add3A_314 = arith.addf %add3A_310, %gather3A_313 : vector<16xf32>
        %broadcast_in_dim3A_315 = arith.constant 60 : i32
        %broadcast_in_dim3A_316 = vector.broadcast %broadcast_in_dim3A_315 : i32 to vector<16xi32>
        %gather3A_317 = tpu.vector_load_idx %arg4[%scan3A_74, %broadcast_in_dim3A_316] : memref<256x64xf32, #tpu.memory_space<vmem>>[vector<16xi32>, vector<16xi32>], vector<16xf32>,
        %add3A_318 = arith.addf %add3A_314, %gather3A_317 : vector<16xf32>
        %broadcast_in_dim3A_319 = arith.constant 61 : i32
        %broadcast_in_dim3A_320 = vector.broadcast %broadcast_in_dim3A_319 : i32 to vector<16xi32>
        %gather3A_321 = tpu.vector_load_idx %arg4[%scan3A_74, %broadcast_in_dim3A_320] : memref<256x64xf32, #tpu.memory_space<vmem>>[vector<16xi32>, vector<16xi32>], vector<16xf32>,
        %add3A_322 = arith.addf %add3A_318, %gather3A_321 : vector<16xf32>
        %broadcast_in_dim3A_323 = arith.constant 62 : i32
        %broadcast_in_dim3A_324 = vector.broadcast %broadcast_in_dim3A_323 : i32 to vector<16xi32>
        %gather3A_325 = tpu.vector_load_idx %arg4[%scan3A_74, %broadcast_in_dim3A_324] : memref<256x64xf32, #tpu.memory_space<vmem>>[vector<16xi32>, vector<16xi32>], vector<16xf32>,
        %add3A_326 = arith.addf %add3A_322, %gather3A_325 : vector<16xf32>
        %broadcast_in_dim3A_327 = arith.constant 63 : i32
        %broadcast_in_dim3A_328 = vector.broadcast %broadcast_in_dim3A_327 : i32 to vector<16xi32>
        %gather3A_329 = tpu.vector_load_idx %arg4[%scan3A_74, %broadcast_in_dim3A_328] : memref<256x64xf32, #tpu.memory_space<vmem>>[vector<16xi32>, vector<16xi32>], vector<16xf32>,
        %add3A_330 = arith.addf %add3A_326, %gather3A_329 : vector<16xf32>
        %mul3A_331 = arith.constant 1.562500e-02 : f32
        %mul3A_332 = vector.broadcast %mul3A_331 : f32 to vector<16xf32>
        %mul3A_333 = arith.mulf %add3A_330, %mul3A_332 : vector<16xf32>
        %mul3A_334 = arith.constant 16 : i32
        %mul3A_335 = arith.muli %scan3A_73, %mul3A_334 : i32
        %swap3A = arith.index_cast %mul3A_335 : i32 to index
        %swap3A_336 = tpu.vector_load %arg6[%swap3A] {strides = array<i32>} : memref<256xf32, #tpu.memory_space<vmem>>, vector<16xf32>,
        tpu.vector_store %arg6[%swap3A], %mul3A_333 {strides = array<i32>} : memref<256xf32, #tpu.memory_space<vmem>>, vector<16xf32>,
        %add3A_337 = arith.constant 16 : i32
        %add3A_338 = vector.broadcast %add3A_337 : i32 to vector<16xi32>
        %add3A_339 = arith.addi %scan3A_74, %add3A_338 : vector<16xi32>
        scf.yield %add3A_339 : vector<16xi32>
      }
      %scan3A_42 = arith.constant 16 : i32
      %mul3A_43 = arith.constant 256 : i32
      %mul3A_44 = arith.muli %mul3A_30, %mul3A_43 : i32
      %add3A_45 = arith.addi %mul3A_2, %mul3A_44 : i32
      "tpu.region"() ({
        %run_scoped3A = tpu.sem_alloc : memref<!tpu.dma_semaphore, #tpu.memory_space<semaphore_mem>>
        %dma_start3A_73 = tpu.memref_slice %arg3[%add3A_45] : memref<451136xf32, #tpu.memory_space<hbm>> -> memref<256xf32, #tpu.memory_space<hbm>>
        %dma_start3A_74 = tpu.memref_slice %arg3[%add3A_45] : memref<451136xf32, #tpu.memory_space<hbm>> -> memref<256xf32, #tpu.memory_space<hbm>>
        tpu.enqueue_dma source(%arg6 : memref<256xf32, #tpu.memory_space<vmem>>) target(%dma_start3A_74 : memref<256xf32, #tpu.memory_space<hbm>>) target_semaphore(%run_scoped3A : memref<!tpu.dma_semaphore, #tpu.memory_space<semaphore_mem>>)
        %dma_wait3A_75 = tpu.memref_slice %arg3[%add3A_45] : memref<451136xf32, #tpu.memory_space<hbm>> -> memref<256xf32, #tpu.memory_space<hbm>>
        %dma_wait3A_76 = tpu.memref_slice %arg3[%add3A_45] : memref<451136xf32, #tpu.memory_space<hbm>> -> memref<256xf32, #tpu.memory_space<hbm>>
        tpu.wait_dma2 semaphore(%run_scoped3A : memref<!tpu.dma_semaphore, #tpu.memory_space<semaphore_mem>>) src(%arg6 : memref<256xf32, #tpu.memory_space<vmem>>) dst(%dma_wait3A_76 : memref<256xf32, #tpu.memory_space<hbm>>)
        tpu.yield
      }) : () -> ()
      %add3A_46 = arith.constant 2 : i32
      %add3A_47 = arith.addi %mul3A_30, %add3A_46 : i32
      %lt3A = arith.cmpi slt, %add3A_47, %mul3A_6 : i32
      %convert_element_type3A_48 = arith.extui %lt3A : i1 to i32
      %cond3A_49 = arith.constant 0 : i32
      %cond3A_50 = arith.cmpi ne, %convert_element_type3A_48, %cond3A_49 : i32
      scf.if %cond3A_50 {
        %add3A_73 = arith.constant 2 : i32
        %add3A_74 = arith.addi %mul3A_30, %add3A_73 : i32
        %mul3A_75 = arith.constant 256 : i32
        %mul3A_76 = arith.muli %add3A_74, %mul3A_75 : i32
        %add3A_77 = arith.addi %mul3A_2, %mul3A_76 : i32
        %dma_start3A_78 = arith.constant 0 : i32
        %dma_start3A_79 = tpu.memref_slice %arg2[%add3A_77, %dma_start3A_78] : memref<451136x64xf32, #tpu.memory_space<hbm>> -> memref<256x64xf32, #tpu.memory_space<hbm>>
        %dma_start3A_80 = arith.constant 0 : i32
        %dma_start3A_81 = tpu.memref_slice %arg2[%add3A_77, %dma_start3A_80] : memref<451136x64xf32, #tpu.memory_space<hbm>> -> memref<256x64xf32, #tpu.memory_space<hbm>>
        tpu.enqueue_dma source(%dma_start3A_81 : memref<256x64xf32, #tpu.memory_space<hbm>>) target(%arg4 : memref<256x64xf32, #tpu.memory_space<vmem>>) target_semaphore(%arg8 : memref<!tpu.dma_semaphore, #tpu.memory_space<semaphore_mem>>)
      } else {
      }
      %dma_wait3A_51 = arith.constant 0 : i32
      %dma_wait3A_52 = arith.constant 0 : i32
      %dma_wait3A_53 = tpu.memref_slice %arg2[%dma_wait3A_51, %dma_wait3A_52] : memref<451136x64xf32, #tpu.memory_space<hbm>> -> memref<256x64xf32, #tpu.memory_space<hbm>>
      %dma_wait3A_54 = arith.constant 0 : i32
      %dma_wait3A_55 = arith.constant 0 : i32
      %dma_wait3A_56 = tpu.memref_slice %arg2[%dma_wait3A_54, %dma_wait3A_55] : memref<451136x64xf32, #tpu.memory_space<hbm>> -> memref<256x64xf32, #tpu.memory_space<hbm>>
      tpu.wait_dma2 semaphore(%arg9 : memref<!tpu.dma_semaphore, #tpu.memory_space<semaphore_mem>>) src(%dma_wait3A_56 : memref<256x64xf32, #tpu.memory_space<hbm>>) dst(%arg5 : memref<256x64xf32, #tpu.memory_space<vmem>>)
      %iota3A_57 = tpu.iota {dimensions = array<i32: 0>} : vector<16xi32>
      %scan3A_58 = arith.constant 0 : i32
      %scan3A_59 = arith.constant 16 : i32
      %scan3A_60 = arith.addi %scan3A_58, %scan3A_59 : i32
      %scan3A_61 = arith.constant 1 : i32
      %scan3A_62 = scf.for %scan3A_73 = %scan3A_58 to %scan3A_60 step %scan3A_61 iter_args(%scan3A_74 = %iota3A_57) -> (vector<16xi32>)  : i32 {
        %broadcast_in_dim3A = arith.constant 0.000000e+00 : f32
        %broadcast_in_dim3A_75 = vector.broadcast %broadcast_in_dim3A : f32 to vector<16xf32>
        %broadcast_in_dim3A_76 = arith.constant 0 : i32
        %broadcast_in_dim3A_77 = vector.broadcast %broadcast_in_dim3A_76 : i32 to vector<16xi32>
        %gather3A = tpu.vector_load_idx %arg5[%scan3A_74, %broadcast_in_dim3A_77] : memref<256x64xf32, #tpu.memory_space<vmem>>[vector<16xi32>, vector<16xi32>], vector<16xf32>,
        %add3A_78 = arith.addf %broadcast_in_dim3A_75, %gather3A : vector<16xf32>
        %broadcast_in_dim3A_79 = arith.constant 1 : i32
        %broadcast_in_dim3A_80 = vector.broadcast %broadcast_in_dim3A_79 : i32 to vector<16xi32>
        %gather3A_81 = tpu.vector_load_idx %arg5[%scan3A_74, %broadcast_in_dim3A_80] : memref<256x64xf32, #tpu.memory_space<vmem>>[vector<16xi32>, vector<16xi32>], vector<16xf32>,
        %add3A_82 = arith.addf %add3A_78, %gather3A_81 : vector<16xf32>
        %broadcast_in_dim3A_83 = arith.constant 2 : i32
        %broadcast_in_dim3A_84 = vector.broadcast %broadcast_in_dim3A_83 : i32 to vector<16xi32>
        %gather3A_85 = tpu.vector_load_idx %arg5[%scan3A_74, %broadcast_in_dim3A_84] : memref<256x64xf32, #tpu.memory_space<vmem>>[vector<16xi32>, vector<16xi32>], vector<16xf32>,
        %add3A_86 = arith.addf %add3A_82, %gather3A_85 : vector<16xf32>
        %broadcast_in_dim3A_87 = arith.constant 3 : i32
        %broadcast_in_dim3A_88 = vector.broadcast %broadcast_in_dim3A_87 : i32 to vector<16xi32>
        %gather3A_89 = tpu.vector_load_idx %arg5[%scan3A_74, %broadcast_in_dim3A_88] : memref<256x64xf32, #tpu.memory_space<vmem>>[vector<16xi32>, vector<16xi32>], vector<16xf32>,
        %add3A_90 = arith.addf %add3A_86, %gather3A_89 : vector<16xf32>
        %broadcast_in_dim3A_91 = arith.constant 4 : i32
        %broadcast_in_dim3A_92 = vector.broadcast %broadcast_in_dim3A_91 : i32 to vector<16xi32>
        %gather3A_93 = tpu.vector_load_idx %arg5[%scan3A_74, %broadcast_in_dim3A_92] : memref<256x64xf32, #tpu.memory_space<vmem>>[vector<16xi32>, vector<16xi32>], vector<16xf32>,
        %add3A_94 = arith.addf %add3A_90, %gather3A_93 : vector<16xf32>
        %broadcast_in_dim3A_95 = arith.constant 5 : i32
        %broadcast_in_dim3A_96 = vector.broadcast %broadcast_in_dim3A_95 : i32 to vector<16xi32>
        %gather3A_97 = tpu.vector_load_idx %arg5[%scan3A_74, %broadcast_in_dim3A_96] : memref<256x64xf32, #tpu.memory_space<vmem>>[vector<16xi32>, vector<16xi32>], vector<16xf32>,
        %add3A_98 = arith.addf %add3A_94, %gather3A_97 : vector<16xf32>
        %broadcast_in_dim3A_99 = arith.constant 6 : i32
        %broadcast_in_dim3A_100 = vector.broadcast %broadcast_in_dim3A_99 : i32 to vector<16xi32>
        %gather3A_101 = tpu.vector_load_idx %arg5[%scan3A_74, %broadcast_in_dim3A_100] : memref<256x64xf32, #tpu.memory_space<vmem>>[vector<16xi32>, vector<16xi32>], vector<16xf32>,
        %add3A_102 = arith.addf %add3A_98, %gather3A_101 : vector<16xf32>
        %broadcast_in_dim3A_103 = arith.constant 7 : i32
        %broadcast_in_dim3A_104 = vector.broadcast %broadcast_in_dim3A_103 : i32 to vector<16xi32>
        %gather3A_105 = tpu.vector_load_idx %arg5[%scan3A_74, %broadcast_in_dim3A_104] : memref<256x64xf32, #tpu.memory_space<vmem>>[vector<16xi32>, vector<16xi32>], vector<16xf32>,
        %add3A_106 = arith.addf %add3A_102, %gather3A_105 : vector<16xf32>
        %broadcast_in_dim3A_107 = arith.constant 8 : i32
        %broadcast_in_dim3A_108 = vector.broadcast %broadcast_in_dim3A_107 : i32 to vector<16xi32>
        %gather3A_109 = tpu.vector_load_idx %arg5[%scan3A_74, %broadcast_in_dim3A_108] : memref<256x64xf32, #tpu.memory_space<vmem>>[vector<16xi32>, vector<16xi32>], vector<16xf32>,
        %add3A_110 = arith.addf %add3A_106, %gather3A_109 : vector<16xf32>
        %broadcast_in_dim3A_111 = arith.constant 9 : i32
        %broadcast_in_dim3A_112 = vector.broadcast %broadcast_in_dim3A_111 : i32 to vector<16xi32>
        %gather3A_113 = tpu.vector_load_idx %arg5[%scan3A_74, %broadcast_in_dim3A_112] : memref<256x64xf32, #tpu.memory_space<vmem>>[vector<16xi32>, vector<16xi32>], vector<16xf32>,
        %add3A_114 = arith.addf %add3A_110, %gather3A_113 : vector<16xf32>
        %broadcast_in_dim3A_115 = arith.constant 10 : i32
        %broadcast_in_dim3A_116 = vector.broadcast %broadcast_in_dim3A_115 : i32 to vector<16xi32>
        %gather3A_117 = tpu.vector_load_idx %arg5[%scan3A_74, %broadcast_in_dim3A_116] : memref<256x64xf32, #tpu.memory_space<vmem>>[vector<16xi32>, vector<16xi32>], vector<16xf32>,
        %add3A_118 = arith.addf %add3A_114, %gather3A_117 : vector<16xf32>
        %broadcast_in_dim3A_119 = arith.constant 11 : i32
        %broadcast_in_dim3A_120 = vector.broadcast %broadcast_in_dim3A_119 : i32 to vector<16xi32>
        %gather3A_121 = tpu.vector_load_idx %arg5[%scan3A_74, %broadcast_in_dim3A_120] : memref<256x64xf32, #tpu.memory_space<vmem>>[vector<16xi32>, vector<16xi32>], vector<16xf32>,
        %add3A_122 = arith.addf %add3A_118, %gather3A_121 : vector<16xf32>
        %broadcast_in_dim3A_123 = arith.constant 12 : i32
        %broadcast_in_dim3A_124 = vector.broadcast %broadcast_in_dim3A_123 : i32 to vector<16xi32>
        %gather3A_125 = tpu.vector_load_idx %arg5[%scan3A_74, %broadcast_in_dim3A_124] : memref<256x64xf32, #tpu.memory_space<vmem>>[vector<16xi32>, vector<16xi32>], vector<16xf32>,
        %add3A_126 = arith.addf %add3A_122, %gather3A_125 : vector<16xf32>
        %broadcast_in_dim3A_127 = arith.constant 13 : i32
        %broadcast_in_dim3A_128 = vector.broadcast %broadcast_in_dim3A_127 : i32 to vector<16xi32>
        %gather3A_129 = tpu.vector_load_idx %arg5[%scan3A_74, %broadcast_in_dim3A_128] : memref<256x64xf32, #tpu.memory_space<vmem>>[vector<16xi32>, vector<16xi32>], vector<16xf32>,
        %add3A_130 = arith.addf %add3A_126, %gather3A_129 : vector<16xf32>
        %broadcast_in_dim3A_131 = arith.constant 14 : i32
        %broadcast_in_dim3A_132 = vector.broadcast %broadcast_in_dim3A_131 : i32 to vector<16xi32>
        %gather3A_133 = tpu.vector_load_idx %arg5[%scan3A_74, %broadcast_in_dim3A_132] : memref<256x64xf32, #tpu.memory_space<vmem>>[vector<16xi32>, vector<16xi32>], vector<16xf32>,
        %add3A_134 = arith.addf %add3A_130, %gather3A_133 : vector<16xf32>
        %broadcast_in_dim3A_135 = arith.constant 15 : i32
        %broadcast_in_dim3A_136 = vector.broadcast %broadcast_in_dim3A_135 : i32 to vector<16xi32>
        %gather3A_137 = tpu.vector_load_idx %arg5[%scan3A_74, %broadcast_in_dim3A_136] : memref<256x64xf32, #tpu.memory_space<vmem>>[vector<16xi32>, vector<16xi32>], vector<16xf32>,
        %add3A_138 = arith.addf %add3A_134, %gather3A_137 : vector<16xf32>
        %broadcast_in_dim3A_139 = arith.constant 16 : i32
        %broadcast_in_dim3A_140 = vector.broadcast %broadcast_in_dim3A_139 : i32 to vector<16xi32>
        %gather3A_141 = tpu.vector_load_idx %arg5[%scan3A_74, %broadcast_in_dim3A_140] : memref<256x64xf32, #tpu.memory_space<vmem>>[vector<16xi32>, vector<16xi32>], vector<16xf32>,
        %add3A_142 = arith.addf %add3A_138, %gather3A_141 : vector<16xf32>
        %broadcast_in_dim3A_143 = arith.constant 17 : i32
        %broadcast_in_dim3A_144 = vector.broadcast %broadcast_in_dim3A_143 : i32 to vector<16xi32>
        %gather3A_145 = tpu.vector_load_idx %arg5[%scan3A_74, %broadcast_in_dim3A_144] : memref<256x64xf32, #tpu.memory_space<vmem>>[vector<16xi32>, vector<16xi32>], vector<16xf32>,
        %add3A_146 = arith.addf %add3A_142, %gather3A_145 : vector<16xf32>
        %broadcast_in_dim3A_147 = arith.constant 18 : i32
        %broadcast_in_dim3A_148 = vector.broadcast %broadcast_in_dim3A_147 : i32 to vector<16xi32>
        %gather3A_149 = tpu.vector_load_idx %arg5[%scan3A_74, %broadcast_in_dim3A_148] : memref<256x64xf32, #tpu.memory_space<vmem>>[vector<16xi32>, vector<16xi32>], vector<16xf32>,
        %add3A_150 = arith.addf %add3A_146, %gather3A_149 : vector<16xf32>
        %broadcast_in_dim3A_151 = arith.constant 19 : i32
        %broadcast_in_dim3A_152 = vector.broadcast %broadcast_in_dim3A_151 : i32 to vector<16xi32>
        %gather3A_153 = tpu.vector_load_idx %arg5[%scan3A_74, %broadcast_in_dim3A_152] : memref<256x64xf32, #tpu.memory_space<vmem>>[vector<16xi32>, vector<16xi32>], vector<16xf32>,
        %add3A_154 = arith.addf %add3A_150, %gather3A_153 : vector<16xf32>
        %broadcast_in_dim3A_155 = arith.constant 20 : i32
        %broadcast_in_dim3A_156 = vector.broadcast %broadcast_in_dim3A_155 : i32 to vector<16xi32>
        %gather3A_157 = tpu.vector_load_idx %arg5[%scan3A_74, %broadcast_in_dim3A_156] : memref<256x64xf32, #tpu.memory_space<vmem>>[vector<16xi32>, vector<16xi32>], vector<16xf32>,
        %add3A_158 = arith.addf %add3A_154, %gather3A_157 : vector<16xf32>
        %broadcast_in_dim3A_159 = arith.constant 21 : i32
        %broadcast_in_dim3A_160 = vector.broadcast %broadcast_in_dim3A_159 : i32 to vector<16xi32>
        %gather3A_161 = tpu.vector_load_idx %arg5[%scan3A_74, %broadcast_in_dim3A_160] : memref<256x64xf32, #tpu.memory_space<vmem>>[vector<16xi32>, vector<16xi32>], vector<16xf32>,
        %add3A_162 = arith.addf %add3A_158, %gather3A_161 : vector<16xf32>
        %broadcast_in_dim3A_163 = arith.constant 22 : i32
        %broadcast_in_dim3A_164 = vector.broadcast %broadcast_in_dim3A_163 : i32 to vector<16xi32>
        %gather3A_165 = tpu.vector_load_idx %arg5[%scan3A_74, %broadcast_in_dim3A_164] : memref<256x64xf32, #tpu.memory_space<vmem>>[vector<16xi32>, vector<16xi32>], vector<16xf32>,
        %add3A_166 = arith.addf %add3A_162, %gather3A_165 : vector<16xf32>
        %broadcast_in_dim3A_167 = arith.constant 23 : i32
        %broadcast_in_dim3A_168 = vector.broadcast %broadcast_in_dim3A_167 : i32 to vector<16xi32>
        %gather3A_169 = tpu.vector_load_idx %arg5[%scan3A_74, %broadcast_in_dim3A_168] : memref<256x64xf32, #tpu.memory_space<vmem>>[vector<16xi32>, vector<16xi32>], vector<16xf32>,
        %add3A_170 = arith.addf %add3A_166, %gather3A_169 : vector<16xf32>
        %broadcast_in_dim3A_171 = arith.constant 24 : i32
        %broadcast_in_dim3A_172 = vector.broadcast %broadcast_in_dim3A_171 : i32 to vector<16xi32>
        %gather3A_173 = tpu.vector_load_idx %arg5[%scan3A_74, %broadcast_in_dim3A_172] : memref<256x64xf32, #tpu.memory_space<vmem>>[vector<16xi32>, vector<16xi32>], vector<16xf32>,
        %add3A_174 = arith.addf %add3A_170, %gather3A_173 : vector<16xf32>
        %broadcast_in_dim3A_175 = arith.constant 25 : i32
        %broadcast_in_dim3A_176 = vector.broadcast %broadcast_in_dim3A_175 : i32 to vector<16xi32>
        %gather3A_177 = tpu.vector_load_idx %arg5[%scan3A_74, %broadcast_in_dim3A_176] : memref<256x64xf32, #tpu.memory_space<vmem>>[vector<16xi32>, vector<16xi32>], vector<16xf32>,
        %add3A_178 = arith.addf %add3A_174, %gather3A_177 : vector<16xf32>
        %broadcast_in_dim3A_179 = arith.constant 26 : i32
        %broadcast_in_dim3A_180 = vector.broadcast %broadcast_in_dim3A_179 : i32 to vector<16xi32>
        %gather3A_181 = tpu.vector_load_idx %arg5[%scan3A_74, %broadcast_in_dim3A_180] : memref<256x64xf32, #tpu.memory_space<vmem>>[vector<16xi32>, vector<16xi32>], vector<16xf32>,
        %add3A_182 = arith.addf %add3A_178, %gather3A_181 : vector<16xf32>
        %broadcast_in_dim3A_183 = arith.constant 27 : i32
        %broadcast_in_dim3A_184 = vector.broadcast %broadcast_in_dim3A_183 : i32 to vector<16xi32>
        %gather3A_185 = tpu.vector_load_idx %arg5[%scan3A_74, %broadcast_in_dim3A_184] : memref<256x64xf32, #tpu.memory_space<vmem>>[vector<16xi32>, vector<16xi32>], vector<16xf32>,
        %add3A_186 = arith.addf %add3A_182, %gather3A_185 : vector<16xf32>
        %broadcast_in_dim3A_187 = arith.constant 28 : i32
        %broadcast_in_dim3A_188 = vector.broadcast %broadcast_in_dim3A_187 : i32 to vector<16xi32>
        %gather3A_189 = tpu.vector_load_idx %arg5[%scan3A_74, %broadcast_in_dim3A_188] : memref<256x64xf32, #tpu.memory_space<vmem>>[vector<16xi32>, vector<16xi32>], vector<16xf32>,
        %add3A_190 = arith.addf %add3A_186, %gather3A_189 : vector<16xf32>
        %broadcast_in_dim3A_191 = arith.constant 29 : i32
        %broadcast_in_dim3A_192 = vector.broadcast %broadcast_in_dim3A_191 : i32 to vector<16xi32>
        %gather3A_193 = tpu.vector_load_idx %arg5[%scan3A_74, %broadcast_in_dim3A_192] : memref<256x64xf32, #tpu.memory_space<vmem>>[vector<16xi32>, vector<16xi32>], vector<16xf32>,
        %add3A_194 = arith.addf %add3A_190, %gather3A_193 : vector<16xf32>
        %broadcast_in_dim3A_195 = arith.constant 30 : i32
        %broadcast_in_dim3A_196 = vector.broadcast %broadcast_in_dim3A_195 : i32 to vector<16xi32>
        %gather3A_197 = tpu.vector_load_idx %arg5[%scan3A_74, %broadcast_in_dim3A_196] : memref<256x64xf32, #tpu.memory_space<vmem>>[vector<16xi32>, vector<16xi32>], vector<16xf32>,
        %add3A_198 = arith.addf %add3A_194, %gather3A_197 : vector<16xf32>
        %broadcast_in_dim3A_199 = arith.constant 31 : i32
        %broadcast_in_dim3A_200 = vector.broadcast %broadcast_in_dim3A_199 : i32 to vector<16xi32>
        %gather3A_201 = tpu.vector_load_idx %arg5[%scan3A_74, %broadcast_in_dim3A_200] : memref<256x64xf32, #tpu.memory_space<vmem>>[vector<16xi32>, vector<16xi32>], vector<16xf32>,
        %add3A_202 = arith.addf %add3A_198, %gather3A_201 : vector<16xf32>
        %broadcast_in_dim3A_203 = arith.constant 32 : i32
        %broadcast_in_dim3A_204 = vector.broadcast %broadcast_in_dim3A_203 : i32 to vector<16xi32>
        %gather3A_205 = tpu.vector_load_idx %arg5[%scan3A_74, %broadcast_in_dim3A_204] : memref<256x64xf32, #tpu.memory_space<vmem>>[vector<16xi32>, vector<16xi32>], vector<16xf32>,
        %add3A_206 = arith.addf %add3A_202, %gather3A_205 : vector<16xf32>
        %broadcast_in_dim3A_207 = arith.constant 33 : i32
        %broadcast_in_dim3A_208 = vector.broadcast %broadcast_in_dim3A_207 : i32 to vector<16xi32>
        %gather3A_209 = tpu.vector_load_idx %arg5[%scan3A_74, %broadcast_in_dim3A_208] : memref<256x64xf32, #tpu.memory_space<vmem>>[vector<16xi32>, vector<16xi32>], vector<16xf32>,
        %add3A_210 = arith.addf %add3A_206, %gather3A_209 : vector<16xf32>
        %broadcast_in_dim3A_211 = arith.constant 34 : i32
        %broadcast_in_dim3A_212 = vector.broadcast %broadcast_in_dim3A_211 : i32 to vector<16xi32>
        %gather3A_213 = tpu.vector_load_idx %arg5[%scan3A_74, %broadcast_in_dim3A_212] : memref<256x64xf32, #tpu.memory_space<vmem>>[vector<16xi32>, vector<16xi32>], vector<16xf32>,
        %add3A_214 = arith.addf %add3A_210, %gather3A_213 : vector<16xf32>
        %broadcast_in_dim3A_215 = arith.constant 35 : i32
        %broadcast_in_dim3A_216 = vector.broadcast %broadcast_in_dim3A_215 : i32 to vector<16xi32>
        %gather3A_217 = tpu.vector_load_idx %arg5[%scan3A_74, %broadcast_in_dim3A_216] : memref<256x64xf32, #tpu.memory_space<vmem>>[vector<16xi32>, vector<16xi32>], vector<16xf32>,
        %add3A_218 = arith.addf %add3A_214, %gather3A_217 : vector<16xf32>
        %broadcast_in_dim3A_219 = arith.constant 36 : i32
        %broadcast_in_dim3A_220 = vector.broadcast %broadcast_in_dim3A_219 : i32 to vector<16xi32>
        %gather3A_221 = tpu.vector_load_idx %arg5[%scan3A_74, %broadcast_in_dim3A_220] : memref<256x64xf32, #tpu.memory_space<vmem>>[vector<16xi32>, vector<16xi32>], vector<16xf32>,
        %add3A_222 = arith.addf %add3A_218, %gather3A_221 : vector<16xf32>
        %broadcast_in_dim3A_223 = arith.constant 37 : i32
        %broadcast_in_dim3A_224 = vector.broadcast %broadcast_in_dim3A_223 : i32 to vector<16xi32>
        %gather3A_225 = tpu.vector_load_idx %arg5[%scan3A_74, %broadcast_in_dim3A_224] : memref<256x64xf32, #tpu.memory_space<vmem>>[vector<16xi32>, vector<16xi32>], vector<16xf32>,
        %add3A_226 = arith.addf %add3A_222, %gather3A_225 : vector<16xf32>
        %broadcast_in_dim3A_227 = arith.constant 38 : i32
        %broadcast_in_dim3A_228 = vector.broadcast %broadcast_in_dim3A_227 : i32 to vector<16xi32>
        %gather3A_229 = tpu.vector_load_idx %arg5[%scan3A_74, %broadcast_in_dim3A_228] : memref<256x64xf32, #tpu.memory_space<vmem>>[vector<16xi32>, vector<16xi32>], vector<16xf32>,
        %add3A_230 = arith.addf %add3A_226, %gather3A_229 : vector<16xf32>
        %broadcast_in_dim3A_231 = arith.constant 39 : i32
        %broadcast_in_dim3A_232 = vector.broadcast %broadcast_in_dim3A_231 : i32 to vector<16xi32>
        %gather3A_233 = tpu.vector_load_idx %arg5[%scan3A_74, %broadcast_in_dim3A_232] : memref<256x64xf32, #tpu.memory_space<vmem>>[vector<16xi32>, vector<16xi32>], vector<16xf32>,
        %add3A_234 = arith.addf %add3A_230, %gather3A_233 : vector<16xf32>
        %broadcast_in_dim3A_235 = arith.constant 40 : i32
        %broadcast_in_dim3A_236 = vector.broadcast %broadcast_in_dim3A_235 : i32 to vector<16xi32>
        %gather3A_237 = tpu.vector_load_idx %arg5[%scan3A_74, %broadcast_in_dim3A_236] : memref<256x64xf32, #tpu.memory_space<vmem>>[vector<16xi32>, vector<16xi32>], vector<16xf32>,
        %add3A_238 = arith.addf %add3A_234, %gather3A_237 : vector<16xf32>
        %broadcast_in_dim3A_239 = arith.constant 41 : i32
        %broadcast_in_dim3A_240 = vector.broadcast %broadcast_in_dim3A_239 : i32 to vector<16xi32>
        %gather3A_241 = tpu.vector_load_idx %arg5[%scan3A_74, %broadcast_in_dim3A_240] : memref<256x64xf32, #tpu.memory_space<vmem>>[vector<16xi32>, vector<16xi32>], vector<16xf32>,
        %add3A_242 = arith.addf %add3A_238, %gather3A_241 : vector<16xf32>
        %broadcast_in_dim3A_243 = arith.constant 42 : i32
        %broadcast_in_dim3A_244 = vector.broadcast %broadcast_in_dim3A_243 : i32 to vector<16xi32>
        %gather3A_245 = tpu.vector_load_idx %arg5[%scan3A_74, %broadcast_in_dim3A_244] : memref<256x64xf32, #tpu.memory_space<vmem>>[vector<16xi32>, vector<16xi32>], vector<16xf32>,
        %add3A_246 = arith.addf %add3A_242, %gather3A_245 : vector<16xf32>
        %broadcast_in_dim3A_247 = arith.constant 43 : i32
        %broadcast_in_dim3A_248 = vector.broadcast %broadcast_in_dim3A_247 : i32 to vector<16xi32>
        %gather3A_249 = tpu.vector_load_idx %arg5[%scan3A_74, %broadcast_in_dim3A_248] : memref<256x64xf32, #tpu.memory_space<vmem>>[vector<16xi32>, vector<16xi32>], vector<16xf32>,
        %add3A_250 = arith.addf %add3A_246, %gather3A_249 : vector<16xf32>
        %broadcast_in_dim3A_251 = arith.constant 44 : i32
        %broadcast_in_dim3A_252 = vector.broadcast %broadcast_in_dim3A_251 : i32 to vector<16xi32>
        %gather3A_253 = tpu.vector_load_idx %arg5[%scan3A_74, %broadcast_in_dim3A_252] : memref<256x64xf32, #tpu.memory_space<vmem>>[vector<16xi32>, vector<16xi32>], vector<16xf32>,
        %add3A_254 = arith.addf %add3A_250, %gather3A_253 : vector<16xf32>
        %broadcast_in_dim3A_255 = arith.constant 45 : i32
        %broadcast_in_dim3A_256 = vector.broadcast %broadcast_in_dim3A_255 : i32 to vector<16xi32>
        %gather3A_257 = tpu.vector_load_idx %arg5[%scan3A_74, %broadcast_in_dim3A_256] : memref<256x64xf32, #tpu.memory_space<vmem>>[vector<16xi32>, vector<16xi32>], vector<16xf32>,
        %add3A_258 = arith.addf %add3A_254, %gather3A_257 : vector<16xf32>
        %broadcast_in_dim3A_259 = arith.constant 46 : i32
        %broadcast_in_dim3A_260 = vector.broadcast %broadcast_in_dim3A_259 : i32 to vector<16xi32>
        %gather3A_261 = tpu.vector_load_idx %arg5[%scan3A_74, %broadcast_in_dim3A_260] : memref<256x64xf32, #tpu.memory_space<vmem>>[vector<16xi32>, vector<16xi32>], vector<16xf32>,
        %add3A_262 = arith.addf %add3A_258, %gather3A_261 : vector<16xf32>
        %broadcast_in_dim3A_263 = arith.constant 47 : i32
        %broadcast_in_dim3A_264 = vector.broadcast %broadcast_in_dim3A_263 : i32 to vector<16xi32>
        %gather3A_265 = tpu.vector_load_idx %arg5[%scan3A_74, %broadcast_in_dim3A_264] : memref<256x64xf32, #tpu.memory_space<vmem>>[vector<16xi32>, vector<16xi32>], vector<16xf32>,
        %add3A_266 = arith.addf %add3A_262, %gather3A_265 : vector<16xf32>
        %broadcast_in_dim3A_267 = arith.constant 48 : i32
        %broadcast_in_dim3A_268 = vector.broadcast %broadcast_in_dim3A_267 : i32 to vector<16xi32>
        %gather3A_269 = tpu.vector_load_idx %arg5[%scan3A_74, %broadcast_in_dim3A_268] : memref<256x64xf32, #tpu.memory_space<vmem>>[vector<16xi32>, vector<16xi32>], vector<16xf32>,
        %add3A_270 = arith.addf %add3A_266, %gather3A_269 : vector<16xf32>
        %broadcast_in_dim3A_271 = arith.constant 49 : i32
        %broadcast_in_dim3A_272 = vector.broadcast %broadcast_in_dim3A_271 : i32 to vector<16xi32>
        %gather3A_273 = tpu.vector_load_idx %arg5[%scan3A_74, %broadcast_in_dim3A_272] : memref<256x64xf32, #tpu.memory_space<vmem>>[vector<16xi32>, vector<16xi32>], vector<16xf32>,
        %add3A_274 = arith.addf %add3A_270, %gather3A_273 : vector<16xf32>
        %broadcast_in_dim3A_275 = arith.constant 50 : i32
        %broadcast_in_dim3A_276 = vector.broadcast %broadcast_in_dim3A_275 : i32 to vector<16xi32>
        %gather3A_277 = tpu.vector_load_idx %arg5[%scan3A_74, %broadcast_in_dim3A_276] : memref<256x64xf32, #tpu.memory_space<vmem>>[vector<16xi32>, vector<16xi32>], vector<16xf32>,
        %add3A_278 = arith.addf %add3A_274, %gather3A_277 : vector<16xf32>
        %broadcast_in_dim3A_279 = arith.constant 51 : i32
        %broadcast_in_dim3A_280 = vector.broadcast %broadcast_in_dim3A_279 : i32 to vector<16xi32>
        %gather3A_281 = tpu.vector_load_idx %arg5[%scan3A_74, %broadcast_in_dim3A_280] : memref<256x64xf32, #tpu.memory_space<vmem>>[vector<16xi32>, vector<16xi32>], vector<16xf32>,
        %add3A_282 = arith.addf %add3A_278, %gather3A_281 : vector<16xf32>
        %broadcast_in_dim3A_283 = arith.constant 52 : i32
        %broadcast_in_dim3A_284 = vector.broadcast %broadcast_in_dim3A_283 : i32 to vector<16xi32>
        %gather3A_285 = tpu.vector_load_idx %arg5[%scan3A_74, %broadcast_in_dim3A_284] : memref<256x64xf32, #tpu.memory_space<vmem>>[vector<16xi32>, vector<16xi32>], vector<16xf32>,
        %add3A_286 = arith.addf %add3A_282, %gather3A_285 : vector<16xf32>
        %broadcast_in_dim3A_287 = arith.constant 53 : i32
        %broadcast_in_dim3A_288 = vector.broadcast %broadcast_in_dim3A_287 : i32 to vector<16xi32>
        %gather3A_289 = tpu.vector_load_idx %arg5[%scan3A_74, %broadcast_in_dim3A_288] : memref<256x64xf32, #tpu.memory_space<vmem>>[vector<16xi32>, vector<16xi32>], vector<16xf32>,
        %add3A_290 = arith.addf %add3A_286, %gather3A_289 : vector<16xf32>
        %broadcast_in_dim3A_291 = arith.constant 54 : i32
        %broadcast_in_dim3A_292 = vector.broadcast %broadcast_in_dim3A_291 : i32 to vector<16xi32>
        %gather3A_293 = tpu.vector_load_idx %arg5[%scan3A_74, %broadcast_in_dim3A_292] : memref<256x64xf32, #tpu.memory_space<vmem>>[vector<16xi32>, vector<16xi32>], vector<16xf32>,
        %add3A_294 = arith.addf %add3A_290, %gather3A_293 : vector<16xf32>
        %broadcast_in_dim3A_295 = arith.constant 55 : i32
        %broadcast_in_dim3A_296 = vector.broadcast %broadcast_in_dim3A_295 : i32 to vector<16xi32>
        %gather3A_297 = tpu.vector_load_idx %arg5[%scan3A_74, %broadcast_in_dim3A_296] : memref<256x64xf32, #tpu.memory_space<vmem>>[vector<16xi32>, vector<16xi32>], vector<16xf32>,
        %add3A_298 = arith.addf %add3A_294, %gather3A_297 : vector<16xf32>
        %broadcast_in_dim3A_299 = arith.constant 56 : i32
        %broadcast_in_dim3A_300 = vector.broadcast %broadcast_in_dim3A_299 : i32 to vector<16xi32>
        %gather3A_301 = tpu.vector_load_idx %arg5[%scan3A_74, %broadcast_in_dim3A_300] : memref<256x64xf32, #tpu.memory_space<vmem>>[vector<16xi32>, vector<16xi32>], vector<16xf32>,
        %add3A_302 = arith.addf %add3A_298, %gather3A_301 : vector<16xf32>
        %broadcast_in_dim3A_303 = arith.constant 57 : i32
        %broadcast_in_dim3A_304 = vector.broadcast %broadcast_in_dim3A_303 : i32 to vector<16xi32>
        %gather3A_305 = tpu.vector_load_idx %arg5[%scan3A_74, %broadcast_in_dim3A_304] : memref<256x64xf32, #tpu.memory_space<vmem>>[vector<16xi32>, vector<16xi32>], vector<16xf32>,
        %add3A_306 = arith.addf %add3A_302, %gather3A_305 : vector<16xf32>
        %broadcast_in_dim3A_307 = arith.constant 58 : i32
        %broadcast_in_dim3A_308 = vector.broadcast %broadcast_in_dim3A_307 : i32 to vector<16xi32>
        %gather3A_309 = tpu.vector_load_idx %arg5[%scan3A_74, %broadcast_in_dim3A_308] : memref<256x64xf32, #tpu.memory_space<vmem>>[vector<16xi32>, vector<16xi32>], vector<16xf32>,
        %add3A_310 = arith.addf %add3A_306, %gather3A_309 : vector<16xf32>
        %broadcast_in_dim3A_311 = arith.constant 59 : i32
        %broadcast_in_dim3A_312 = vector.broadcast %broadcast_in_dim3A_311 : i32 to vector<16xi32>
        %gather3A_313 = tpu.vector_load_idx %arg5[%scan3A_74, %broadcast_in_dim3A_312] : memref<256x64xf32, #tpu.memory_space<vmem>>[vector<16xi32>, vector<16xi32>], vector<16xf32>,
        %add3A_314 = arith.addf %add3A_310, %gather3A_313 : vector<16xf32>
        %broadcast_in_dim3A_315 = arith.constant 60 : i32
        %broadcast_in_dim3A_316 = vector.broadcast %broadcast_in_dim3A_315 : i32 to vector<16xi32>
        %gather3A_317 = tpu.vector_load_idx %arg5[%scan3A_74, %broadcast_in_dim3A_316] : memref<256x64xf32, #tpu.memory_space<vmem>>[vector<16xi32>, vector<16xi32>], vector<16xf32>,
        %add3A_318 = arith.addf %add3A_314, %gather3A_317 : vector<16xf32>
        %broadcast_in_dim3A_319 = arith.constant 61 : i32
        %broadcast_in_dim3A_320 = vector.broadcast %broadcast_in_dim3A_319 : i32 to vector<16xi32>
        %gather3A_321 = tpu.vector_load_idx %arg5[%scan3A_74, %broadcast_in_dim3A_320] : memref<256x64xf32, #tpu.memory_space<vmem>>[vector<16xi32>, vector<16xi32>], vector<16xf32>,
        %add3A_322 = arith.addf %add3A_318, %gather3A_321 : vector<16xf32>
        %broadcast_in_dim3A_323 = arith.constant 62 : i32
        %broadcast_in_dim3A_324 = vector.broadcast %broadcast_in_dim3A_323 : i32 to vector<16xi32>
        %gather3A_325 = tpu.vector_load_idx %arg5[%scan3A_74, %broadcast_in_dim3A_324] : memref<256x64xf32, #tpu.memory_space<vmem>>[vector<16xi32>, vector<16xi32>], vector<16xf32>,
        %add3A_326 = arith.addf %add3A_322, %gather3A_325 : vector<16xf32>
        %broadcast_in_dim3A_327 = arith.constant 63 : i32
        %broadcast_in_dim3A_328 = vector.broadcast %broadcast_in_dim3A_327 : i32 to vector<16xi32>
        %gather3A_329 = tpu.vector_load_idx %arg5[%scan3A_74, %broadcast_in_dim3A_328] : memref<256x64xf32, #tpu.memory_space<vmem>>[vector<16xi32>, vector<16xi32>], vector<16xf32>,
        %add3A_330 = arith.addf %add3A_326, %gather3A_329 : vector<16xf32>
        %mul3A_331 = arith.constant 1.562500e-02 : f32
        %mul3A_332 = vector.broadcast %mul3A_331 : f32 to vector<16xf32>
        %mul3A_333 = arith.mulf %add3A_330, %mul3A_332 : vector<16xf32>
        %mul3A_334 = arith.constant 16 : i32
        %mul3A_335 = arith.muli %scan3A_73, %mul3A_334 : i32
        %swap3A = arith.index_cast %mul3A_335 : i32 to index
        %swap3A_336 = tpu.vector_load %arg7[%swap3A] {strides = array<i32>} : memref<256xf32, #tpu.memory_space<vmem>>, vector<16xf32>,
        tpu.vector_store %arg7[%swap3A], %mul3A_333 {strides = array<i32>} : memref<256xf32, #tpu.memory_space<vmem>>, vector<16xf32>,
        %add3A_337 = arith.constant 16 : i32
        %add3A_338 = vector.broadcast %add3A_337 : i32 to vector<16xi32>
        %add3A_339 = arith.addi %scan3A_74, %add3A_338 : vector<16xi32>
        scf.yield %add3A_339 : vector<16xi32>
      }
      %scan3A_63 = arith.constant 16 : i32
      %mul3A_64 = arith.constant 256 : i32
      %mul3A_65 = arith.muli %add3A_32, %mul3A_64 : i32
      %add3A_66 = arith.addi %mul3A_2, %mul3A_65 : i32
      "tpu.region"() ({
        %run_scoped3A = tpu.sem_alloc : memref<!tpu.dma_semaphore, #tpu.memory_space<semaphore_mem>>
        %dma_start3A_73 = tpu.memref_slice %arg3[%add3A_66] : memref<451136xf32, #tpu.memory_space<hbm>> -> memref<256xf32, #tpu.memory_space<hbm>>
        %dma_start3A_74 = tpu.memref_slice %arg3[%add3A_66] : memref<451136xf32, #tpu.memory_space<hbm>> -> memref<256xf32, #tpu.memory_space<hbm>>
        tpu.enqueue_dma source(%arg7 : memref<256xf32, #tpu.memory_space<vmem>>) target(%dma_start3A_74 : memref<256xf32, #tpu.memory_space<hbm>>) target_semaphore(%run_scoped3A : memref<!tpu.dma_semaphore, #tpu.memory_space<semaphore_mem>>)
        %dma_wait3A_75 = tpu.memref_slice %arg3[%add3A_66] : memref<451136xf32, #tpu.memory_space<hbm>> -> memref<256xf32, #tpu.memory_space<hbm>>
        %dma_wait3A_76 = tpu.memref_slice %arg3[%add3A_66] : memref<451136xf32, #tpu.memory_space<hbm>> -> memref<256xf32, #tpu.memory_space<hbm>>
        tpu.wait_dma2 semaphore(%run_scoped3A : memref<!tpu.dma_semaphore, #tpu.memory_space<semaphore_mem>>) src(%arg7 : memref<256xf32, #tpu.memory_space<vmem>>) dst(%dma_wait3A_76 : memref<256xf32, #tpu.memory_space<hbm>>)
        tpu.yield
      }) : () -> ()
      %add3A_67 = arith.constant 2 : i32
      %add3A_68 = arith.addi %add3A_32, %add3A_67 : i32
      %lt3A_69 = arith.cmpi slt, %add3A_68, %mul3A_6 : i32
      %convert_element_type3A_70 = arith.extui %lt3A_69 : i1 to i32
      %cond3A_71 = arith.constant 0 : i32
      %cond3A_72 = arith.cmpi ne, %convert_element_type3A_70, %cond3A_71 : i32
      scf.if %cond3A_72 {
        %add3A_73 = arith.constant 2 : i32
        %add3A_74 = arith.addi %add3A_32, %add3A_73 : i32
        %mul3A_75 = arith.constant 256 : i32
        %mul3A_76 = arith.muli %add3A_74, %mul3A_75 : i32
        %add3A_77 = arith.addi %mul3A_2, %mul3A_76 : i32
        %dma_start3A_78 = arith.constant 0 : i32
        %dma_start3A_79 = tpu.memref_slice %arg2[%add3A_77, %dma_start3A_78] : memref<451136x64xf32, #tpu.memory_space<hbm>> -> memref<256x64xf32, #tpu.memory_space<hbm>>
        %dma_start3A_80 = arith.constant 0 : i32
        %dma_start3A_81 = tpu.memref_slice %arg2[%add3A_77, %dma_start3A_80] : memref<451136x64xf32, #tpu.memory_space<hbm>> -> memref<256x64xf32, #tpu.memory_space<hbm>>
        tpu.enqueue_dma source(%dma_start3A_81 : memref<256x64xf32, #tpu.memory_space<hbm>>) target(%arg5 : memref<256x64xf32, #tpu.memory_space<vmem>>) target_semaphore(%arg9 : memref<!tpu.dma_semaphore, #tpu.memory_space<semaphore_mem>>)
      } else {
      }
    }
    %while3A_26 = arith.constant 1 : i32
    scf.for %while3A_28 = %while3A_24 to %while3A_20 step %while3A_26  : i32 {
      %mul3A_29 = arith.constant 2 : i32
      %mul3A_30 = arith.muli %mul3A_29, %while3A_28 : i32
      %add3A_31 = arith.constant 1 : i32
      %add3A_32 = arith.addi %mul3A_30, %add3A_31 : i32
      %dma_wait3A = arith.constant 0 : i32
      %dma_wait3A_33 = arith.constant 0 : i32
      %dma_wait3A_34 = tpu.memref_slice %arg2[%dma_wait3A, %dma_wait3A_33] : memref<451136x64xf32, #tpu.memory_space<hbm>> -> memref<256x64xf32, #tpu.memory_space<hbm>>
      %dma_wait3A_35 = arith.constant 0 : i32
      %dma_wait3A_36 = arith.constant 0 : i32
      %dma_wait3A_37 = tpu.memref_slice %arg2[%dma_wait3A_35, %dma_wait3A_36] : memref<451136x64xf32, #tpu.memory_space<hbm>> -> memref<256x64xf32, #tpu.memory_space<hbm>>
      tpu.wait_dma2 semaphore(%arg8 : memref<!tpu.dma_semaphore, #tpu.memory_space<semaphore_mem>>) src(%dma_wait3A_37 : memref<256x64xf32, #tpu.memory_space<hbm>>) dst(%arg4 : memref<256x64xf32, #tpu.memory_space<vmem>>)
      %iota3A = tpu.iota {dimensions = array<i32: 0>} : vector<16xi32>
      %scan3A = arith.constant 0 : i32
      %scan3A_38 = arith.constant 16 : i32
      %scan3A_39 = arith.addi %scan3A, %scan3A_38 : i32
      %scan3A_40 = arith.constant 1 : i32
      %scan3A_41 = scf.for %scan3A_73 = %scan3A to %scan3A_39 step %scan3A_40 iter_args(%scan3A_74 = %iota3A) -> (vector<16xi32>)  : i32 {
        %broadcast_in_dim3A = arith.constant 0.000000e+00 : f32
        %broadcast_in_dim3A_75 = vector.broadcast %broadcast_in_dim3A : f32 to vector<16xf32>
        %broadcast_in_dim3A_76 = arith.constant 0 : i32
        %broadcast_in_dim3A_77 = vector.broadcast %broadcast_in_dim3A_76 : i32 to vector<16xi32>
        %gather3A = tpu.vector_load_idx %arg4[%scan3A_74, %broadcast_in_dim3A_77] : memref<256x64xf32, #tpu.memory_space<vmem>>[vector<16xi32>, vector<16xi32>], vector<16xf32>,
        %add3A_78 = arith.addf %broadcast_in_dim3A_75, %gather3A : vector<16xf32>
        %broadcast_in_dim3A_79 = arith.constant 1 : i32
        %broadcast_in_dim3A_80 = vector.broadcast %broadcast_in_dim3A_79 : i32 to vector<16xi32>
        %gather3A_81 = tpu.vector_load_idx %arg4[%scan3A_74, %broadcast_in_dim3A_80] : memref<256x64xf32, #tpu.memory_space<vmem>>[vector<16xi32>, vector<16xi32>], vector<16xf32>,
        %add3A_82 = arith.addf %add3A_78, %gather3A_81 : vector<16xf32>
        %broadcast_in_dim3A_83 = arith.constant 2 : i32
        %broadcast_in_dim3A_84 = vector.broadcast %broadcast_in_dim3A_83 : i32 to vector<16xi32>
        %gather3A_85 = tpu.vector_load_idx %arg4[%scan3A_74, %broadcast_in_dim3A_84] : memref<256x64xf32, #tpu.memory_space<vmem>>[vector<16xi32>, vector<16xi32>], vector<16xf32>,
        %add3A_86 = arith.addf %add3A_82, %gather3A_85 : vector<16xf32>
        %broadcast_in_dim3A_87 = arith.constant 3 : i32
        %broadcast_in_dim3A_88 = vector.broadcast %broadcast_in_dim3A_87 : i32 to vector<16xi32>
        %gather3A_89 = tpu.vector_load_idx %arg4[%scan3A_74, %broadcast_in_dim3A_88] : memref<256x64xf32, #tpu.memory_space<vmem>>[vector<16xi32>, vector<16xi32>], vector<16xf32>,
        %add3A_90 = arith.addf %add3A_86, %gather3A_89 : vector<16xf32>
        %broadcast_in_dim3A_91 = arith.constant 4 : i32
        %broadcast_in_dim3A_92 = vector.broadcast %broadcast_in_dim3A_91 : i32 to vector<16xi32>
        %gather3A_93 = tpu.vector_load_idx %arg4[%scan3A_74, %broadcast_in_dim3A_92] : memref<256x64xf32, #tpu.memory_space<vmem>>[vector<16xi32>, vector<16xi32>], vector<16xf32>,
        %add3A_94 = arith.addf %add3A_90, %gather3A_93 : vector<16xf32>
        %broadcast_in_dim3A_95 = arith.constant 5 : i32
        %broadcast_in_dim3A_96 = vector.broadcast %broadcast_in_dim3A_95 : i32 to vector<16xi32>
        %gather3A_97 = tpu.vector_load_idx %arg4[%scan3A_74, %broadcast_in_dim3A_96] : memref<256x64xf32, #tpu.memory_space<vmem>>[vector<16xi32>, vector<16xi32>], vector<16xf32>,
        %add3A_98 = arith.addf %add3A_94, %gather3A_97 : vector<16xf32>
        %broadcast_in_dim3A_99 = arith.constant 6 : i32
        %broadcast_in_dim3A_100 = vector.broadcast %broadcast_in_dim3A_99 : i32 to vector<16xi32>
        %gather3A_101 = tpu.vector_load_idx %arg4[%scan3A_74, %broadcast_in_dim3A_100] : memref<256x64xf32, #tpu.memory_space<vmem>>[vector<16xi32>, vector<16xi32>], vector<16xf32>,
        %add3A_102 = arith.addf %add3A_98, %gather3A_101 : vector<16xf32>
        %broadcast_in_dim3A_103 = arith.constant 7 : i32
        %broadcast_in_dim3A_104 = vector.broadcast %broadcast_in_dim3A_103 : i32 to vector<16xi32>
        %gather3A_105 = tpu.vector_load_idx %arg4[%scan3A_74, %broadcast_in_dim3A_104] : memref<256x64xf32, #tpu.memory_space<vmem>>[vector<16xi32>, vector<16xi32>], vector<16xf32>,
        %add3A_106 = arith.addf %add3A_102, %gather3A_105 : vector<16xf32>
        %broadcast_in_dim3A_107 = arith.constant 8 : i32
        %broadcast_in_dim3A_108 = vector.broadcast %broadcast_in_dim3A_107 : i32 to vector<16xi32>
        %gather3A_109 = tpu.vector_load_idx %arg4[%scan3A_74, %broadcast_in_dim3A_108] : memref<256x64xf32, #tpu.memory_space<vmem>>[vector<16xi32>, vector<16xi32>], vector<16xf32>,
        %add3A_110 = arith.addf %add3A_106, %gather3A_109 : vector<16xf32>
        %broadcast_in_dim3A_111 = arith.constant 9 : i32
        %broadcast_in_dim3A_112 = vector.broadcast %broadcast_in_dim3A_111 : i32 to vector<16xi32>
        %gather3A_113 = tpu.vector_load_idx %arg4[%scan3A_74, %broadcast_in_dim3A_112] : memref<256x64xf32, #tpu.memory_space<vmem>>[vector<16xi32>, vector<16xi32>], vector<16xf32>,
        %add3A_114 = arith.addf %add3A_110, %gather3A_113 : vector<16xf32>
        %broadcast_in_dim3A_115 = arith.constant 10 : i32
        %broadcast_in_dim3A_116 = vector.broadcast %broadcast_in_dim3A_115 : i32 to vector<16xi32>
        %gather3A_117 = tpu.vector_load_idx %arg4[%scan3A_74, %broadcast_in_dim3A_116] : memref<256x64xf32, #tpu.memory_space<vmem>>[vector<16xi32>, vector<16xi32>], vector<16xf32>,
        %add3A_118 = arith.addf %add3A_114, %gather3A_117 : vector<16xf32>
        %broadcast_in_dim3A_119 = arith.constant 11 : i32
        %broadcast_in_dim3A_120 = vector.broadcast %broadcast_in_dim3A_119 : i32 to vector<16xi32>
        %gather3A_121 = tpu.vector_load_idx %arg4[%scan3A_74, %broadcast_in_dim3A_120] : memref<256x64xf32, #tpu.memory_space<vmem>>[vector<16xi32>, vector<16xi32>], vector<16xf32>,
        %add3A_122 = arith.addf %add3A_118, %gather3A_121 : vector<16xf32>
        %broadcast_in_dim3A_123 = arith.constant 12 : i32
        %broadcast_in_dim3A_124 = vector.broadcast %broadcast_in_dim3A_123 : i32 to vector<16xi32>
        %gather3A_125 = tpu.vector_load_idx %arg4[%scan3A_74, %broadcast_in_dim3A_124] : memref<256x64xf32, #tpu.memory_space<vmem>>[vector<16xi32>, vector<16xi32>], vector<16xf32>,
        %add3A_126 = arith.addf %add3A_122, %gather3A_125 : vector<16xf32>
        %broadcast_in_dim3A_127 = arith.constant 13 : i32
        %broadcast_in_dim3A_128 = vector.broadcast %broadcast_in_dim3A_127 : i32 to vector<16xi32>
        %gather3A_129 = tpu.vector_load_idx %arg4[%scan3A_74, %broadcast_in_dim3A_128] : memref<256x64xf32, #tpu.memory_space<vmem>>[vector<16xi32>, vector<16xi32>], vector<16xf32>,
        %add3A_130 = arith.addf %add3A_126, %gather3A_129 : vector<16xf32>
        %broadcast_in_dim3A_131 = arith.constant 14 : i32
        %broadcast_in_dim3A_132 = vector.broadcast %broadcast_in_dim3A_131 : i32 to vector<16xi32>
        %gather3A_133 = tpu.vector_load_idx %arg4[%scan3A_74, %broadcast_in_dim3A_132] : memref<256x64xf32, #tpu.memory_space<vmem>>[vector<16xi32>, vector<16xi32>], vector<16xf32>,
        %add3A_134 = arith.addf %add3A_130, %gather3A_133 : vector<16xf32>
        %broadcast_in_dim3A_135 = arith.constant 15 : i32
        %broadcast_in_dim3A_136 = vector.broadcast %broadcast_in_dim3A_135 : i32 to vector<16xi32>
        %gather3A_137 = tpu.vector_load_idx %arg4[%scan3A_74, %broadcast_in_dim3A_136] : memref<256x64xf32, #tpu.memory_space<vmem>>[vector<16xi32>, vector<16xi32>], vector<16xf32>,
        %add3A_138 = arith.addf %add3A_134, %gather3A_137 : vector<16xf32>
        %broadcast_in_dim3A_139 = arith.constant 16 : i32
        %broadcast_in_dim3A_140 = vector.broadcast %broadcast_in_dim3A_139 : i32 to vector<16xi32>
        %gather3A_141 = tpu.vector_load_idx %arg4[%scan3A_74, %broadcast_in_dim3A_140] : memref<256x64xf32, #tpu.memory_space<vmem>>[vector<16xi32>, vector<16xi32>], vector<16xf32>,
        %add3A_142 = arith.addf %add3A_138, %gather3A_141 : vector<16xf32>
        %broadcast_in_dim3A_143 = arith.constant 17 : i32
        %broadcast_in_dim3A_144 = vector.broadcast %broadcast_in_dim3A_143 : i32 to vector<16xi32>
        %gather3A_145 = tpu.vector_load_idx %arg4[%scan3A_74, %broadcast_in_dim3A_144] : memref<256x64xf32, #tpu.memory_space<vmem>>[vector<16xi32>, vector<16xi32>], vector<16xf32>,
        %add3A_146 = arith.addf %add3A_142, %gather3A_145 : vector<16xf32>
        %broadcast_in_dim3A_147 = arith.constant 18 : i32
        %broadcast_in_dim3A_148 = vector.broadcast %broadcast_in_dim3A_147 : i32 to vector<16xi32>
        %gather3A_149 = tpu.vector_load_idx %arg4[%scan3A_74, %broadcast_in_dim3A_148] : memref<256x64xf32, #tpu.memory_space<vmem>>[vector<16xi32>, vector<16xi32>], vector<16xf32>,
        %add3A_150 = arith.addf %add3A_146, %gather3A_149 : vector<16xf32>
        %broadcast_in_dim3A_151 = arith.constant 19 : i32
        %broadcast_in_dim3A_152 = vector.broadcast %broadcast_in_dim3A_151 : i32 to vector<16xi32>
        %gather3A_153 = tpu.vector_load_idx %arg4[%scan3A_74, %broadcast_in_dim3A_152] : memref<256x64xf32, #tpu.memory_space<vmem>>[vector<16xi32>, vector<16xi32>], vector<16xf32>,
        %add3A_154 = arith.addf %add3A_150, %gather3A_153 : vector<16xf32>
        %broadcast_in_dim3A_155 = arith.constant 20 : i32
        %broadcast_in_dim3A_156 = vector.broadcast %broadcast_in_dim3A_155 : i32 to vector<16xi32>
        %gather3A_157 = tpu.vector_load_idx %arg4[%scan3A_74, %broadcast_in_dim3A_156] : memref<256x64xf32, #tpu.memory_space<vmem>>[vector<16xi32>, vector<16xi32>], vector<16xf32>,
        %add3A_158 = arith.addf %add3A_154, %gather3A_157 : vector<16xf32>
        %broadcast_in_dim3A_159 = arith.constant 21 : i32
        %broadcast_in_dim3A_160 = vector.broadcast %broadcast_in_dim3A_159 : i32 to vector<16xi32>
        %gather3A_161 = tpu.vector_load_idx %arg4[%scan3A_74, %broadcast_in_dim3A_160] : memref<256x64xf32, #tpu.memory_space<vmem>>[vector<16xi32>, vector<16xi32>], vector<16xf32>,
        %add3A_162 = arith.addf %add3A_158, %gather3A_161 : vector<16xf32>
        %broadcast_in_dim3A_163 = arith.constant 22 : i32
        %broadcast_in_dim3A_164 = vector.broadcast %broadcast_in_dim3A_163 : i32 to vector<16xi32>
        %gather3A_165 = tpu.vector_load_idx %arg4[%scan3A_74, %broadcast_in_dim3A_164] : memref<256x64xf32, #tpu.memory_space<vmem>>[vector<16xi32>, vector<16xi32>], vector<16xf32>,
        %add3A_166 = arith.addf %add3A_162, %gather3A_165 : vector<16xf32>
        %broadcast_in_dim3A_167 = arith.constant 23 : i32
        %broadcast_in_dim3A_168 = vector.broadcast %broadcast_in_dim3A_167 : i32 to vector<16xi32>
        %gather3A_169 = tpu.vector_load_idx %arg4[%scan3A_74, %broadcast_in_dim3A_168] : memref<256x64xf32, #tpu.memory_space<vmem>>[vector<16xi32>, vector<16xi32>], vector<16xf32>,
        %add3A_170 = arith.addf %add3A_166, %gather3A_169 : vector<16xf32>
        %broadcast_in_dim3A_171 = arith.constant 24 : i32
        %broadcast_in_dim3A_172 = vector.broadcast %broadcast_in_dim3A_171 : i32 to vector<16xi32>
        %gather3A_173 = tpu.vector_load_idx %arg4[%scan3A_74, %broadcast_in_dim3A_172] : memref<256x64xf32, #tpu.memory_space<vmem>>[vector<16xi32>, vector<16xi32>], vector<16xf32>,
        %add3A_174 = arith.addf %add3A_170, %gather3A_173 : vector<16xf32>
        %broadcast_in_dim3A_175 = arith.constant 25 : i32
        %broadcast_in_dim3A_176 = vector.broadcast %broadcast_in_dim3A_175 : i32 to vector<16xi32>
        %gather3A_177 = tpu.vector_load_idx %arg4[%scan3A_74, %broadcast_in_dim3A_176] : memref<256x64xf32, #tpu.memory_space<vmem>>[vector<16xi32>, vector<16xi32>], vector<16xf32>,
        %add3A_178 = arith.addf %add3A_174, %gather3A_177 : vector<16xf32>
        %broadcast_in_dim3A_179 = arith.constant 26 : i32
        %broadcast_in_dim3A_180 = vector.broadcast %broadcast_in_dim3A_179 : i32 to vector<16xi32>
        %gather3A_181 = tpu.vector_load_idx %arg4[%scan3A_74, %broadcast_in_dim3A_180] : memref<256x64xf32, #tpu.memory_space<vmem>>[vector<16xi32>, vector<16xi32>], vector<16xf32>,
        %add3A_182 = arith.addf %add3A_178, %gather3A_181 : vector<16xf32>
        %broadcast_in_dim3A_183 = arith.constant 27 : i32
        %broadcast_in_dim3A_184 = vector.broadcast %broadcast_in_dim3A_183 : i32 to vector<16xi32>
        %gather3A_185 = tpu.vector_load_idx %arg4[%scan3A_74, %broadcast_in_dim3A_184] : memref<256x64xf32, #tpu.memory_space<vmem>>[vector<16xi32>, vector<16xi32>], vector<16xf32>,
        %add3A_186 = arith.addf %add3A_182, %gather3A_185 : vector<16xf32>
        %broadcast_in_dim3A_187 = arith.constant 28 : i32
        %broadcast_in_dim3A_188 = vector.broadcast %broadcast_in_dim3A_187 : i32 to vector<16xi32>
        %gather3A_189 = tpu.vector_load_idx %arg4[%scan3A_74, %broadcast_in_dim3A_188] : memref<256x64xf32, #tpu.memory_space<vmem>>[vector<16xi32>, vector<16xi32>], vector<16xf32>,
        %add3A_190 = arith.addf %add3A_186, %gather3A_189 : vector<16xf32>
        %broadcast_in_dim3A_191 = arith.constant 29 : i32
        %broadcast_in_dim3A_192 = vector.broadcast %broadcast_in_dim3A_191 : i32 to vector<16xi32>
        %gather3A_193 = tpu.vector_load_idx %arg4[%scan3A_74, %broadcast_in_dim3A_192] : memref<256x64xf32, #tpu.memory_space<vmem>>[vector<16xi32>, vector<16xi32>], vector<16xf32>,
        %add3A_194 = arith.addf %add3A_190, %gather3A_193 : vector<16xf32>
        %broadcast_in_dim3A_195 = arith.constant 30 : i32
        %broadcast_in_dim3A_196 = vector.broadcast %broadcast_in_dim3A_195 : i32 to vector<16xi32>
        %gather3A_197 = tpu.vector_load_idx %arg4[%scan3A_74, %broadcast_in_dim3A_196] : memref<256x64xf32, #tpu.memory_space<vmem>>[vector<16xi32>, vector<16xi32>], vector<16xf32>,
        %add3A_198 = arith.addf %add3A_194, %gather3A_197 : vector<16xf32>
        %broadcast_in_dim3A_199 = arith.constant 31 : i32
        %broadcast_in_dim3A_200 = vector.broadcast %broadcast_in_dim3A_199 : i32 to vector<16xi32>
        %gather3A_201 = tpu.vector_load_idx %arg4[%scan3A_74, %broadcast_in_dim3A_200] : memref<256x64xf32, #tpu.memory_space<vmem>>[vector<16xi32>, vector<16xi32>], vector<16xf32>,
        %add3A_202 = arith.addf %add3A_198, %gather3A_201 : vector<16xf32>
        %broadcast_in_dim3A_203 = arith.constant 32 : i32
        %broadcast_in_dim3A_204 = vector.broadcast %broadcast_in_dim3A_203 : i32 to vector<16xi32>
        %gather3A_205 = tpu.vector_load_idx %arg4[%scan3A_74, %broadcast_in_dim3A_204] : memref<256x64xf32, #tpu.memory_space<vmem>>[vector<16xi32>, vector<16xi32>], vector<16xf32>,
        %add3A_206 = arith.addf %add3A_202, %gather3A_205 : vector<16xf32>
        %broadcast_in_dim3A_207 = arith.constant 33 : i32
        %broadcast_in_dim3A_208 = vector.broadcast %broadcast_in_dim3A_207 : i32 to vector<16xi32>
        %gather3A_209 = tpu.vector_load_idx %arg4[%scan3A_74, %broadcast_in_dim3A_208] : memref<256x64xf32, #tpu.memory_space<vmem>>[vector<16xi32>, vector<16xi32>], vector<16xf32>,
        %add3A_210 = arith.addf %add3A_206, %gather3A_209 : vector<16xf32>
        %broadcast_in_dim3A_211 = arith.constant 34 : i32
        %broadcast_in_dim3A_212 = vector.broadcast %broadcast_in_dim3A_211 : i32 to vector<16xi32>
        %gather3A_213 = tpu.vector_load_idx %arg4[%scan3A_74, %broadcast_in_dim3A_212] : memref<256x64xf32, #tpu.memory_space<vmem>>[vector<16xi32>, vector<16xi32>], vector<16xf32>,
        %add3A_214 = arith.addf %add3A_210, %gather3A_213 : vector<16xf32>
        %broadcast_in_dim3A_215 = arith.constant 35 : i32
        %broadcast_in_dim3A_216 = vector.broadcast %broadcast_in_dim3A_215 : i32 to vector<16xi32>
        %gather3A_217 = tpu.vector_load_idx %arg4[%scan3A_74, %broadcast_in_dim3A_216] : memref<256x64xf32, #tpu.memory_space<vmem>>[vector<16xi32>, vector<16xi32>], vector<16xf32>,
        %add3A_218 = arith.addf %add3A_214, %gather3A_217 : vector<16xf32>
        %broadcast_in_dim3A_219 = arith.constant 36 : i32
        %broadcast_in_dim3A_220 = vector.broadcast %broadcast_in_dim3A_219 : i32 to vector<16xi32>
        %gather3A_221 = tpu.vector_load_idx %arg4[%scan3A_74, %broadcast_in_dim3A_220] : memref<256x64xf32, #tpu.memory_space<vmem>>[vector<16xi32>, vector<16xi32>], vector<16xf32>,
        %add3A_222 = arith.addf %add3A_218, %gather3A_221 : vector<16xf32>
        %broadcast_in_dim3A_223 = arith.constant 37 : i32
        %broadcast_in_dim3A_224 = vector.broadcast %broadcast_in_dim3A_223 : i32 to vector<16xi32>
        %gather3A_225 = tpu.vector_load_idx %arg4[%scan3A_74, %broadcast_in_dim3A_224] : memref<256x64xf32, #tpu.memory_space<vmem>>[vector<16xi32>, vector<16xi32>], vector<16xf32>,
        %add3A_226 = arith.addf %add3A_222, %gather3A_225 : vector<16xf32>
        %broadcast_in_dim3A_227 = arith.constant 38 : i32
        %broadcast_in_dim3A_228 = vector.broadcast %broadcast_in_dim3A_227 : i32 to vector<16xi32>
        %gather3A_229 = tpu.vector_load_idx %arg4[%scan3A_74, %broadcast_in_dim3A_228] : memref<256x64xf32, #tpu.memory_space<vmem>>[vector<16xi32>, vector<16xi32>], vector<16xf32>,
        %add3A_230 = arith.addf %add3A_226, %gather3A_229 : vector<16xf32>
        %broadcast_in_dim3A_231 = arith.constant 39 : i32
        %broadcast_in_dim3A_232 = vector.broadcast %broadcast_in_dim3A_231 : i32 to vector<16xi32>
        %gather3A_233 = tpu.vector_load_idx %arg4[%scan3A_74, %broadcast_in_dim3A_232] : memref<256x64xf32, #tpu.memory_space<vmem>>[vector<16xi32>, vector<16xi32>], vector<16xf32>,
        %add3A_234 = arith.addf %add3A_230, %gather3A_233 : vector<16xf32>
        %broadcast_in_dim3A_235 = arith.constant 40 : i32
        %broadcast_in_dim3A_236 = vector.broadcast %broadcast_in_dim3A_235 : i32 to vector<16xi32>
        %gather3A_237 = tpu.vector_load_idx %arg4[%scan3A_74, %broadcast_in_dim3A_236] : memref<256x64xf32, #tpu.memory_space<vmem>>[vector<16xi32>, vector<16xi32>], vector<16xf32>,
        %add3A_238 = arith.addf %add3A_234, %gather3A_237 : vector<16xf32>
        %broadcast_in_dim3A_239 = arith.constant 41 : i32
        %broadcast_in_dim3A_240 = vector.broadcast %broadcast_in_dim3A_239 : i32 to vector<16xi32>
        %gather3A_241 = tpu.vector_load_idx %arg4[%scan3A_74, %broadcast_in_dim3A_240] : memref<256x64xf32, #tpu.memory_space<vmem>>[vector<16xi32>, vector<16xi32>], vector<16xf32>,
        %add3A_242 = arith.addf %add3A_238, %gather3A_241 : vector<16xf32>
        %broadcast_in_dim3A_243 = arith.constant 42 : i32
        %broadcast_in_dim3A_244 = vector.broadcast %broadcast_in_dim3A_243 : i32 to vector<16xi32>
        %gather3A_245 = tpu.vector_load_idx %arg4[%scan3A_74, %broadcast_in_dim3A_244] : memref<256x64xf32, #tpu.memory_space<vmem>>[vector<16xi32>, vector<16xi32>], vector<16xf32>,
        %add3A_246 = arith.addf %add3A_242, %gather3A_245 : vector<16xf32>
        %broadcast_in_dim3A_247 = arith.constant 43 : i32
        %broadcast_in_dim3A_248 = vector.broadcast %broadcast_in_dim3A_247 : i32 to vector<16xi32>
        %gather3A_249 = tpu.vector_load_idx %arg4[%scan3A_74, %broadcast_in_dim3A_248] : memref<256x64xf32, #tpu.memory_space<vmem>>[vector<16xi32>, vector<16xi32>], vector<16xf32>,
        %add3A_250 = arith.addf %add3A_246, %gather3A_249 : vector<16xf32>
        %broadcast_in_dim3A_251 = arith.constant 44 : i32
        %broadcast_in_dim3A_252 = vector.broadcast %broadcast_in_dim3A_251 : i32 to vector<16xi32>
        %gather3A_253 = tpu.vector_load_idx %arg4[%scan3A_74, %broadcast_in_dim3A_252] : memref<256x64xf32, #tpu.memory_space<vmem>>[vector<16xi32>, vector<16xi32>], vector<16xf32>,
        %add3A_254 = arith.addf %add3A_250, %gather3A_253 : vector<16xf32>
        %broadcast_in_dim3A_255 = arith.constant 45 : i32
        %broadcast_in_dim3A_256 = vector.broadcast %broadcast_in_dim3A_255 : i32 to vector<16xi32>
        %gather3A_257 = tpu.vector_load_idx %arg4[%scan3A_74, %broadcast_in_dim3A_256] : memref<256x64xf32, #tpu.memory_space<vmem>>[vector<16xi32>, vector<16xi32>], vector<16xf32>,
        %add3A_258 = arith.addf %add3A_254, %gather3A_257 : vector<16xf32>
        %broadcast_in_dim3A_259 = arith.constant 46 : i32
        %broadcast_in_dim3A_260 = vector.broadcast %broadcast_in_dim3A_259 : i32 to vector<16xi32>
        %gather3A_261 = tpu.vector_load_idx %arg4[%scan3A_74, %broadcast_in_dim3A_260] : memref<256x64xf32, #tpu.memory_space<vmem>>[vector<16xi32>, vector<16xi32>], vector<16xf32>,
        %add3A_262 = arith.addf %add3A_258, %gather3A_261 : vector<16xf32>
        %broadcast_in_dim3A_263 = arith.constant 47 : i32
        %broadcast_in_dim3A_264 = vector.broadcast %broadcast_in_dim3A_263 : i32 to vector<16xi32>
        %gather3A_265 = tpu.vector_load_idx %arg4[%scan3A_74, %broadcast_in_dim3A_264] : memref<256x64xf32, #tpu.memory_space<vmem>>[vector<16xi32>, vector<16xi32>], vector<16xf32>,
        %add3A_266 = arith.addf %add3A_262, %gather3A_265 : vector<16xf32>
        %broadcast_in_dim3A_267 = arith.constant 48 : i32
        %broadcast_in_dim3A_268 = vector.broadcast %broadcast_in_dim3A_267 : i32 to vector<16xi32>
        %gather3A_269 = tpu.vector_load_idx %arg4[%scan3A_74, %broadcast_in_dim3A_268] : memref<256x64xf32, #tpu.memory_space<vmem>>[vector<16xi32>, vector<16xi32>], vector<16xf32>,
        %add3A_270 = arith.addf %add3A_266, %gather3A_269 : vector<16xf32>
        %broadcast_in_dim3A_271 = arith.constant 49 : i32
        %broadcast_in_dim3A_272 = vector.broadcast %broadcast_in_dim3A_271 : i32 to vector<16xi32>
        %gather3A_273 = tpu.vector_load_idx %arg4[%scan3A_74, %broadcast_in_dim3A_272] : memref<256x64xf32, #tpu.memory_space<vmem>>[vector<16xi32>, vector<16xi32>], vector<16xf32>,
        %add3A_274 = arith.addf %add3A_270, %gather3A_273 : vector<16xf32>
        %broadcast_in_dim3A_275 = arith.constant 50 : i32
        %broadcast_in_dim3A_276 = vector.broadcast %broadcast_in_dim3A_275 : i32 to vector<16xi32>
        %gather3A_277 = tpu.vector_load_idx %arg4[%scan3A_74, %broadcast_in_dim3A_276] : memref<256x64xf32, #tpu.memory_space<vmem>>[vector<16xi32>, vector<16xi32>], vector<16xf32>,
        %add3A_278 = arith.addf %add3A_274, %gather3A_277 : vector<16xf32>
        %broadcast_in_dim3A_279 = arith.constant 51 : i32
        %broadcast_in_dim3A_280 = vector.broadcast %broadcast_in_dim3A_279 : i32 to vector<16xi32>
        %gather3A_281 = tpu.vector_load_idx %arg4[%scan3A_74, %broadcast_in_dim3A_280] : memref<256x64xf32, #tpu.memory_space<vmem>>[vector<16xi32>, vector<16xi32>], vector<16xf32>,
        %add3A_282 = arith.addf %add3A_278, %gather3A_281 : vector<16xf32>
        %broadcast_in_dim3A_283 = arith.constant 52 : i32
        %broadcast_in_dim3A_284 = vector.broadcast %broadcast_in_dim3A_283 : i32 to vector<16xi32>
        %gather3A_285 = tpu.vector_load_idx %arg4[%scan3A_74, %broadcast_in_dim3A_284] : memref<256x64xf32, #tpu.memory_space<vmem>>[vector<16xi32>, vector<16xi32>], vector<16xf32>,
        %add3A_286 = arith.addf %add3A_282, %gather3A_285 : vector<16xf32>
        %broadcast_in_dim3A_287 = arith.constant 53 : i32
        %broadcast_in_dim3A_288 = vector.broadcast %broadcast_in_dim3A_287 : i32 to vector<16xi32>
        %gather3A_289 = tpu.vector_load_idx %arg4[%scan3A_74, %broadcast_in_dim3A_288] : memref<256x64xf32, #tpu.memory_space<vmem>>[vector<16xi32>, vector<16xi32>], vector<16xf32>,
        %add3A_290 = arith.addf %add3A_286, %gather3A_289 : vector<16xf32>
        %broadcast_in_dim3A_291 = arith.constant 54 : i32
        %broadcast_in_dim3A_292 = vector.broadcast %broadcast_in_dim3A_291 : i32 to vector<16xi32>
        %gather3A_293 = tpu.vector_load_idx %arg4[%scan3A_74, %broadcast_in_dim3A_292] : memref<256x64xf32, #tpu.memory_space<vmem>>[vector<16xi32>, vector<16xi32>], vector<16xf32>,
        %add3A_294 = arith.addf %add3A_290, %gather3A_293 : vector<16xf32>
        %broadcast_in_dim3A_295 = arith.constant 55 : i32
        %broadcast_in_dim3A_296 = vector.broadcast %broadcast_in_dim3A_295 : i32 to vector<16xi32>
        %gather3A_297 = tpu.vector_load_idx %arg4[%scan3A_74, %broadcast_in_dim3A_296] : memref<256x64xf32, #tpu.memory_space<vmem>>[vector<16xi32>, vector<16xi32>], vector<16xf32>,
        %add3A_298 = arith.addf %add3A_294, %gather3A_297 : vector<16xf32>
        %broadcast_in_dim3A_299 = arith.constant 56 : i32
        %broadcast_in_dim3A_300 = vector.broadcast %broadcast_in_dim3A_299 : i32 to vector<16xi32>
        %gather3A_301 = tpu.vector_load_idx %arg4[%scan3A_74, %broadcast_in_dim3A_300] : memref<256x64xf32, #tpu.memory_space<vmem>>[vector<16xi32>, vector<16xi32>], vector<16xf32>,
        %add3A_302 = arith.addf %add3A_298, %gather3A_301 : vector<16xf32>
        %broadcast_in_dim3A_303 = arith.constant 57 : i32
        %broadcast_in_dim3A_304 = vector.broadcast %broadcast_in_dim3A_303 : i32 to vector<16xi32>
        %gather3A_305 = tpu.vector_load_idx %arg4[%scan3A_74, %broadcast_in_dim3A_304] : memref<256x64xf32, #tpu.memory_space<vmem>>[vector<16xi32>, vector<16xi32>], vector<16xf32>,
        %add3A_306 = arith.addf %add3A_302, %gather3A_305 : vector<16xf32>
        %broadcast_in_dim3A_307 = arith.constant 58 : i32
        %broadcast_in_dim3A_308 = vector.broadcast %broadcast_in_dim3A_307 : i32 to vector<16xi32>
        %gather3A_309 = tpu.vector_load_idx %arg4[%scan3A_74, %broadcast_in_dim3A_308] : memref<256x64xf32, #tpu.memory_space<vmem>>[vector<16xi32>, vector<16xi32>], vector<16xf32>,
        %add3A_310 = arith.addf %add3A_306, %gather3A_309 : vector<16xf32>
        %broadcast_in_dim3A_311 = arith.constant 59 : i32
        %broadcast_in_dim3A_312 = vector.broadcast %broadcast_in_dim3A_311 : i32 to vector<16xi32>
        %gather3A_313 = tpu.vector_load_idx %arg4[%scan3A_74, %broadcast_in_dim3A_312] : memref<256x64xf32, #tpu.memory_space<vmem>>[vector<16xi32>, vector<16xi32>], vector<16xf32>,
        %add3A_314 = arith.addf %add3A_310, %gather3A_313 : vector<16xf32>
        %broadcast_in_dim3A_315 = arith.constant 60 : i32
        %broadcast_in_dim3A_316 = vector.broadcast %broadcast_in_dim3A_315 : i32 to vector<16xi32>
        %gather3A_317 = tpu.vector_load_idx %arg4[%scan3A_74, %broadcast_in_dim3A_316] : memref<256x64xf32, #tpu.memory_space<vmem>>[vector<16xi32>, vector<16xi32>], vector<16xf32>,
        %add3A_318 = arith.addf %add3A_314, %gather3A_317 : vector<16xf32>
        %broadcast_in_dim3A_319 = arith.constant 61 : i32
        %broadcast_in_dim3A_320 = vector.broadcast %broadcast_in_dim3A_319 : i32 to vector<16xi32>
        %gather3A_321 = tpu.vector_load_idx %arg4[%scan3A_74, %broadcast_in_dim3A_320] : memref<256x64xf32, #tpu.memory_space<vmem>>[vector<16xi32>, vector<16xi32>], vector<16xf32>,
        %add3A_322 = arith.addf %add3A_318, %gather3A_321 : vector<16xf32>
        %broadcast_in_dim3A_323 = arith.constant 62 : i32
        %broadcast_in_dim3A_324 = vector.broadcast %broadcast_in_dim3A_323 : i32 to vector<16xi32>
        %gather3A_325 = tpu.vector_load_idx %arg4[%scan3A_74, %broadcast_in_dim3A_324] : memref<256x64xf32, #tpu.memory_space<vmem>>[vector<16xi32>, vector<16xi32>], vector<16xf32>,
        %add3A_326 = arith.addf %add3A_322, %gather3A_325 : vector<16xf32>
        %broadcast_in_dim3A_327 = arith.constant 63 : i32
        %broadcast_in_dim3A_328 = vector.broadcast %broadcast_in_dim3A_327 : i32 to vector<16xi32>
        %gather3A_329 = tpu.vector_load_idx %arg4[%scan3A_74, %broadcast_in_dim3A_328] : memref<256x64xf32, #tpu.memory_space<vmem>>[vector<16xi32>, vector<16xi32>], vector<16xf32>,
        %add3A_330 = arith.addf %add3A_326, %gather3A_329 : vector<16xf32>
        %mul3A_331 = arith.constant 1.562500e-02 : f32
        %mul3A_332 = vector.broadcast %mul3A_331 : f32 to vector<16xf32>
        %mul3A_333 = arith.mulf %add3A_330, %mul3A_332 : vector<16xf32>
        %mul3A_334 = arith.constant 16 : i32
        %mul3A_335 = arith.muli %scan3A_73, %mul3A_334 : i32
        %swap3A = arith.index_cast %mul3A_335 : i32 to index
        %swap3A_336 = tpu.vector_load %arg6[%swap3A] {strides = array<i32>} : memref<256xf32, #tpu.memory_space<vmem>>, vector<16xf32>,
        tpu.vector_store %arg6[%swap3A], %mul3A_333 {strides = array<i32>} : memref<256xf32, #tpu.memory_space<vmem>>, vector<16xf32>,
        %add3A_337 = arith.constant 16 : i32
        %add3A_338 = vector.broadcast %add3A_337 : i32 to vector<16xi32>
        %add3A_339 = arith.addi %scan3A_74, %add3A_338 : vector<16xi32>
        scf.yield %add3A_339 : vector<16xi32>
      }
      %scan3A_42 = arith.constant 16 : i32
      %mul3A_43 = arith.constant 256 : i32
      %mul3A_44 = arith.muli %mul3A_30, %mul3A_43 : i32
      %add3A_45 = arith.addi %mul3A_2, %mul3A_44 : i32
      "tpu.region"() ({
        %run_scoped3A = tpu.sem_alloc : memref<!tpu.dma_semaphore, #tpu.memory_space<semaphore_mem>>
        %dma_start3A_73 = tpu.memref_slice %arg3[%add3A_45] : memref<451136xf32, #tpu.memory_space<hbm>> -> memref<256xf32, #tpu.memory_space<hbm>>
        %dma_start3A_74 = tpu.memref_slice %arg3[%add3A_45] : memref<451136xf32, #tpu.memory_space<hbm>> -> memref<256xf32, #tpu.memory_space<hbm>>
        tpu.enqueue_dma source(%arg6 : memref<256xf32, #tpu.memory_space<vmem>>) target(%dma_start3A_74 : memref<256xf32, #tpu.memory_space<hbm>>) target_semaphore(%run_scoped3A : memref<!tpu.dma_semaphore, #tpu.memory_space<semaphore_mem>>)
        %dma_wait3A_75 = tpu.memref_slice %arg3[%add3A_45] : memref<451136xf32, #tpu.memory_space<hbm>> -> memref<256xf32, #tpu.memory_space<hbm>>
        %dma_wait3A_76 = tpu.memref_slice %arg3[%add3A_45] : memref<451136xf32, #tpu.memory_space<hbm>> -> memref<256xf32, #tpu.memory_space<hbm>>
        tpu.wait_dma2 semaphore(%run_scoped3A : memref<!tpu.dma_semaphore, #tpu.memory_space<semaphore_mem>>) src(%arg6 : memref<256xf32, #tpu.memory_space<vmem>>) dst(%dma_wait3A_76 : memref<256xf32, #tpu.memory_space<hbm>>)
        tpu.yield
      }) : () -> ()
      %add3A_46 = arith.constant 2 : i32
      %add3A_47 = arith.addi %mul3A_30, %add3A_46 : i32
      %lt3A = arith.cmpi slt, %add3A_47, %mul3A_6 : i32
      %convert_element_type3A_48 = arith.extui %lt3A : i1 to i32
      %cond3A_49 = arith.constant 0 : i32
      %cond3A_50 = arith.cmpi ne, %convert_element_type3A_48, %cond3A_49 : i32
      scf.if %cond3A_50 {
        %add3A_73 = arith.constant 2 : i32
        %add3A_74 = arith.addi %mul3A_30, %add3A_73 : i32
        %mul3A_75 = arith.constant 256 : i32
        %mul3A_76 = arith.muli %add3A_74, %mul3A_75 : i32
        %add3A_77 = arith.addi %mul3A_2, %mul3A_76 : i32
        %dma_start3A_78 = arith.constant 0 : i32
        %dma_start3A_79 = tpu.memref_slice %arg2[%add3A_77, %dma_start3A_78] : memref<451136x64xf32, #tpu.memory_space<hbm>> -> memref<256x64xf32, #tpu.memory_space<hbm>>
        %dma_start3A_80 = arith.constant 0 : i32
        %dma_start3A_81 = tpu.memref_slice %arg2[%add3A_77, %dma_start3A_80] : memref<451136x64xf32, #tpu.memory_space<hbm>> -> memref<256x64xf32, #tpu.memory_space<hbm>>
        tpu.enqueue_dma source(%dma_start3A_81 : memref<256x64xf32, #tpu.memory_space<hbm>>) target(%arg4 : memref<256x64xf32, #tpu.memory_space<vmem>>) target_semaphore(%arg8 : memref<!tpu.dma_semaphore, #tpu.memory_space<semaphore_mem>>)
      } else {
      }
      %dma_wait3A_51 = arith.constant 0 : i32
      %dma_wait3A_52 = arith.constant 0 : i32
      %dma_wait3A_53 = tpu.memref_slice %arg2[%dma_wait3A_51, %dma_wait3A_52] : memref<451136x64xf32, #tpu.memory_space<hbm>> -> memref<256x64xf32, #tpu.memory_space<hbm>>
      %dma_wait3A_54 = arith.constant 0 : i32
      %dma_wait3A_55 = arith.constant 0 : i32
      %dma_wait3A_56 = tpu.memref_slice %arg2[%dma_wait3A_54, %dma_wait3A_55] : memref<451136x64xf32, #tpu.memory_space<hbm>> -> memref<256x64xf32, #tpu.memory_space<hbm>>
      tpu.wait_dma2 semaphore(%arg9 : memref<!tpu.dma_semaphore, #tpu.memory_space<semaphore_mem>>) src(%dma_wait3A_56 : memref<256x64xf32, #tpu.memory_space<hbm>>) dst(%arg5 : memref<256x64xf32, #tpu.memory_space<vmem>>)
      %iota3A_57 = tpu.iota {dimensions = array<i32: 0>} : vector<16xi32>
      %scan3A_58 = arith.constant 0 : i32
      %scan3A_59 = arith.constant 16 : i32
      %scan3A_60 = arith.addi %scan3A_58, %scan3A_59 : i32
      %scan3A_61 = arith.constant 1 : i32
      %scan3A_62 = scf.for %scan3A_73 = %scan3A_58 to %scan3A_60 step %scan3A_61 iter_args(%scan3A_74 = %iota3A_57) -> (vector<16xi32>)  : i32 {
        %broadcast_in_dim3A = arith.constant 0.000000e+00 : f32
        %broadcast_in_dim3A_75 = vector.broadcast %broadcast_in_dim3A : f32 to vector<16xf32>
        %broadcast_in_dim3A_76 = arith.constant 0 : i32
        %broadcast_in_dim3A_77 = vector.broadcast %broadcast_in_dim3A_76 : i32 to vector<16xi32>
        %gather3A = tpu.vector_load_idx %arg5[%scan3A_74, %broadcast_in_dim3A_77] : memref<256x64xf32, #tpu.memory_space<vmem>>[vector<16xi32>, vector<16xi32>], vector<16xf32>,
        %add3A_78 = arith.addf %broadcast_in_dim3A_75, %gather3A : vector<16xf32>
        %broadcast_in_dim3A_79 = arith.constant 1 : i32
        %broadcast_in_dim3A_80 = vector.broadcast %broadcast_in_dim3A_79 : i32 to vector<16xi32>
        %gather3A_81 = tpu.vector_load_idx %arg5[%scan3A_74, %broadcast_in_dim3A_80] : memref<256x64xf32, #tpu.memory_space<vmem>>[vector<16xi32>, vector<16xi32>], vector<16xf32>,
        %add3A_82 = arith.addf %add3A_78, %gather3A_81 : vector<16xf32>
        %broadcast_in_dim3A_83 = arith.constant 2 : i32
        %broadcast_in_dim3A_84 = vector.broadcast %broadcast_in_dim3A_83 : i32 to vector<16xi32>
        %gather3A_85 = tpu.vector_load_idx %arg5[%scan3A_74, %broadcast_in_dim3A_84] : memref<256x64xf32, #tpu.memory_space<vmem>>[vector<16xi32>, vector<16xi32>], vector<16xf32>,
        %add3A_86 = arith.addf %add3A_82, %gather3A_85 : vector<16xf32>
        %broadcast_in_dim3A_87 = arith.constant 3 : i32
        %broadcast_in_dim3A_88 = vector.broadcast %broadcast_in_dim3A_87 : i32 to vector<16xi32>
        %gather3A_89 = tpu.vector_load_idx %arg5[%scan3A_74, %broadcast_in_dim3A_88] : memref<256x64xf32, #tpu.memory_space<vmem>>[vector<16xi32>, vector<16xi32>], vector<16xf32>,
        %add3A_90 = arith.addf %add3A_86, %gather3A_89 : vector<16xf32>
        %broadcast_in_dim3A_91 = arith.constant 4 : i32
        %broadcast_in_dim3A_92 = vector.broadcast %broadcast_in_dim3A_91 : i32 to vector<16xi32>
        %gather3A_93 = tpu.vector_load_idx %arg5[%scan3A_74, %broadcast_in_dim3A_92] : memref<256x64xf32, #tpu.memory_space<vmem>>[vector<16xi32>, vector<16xi32>], vector<16xf32>,
        %add3A_94 = arith.addf %add3A_90, %gather3A_93 : vector<16xf32>
        %broadcast_in_dim3A_95 = arith.constant 5 : i32
        %broadcast_in_dim3A_96 = vector.broadcast %broadcast_in_dim3A_95 : i32 to vector<16xi32>
        %gather3A_97 = tpu.vector_load_idx %arg5[%scan3A_74, %broadcast_in_dim3A_96] : memref<256x64xf32, #tpu.memory_space<vmem>>[vector<16xi32>, vector<16xi32>], vector<16xf32>,
        %add3A_98 = arith.addf %add3A_94, %gather3A_97 : vector<16xf32>
        %broadcast_in_dim3A_99 = arith.constant 6 : i32
        %broadcast_in_dim3A_100 = vector.broadcast %broadcast_in_dim3A_99 : i32 to vector<16xi32>
        %gather3A_101 = tpu.vector_load_idx %arg5[%scan3A_74, %broadcast_in_dim3A_100] : memref<256x64xf32, #tpu.memory_space<vmem>>[vector<16xi32>, vector<16xi32>], vector<16xf32>,
        %add3A_102 = arith.addf %add3A_98, %gather3A_101 : vector<16xf32>
        %broadcast_in_dim3A_103 = arith.constant 7 : i32
        %broadcast_in_dim3A_104 = vector.broadcast %broadcast_in_dim3A_103 : i32 to vector<16xi32>
        %gather3A_105 = tpu.vector_load_idx %arg5[%scan3A_74, %broadcast_in_dim3A_104] : memref<256x64xf32, #tpu.memory_space<vmem>>[vector<16xi32>, vector<16xi32>], vector<16xf32>,
        %add3A_106 = arith.addf %add3A_102, %gather3A_105 : vector<16xf32>
        %broadcast_in_dim3A_107 = arith.constant 8 : i32
        %broadcast_in_dim3A_108 = vector.broadcast %broadcast_in_dim3A_107 : i32 to vector<16xi32>
        %gather3A_109 = tpu.vector_load_idx %arg5[%scan3A_74, %broadcast_in_dim3A_108] : memref<256x64xf32, #tpu.memory_space<vmem>>[vector<16xi32>, vector<16xi32>], vector<16xf32>,
        %add3A_110 = arith.addf %add3A_106, %gather3A_109 : vector<16xf32>
        %broadcast_in_dim3A_111 = arith.constant 9 : i32
        %broadcast_in_dim3A_112 = vector.broadcast %broadcast_in_dim3A_111 : i32 to vector<16xi32>
        %gather3A_113 = tpu.vector_load_idx %arg5[%scan3A_74, %broadcast_in_dim3A_112] : memref<256x64xf32, #tpu.memory_space<vmem>>[vector<16xi32>, vector<16xi32>], vector<16xf32>,
        %add3A_114 = arith.addf %add3A_110, %gather3A_113 : vector<16xf32>
        %broadcast_in_dim3A_115 = arith.constant 10 : i32
        %broadcast_in_dim3A_116 = vector.broadcast %broadcast_in_dim3A_115 : i32 to vector<16xi32>
        %gather3A_117 = tpu.vector_load_idx %arg5[%scan3A_74, %broadcast_in_dim3A_116] : memref<256x64xf32, #tpu.memory_space<vmem>>[vector<16xi32>, vector<16xi32>], vector<16xf32>,
        %add3A_118 = arith.addf %add3A_114, %gather3A_117 : vector<16xf32>
        %broadcast_in_dim3A_119 = arith.constant 11 : i32
        %broadcast_in_dim3A_120 = vector.broadcast %broadcast_in_dim3A_119 : i32 to vector<16xi32>
        %gather3A_121 = tpu.vector_load_idx %arg5[%scan3A_74, %broadcast_in_dim3A_120] : memref<256x64xf32, #tpu.memory_space<vmem>>[vector<16xi32>, vector<16xi32>], vector<16xf32>,
        %add3A_122 = arith.addf %add3A_118, %gather3A_121 : vector<16xf32>
        %broadcast_in_dim3A_123 = arith.constant 12 : i32
        %broadcast_in_dim3A_124 = vector.broadcast %broadcast_in_dim3A_123 : i32 to vector<16xi32>
        %gather3A_125 = tpu.vector_load_idx %arg5[%scan3A_74, %broadcast_in_dim3A_124] : memref<256x64xf32, #tpu.memory_space<vmem>>[vector<16xi32>, vector<16xi32>], vector<16xf32>,
        %add3A_126 = arith.addf %add3A_122, %gather3A_125 : vector<16xf32>
        %broadcast_in_dim3A_127 = arith.constant 13 : i32
        %broadcast_in_dim3A_128 = vector.broadcast %broadcast_in_dim3A_127 : i32 to vector<16xi32>
        %gather3A_129 = tpu.vector_load_idx %arg5[%scan3A_74, %broadcast_in_dim3A_128] : memref<256x64xf32, #tpu.memory_space<vmem>>[vector<16xi32>, vector<16xi32>], vector<16xf32>,
        %add3A_130 = arith.addf %add3A_126, %gather3A_129 : vector<16xf32>
        %broadcast_in_dim3A_131 = arith.constant 14 : i32
        %broadcast_in_dim3A_132 = vector.broadcast %broadcast_in_dim3A_131 : i32 to vector<16xi32>
        %gather3A_133 = tpu.vector_load_idx %arg5[%scan3A_74, %broadcast_in_dim3A_132] : memref<256x64xf32, #tpu.memory_space<vmem>>[vector<16xi32>, vector<16xi32>], vector<16xf32>,
        %add3A_134 = arith.addf %add3A_130, %gather3A_133 : vector<16xf32>
        %broadcast_in_dim3A_135 = arith.constant 15 : i32
        %broadcast_in_dim3A_136 = vector.broadcast %broadcast_in_dim3A_135 : i32 to vector<16xi32>
        %gather3A_137 = tpu.vector_load_idx %arg5[%scan3A_74, %broadcast_in_dim3A_136] : memref<256x64xf32, #tpu.memory_space<vmem>>[vector<16xi32>, vector<16xi32>], vector<16xf32>,
        %add3A_138 = arith.addf %add3A_134, %gather3A_137 : vector<16xf32>
        %broadcast_in_dim3A_139 = arith.constant 16 : i32
        %broadcast_in_dim3A_140 = vector.broadcast %broadcast_in_dim3A_139 : i32 to vector<16xi32>
        %gather3A_141 = tpu.vector_load_idx %arg5[%scan3A_74, %broadcast_in_dim3A_140] : memref<256x64xf32, #tpu.memory_space<vmem>>[vector<16xi32>, vector<16xi32>], vector<16xf32>,
        %add3A_142 = arith.addf %add3A_138, %gather3A_141 : vector<16xf32>
        %broadcast_in_dim3A_143 = arith.constant 17 : i32
        %broadcast_in_dim3A_144 = vector.broadcast %broadcast_in_dim3A_143 : i32 to vector<16xi32>
        %gather3A_145 = tpu.vector_load_idx %arg5[%scan3A_74, %broadcast_in_dim3A_144] : memref<256x64xf32, #tpu.memory_space<vmem>>[vector<16xi32>, vector<16xi32>], vector<16xf32>,
        %add3A_146 = arith.addf %add3A_142, %gather3A_145 : vector<16xf32>
        %broadcast_in_dim3A_147 = arith.constant 18 : i32
        %broadcast_in_dim3A_148 = vector.broadcast %broadcast_in_dim3A_147 : i32 to vector<16xi32>
        %gather3A_149 = tpu.vector_load_idx %arg5[%scan3A_74, %broadcast_in_dim3A_148] : memref<256x64xf32, #tpu.memory_space<vmem>>[vector<16xi32>, vector<16xi32>], vector<16xf32>,
        %add3A_150 = arith.addf %add3A_146, %gather3A_149 : vector<16xf32>
        %broadcast_in_dim3A_151 = arith.constant 19 : i32
        %broadcast_in_dim3A_152 = vector.broadcast %broadcast_in_dim3A_151 : i32 to vector<16xi32>
        %gather3A_153 = tpu.vector_load_idx %arg5[%scan3A_74, %broadcast_in_dim3A_152] : memref<256x64xf32, #tpu.memory_space<vmem>>[vector<16xi32>, vector<16xi32>], vector<16xf32>,
        %add3A_154 = arith.addf %add3A_150, %gather3A_153 : vector<16xf32>
        %broadcast_in_dim3A_155 = arith.constant 20 : i32
        %broadcast_in_dim3A_156 = vector.broadcast %broadcast_in_dim3A_155 : i32 to vector<16xi32>
        %gather3A_157 = tpu.vector_load_idx %arg5[%scan3A_74, %broadcast_in_dim3A_156] : memref<256x64xf32, #tpu.memory_space<vmem>>[vector<16xi32>, vector<16xi32>], vector<16xf32>,
        %add3A_158 = arith.addf %add3A_154, %gather3A_157 : vector<16xf32>
        %broadcast_in_dim3A_159 = arith.constant 21 : i32
        %broadcast_in_dim3A_160 = vector.broadcast %broadcast_in_dim3A_159 : i32 to vector<16xi32>
        %gather3A_161 = tpu.vector_load_idx %arg5[%scan3A_74, %broadcast_in_dim3A_160] : memref<256x64xf32, #tpu.memory_space<vmem>>[vector<16xi32>, vector<16xi32>], vector<16xf32>,
        %add3A_162 = arith.addf %add3A_158, %gather3A_161 : vector<16xf32>
        %broadcast_in_dim3A_163 = arith.constant 22 : i32
        %broadcast_in_dim3A_164 = vector.broadcast %broadcast_in_dim3A_163 : i32 to vector<16xi32>
        %gather3A_165 = tpu.vector_load_idx %arg5[%scan3A_74, %broadcast_in_dim3A_164] : memref<256x64xf32, #tpu.memory_space<vmem>>[vector<16xi32>, vector<16xi32>], vector<16xf32>,
        %add3A_166 = arith.addf %add3A_162, %gather3A_165 : vector<16xf32>
        %broadcast_in_dim3A_167 = arith.constant 23 : i32
        %broadcast_in_dim3A_168 = vector.broadcast %broadcast_in_dim3A_167 : i32 to vector<16xi32>
        %gather3A_169 = tpu.vector_load_idx %arg5[%scan3A_74, %broadcast_in_dim3A_168] : memref<256x64xf32, #tpu.memory_space<vmem>>[vector<16xi32>, vector<16xi32>], vector<16xf32>,
        %add3A_170 = arith.addf %add3A_166, %gather3A_169 : vector<16xf32>
        %broadcast_in_dim3A_171 = arith.constant 24 : i32
        %broadcast_in_dim3A_172 = vector.broadcast %broadcast_in_dim3A_171 : i32 to vector<16xi32>
        %gather3A_173 = tpu.vector_load_idx %arg5[%scan3A_74, %broadcast_in_dim3A_172] : memref<256x64xf32, #tpu.memory_space<vmem>>[vector<16xi32>, vector<16xi32>], vector<16xf32>,
        %add3A_174 = arith.addf %add3A_170, %gather3A_173 : vector<16xf32>
        %broadcast_in_dim3A_175 = arith.constant 25 : i32
        %broadcast_in_dim3A_176 = vector.broadcast %broadcast_in_dim3A_175 : i32 to vector<16xi32>
        %gather3A_177 = tpu.vector_load_idx %arg5[%scan3A_74, %broadcast_in_dim3A_176] : memref<256x64xf32, #tpu.memory_space<vmem>>[vector<16xi32>, vector<16xi32>], vector<16xf32>,
        %add3A_178 = arith.addf %add3A_174, %gather3A_177 : vector<16xf32>
        %broadcast_in_dim3A_179 = arith.constant 26 : i32
        %broadcast_in_dim3A_180 = vector.broadcast %broadcast_in_dim3A_179 : i32 to vector<16xi32>
        %gather3A_181 = tpu.vector_load_idx %arg5[%scan3A_74, %broadcast_in_dim3A_180] : memref<256x64xf32, #tpu.memory_space<vmem>>[vector<16xi32>, vector<16xi32>], vector<16xf32>,
        %add3A_182 = arith.addf %add3A_178, %gather3A_181 : vector<16xf32>
        %broadcast_in_dim3A_183 = arith.constant 27 : i32
        %broadcast_in_dim3A_184 = vector.broadcast %broadcast_in_dim3A_183 : i32 to vector<16xi32>
        %gather3A_185 = tpu.vector_load_idx %arg5[%scan3A_74, %broadcast_in_dim3A_184] : memref<256x64xf32, #tpu.memory_space<vmem>>[vector<16xi32>, vector<16xi32>], vector<16xf32>,
        %add3A_186 = arith.addf %add3A_182, %gather3A_185 : vector<16xf32>
        %broadcast_in_dim3A_187 = arith.constant 28 : i32
        %broadcast_in_dim3A_188 = vector.broadcast %broadcast_in_dim3A_187 : i32 to vector<16xi32>
        %gather3A_189 = tpu.vector_load_idx %arg5[%scan3A_74, %broadcast_in_dim3A_188] : memref<256x64xf32, #tpu.memory_space<vmem>>[vector<16xi32>, vector<16xi32>], vector<16xf32>,
        %add3A_190 = arith.addf %add3A_186, %gather3A_189 : vector<16xf32>
        %broadcast_in_dim3A_191 = arith.constant 29 : i32
        %broadcast_in_dim3A_192 = vector.broadcast %broadcast_in_dim3A_191 : i32 to vector<16xi32>
        %gather3A_193 = tpu.vector_load_idx %arg5[%scan3A_74, %broadcast_in_dim3A_192] : memref<256x64xf32, #tpu.memory_space<vmem>>[vector<16xi32>, vector<16xi32>], vector<16xf32>,
        %add3A_194 = arith.addf %add3A_190, %gather3A_193 : vector<16xf32>
        %broadcast_in_dim3A_195 = arith.constant 30 : i32
        %broadcast_in_dim3A_196 = vector.broadcast %broadcast_in_dim3A_195 : i32 to vector<16xi32>
        %gather3A_197 = tpu.vector_load_idx %arg5[%scan3A_74, %broadcast_in_dim3A_196] : memref<256x64xf32, #tpu.memory_space<vmem>>[vector<16xi32>, vector<16xi32>], vector<16xf32>,
        %add3A_198 = arith.addf %add3A_194, %gather3A_197 : vector<16xf32>
        %broadcast_in_dim3A_199 = arith.constant 31 : i32
        %broadcast_in_dim3A_200 = vector.broadcast %broadcast_in_dim3A_199 : i32 to vector<16xi32>
        %gather3A_201 = tpu.vector_load_idx %arg5[%scan3A_74, %broadcast_in_dim3A_200] : memref<256x64xf32, #tpu.memory_space<vmem>>[vector<16xi32>, vector<16xi32>], vector<16xf32>,
        %add3A_202 = arith.addf %add3A_198, %gather3A_201 : vector<16xf32>
        %broadcast_in_dim3A_203 = arith.constant 32 : i32
        %broadcast_in_dim3A_204 = vector.broadcast %broadcast_in_dim3A_203 : i32 to vector<16xi32>
        %gather3A_205 = tpu.vector_load_idx %arg5[%scan3A_74, %broadcast_in_dim3A_204] : memref<256x64xf32, #tpu.memory_space<vmem>>[vector<16xi32>, vector<16xi32>], vector<16xf32>,
        %add3A_206 = arith.addf %add3A_202, %gather3A_205 : vector<16xf32>
        %broadcast_in_dim3A_207 = arith.constant 33 : i32
        %broadcast_in_dim3A_208 = vector.broadcast %broadcast_in_dim3A_207 : i32 to vector<16xi32>
        %gather3A_209 = tpu.vector_load_idx %arg5[%scan3A_74, %broadcast_in_dim3A_208] : memref<256x64xf32, #tpu.memory_space<vmem>>[vector<16xi32>, vector<16xi32>], vector<16xf32>,
        %add3A_210 = arith.addf %add3A_206, %gather3A_209 : vector<16xf32>
        %broadcast_in_dim3A_211 = arith.constant 34 : i32
        %broadcast_in_dim3A_212 = vector.broadcast %broadcast_in_dim3A_211 : i32 to vector<16xi32>
        %gather3A_213 = tpu.vector_load_idx %arg5[%scan3A_74, %broadcast_in_dim3A_212] : memref<256x64xf32, #tpu.memory_space<vmem>>[vector<16xi32>, vector<16xi32>], vector<16xf32>,
        %add3A_214 = arith.addf %add3A_210, %gather3A_213 : vector<16xf32>
        %broadcast_in_dim3A_215 = arith.constant 35 : i32
        %broadcast_in_dim3A_216 = vector.broadcast %broadcast_in_dim3A_215 : i32 to vector<16xi32>
        %gather3A_217 = tpu.vector_load_idx %arg5[%scan3A_74, %broadcast_in_dim3A_216] : memref<256x64xf32, #tpu.memory_space<vmem>>[vector<16xi32>, vector<16xi32>], vector<16xf32>,
        %add3A_218 = arith.addf %add3A_214, %gather3A_217 : vector<16xf32>
        %broadcast_in_dim3A_219 = arith.constant 36 : i32
        %broadcast_in_dim3A_220 = vector.broadcast %broadcast_in_dim3A_219 : i32 to vector<16xi32>
        %gather3A_221 = tpu.vector_load_idx %arg5[%scan3A_74, %broadcast_in_dim3A_220] : memref<256x64xf32, #tpu.memory_space<vmem>>[vector<16xi32>, vector<16xi32>], vector<16xf32>,
        %add3A_222 = arith.addf %add3A_218, %gather3A_221 : vector<16xf32>
        %broadcast_in_dim3A_223 = arith.constant 37 : i32
        %broadcast_in_dim3A_224 = vector.broadcast %broadcast_in_dim3A_223 : i32 to vector<16xi32>
        %gather3A_225 = tpu.vector_load_idx %arg5[%scan3A_74, %broadcast_in_dim3A_224] : memref<256x64xf32, #tpu.memory_space<vmem>>[vector<16xi32>, vector<16xi32>], vector<16xf32>,
        %add3A_226 = arith.addf %add3A_222, %gather3A_225 : vector<16xf32>
        %broadcast_in_dim3A_227 = arith.constant 38 : i32
        %broadcast_in_dim3A_228 = vector.broadcast %broadcast_in_dim3A_227 : i32 to vector<16xi32>
        %gather3A_229 = tpu.vector_load_idx %arg5[%scan3A_74, %broadcast_in_dim3A_228] : memref<256x64xf32, #tpu.memory_space<vmem>>[vector<16xi32>, vector<16xi32>], vector<16xf32>,
        %add3A_230 = arith.addf %add3A_226, %gather3A_229 : vector<16xf32>
        %broadcast_in_dim3A_231 = arith.constant 39 : i32
        %broadcast_in_dim3A_232 = vector.broadcast %broadcast_in_dim3A_231 : i32 to vector<16xi32>
        %gather3A_233 = tpu.vector_load_idx %arg5[%scan3A_74, %broadcast_in_dim3A_232] : memref<256x64xf32, #tpu.memory_space<vmem>>[vector<16xi32>, vector<16xi32>], vector<16xf32>,
        %add3A_234 = arith.addf %add3A_230, %gather3A_233 : vector<16xf32>
        %broadcast_in_dim3A_235 = arith.constant 40 : i32
        %broadcast_in_dim3A_236 = vector.broadcast %broadcast_in_dim3A_235 : i32 to vector<16xi32>
        %gather3A_237 = tpu.vector_load_idx %arg5[%scan3A_74, %broadcast_in_dim3A_236] : memref<256x64xf32, #tpu.memory_space<vmem>>[vector<16xi32>, vector<16xi32>], vector<16xf32>,
        %add3A_238 = arith.addf %add3A_234, %gather3A_237 : vector<16xf32>
        %broadcast_in_dim3A_239 = arith.constant 41 : i32
        %broadcast_in_dim3A_240 = vector.broadcast %broadcast_in_dim3A_239 : i32 to vector<16xi32>
        %gather3A_241 = tpu.vector_load_idx %arg5[%scan3A_74, %broadcast_in_dim3A_240] : memref<256x64xf32, #tpu.memory_space<vmem>>[vector<16xi32>, vector<16xi32>], vector<16xf32>,
        %add3A_242 = arith.addf %add3A_238, %gather3A_241 : vector<16xf32>
        %broadcast_in_dim3A_243 = arith.constant 42 : i32
        %broadcast_in_dim3A_244 = vector.broadcast %broadcast_in_dim3A_243 : i32 to vector<16xi32>
        %gather3A_245 = tpu.vector_load_idx %arg5[%scan3A_74, %broadcast_in_dim3A_244] : memref<256x64xf32, #tpu.memory_space<vmem>>[vector<16xi32>, vector<16xi32>], vector<16xf32>,
        %add3A_246 = arith.addf %add3A_242, %gather3A_245 : vector<16xf32>
        %broadcast_in_dim3A_247 = arith.constant 43 : i32
        %broadcast_in_dim3A_248 = vector.broadcast %broadcast_in_dim3A_247 : i32 to vector<16xi32>
        %gather3A_249 = tpu.vector_load_idx %arg5[%scan3A_74, %broadcast_in_dim3A_248] : memref<256x64xf32, #tpu.memory_space<vmem>>[vector<16xi32>, vector<16xi32>], vector<16xf32>,
        %add3A_250 = arith.addf %add3A_246, %gather3A_249 : vector<16xf32>
        %broadcast_in_dim3A_251 = arith.constant 44 : i32
        %broadcast_in_dim3A_252 = vector.broadcast %broadcast_in_dim3A_251 : i32 to vector<16xi32>
        %gather3A_253 = tpu.vector_load_idx %arg5[%scan3A_74, %broadcast_in_dim3A_252] : memref<256x64xf32, #tpu.memory_space<vmem>>[vector<16xi32>, vector<16xi32>], vector<16xf32>,
        %add3A_254 = arith.addf %add3A_250, %gather3A_253 : vector<16xf32>
        %broadcast_in_dim3A_255 = arith.constant 45 : i32
        %broadcast_in_dim3A_256 = vector.broadcast %broadcast_in_dim3A_255 : i32 to vector<16xi32>
        %gather3A_257 = tpu.vector_load_idx %arg5[%scan3A_74, %broadcast_in_dim3A_256] : memref<256x64xf32, #tpu.memory_space<vmem>>[vector<16xi32>, vector<16xi32>], vector<16xf32>,
        %add3A_258 = arith.addf %add3A_254, %gather3A_257 : vector<16xf32>
        %broadcast_in_dim3A_259 = arith.constant 46 : i32
        %broadcast_in_dim3A_260 = vector.broadcast %broadcast_in_dim3A_259 : i32 to vector<16xi32>
        %gather3A_261 = tpu.vector_load_idx %arg5[%scan3A_74, %broadcast_in_dim3A_260] : memref<256x64xf32, #tpu.memory_space<vmem>>[vector<16xi32>, vector<16xi32>], vector<16xf32>,
        %add3A_262 = arith.addf %add3A_258, %gather3A_261 : vector<16xf32>
        %broadcast_in_dim3A_263 = arith.constant 47 : i32
        %broadcast_in_dim3A_264 = vector.broadcast %broadcast_in_dim3A_263 : i32 to vector<16xi32>
        %gather3A_265 = tpu.vector_load_idx %arg5[%scan3A_74, %broadcast_in_dim3A_264] : memref<256x64xf32, #tpu.memory_space<vmem>>[vector<16xi32>, vector<16xi32>], vector<16xf32>,
        %add3A_266 = arith.addf %add3A_262, %gather3A_265 : vector<16xf32>
        %broadcast_in_dim3A_267 = arith.constant 48 : i32
        %broadcast_in_dim3A_268 = vector.broadcast %broadcast_in_dim3A_267 : i32 to vector<16xi32>
        %gather3A_269 = tpu.vector_load_idx %arg5[%scan3A_74, %broadcast_in_dim3A_268] : memref<256x64xf32, #tpu.memory_space<vmem>>[vector<16xi32>, vector<16xi32>], vector<16xf32>,
        %add3A_270 = arith.addf %add3A_266, %gather3A_269 : vector<16xf32>
        %broadcast_in_dim3A_271 = arith.constant 49 : i32
        %broadcast_in_dim3A_272 = vector.broadcast %broadcast_in_dim3A_271 : i32 to vector<16xi32>
        %gather3A_273 = tpu.vector_load_idx %arg5[%scan3A_74, %broadcast_in_dim3A_272] : memref<256x64xf32, #tpu.memory_space<vmem>>[vector<16xi32>, vector<16xi32>], vector<16xf32>,
        %add3A_274 = arith.addf %add3A_270, %gather3A_273 : vector<16xf32>
        %broadcast_in_dim3A_275 = arith.constant 50 : i32
        %broadcast_in_dim3A_276 = vector.broadcast %broadcast_in_dim3A_275 : i32 to vector<16xi32>
        %gather3A_277 = tpu.vector_load_idx %arg5[%scan3A_74, %broadcast_in_dim3A_276] : memref<256x64xf32, #tpu.memory_space<vmem>>[vector<16xi32>, vector<16xi32>], vector<16xf32>,
        %add3A_278 = arith.addf %add3A_274, %gather3A_277 : vector<16xf32>
        %broadcast_in_dim3A_279 = arith.constant 51 : i32
        %broadcast_in_dim3A_280 = vector.broadcast %broadcast_in_dim3A_279 : i32 to vector<16xi32>
        %gather3A_281 = tpu.vector_load_idx %arg5[%scan3A_74, %broadcast_in_dim3A_280] : memref<256x64xf32, #tpu.memory_space<vmem>>[vector<16xi32>, vector<16xi32>], vector<16xf32>,
        %add3A_282 = arith.addf %add3A_278, %gather3A_281 : vector<16xf32>
        %broadcast_in_dim3A_283 = arith.constant 52 : i32
        %broadcast_in_dim3A_284 = vector.broadcast %broadcast_in_dim3A_283 : i32 to vector<16xi32>
        %gather3A_285 = tpu.vector_load_idx %arg5[%scan3A_74, %broadcast_in_dim3A_284] : memref<256x64xf32, #tpu.memory_space<vmem>>[vector<16xi32>, vector<16xi32>], vector<16xf32>,
        %add3A_286 = arith.addf %add3A_282, %gather3A_285 : vector<16xf32>
        %broadcast_in_dim3A_287 = arith.constant 53 : i32
        %broadcast_in_dim3A_288 = vector.broadcast %broadcast_in_dim3A_287 : i32 to vector<16xi32>
        %gather3A_289 = tpu.vector_load_idx %arg5[%scan3A_74, %broadcast_in_dim3A_288] : memref<256x64xf32, #tpu.memory_space<vmem>>[vector<16xi32>, vector<16xi32>], vector<16xf32>,
        %add3A_290 = arith.addf %add3A_286, %gather3A_289 : vector<16xf32>
        %broadcast_in_dim3A_291 = arith.constant 54 : i32
        %broadcast_in_dim3A_292 = vector.broadcast %broadcast_in_dim3A_291 : i32 to vector<16xi32>
        %gather3A_293 = tpu.vector_load_idx %arg5[%scan3A_74, %broadcast_in_dim3A_292] : memref<256x64xf32, #tpu.memory_space<vmem>>[vector<16xi32>, vector<16xi32>], vector<16xf32>,
        %add3A_294 = arith.addf %add3A_290, %gather3A_293 : vector<16xf32>
        %broadcast_in_dim3A_295 = arith.constant 55 : i32
        %broadcast_in_dim3A_296 = vector.broadcast %broadcast_in_dim3A_295 : i32 to vector<16xi32>
        %gather3A_297 = tpu.vector_load_idx %arg5[%scan3A_74, %broadcast_in_dim3A_296] : memref<256x64xf32, #tpu.memory_space<vmem>>[vector<16xi32>, vector<16xi32>], vector<16xf32>,
        %add3A_298 = arith.addf %add3A_294, %gather3A_297 : vector<16xf32>
        %broadcast_in_dim3A_299 = arith.constant 56 : i32
        %broadcast_in_dim3A_300 = vector.broadcast %broadcast_in_dim3A_299 : i32 to vector<16xi32>
        %gather3A_301 = tpu.vector_load_idx %arg5[%scan3A_74, %broadcast_in_dim3A_300] : memref<256x64xf32, #tpu.memory_space<vmem>>[vector<16xi32>, vector<16xi32>], vector<16xf32>,
        %add3A_302 = arith.addf %add3A_298, %gather3A_301 : vector<16xf32>
        %broadcast_in_dim3A_303 = arith.constant 57 : i32
        %broadcast_in_dim3A_304 = vector.broadcast %broadcast_in_dim3A_303 : i32 to vector<16xi32>
        %gather3A_305 = tpu.vector_load_idx %arg5[%scan3A_74, %broadcast_in_dim3A_304] : memref<256x64xf32, #tpu.memory_space<vmem>>[vector<16xi32>, vector<16xi32>], vector<16xf32>,
        %add3A_306 = arith.addf %add3A_302, %gather3A_305 : vector<16xf32>
        %broadcast_in_dim3A_307 = arith.constant 58 : i32
        %broadcast_in_dim3A_308 = vector.broadcast %broadcast_in_dim3A_307 : i32 to vector<16xi32>
        %gather3A_309 = tpu.vector_load_idx %arg5[%scan3A_74, %broadcast_in_dim3A_308] : memref<256x64xf32, #tpu.memory_space<vmem>>[vector<16xi32>, vector<16xi32>], vector<16xf32>,
        %add3A_310 = arith.addf %add3A_306, %gather3A_309 : vector<16xf32>
        %broadcast_in_dim3A_311 = arith.constant 59 : i32
        %broadcast_in_dim3A_312 = vector.broadcast %broadcast_in_dim3A_311 : i32 to vector<16xi32>
        %gather3A_313 = tpu.vector_load_idx %arg5[%scan3A_74, %broadcast_in_dim3A_312] : memref<256x64xf32, #tpu.memory_space<vmem>>[vector<16xi32>, vector<16xi32>], vector<16xf32>,
        %add3A_314 = arith.addf %add3A_310, %gather3A_313 : vector<16xf32>
        %broadcast_in_dim3A_315 = arith.constant 60 : i32
        %broadcast_in_dim3A_316 = vector.broadcast %broadcast_in_dim3A_315 : i32 to vector<16xi32>
        %gather3A_317 = tpu.vector_load_idx %arg5[%scan3A_74, %broadcast_in_dim3A_316] : memref<256x64xf32, #tpu.memory_space<vmem>>[vector<16xi32>, vector<16xi32>], vector<16xf32>,
        %add3A_318 = arith.addf %add3A_314, %gather3A_317 : vector<16xf32>
        %broadcast_in_dim3A_319 = arith.constant 61 : i32
        %broadcast_in_dim3A_320 = vector.broadcast %broadcast_in_dim3A_319 : i32 to vector<16xi32>
        %gather3A_321 = tpu.vector_load_idx %arg5[%scan3A_74, %broadcast_in_dim3A_320] : memref<256x64xf32, #tpu.memory_space<vmem>>[vector<16xi32>, vector<16xi32>], vector<16xf32>,
        %add3A_322 = arith.addf %add3A_318, %gather3A_321 : vector<16xf32>
        %broadcast_in_dim3A_323 = arith.constant 62 : i32
        %broadcast_in_dim3A_324 = vector.broadcast %broadcast_in_dim3A_323 : i32 to vector<16xi32>
        %gather3A_325 = tpu.vector_load_idx %arg5[%scan3A_74, %broadcast_in_dim3A_324] : memref<256x64xf32, #tpu.memory_space<vmem>>[vector<16xi32>, vector<16xi32>], vector<16xf32>,
        %add3A_326 = arith.addf %add3A_322, %gather3A_325 : vector<16xf32>
        %broadcast_in_dim3A_327 = arith.constant 63 : i32
        %broadcast_in_dim3A_328 = vector.broadcast %broadcast_in_dim3A_327 : i32 to vector<16xi32>
        %gather3A_329 = tpu.vector_load_idx %arg5[%scan3A_74, %broadcast_in_dim3A_328] : memref<256x64xf32, #tpu.memory_space<vmem>>[vector<16xi32>, vector<16xi32>], vector<16xf32>,
        %add3A_330 = arith.addf %add3A_326, %gather3A_329 : vector<16xf32>
        %mul3A_331 = arith.constant 1.562500e-02 : f32
        %mul3A_332 = vector.broadcast %mul3A_331 : f32 to vector<16xf32>
        %mul3A_333 = arith.mulf %add3A_330, %mul3A_332 : vector<16xf32>
        %mul3A_334 = arith.constant 16 : i32
        %mul3A_335 = arith.muli %scan3A_73, %mul3A_334 : i32
        %swap3A = arith.index_cast %mul3A_335 : i32 to index
        %swap3A_336 = tpu.vector_load %arg7[%swap3A] {strides = array<i32>} : memref<256xf32, #tpu.memory_space<vmem>>, vector<16xf32>,
        tpu.vector_store %arg7[%swap3A], %mul3A_333 {strides = array<i32>} : memref<256xf32, #tpu.memory_space<vmem>>, vector<16xf32>,
        %add3A_337 = arith.constant 16 : i32
        %add3A_338 = vector.broadcast %add3A_337 : i32 to vector<16xi32>
        %add3A_339 = arith.addi %scan3A_74, %add3A_338 : vector<16xi32>
        scf.yield %add3A_339 : vector<16xi32>
      }
      %scan3A_63 = arith.constant 16 : i32
      %mul3A_64 = arith.constant 256 : i32
      %mul3A_65 = arith.muli %add3A_32, %mul3A_64 : i32
      %add3A_66 = arith.addi %mul3A_2, %mul3A_65 : i32
      "tpu.region"() ({
        %run_scoped3A = tpu.sem_alloc : memref<!tpu.dma_semaphore, #tpu.memory_space<semaphore_mem>>
        %dma_start3A_73 = tpu.memref_slice %arg3[%add3A_66] : memref<451136xf32, #tpu.memory_space<hbm>> -> memref<256xf32, #tpu.memory_space<hbm>>
        %dma_start3A_74 = tpu.memref_slice %arg3[%add3A_66] : memref<451136xf32, #tpu.memory_space<hbm>> -> memref<256xf32, #tpu.memory_space<hbm>>
        tpu.enqueue_dma source(%arg7 : memref<256xf32, #tpu.memory_space<vmem>>) target(%dma_start3A_74 : memref<256xf32, #tpu.memory_space<hbm>>) target_semaphore(%run_scoped3A : memref<!tpu.dma_semaphore, #tpu.memory_space<semaphore_mem>>)
        %dma_wait3A_75 = tpu.memref_slice %arg3[%add3A_66] : memref<451136xf32, #tpu.memory_space<hbm>> -> memref<256xf32, #tpu.memory_space<hbm>>
        %dma_wait3A_76 = tpu.memref_slice %arg3[%add3A_66] : memref<451136xf32, #tpu.memory_space<hbm>> -> memref<256xf32, #tpu.memory_space<hbm>>
        tpu.wait_dma2 semaphore(%run_scoped3A : memref<!tpu.dma_semaphore, #tpu.memory_space<semaphore_mem>>) src(%arg7 : memref<256xf32, #tpu.memory_space<vmem>>) dst(%dma_wait3A_76 : memref<256xf32, #tpu.memory_space<hbm>>)
        tpu.yield
      }) : () -> ()
      %add3A_67 = arith.constant 2 : i32
      %add3A_68 = arith.addi %add3A_32, %add3A_67 : i32
      %lt3A_69 = arith.cmpi slt, %add3A_68, %mul3A_6 : i32
      %convert_element_type3A_70 = arith.extui %lt3A_69 : i1 to i32
      %cond3A_71 = arith.constant 0 : i32
      %cond3A_72 = arith.cmpi ne, %convert_element_type3A_70, %cond3A_71 : i32
      scf.if %cond3A_72 {
        %add3A_73 = arith.constant 2 : i32
        %add3A_74 = arith.addi %add3A_32, %add3A_73 : i32
        %mul3A_75 = arith.constant 256 : i32
        %mul3A_76 = arith.muli %add3A_74, %mul3A_75 : i32
        %add3A_77 = arith.addi %mul3A_2, %mul3A_76 : i32
        %dma_start3A_78 = arith.constant 0 : i32
        %dma_start3A_79 = tpu.memref_slice %arg2[%add3A_77, %dma_start3A_78] : memref<451136x64xf32, #tpu.memory_space<hbm>> -> memref<256x64xf32, #tpu.memory_space<hbm>>
        %dma_start3A_80 = arith.constant 0 : i32
        %dma_start3A_81 = tpu.memref_slice %arg2[%add3A_77, %dma_start3A_80] : memref<451136x64xf32, #tpu.memory_space<hbm>> -> memref<256x64xf32, #tpu.memory_space<hbm>>
        tpu.enqueue_dma source(%dma_start3A_81 : memref<256x64xf32, #tpu.memory_space<hbm>>) target(%arg5 : memref<256x64xf32, #tpu.memory_space<vmem>>) target_semaphore(%arg9 : memref<!tpu.dma_semaphore, #tpu.memory_space<semaphore_mem>>)
      } else {
      }
    }
    %convert_element_type3A = arith.extui %eq3A_3 : i1 to i32
    %cond3A = arith.constant 0 : i32
    %cond3A_27 = arith.cmpi ne, %convert_element_type3A, %cond3A : i32
    scf.if %cond3A_27 {
      %add3A_28 = arith.constant 6656 : i32
      %add3A_29 = arith.addi %mul3A_2, %add3A_28 : i32
      %dma_start3A_30 = arith.constant 0 : i32
      %dma_start3A_31 = arith.constant 0 : i32
      %dma_start3A_32 = tpu.memref_slice %arg4[%dma_start3A_30, %dma_start3A_31] : memref<256x64xf32, #tpu.memory_space<vmem>> -> memref<64x64xf32, #tpu.memory_space<vmem>>
      %dma_start3A_33 = arith.constant 0 : i32
      %dma_start3A_34 = tpu.memref_slice %arg2[%add3A_29, %dma_start3A_33] : memref<451136x64xf32, #tpu.memory_space<hbm>> -> memref<64x64xf32, #tpu.memory_space<hbm>>
      %dma_start3A_35 = arith.constant 0 : i32
      %dma_start3A_36 = arith.constant 0 : i32
      %dma_start3A_37 = tpu.memref_slice %arg4[%dma_start3A_35, %dma_start3A_36] : memref<256x64xf32, #tpu.memory_space<vmem>> -> memref<64x64xf32, #tpu.memory_space<vmem>>
      %dma_start3A_38 = arith.constant 0 : i32
      %dma_start3A_39 = tpu.memref_slice %arg2[%add3A_29, %dma_start3A_38] : memref<451136x64xf32, #tpu.memory_space<hbm>> -> memref<64x64xf32, #tpu.memory_space<hbm>>
      tpu.enqueue_dma source(%dma_start3A_39 : memref<64x64xf32, #tpu.memory_space<hbm>>) target(%dma_start3A_37 : memref<64x64xf32, #tpu.memory_space<vmem>>) target_semaphore(%arg8 : memref<!tpu.dma_semaphore, #tpu.memory_space<semaphore_mem>>)
      %dma_wait3A = arith.constant 0 : i32
      %dma_wait3A_40 = arith.constant 0 : i32
      %dma_wait3A_41 = tpu.memref_slice %arg4[%dma_wait3A, %dma_wait3A_40] : memref<256x64xf32, #tpu.memory_space<vmem>> -> memref<64x64xf32, #tpu.memory_space<vmem>>
      %dma_wait3A_42 = arith.constant 0 : i32
      %dma_wait3A_43 = arith.constant 0 : i32
      %dma_wait3A_44 = tpu.memref_slice %arg2[%dma_wait3A_42, %dma_wait3A_43] : memref<451136x64xf32, #tpu.memory_space<hbm>> -> memref<64x64xf32, #tpu.memory_space<hbm>>
      %dma_wait3A_45 = arith.constant 0 : i32
      %dma_wait3A_46 = arith.constant 0 : i32
      %dma_wait3A_47 = tpu.memref_slice %arg4[%dma_wait3A_45, %dma_wait3A_46] : memref<256x64xf32, #tpu.memory_space<vmem>> -> memref<64x64xf32, #tpu.memory_space<vmem>>
      %dma_wait3A_48 = arith.constant 0 : i32
      %dma_wait3A_49 = arith.constant 0 : i32
      %dma_wait3A_50 = tpu.memref_slice %arg2[%dma_wait3A_48, %dma_wait3A_49] : memref<451136x64xf32, #tpu.memory_space<hbm>> -> memref<64x64xf32, #tpu.memory_space<hbm>>
      tpu.wait_dma2 semaphore(%arg8 : memref<!tpu.dma_semaphore, #tpu.memory_space<semaphore_mem>>) src(%dma_wait3A_50 : memref<64x64xf32, #tpu.memory_space<hbm>>) dst(%dma_wait3A_47 : memref<64x64xf32, #tpu.memory_space<vmem>>)
      %iota3A = tpu.iota {dimensions = array<i32: 0>} : vector<16xi32>
      %scan3A = arith.constant 0 : i32
      %scan3A_51 = arith.constant 4 : i32
      %scan3A_52 = arith.addi %scan3A, %scan3A_51 : i32
      %scan3A_53 = arith.constant 1 : i32
      %scan3A_54 = scf.for %scan3A_58 = %scan3A to %scan3A_52 step %scan3A_53 iter_args(%scan3A_59 = %iota3A) -> (vector<16xi32>)  : i32 {
        %broadcast_in_dim3A = arith.constant 0.000000e+00 : f32
        %broadcast_in_dim3A_60 = vector.broadcast %broadcast_in_dim3A : f32 to vector<16xf32>
        %broadcast_in_dim3A_61 = arith.constant 0 : i32
        %broadcast_in_dim3A_62 = vector.broadcast %broadcast_in_dim3A_61 : i32 to vector<16xi32>
        %gather3A = tpu.vector_load_idx %arg4[%scan3A_59, %broadcast_in_dim3A_62] : memref<256x64xf32, #tpu.memory_space<vmem>>[vector<16xi32>, vector<16xi32>], vector<16xf32>,
        %add3A_63 = arith.addf %broadcast_in_dim3A_60, %gather3A : vector<16xf32>
        %broadcast_in_dim3A_64 = arith.constant 1 : i32
        %broadcast_in_dim3A_65 = vector.broadcast %broadcast_in_dim3A_64 : i32 to vector<16xi32>
        %gather3A_66 = tpu.vector_load_idx %arg4[%scan3A_59, %broadcast_in_dim3A_65] : memref<256x64xf32, #tpu.memory_space<vmem>>[vector<16xi32>, vector<16xi32>], vector<16xf32>,
        %add3A_67 = arith.addf %add3A_63, %gather3A_66 : vector<16xf32>
        %broadcast_in_dim3A_68 = arith.constant 2 : i32
        %broadcast_in_dim3A_69 = vector.broadcast %broadcast_in_dim3A_68 : i32 to vector<16xi32>
        %gather3A_70 = tpu.vector_load_idx %arg4[%scan3A_59, %broadcast_in_dim3A_69] : memref<256x64xf32, #tpu.memory_space<vmem>>[vector<16xi32>, vector<16xi32>], vector<16xf32>,
        %add3A_71 = arith.addf %add3A_67, %gather3A_70 : vector<16xf32>
        %broadcast_in_dim3A_72 = arith.constant 3 : i32
        %broadcast_in_dim3A_73 = vector.broadcast %broadcast_in_dim3A_72 : i32 to vector<16xi32>
        %gather3A_74 = tpu.vector_load_idx %arg4[%scan3A_59, %broadcast_in_dim3A_73] : memref<256x64xf32, #tpu.memory_space<vmem>>[vector<16xi32>, vector<16xi32>], vector<16xf32>,
        %add3A_75 = arith.addf %add3A_71, %gather3A_74 : vector<16xf32>
        %broadcast_in_dim3A_76 = arith.constant 4 : i32
        %broadcast_in_dim3A_77 = vector.broadcast %broadcast_in_dim3A_76 : i32 to vector<16xi32>
        %gather3A_78 = tpu.vector_load_idx %arg4[%scan3A_59, %broadcast_in_dim3A_77] : memref<256x64xf32, #tpu.memory_space<vmem>>[vector<16xi32>, vector<16xi32>], vector<16xf32>,
        %add3A_79 = arith.addf %add3A_75, %gather3A_78 : vector<16xf32>
        %broadcast_in_dim3A_80 = arith.constant 5 : i32
        %broadcast_in_dim3A_81 = vector.broadcast %broadcast_in_dim3A_80 : i32 to vector<16xi32>
        %gather3A_82 = tpu.vector_load_idx %arg4[%scan3A_59, %broadcast_in_dim3A_81] : memref<256x64xf32, #tpu.memory_space<vmem>>[vector<16xi32>, vector<16xi32>], vector<16xf32>,
        %add3A_83 = arith.addf %add3A_79, %gather3A_82 : vector<16xf32>
        %broadcast_in_dim3A_84 = arith.constant 6 : i32
        %broadcast_in_dim3A_85 = vector.broadcast %broadcast_in_dim3A_84 : i32 to vector<16xi32>
        %gather3A_86 = tpu.vector_load_idx %arg4[%scan3A_59, %broadcast_in_dim3A_85] : memref<256x64xf32, #tpu.memory_space<vmem>>[vector<16xi32>, vector<16xi32>], vector<16xf32>,
        %add3A_87 = arith.addf %add3A_83, %gather3A_86 : vector<16xf32>
        %broadcast_in_dim3A_88 = arith.constant 7 : i32
        %broadcast_in_dim3A_89 = vector.broadcast %broadcast_in_dim3A_88 : i32 to vector<16xi32>
        %gather3A_90 = tpu.vector_load_idx %arg4[%scan3A_59, %broadcast_in_dim3A_89] : memref<256x64xf32, #tpu.memory_space<vmem>>[vector<16xi32>, vector<16xi32>], vector<16xf32>,
        %add3A_91 = arith.addf %add3A_87, %gather3A_90 : vector<16xf32>
        %broadcast_in_dim3A_92 = arith.constant 8 : i32
        %broadcast_in_dim3A_93 = vector.broadcast %broadcast_in_dim3A_92 : i32 to vector<16xi32>
        %gather3A_94 = tpu.vector_load_idx %arg4[%scan3A_59, %broadcast_in_dim3A_93] : memref<256x64xf32, #tpu.memory_space<vmem>>[vector<16xi32>, vector<16xi32>], vector<16xf32>,
        %add3A_95 = arith.addf %add3A_91, %gather3A_94 : vector<16xf32>
        %broadcast_in_dim3A_96 = arith.constant 9 : i32
        %broadcast_in_dim3A_97 = vector.broadcast %broadcast_in_dim3A_96 : i32 to vector<16xi32>
        %gather3A_98 = tpu.vector_load_idx %arg4[%scan3A_59, %broadcast_in_dim3A_97] : memref<256x64xf32, #tpu.memory_space<vmem>>[vector<16xi32>, vector<16xi32>], vector<16xf32>,
        %add3A_99 = arith.addf %add3A_95, %gather3A_98 : vector<16xf32>
        %broadcast_in_dim3A_100 = arith.constant 10 : i32
        %broadcast_in_dim3A_101 = vector.broadcast %broadcast_in_dim3A_100 : i32 to vector<16xi32>
        %gather3A_102 = tpu.vector_load_idx %arg4[%scan3A_59, %broadcast_in_dim3A_101] : memref<256x64xf32, #tpu.memory_space<vmem>>[vector<16xi32>, vector<16xi32>], vector<16xf32>,
        %add3A_103 = arith.addf %add3A_99, %gather3A_102 : vector<16xf32>
        %broadcast_in_dim3A_104 = arith.constant 11 : i32
        %broadcast_in_dim3A_105 = vector.broadcast %broadcast_in_dim3A_104 : i32 to vector<16xi32>
        %gather3A_106 = tpu.vector_load_idx %arg4[%scan3A_59, %broadcast_in_dim3A_105] : memref<256x64xf32, #tpu.memory_space<vmem>>[vector<16xi32>, vector<16xi32>], vector<16xf32>,
        %add3A_107 = arith.addf %add3A_103, %gather3A_106 : vector<16xf32>
        %broadcast_in_dim3A_108 = arith.constant 12 : i32
        %broadcast_in_dim3A_109 = vector.broadcast %broadcast_in_dim3A_108 : i32 to vector<16xi32>
        %gather3A_110 = tpu.vector_load_idx %arg4[%scan3A_59, %broadcast_in_dim3A_109] : memref<256x64xf32, #tpu.memory_space<vmem>>[vector<16xi32>, vector<16xi32>], vector<16xf32>,
        %add3A_111 = arith.addf %add3A_107, %gather3A_110 : vector<16xf32>
        %broadcast_in_dim3A_112 = arith.constant 13 : i32
        %broadcast_in_dim3A_113 = vector.broadcast %broadcast_in_dim3A_112 : i32 to vector<16xi32>
        %gather3A_114 = tpu.vector_load_idx %arg4[%scan3A_59, %broadcast_in_dim3A_113] : memref<256x64xf32, #tpu.memory_space<vmem>>[vector<16xi32>, vector<16xi32>], vector<16xf32>,
        %add3A_115 = arith.addf %add3A_111, %gather3A_114 : vector<16xf32>
        %broadcast_in_dim3A_116 = arith.constant 14 : i32
        %broadcast_in_dim3A_117 = vector.broadcast %broadcast_in_dim3A_116 : i32 to vector<16xi32>
        %gather3A_118 = tpu.vector_load_idx %arg4[%scan3A_59, %broadcast_in_dim3A_117] : memref<256x64xf32, #tpu.memory_space<vmem>>[vector<16xi32>, vector<16xi32>], vector<16xf32>,
        %add3A_119 = arith.addf %add3A_115, %gather3A_118 : vector<16xf32>
        %broadcast_in_dim3A_120 = arith.constant 15 : i32
        %broadcast_in_dim3A_121 = vector.broadcast %broadcast_in_dim3A_120 : i32 to vector<16xi32>
        %gather3A_122 = tpu.vector_load_idx %arg4[%scan3A_59, %broadcast_in_dim3A_121] : memref<256x64xf32, #tpu.memory_space<vmem>>[vector<16xi32>, vector<16xi32>], vector<16xf32>,
        %add3A_123 = arith.addf %add3A_119, %gather3A_122 : vector<16xf32>
        %broadcast_in_dim3A_124 = arith.constant 16 : i32
        %broadcast_in_dim3A_125 = vector.broadcast %broadcast_in_dim3A_124 : i32 to vector<16xi32>
        %gather3A_126 = tpu.vector_load_idx %arg4[%scan3A_59, %broadcast_in_dim3A_125] : memref<256x64xf32, #tpu.memory_space<vmem>>[vector<16xi32>, vector<16xi32>], vector<16xf32>,
        %add3A_127 = arith.addf %add3A_123, %gather3A_126 : vector<16xf32>
        %broadcast_in_dim3A_128 = arith.constant 17 : i32
        %broadcast_in_dim3A_129 = vector.broadcast %broadcast_in_dim3A_128 : i32 to vector<16xi32>
        %gather3A_130 = tpu.vector_load_idx %arg4[%scan3A_59, %broadcast_in_dim3A_129] : memref<256x64xf32, #tpu.memory_space<vmem>>[vector<16xi32>, vector<16xi32>], vector<16xf32>,
        %add3A_131 = arith.addf %add3A_127, %gather3A_130 : vector<16xf32>
        %broadcast_in_dim3A_132 = arith.constant 18 : i32
        %broadcast_in_dim3A_133 = vector.broadcast %broadcast_in_dim3A_132 : i32 to vector<16xi32>
        %gather3A_134 = tpu.vector_load_idx %arg4[%scan3A_59, %broadcast_in_dim3A_133] : memref<256x64xf32, #tpu.memory_space<vmem>>[vector<16xi32>, vector<16xi32>], vector<16xf32>,
        %add3A_135 = arith.addf %add3A_131, %gather3A_134 : vector<16xf32>
        %broadcast_in_dim3A_136 = arith.constant 19 : i32
        %broadcast_in_dim3A_137 = vector.broadcast %broadcast_in_dim3A_136 : i32 to vector<16xi32>
        %gather3A_138 = tpu.vector_load_idx %arg4[%scan3A_59, %broadcast_in_dim3A_137] : memref<256x64xf32, #tpu.memory_space<vmem>>[vector<16xi32>, vector<16xi32>], vector<16xf32>,
        %add3A_139 = arith.addf %add3A_135, %gather3A_138 : vector<16xf32>
        %broadcast_in_dim3A_140 = arith.constant 20 : i32
        %broadcast_in_dim3A_141 = vector.broadcast %broadcast_in_dim3A_140 : i32 to vector<16xi32>
        %gather3A_142 = tpu.vector_load_idx %arg4[%scan3A_59, %broadcast_in_dim3A_141] : memref<256x64xf32, #tpu.memory_space<vmem>>[vector<16xi32>, vector<16xi32>], vector<16xf32>,
        %add3A_143 = arith.addf %add3A_139, %gather3A_142 : vector<16xf32>
        %broadcast_in_dim3A_144 = arith.constant 21 : i32
        %broadcast_in_dim3A_145 = vector.broadcast %broadcast_in_dim3A_144 : i32 to vector<16xi32>
        %gather3A_146 = tpu.vector_load_idx %arg4[%scan3A_59, %broadcast_in_dim3A_145] : memref<256x64xf32, #tpu.memory_space<vmem>>[vector<16xi32>, vector<16xi32>], vector<16xf32>,
        %add3A_147 = arith.addf %add3A_143, %gather3A_146 : vector<16xf32>
        %broadcast_in_dim3A_148 = arith.constant 22 : i32
        %broadcast_in_dim3A_149 = vector.broadcast %broadcast_in_dim3A_148 : i32 to vector<16xi32>
        %gather3A_150 = tpu.vector_load_idx %arg4[%scan3A_59, %broadcast_in_dim3A_149] : memref<256x64xf32, #tpu.memory_space<vmem>>[vector<16xi32>, vector<16xi32>], vector<16xf32>,
        %add3A_151 = arith.addf %add3A_147, %gather3A_150 : vector<16xf32>
        %broadcast_in_dim3A_152 = arith.constant 23 : i32
        %broadcast_in_dim3A_153 = vector.broadcast %broadcast_in_dim3A_152 : i32 to vector<16xi32>
        %gather3A_154 = tpu.vector_load_idx %arg4[%scan3A_59, %broadcast_in_dim3A_153] : memref<256x64xf32, #tpu.memory_space<vmem>>[vector<16xi32>, vector<16xi32>], vector<16xf32>,
        %add3A_155 = arith.addf %add3A_151, %gather3A_154 : vector<16xf32>
        %broadcast_in_dim3A_156 = arith.constant 24 : i32
        %broadcast_in_dim3A_157 = vector.broadcast %broadcast_in_dim3A_156 : i32 to vector<16xi32>
        %gather3A_158 = tpu.vector_load_idx %arg4[%scan3A_59, %broadcast_in_dim3A_157] : memref<256x64xf32, #tpu.memory_space<vmem>>[vector<16xi32>, vector<16xi32>], vector<16xf32>,
        %add3A_159 = arith.addf %add3A_155, %gather3A_158 : vector<16xf32>
        %broadcast_in_dim3A_160 = arith.constant 25 : i32
        %broadcast_in_dim3A_161 = vector.broadcast %broadcast_in_dim3A_160 : i32 to vector<16xi32>
        %gather3A_162 = tpu.vector_load_idx %arg4[%scan3A_59, %broadcast_in_dim3A_161] : memref<256x64xf32, #tpu.memory_space<vmem>>[vector<16xi32>, vector<16xi32>], vector<16xf32>,
        %add3A_163 = arith.addf %add3A_159, %gather3A_162 : vector<16xf32>
        %broadcast_in_dim3A_164 = arith.constant 26 : i32
        %broadcast_in_dim3A_165 = vector.broadcast %broadcast_in_dim3A_164 : i32 to vector<16xi32>
        %gather3A_166 = tpu.vector_load_idx %arg4[%scan3A_59, %broadcast_in_dim3A_165] : memref<256x64xf32, #tpu.memory_space<vmem>>[vector<16xi32>, vector<16xi32>], vector<16xf32>,
        %add3A_167 = arith.addf %add3A_163, %gather3A_166 : vector<16xf32>
        %broadcast_in_dim3A_168 = arith.constant 27 : i32
        %broadcast_in_dim3A_169 = vector.broadcast %broadcast_in_dim3A_168 : i32 to vector<16xi32>
        %gather3A_170 = tpu.vector_load_idx %arg4[%scan3A_59, %broadcast_in_dim3A_169] : memref<256x64xf32, #tpu.memory_space<vmem>>[vector<16xi32>, vector<16xi32>], vector<16xf32>,
        %add3A_171 = arith.addf %add3A_167, %gather3A_170 : vector<16xf32>
        %broadcast_in_dim3A_172 = arith.constant 28 : i32
        %broadcast_in_dim3A_173 = vector.broadcast %broadcast_in_dim3A_172 : i32 to vector<16xi32>
        %gather3A_174 = tpu.vector_load_idx %arg4[%scan3A_59, %broadcast_in_dim3A_173] : memref<256x64xf32, #tpu.memory_space<vmem>>[vector<16xi32>, vector<16xi32>], vector<16xf32>,
        %add3A_175 = arith.addf %add3A_171, %gather3A_174 : vector<16xf32>
        %broadcast_in_dim3A_176 = arith.constant 29 : i32
        %broadcast_in_dim3A_177 = vector.broadcast %broadcast_in_dim3A_176 : i32 to vector<16xi32>
        %gather3A_178 = tpu.vector_load_idx %arg4[%scan3A_59, %broadcast_in_dim3A_177] : memref<256x64xf32, #tpu.memory_space<vmem>>[vector<16xi32>, vector<16xi32>], vector<16xf32>,
        %add3A_179 = arith.addf %add3A_175, %gather3A_178 : vector<16xf32>
        %broadcast_in_dim3A_180 = arith.constant 30 : i32
        %broadcast_in_dim3A_181 = vector.broadcast %broadcast_in_dim3A_180 : i32 to vector<16xi32>
        %gather3A_182 = tpu.vector_load_idx %arg4[%scan3A_59, %broadcast_in_dim3A_181] : memref<256x64xf32, #tpu.memory_space<vmem>>[vector<16xi32>, vector<16xi32>], vector<16xf32>,
        %add3A_183 = arith.addf %add3A_179, %gather3A_182 : vector<16xf32>
        %broadcast_in_dim3A_184 = arith.constant 31 : i32
        %broadcast_in_dim3A_185 = vector.broadcast %broadcast_in_dim3A_184 : i32 to vector<16xi32>
        %gather3A_186 = tpu.vector_load_idx %arg4[%scan3A_59, %broadcast_in_dim3A_185] : memref<256x64xf32, #tpu.memory_space<vmem>>[vector<16xi32>, vector<16xi32>], vector<16xf32>,
        %add3A_187 = arith.addf %add3A_183, %gather3A_186 : vector<16xf32>
        %broadcast_in_dim3A_188 = arith.constant 32 : i32
        %broadcast_in_dim3A_189 = vector.broadcast %broadcast_in_dim3A_188 : i32 to vector<16xi32>
        %gather3A_190 = tpu.vector_load_idx %arg4[%scan3A_59, %broadcast_in_dim3A_189] : memref<256x64xf32, #tpu.memory_space<vmem>>[vector<16xi32>, vector<16xi32>], vector<16xf32>,
        %add3A_191 = arith.addf %add3A_187, %gather3A_190 : vector<16xf32>
        %broadcast_in_dim3A_192 = arith.constant 33 : i32
        %broadcast_in_dim3A_193 = vector.broadcast %broadcast_in_dim3A_192 : i32 to vector<16xi32>
        %gather3A_194 = tpu.vector_load_idx %arg4[%scan3A_59, %broadcast_in_dim3A_193] : memref<256x64xf32, #tpu.memory_space<vmem>>[vector<16xi32>, vector<16xi32>], vector<16xf32>,
        %add3A_195 = arith.addf %add3A_191, %gather3A_194 : vector<16xf32>
        %broadcast_in_dim3A_196 = arith.constant 34 : i32
        %broadcast_in_dim3A_197 = vector.broadcast %broadcast_in_dim3A_196 : i32 to vector<16xi32>
        %gather3A_198 = tpu.vector_load_idx %arg4[%scan3A_59, %broadcast_in_dim3A_197] : memref<256x64xf32, #tpu.memory_space<vmem>>[vector<16xi32>, vector<16xi32>], vector<16xf32>,
        %add3A_199 = arith.addf %add3A_195, %gather3A_198 : vector<16xf32>
        %broadcast_in_dim3A_200 = arith.constant 35 : i32
        %broadcast_in_dim3A_201 = vector.broadcast %broadcast_in_dim3A_200 : i32 to vector<16xi32>
        %gather3A_202 = tpu.vector_load_idx %arg4[%scan3A_59, %broadcast_in_dim3A_201] : memref<256x64xf32, #tpu.memory_space<vmem>>[vector<16xi32>, vector<16xi32>], vector<16xf32>,
        %add3A_203 = arith.addf %add3A_199, %gather3A_202 : vector<16xf32>
        %broadcast_in_dim3A_204 = arith.constant 36 : i32
        %broadcast_in_dim3A_205 = vector.broadcast %broadcast_in_dim3A_204 : i32 to vector<16xi32>
        %gather3A_206 = tpu.vector_load_idx %arg4[%scan3A_59, %broadcast_in_dim3A_205] : memref<256x64xf32, #tpu.memory_space<vmem>>[vector<16xi32>, vector<16xi32>], vector<16xf32>,
        %add3A_207 = arith.addf %add3A_203, %gather3A_206 : vector<16xf32>
        %broadcast_in_dim3A_208 = arith.constant 37 : i32
        %broadcast_in_dim3A_209 = vector.broadcast %broadcast_in_dim3A_208 : i32 to vector<16xi32>
        %gather3A_210 = tpu.vector_load_idx %arg4[%scan3A_59, %broadcast_in_dim3A_209] : memref<256x64xf32, #tpu.memory_space<vmem>>[vector<16xi32>, vector<16xi32>], vector<16xf32>,
        %add3A_211 = arith.addf %add3A_207, %gather3A_210 : vector<16xf32>
        %broadcast_in_dim3A_212 = arith.constant 38 : i32
        %broadcast_in_dim3A_213 = vector.broadcast %broadcast_in_dim3A_212 : i32 to vector<16xi32>
        %gather3A_214 = tpu.vector_load_idx %arg4[%scan3A_59, %broadcast_in_dim3A_213] : memref<256x64xf32, #tpu.memory_space<vmem>>[vector<16xi32>, vector<16xi32>], vector<16xf32>,
        %add3A_215 = arith.addf %add3A_211, %gather3A_214 : vector<16xf32>
        %broadcast_in_dim3A_216 = arith.constant 39 : i32
        %broadcast_in_dim3A_217 = vector.broadcast %broadcast_in_dim3A_216 : i32 to vector<16xi32>
        %gather3A_218 = tpu.vector_load_idx %arg4[%scan3A_59, %broadcast_in_dim3A_217] : memref<256x64xf32, #tpu.memory_space<vmem>>[vector<16xi32>, vector<16xi32>], vector<16xf32>,
        %add3A_219 = arith.addf %add3A_215, %gather3A_218 : vector<16xf32>
        %broadcast_in_dim3A_220 = arith.constant 40 : i32
        %broadcast_in_dim3A_221 = vector.broadcast %broadcast_in_dim3A_220 : i32 to vector<16xi32>
        %gather3A_222 = tpu.vector_load_idx %arg4[%scan3A_59, %broadcast_in_dim3A_221] : memref<256x64xf32, #tpu.memory_space<vmem>>[vector<16xi32>, vector<16xi32>], vector<16xf32>,
        %add3A_223 = arith.addf %add3A_219, %gather3A_222 : vector<16xf32>
        %broadcast_in_dim3A_224 = arith.constant 41 : i32
        %broadcast_in_dim3A_225 = vector.broadcast %broadcast_in_dim3A_224 : i32 to vector<16xi32>
        %gather3A_226 = tpu.vector_load_idx %arg4[%scan3A_59, %broadcast_in_dim3A_225] : memref<256x64xf32, #tpu.memory_space<vmem>>[vector<16xi32>, vector<16xi32>], vector<16xf32>,
        %add3A_227 = arith.addf %add3A_223, %gather3A_226 : vector<16xf32>
        %broadcast_in_dim3A_228 = arith.constant 42 : i32
        %broadcast_in_dim3A_229 = vector.broadcast %broadcast_in_dim3A_228 : i32 to vector<16xi32>
        %gather3A_230 = tpu.vector_load_idx %arg4[%scan3A_59, %broadcast_in_dim3A_229] : memref<256x64xf32, #tpu.memory_space<vmem>>[vector<16xi32>, vector<16xi32>], vector<16xf32>,
        %add3A_231 = arith.addf %add3A_227, %gather3A_230 : vector<16xf32>
        %broadcast_in_dim3A_232 = arith.constant 43 : i32
        %broadcast_in_dim3A_233 = vector.broadcast %broadcast_in_dim3A_232 : i32 to vector<16xi32>
        %gather3A_234 = tpu.vector_load_idx %arg4[%scan3A_59, %broadcast_in_dim3A_233] : memref<256x64xf32, #tpu.memory_space<vmem>>[vector<16xi32>, vector<16xi32>], vector<16xf32>,
        %add3A_235 = arith.addf %add3A_231, %gather3A_234 : vector<16xf32>
        %broadcast_in_dim3A_236 = arith.constant 44 : i32
        %broadcast_in_dim3A_237 = vector.broadcast %broadcast_in_dim3A_236 : i32 to vector<16xi32>
        %gather3A_238 = tpu.vector_load_idx %arg4[%scan3A_59, %broadcast_in_dim3A_237] : memref<256x64xf32, #tpu.memory_space<vmem>>[vector<16xi32>, vector<16xi32>], vector<16xf32>,
        %add3A_239 = arith.addf %add3A_235, %gather3A_238 : vector<16xf32>
        %broadcast_in_dim3A_240 = arith.constant 45 : i32
        %broadcast_in_dim3A_241 = vector.broadcast %broadcast_in_dim3A_240 : i32 to vector<16xi32>
        %gather3A_242 = tpu.vector_load_idx %arg4[%scan3A_59, %broadcast_in_dim3A_241] : memref<256x64xf32, #tpu.memory_space<vmem>>[vector<16xi32>, vector<16xi32>], vector<16xf32>,
        %add3A_243 = arith.addf %add3A_239, %gather3A_242 : vector<16xf32>
        %broadcast_in_dim3A_244 = arith.constant 46 : i32
        %broadcast_in_dim3A_245 = vector.broadcast %broadcast_in_dim3A_244 : i32 to vector<16xi32>
        %gather3A_246 = tpu.vector_load_idx %arg4[%scan3A_59, %broadcast_in_dim3A_245] : memref<256x64xf32, #tpu.memory_space<vmem>>[vector<16xi32>, vector<16xi32>], vector<16xf32>,
        %add3A_247 = arith.addf %add3A_243, %gather3A_246 : vector<16xf32>
        %broadcast_in_dim3A_248 = arith.constant 47 : i32
        %broadcast_in_dim3A_249 = vector.broadcast %broadcast_in_dim3A_248 : i32 to vector<16xi32>
        %gather3A_250 = tpu.vector_load_idx %arg4[%scan3A_59, %broadcast_in_dim3A_249] : memref<256x64xf32, #tpu.memory_space<vmem>>[vector<16xi32>, vector<16xi32>], vector<16xf32>,
        %add3A_251 = arith.addf %add3A_247, %gather3A_250 : vector<16xf32>
        %broadcast_in_dim3A_252 = arith.constant 48 : i32
        %broadcast_in_dim3A_253 = vector.broadcast %broadcast_in_dim3A_252 : i32 to vector<16xi32>
        %gather3A_254 = tpu.vector_load_idx %arg4[%scan3A_59, %broadcast_in_dim3A_253] : memref<256x64xf32, #tpu.memory_space<vmem>>[vector<16xi32>, vector<16xi32>], vector<16xf32>,
        %add3A_255 = arith.addf %add3A_251, %gather3A_254 : vector<16xf32>
        %broadcast_in_dim3A_256 = arith.constant 49 : i32
        %broadcast_in_dim3A_257 = vector.broadcast %broadcast_in_dim3A_256 : i32 to vector<16xi32>
        %gather3A_258 = tpu.vector_load_idx %arg4[%scan3A_59, %broadcast_in_dim3A_257] : memref<256x64xf32, #tpu.memory_space<vmem>>[vector<16xi32>, vector<16xi32>], vector<16xf32>,
        %add3A_259 = arith.addf %add3A_255, %gather3A_258 : vector<16xf32>
        %broadcast_in_dim3A_260 = arith.constant 50 : i32
        %broadcast_in_dim3A_261 = vector.broadcast %broadcast_in_dim3A_260 : i32 to vector<16xi32>
        %gather3A_262 = tpu.vector_load_idx %arg4[%scan3A_59, %broadcast_in_dim3A_261] : memref<256x64xf32, #tpu.memory_space<vmem>>[vector<16xi32>, vector<16xi32>], vector<16xf32>,
        %add3A_263 = arith.addf %add3A_259, %gather3A_262 : vector<16xf32>
        %broadcast_in_dim3A_264 = arith.constant 51 : i32
        %broadcast_in_dim3A_265 = vector.broadcast %broadcast_in_dim3A_264 : i32 to vector<16xi32>
        %gather3A_266 = tpu.vector_load_idx %arg4[%scan3A_59, %broadcast_in_dim3A_265] : memref<256x64xf32, #tpu.memory_space<vmem>>[vector<16xi32>, vector<16xi32>], vector<16xf32>,
        %add3A_267 = arith.addf %add3A_263, %gather3A_266 : vector<16xf32>
        %broadcast_in_dim3A_268 = arith.constant 52 : i32
        %broadcast_in_dim3A_269 = vector.broadcast %broadcast_in_dim3A_268 : i32 to vector<16xi32>
        %gather3A_270 = tpu.vector_load_idx %arg4[%scan3A_59, %broadcast_in_dim3A_269] : memref<256x64xf32, #tpu.memory_space<vmem>>[vector<16xi32>, vector<16xi32>], vector<16xf32>,
        %add3A_271 = arith.addf %add3A_267, %gather3A_270 : vector<16xf32>
        %broadcast_in_dim3A_272 = arith.constant 53 : i32
        %broadcast_in_dim3A_273 = vector.broadcast %broadcast_in_dim3A_272 : i32 to vector<16xi32>
        %gather3A_274 = tpu.vector_load_idx %arg4[%scan3A_59, %broadcast_in_dim3A_273] : memref<256x64xf32, #tpu.memory_space<vmem>>[vector<16xi32>, vector<16xi32>], vector<16xf32>,
        %add3A_275 = arith.addf %add3A_271, %gather3A_274 : vector<16xf32>
        %broadcast_in_dim3A_276 = arith.constant 54 : i32
        %broadcast_in_dim3A_277 = vector.broadcast %broadcast_in_dim3A_276 : i32 to vector<16xi32>
        %gather3A_278 = tpu.vector_load_idx %arg4[%scan3A_59, %broadcast_in_dim3A_277] : memref<256x64xf32, #tpu.memory_space<vmem>>[vector<16xi32>, vector<16xi32>], vector<16xf32>,
        %add3A_279 = arith.addf %add3A_275, %gather3A_278 : vector<16xf32>
        %broadcast_in_dim3A_280 = arith.constant 55 : i32
        %broadcast_in_dim3A_281 = vector.broadcast %broadcast_in_dim3A_280 : i32 to vector<16xi32>
        %gather3A_282 = tpu.vector_load_idx %arg4[%scan3A_59, %broadcast_in_dim3A_281] : memref<256x64xf32, #tpu.memory_space<vmem>>[vector<16xi32>, vector<16xi32>], vector<16xf32>,
        %add3A_283 = arith.addf %add3A_279, %gather3A_282 : vector<16xf32>
        %broadcast_in_dim3A_284 = arith.constant 56 : i32
        %broadcast_in_dim3A_285 = vector.broadcast %broadcast_in_dim3A_284 : i32 to vector<16xi32>
        %gather3A_286 = tpu.vector_load_idx %arg4[%scan3A_59, %broadcast_in_dim3A_285] : memref<256x64xf32, #tpu.memory_space<vmem>>[vector<16xi32>, vector<16xi32>], vector<16xf32>,
        %add3A_287 = arith.addf %add3A_283, %gather3A_286 : vector<16xf32>
        %broadcast_in_dim3A_288 = arith.constant 57 : i32
        %broadcast_in_dim3A_289 = vector.broadcast %broadcast_in_dim3A_288 : i32 to vector<16xi32>
        %gather3A_290 = tpu.vector_load_idx %arg4[%scan3A_59, %broadcast_in_dim3A_289] : memref<256x64xf32, #tpu.memory_space<vmem>>[vector<16xi32>, vector<16xi32>], vector<16xf32>,
        %add3A_291 = arith.addf %add3A_287, %gather3A_290 : vector<16xf32>
        %broadcast_in_dim3A_292 = arith.constant 58 : i32
        %broadcast_in_dim3A_293 = vector.broadcast %broadcast_in_dim3A_292 : i32 to vector<16xi32>
        %gather3A_294 = tpu.vector_load_idx %arg4[%scan3A_59, %broadcast_in_dim3A_293] : memref<256x64xf32, #tpu.memory_space<vmem>>[vector<16xi32>, vector<16xi32>], vector<16xf32>,
        %add3A_295 = arith.addf %add3A_291, %gather3A_294 : vector<16xf32>
        %broadcast_in_dim3A_296 = arith.constant 59 : i32
        %broadcast_in_dim3A_297 = vector.broadcast %broadcast_in_dim3A_296 : i32 to vector<16xi32>
        %gather3A_298 = tpu.vector_load_idx %arg4[%scan3A_59, %broadcast_in_dim3A_297] : memref<256x64xf32, #tpu.memory_space<vmem>>[vector<16xi32>, vector<16xi32>], vector<16xf32>,
        %add3A_299 = arith.addf %add3A_295, %gather3A_298 : vector<16xf32>
        %broadcast_in_dim3A_300 = arith.constant 60 : i32
        %broadcast_in_dim3A_301 = vector.broadcast %broadcast_in_dim3A_300 : i32 to vector<16xi32>
        %gather3A_302 = tpu.vector_load_idx %arg4[%scan3A_59, %broadcast_in_dim3A_301] : memref<256x64xf32, #tpu.memory_space<vmem>>[vector<16xi32>, vector<16xi32>], vector<16xf32>,
        %add3A_303 = arith.addf %add3A_299, %gather3A_302 : vector<16xf32>
        %broadcast_in_dim3A_304 = arith.constant 61 : i32
        %broadcast_in_dim3A_305 = vector.broadcast %broadcast_in_dim3A_304 : i32 to vector<16xi32>
        %gather3A_306 = tpu.vector_load_idx %arg4[%scan3A_59, %broadcast_in_dim3A_305] : memref<256x64xf32, #tpu.memory_space<vmem>>[vector<16xi32>, vector<16xi32>], vector<16xf32>,
        %add3A_307 = arith.addf %add3A_303, %gather3A_306 : vector<16xf32>
        %broadcast_in_dim3A_308 = arith.constant 62 : i32
        %broadcast_in_dim3A_309 = vector.broadcast %broadcast_in_dim3A_308 : i32 to vector<16xi32>
        %gather3A_310 = tpu.vector_load_idx %arg4[%scan3A_59, %broadcast_in_dim3A_309] : memref<256x64xf32, #tpu.memory_space<vmem>>[vector<16xi32>, vector<16xi32>], vector<16xf32>,
        %add3A_311 = arith.addf %add3A_307, %gather3A_310 : vector<16xf32>
        %broadcast_in_dim3A_312 = arith.constant 63 : i32
        %broadcast_in_dim3A_313 = vector.broadcast %broadcast_in_dim3A_312 : i32 to vector<16xi32>
        %gather3A_314 = tpu.vector_load_idx %arg4[%scan3A_59, %broadcast_in_dim3A_313] : memref<256x64xf32, #tpu.memory_space<vmem>>[vector<16xi32>, vector<16xi32>], vector<16xf32>,
        %add3A_315 = arith.addf %add3A_311, %gather3A_314 : vector<16xf32>
        %mul3A_316 = arith.constant 1.562500e-02 : f32
        %mul3A_317 = vector.broadcast %mul3A_316 : f32 to vector<16xf32>
        %mul3A_318 = arith.mulf %add3A_315, %mul3A_317 : vector<16xf32>
        %mul3A_319 = arith.constant 16 : i32
        %mul3A_320 = arith.muli %scan3A_58, %mul3A_319 : i32
        %swap3A = arith.index_cast %mul3A_320 : i32 to index
        %swap3A_321 = tpu.vector_load %arg6[%swap3A] {strides = array<i32>} : memref<256xf32, #tpu.memory_space<vmem>>, vector<16xf32>,
        tpu.vector_store %arg6[%swap3A], %mul3A_318 {strides = array<i32>} : memref<256xf32, #tpu.memory_space<vmem>>, vector<16xf32>,
        %add3A_322 = arith.constant 16 : i32
        %add3A_323 = vector.broadcast %add3A_322 : i32 to vector<16xi32>
        %add3A_324 = arith.addi %scan3A_59, %add3A_323 : vector<16xi32>
        scf.yield %add3A_324 : vector<16xi32>
      }
      %scan3A_55 = arith.constant 4 : i32
      %add3A_56 = arith.constant 6656 : i32
      %add3A_57 = arith.addi %mul3A_2, %add3A_56 : i32
      "tpu.region"() ({
        %run_scoped3A = tpu.sem_alloc : memref<!tpu.dma_semaphore, #tpu.memory_space<semaphore_mem>>
        %dma_start3A_58 = arith.constant 0 : i32
        %dma_start3A_59 = tpu.memref_slice %arg6[%dma_start3A_58] : memref<256xf32, #tpu.memory_space<vmem>> -> memref<64xf32, #tpu.memory_space<vmem>>
        %dma_start3A_60 = tpu.memref_slice %arg3[%add3A_57] : memref<451136xf32, #tpu.memory_space<hbm>> -> memref<64xf32, #tpu.memory_space<hbm>>
        %dma_start3A_61 = tpu.memref_slice %arg3[%add3A_57] : memref<451136xf32, #tpu.memory_space<hbm>> -> memref<64xf32, #tpu.memory_space<hbm>>
        %dma_start3A_62 = arith.constant 0 : i32
        %dma_start3A_63 = tpu.memref_slice %arg6[%dma_start3A_62] : memref<256xf32, #tpu.memory_space<vmem>> -> memref<64xf32, #tpu.memory_space<vmem>>
        tpu.enqueue_dma source(%dma_start3A_63 : memref<64xf32, #tpu.memory_space<vmem>>) target(%dma_start3A_61 : memref<64xf32, #tpu.memory_space<hbm>>) target_semaphore(%run_scoped3A : memref<!tpu.dma_semaphore, #tpu.memory_space<semaphore_mem>>)
        %dma_wait3A_64 = arith.constant 0 : i32
        %dma_wait3A_65 = tpu.memref_slice %arg6[%dma_wait3A_64] : memref<256xf32, #tpu.memory_space<vmem>> -> memref<64xf32, #tpu.memory_space<vmem>>
        %dma_wait3A_66 = tpu.memref_slice %arg3[%add3A_57] : memref<451136xf32, #tpu.memory_space<hbm>> -> memref<64xf32, #tpu.memory_space<hbm>>
        %dma_wait3A_67 = tpu.memref_slice %arg3[%add3A_57] : memref<451136xf32, #tpu.memory_space<hbm>> -> memref<64xf32, #tpu.memory_space<hbm>>
        %dma_wait3A_68 = arith.constant 0 : i32
        %dma_wait3A_69 = tpu.memref_slice %arg6[%dma_wait3A_68] : memref<256xf32, #tpu.memory_space<vmem>> -> memref<64xf32, #tpu.memory_space<vmem>>
        tpu.wait_dma2 semaphore(%run_scoped3A : memref<!tpu.dma_semaphore, #tpu.memory_space<semaphore_mem>>) src(%dma_wait3A_69 : memref<64xf32, #tpu.memory_space<vmem>>) dst(%dma_wait3A_67 : memref<64xf32, #tpu.memory_space<hbm>>)
        tpu.yield
      }) : () -> ()
    } else {
    }
    return
  }
}

module attributes {stable_mosaic.version = 14 : i64} {
  func.func @_remap_body(%arg0: memref<4096x200xi32, #tpu.memory_space<vmem>>, %arg1: memref<4096x200xi32, #tpu.memory_space<vmem>>) attributes {dimension_semantics = [], scalar_prefetch = 0 : i64, scratch_operands = 0 : i64, tpu.core_type = #tpu.core_type<tc>} {
    %get3A = arith.constant 0 : index
    %get3A_0 = arith.constant 0 : index
    %get3A_1 = vector.load %arg0[%get3A, %get3A_0] : memref<4096x200xi32, #tpu.memory_space<vmem>>, vector<4096x200xi32>
    %and3A = arith.constant -256 : i32
    %and3A_2 = vector.broadcast %and3A : i32 to vector<4096x200xi32>
    %and3A_3 = arith.andi %get3A_1, %and3A_2 : vector<4096x200xi32>
    %and3A_4 = arith.constant 1 : i32
    %and3A_5 = vector.broadcast %and3A_4 : i32 to vector<4096x200xi32>
    %and3A_6 = arith.andi %get3A_1, %and3A_5 : vector<4096x200xi32>
    %shift_left3A = arith.constant 7 : i32
    %shift_left3A_7 = vector.broadcast %shift_left3A : i32 to vector<4096x200xi32>
    %shift_left3A_8 = arith.shli %and3A_6, %shift_left3A_7 : vector<4096x200xi32>
    %or3A = arith.ori %and3A_3, %shift_left3A_8 : vector<4096x200xi32>
    %shift_right_arithmetic3A = arith.constant 1 : i32
    %shift_right_arithmetic3A_9 = vector.broadcast %shift_right_arithmetic3A : i32 to vector<4096x200xi32>
    %shift_right_arithmetic3A_10 = arith.shrsi %get3A_1, %shift_right_arithmetic3A_9 : vector<4096x200xi32>
    %and3A_11 = arith.constant 127 : i32
    %and3A_12 = vector.broadcast %and3A_11 : i32 to vector<4096x200xi32>
    %and3A_13 = arith.andi %shift_right_arithmetic3A_10, %and3A_12 : vector<4096x200xi32>
    %or3A_14 = arith.ori %or3A, %and3A_13 : vector<4096x200xi32>
    %lt3A = arith.constant 548864 : i32
    %lt3A_15 = vector.broadcast %lt3A : i32 to vector<4096x200xi32>
    %lt3A_16 = arith.cmpi slt, %get3A_1, %lt3A_15 : vector<4096x200xi32>
    %select_n3A = arith.select %lt3A_16, %or3A_14, %get3A_1 : vector<4096x200xi1>, vector<4096x200xi32>
    %swap3A = arith.constant 0 : index
    %swap3A_17 = arith.constant 0 : index
    %swap3A_18 = vector.load %arg1[%swap3A, %swap3A_17] : memref<4096x200xi32, #tpu.memory_space<vmem>>, vector<4096x200xi32>
    tpu.vector_store %arg1[%swap3A, %swap3A_17], %select_n3A {strides = array<i32>} : memref<4096x200xi32, #tpu.memory_space<vmem>>, vector<4096x200xi32>,
    return
  }
}

module attributes {stable_mosaic.version = 14 : i64} {
  func.func @_rowmean_tc_body(%arg0: i32, %arg1: memref<4096x128xf32, #tpu.memory_space<vmem>>, %arg2: memref<32x2x128xf32, #tpu.memory_space<vmem>>) attributes {dimension_semantics = [#tpu.dimension_semantics<arbitrary>], iteration_bounds = array<i64: 67>, scalar_prefetch = 0 : i64, scratch_operands = 0 : i64, tpu.core_type = #tpu.core_type<tc>, window_params = [{transform_indices = @transform_0, window_bounds = array<i64: 4096, 128>}, {transform_indices = @transform_1, window_bounds = array<i64: 32, 2, 128>}]} {
    %get3A = arith.constant 0 : index
    %get3A_0 = arith.constant 0 : index
    %get3A_1 = vector.load %arg1[%get3A, %get3A_0] : memref<4096x128xf32, #tpu.memory_space<vmem>>, vector<4096x128xf32>
    %iota3A = tpu.iota {dimensions = array<i32: 0>} : vector<128x128xi32>
    %iota3A_2 = tpu.iota {dimensions = array<i32: 1>} : vector<128x128xi32>
    %jit3A = arith.constant 64 : i32
    %div3A = vector.broadcast %jit3A : i32 to vector<128x128xi32>
    %div3A_3 = arith.divsi %iota3A, %div3A : vector<128x128xi32>
    %sign3A = arith.constant 0 : i32
    %sign3A_4 = vector.broadcast %sign3A : i32 to vector<128x128xi32>
    %sign3A_5 = arith.cmpi sgt, %iota3A, %sign3A_4 : vector<128x128xi32>
    %sign3A_6 = arith.extui %sign3A_5 : vector<128x128xi1> to vector<128x128xi32>
    %sign3A_7 = arith.constant 0 : i32
    %sign3A_8 = vector.broadcast %sign3A_7 : i32 to vector<128x128xi32>
    %sign3A_9 = arith.cmpi slt, %iota3A, %sign3A_8 : vector<128x128xi32>
    %sign3A_10 = arith.extui %sign3A_9 : vector<128x128xi1> to vector<128x128xi32>
    %sign3A_11 = arith.subi %sign3A_6, %sign3A_10 : vector<128x128xi32>
    %sign3A_12 = arith.constant 0 : i32
    %sign3A_13 = arith.cmpi sgt, %jit3A, %sign3A_12 : i32
    %sign3A_14 = arith.extui %sign3A_13 : i1 to i32
    %sign3A_15 = arith.constant 0 : i32
    %sign3A_16 = arith.cmpi slt, %jit3A, %sign3A_15 : i32
    %sign3A_17 = arith.extui %sign3A_16 : i1 to i32
    %sign3A_18 = arith.subi %sign3A_14, %sign3A_17 : i32
    %ne3A = vector.broadcast %sign3A_18 : i32 to vector<128x128xi32>
    %ne3A_19 = arith.cmpi ne, %sign3A_11, %ne3A : vector<128x128xi32>
    %rem3A = vector.broadcast %jit3A : i32 to vector<128x128xi32>
    %rem3A_20 = arith.remsi %iota3A, %rem3A : vector<128x128xi32>
    %ne3A_21 = arith.constant 0 : i32
    %ne3A_22 = vector.broadcast %ne3A_21 : i32 to vector<128x128xi32>
    %ne3A_23 = arith.cmpi ne, %rem3A_20, %ne3A_22 : vector<128x128xi32>
    %and3A = arith.andi %ne3A_19, %ne3A_23 : vector<128x128xi1>
    %sub3A = arith.constant 1 : i32
    %sub3A_24 = vector.broadcast %sub3A : i32 to vector<128x128xi32>
    %sub3A_25 = arith.subi %div3A_3, %sub3A_24 : vector<128x128xi32>
    %select_n3A = arith.select %and3A, %sub3A_25, %div3A_3 : vector<128x128xi1>, vector<128x128xi32>
    %jit3A_26 = arith.constant 2 : i32
    %eq3A = arith.constant 0 : i32
    %eq3A_27 = arith.cmpi eq, %jit3A_26, %eq3A : i32
    %jit3A_28 = arith.constant 1 : i32
    %select_n3A_29 = arith.select %eq3A_27, %jit3A_28, %jit3A_26 : i32
    %rem3A_30 = vector.broadcast %select_n3A_29 : i32 to vector<128x128xi32>
    %rem3A_31 = arith.remsi %iota3A_2, %rem3A_30 : vector<128x128xi32>
    %ne3A_32 = arith.constant 0 : i32
    %ne3A_33 = vector.broadcast %ne3A_32 : i32 to vector<128x128xi32>
    %ne3A_34 = arith.cmpi ne, %rem3A_31, %ne3A_33 : vector<128x128xi32>
    %lt3A = arith.constant 0 : i32
    %lt3A_35 = vector.broadcast %lt3A : i32 to vector<128x128xi32>
    %lt3A_36 = arith.cmpi slt, %rem3A_31, %lt3A_35 : vector<128x128xi32>
    %lt3A_37 = arith.constant 0 : i32
    %lt3A_38 = arith.cmpi slt, %select_n3A_29, %lt3A_37 : i32
    %ne3A_39 = vector.broadcast %lt3A_38 : i1 to vector<128x128xi1>
    %ne3A_40 = vector.broadcast %ne3A_39 : vector<128x128xi1> to vector<128x128xi1>
    %ne3A_41 = arith.xori %lt3A_36, %ne3A_40 : vector<128x128xi1>
    %and3A_42 = arith.andi %ne3A_41, %ne3A_34 : vector<128x128xi1>
    %add3A = vector.broadcast %select_n3A_29 : i32 to vector<128x128xi32>
    %add3A_43 = arith.addi %rem3A_31, %add3A : vector<128x128xi32>
    %select_n3A_44 = arith.select %and3A_42, %add3A_43, %rem3A_31 : vector<128x128xi1>, vector<128x128xi32>
    %eq3A_45 = arith.cmpi eq, %select_n3A, %select_n3A_44 : vector<128x128xi32>
    %jit3A_46 = arith.constant 1.562500e-02 : f32
    %jit3A_47 = arith.constant 0.000000e+00 : f32
    %broadcast_in_dim3A = vector.broadcast %jit3A_46 : f32 to vector<128x128xf32>
    %broadcast_in_dim3A_48 = vector.broadcast %jit3A_47 : f32 to vector<128x128xf32>
    %select_n3A_49 = arith.select %eq3A_45, %broadcast_in_dim3A, %broadcast_in_dim3A_48 : vector<128x128xi1>, vector<128x128xf32>
    %dot_general3A = arith.constant dense<0.000000e+00> : vector<4096x128xf32>
    %dot_general3A_50 = tpu.matmul %get3A_1, %select_n3A_49, %dot_general3A {dimension_numbers = #tpu.dot_dimension_numbers<[1], [0], [0], [1], [0, 0, 1, 1], [], []>, precision = #tpu.contract_precision<fp32>, transpose_lhs_hint = false} : vector<4096x128xf32>, vector<128x128xf32>, vector<4096x128xf32> -> vector<4096x128xf32>
    %reshape3A = vector.shape_cast %dot_general3A_50 : vector<4096x128xf32> to vector<32x128x128xf32>
    %transpose3A = tpu.transpose %reshape3A, [0, 2, 1] : vector<32x128x128xf32> -> vector<32x128x128xf32>
    %slice3A = vector.extract_strided_slice %transpose3A {offsets = [0, 0, 0], sizes = [32, 2, 128], strides = [1, 1, 1]} : vector<32x128x128xf32> to vector<32x2x128xf32>
    %swap3A = arith.constant 0 : index
    %swap3A_51 = arith.constant 0 : index
    %swap3A_52 = arith.constant 0 : index
    %swap3A_53 = vector.load %arg2[%swap3A, %swap3A_51, %swap3A_52] : memref<32x2x128xf32, #tpu.memory_space<vmem>>, vector<32x2x128xf32>
    tpu.vector_store %arg2[%swap3A, %swap3A_51, %swap3A_52], %slice3A {strides = array<i32>} : memref<32x2x128xf32, #tpu.memory_space<vmem>>, vector<32x2x128xf32>,
    return
  }
  func.func @transform_0(%arg0: i32) -> (i32, i32) {
    %c0_i32 = arith.constant 0 : i32
    %c0_i32_0 = arith.constant 0 : i32
    return %arg0, %c0_i32 : i32, i32
  }
  func.func @transform_1(%arg0: i32) -> (i32, i32, i32) {
    %c0_i32 = arith.constant 0 : i32
    %c0_i32_0 = arith.constant 0 : i32
    %c0_i32_1 = arith.constant 0 : i32
    return %arg0, %c0_i32, %c0_i32_0 : i32, i32, i32
  }
}

module attributes {stable_mosaic.version = 14 : i64} {
  func.func @_concat_body(%arg0: memref<548864xf32, #tpu.memory_space<vmem>>, %arg1: memref<451136xf32, #tpu.memory_space<vmem>>, %arg2: memref<1000000xf32, #tpu.memory_space<vmem>>) attributes {dimension_semantics = [], scalar_prefetch = 0 : i64, scratch_operands = 0 : i64, tpu.core_type = #tpu.core_type<tc>} {
    %get3A = arith.constant 0 : index
    %get3A_0 = vector.load %arg0[%get3A] : memref<548864xf32, #tpu.memory_space<vmem>>, vector<548864xf32>
    %swap3A = arith.constant 0 : index
    %swap3A_1 = vector.load %arg2[%swap3A] : memref<1000000xf32, #tpu.memory_space<vmem>>, vector<548864xf32>
    tpu.vector_store %arg2[%swap3A], %get3A_0 {strides = array<i32>} : memref<1000000xf32, #tpu.memory_space<vmem>>, vector<548864xf32>,
    %get3A_2 = arith.constant 0 : index
    %get3A_3 = vector.load %arg1[%get3A_2] : memref<451136xf32, #tpu.memory_space<vmem>>, vector<451136xf32>
    %swap3A_4 = arith.constant 548864 : index
    %swap3A_5 = vector.load %arg2[%swap3A_4] : memref<1000000xf32, #tpu.memory_space<vmem>>, vector<451136xf32>
    tpu.vector_store %arg2[%swap3A_4], %get3A_3 {strides = array<i32>} : memref<1000000xf32, #tpu.memory_space<vmem>>, vector<451136xf32>,
    return
  }
}

module attributes {stable_mosaic.version = 14 : i64} {
  func.func @_head_body(%arg0: memref<4096x200xf32, #tpu.memory_space<vmem>>, %arg1: memref<1x200xf32, #tpu.memory_space<vmem>>, %arg2: memref<1xf32, #tpu.memory_space<smem>>, %arg3: memref<4096xf32, #tpu.memory_space<vmem>>) attributes {dimension_semantics = [], scalar_prefetch = 0 : i64, scratch_operands = 0 : i64, tpu.core_type = #tpu.core_type<tc>} {
    %get3A = arith.constant 0 : index
    %get3A_0 = arith.constant 0 : index
    %get3A_1 = vector.load %arg0[%get3A, %get3A_0] : memref<4096x200xf32, #tpu.memory_space<vmem>>, vector<4096x200xf32>
    %get3A_2 = arith.constant 0 : index
    %get3A_3 = arith.constant 0 : index
    %get3A_4 = vector.load %arg1[%get3A_2, %get3A_3] : memref<1x200xf32, #tpu.memory_space<vmem>>, vector<1x200xf32>
    %mul3A = vector.broadcast %get3A_4 : vector<1x200xf32> to vector<4096x200xf32>
    %mul3A_5 = arith.mulf %get3A_1, %mul3A : vector<4096x200xf32>
    %reduce_sum3A = arith.constant dense<0.000000e+00> : vector<4096xf32>
    %reduce_sum3A_6 = vector.multi_reduction <add>, %mul3A_5, %reduce_sum3A [1] : vector<4096x200xf32> to vector<4096xf32>
    %get3A_7 = arith.constant 0 : index
    %get3A_8 = memref.load %arg2[%get3A_7] : memref<1xf32, #tpu.memory_space<smem>>
    %add3A = vector.broadcast %get3A_8 : f32 to vector<4096xf32>
    %add3A_9 = arith.addf %reduce_sum3A_6, %add3A : vector<4096xf32>
    %neg3A = arith.constant 0.000000e+00 : f32
    %neg3A_10 = vector.broadcast %neg3A : f32 to vector<4096xf32>
    %neg3A_11 = arith.subf %neg3A_10, %add3A_9 : vector<4096xf32>
    %exp3A = math.exp %neg3A_11 : vector<4096xf32>
    %add3A_12 = arith.constant 1.000000e+00 : f32
    %add3A_13 = vector.broadcast %add3A_12 : f32 to vector<4096xf32>
    %add3A_14 = arith.addf %add3A_13, %exp3A : vector<4096xf32>
    %div3A = arith.constant 1.000000e+00 : f32
    %div3A_15 = vector.broadcast %div3A : f32 to vector<4096xf32>
    %div3A_16 = arith.divf %div3A_15, %add3A_14 : vector<4096xf32>
    %swap3A = arith.constant 0 : index
    %swap3A_17 = vector.load %arg3[%swap3A] : memref<4096xf32, #tpu.memory_space<vmem>>, vector<4096xf32>
    tpu.vector_store %arg3[%swap3A], %div3A_16 {strides = array<i32>} : memref<4096xf32, #tpu.memory_space<vmem>>, vector<4096xf32>,
    return
  }
}

</mosaic_0001>

<sc_bundles>
// kernel: kernel.11.cloned.1.call-start
scs
__scs_entry_jumppad:
0x0: {  	(pc) =	sbr.rel $0x88, $3  }
0x1: {  	(tag) =	ssettag $0x0;
	lr =	simm.s32 $0x1  }
0x2: {  	[smem:$0x3F9D] =	sst lr;
	_ =	strace $0xD0000000  }
0x3: {  	_ = 	snop  }
0x4: {  	_ = 	snop  }
0x5: {  	_ = 	snop  }
0x6: {  	_ = 	snop  }
0x7: {  	_ = 	snop  }
__scs_overlays_trampoline_lowered:
0x8: {  	[smem:$0x3FAC] =	sst s0  }
0x9: {  	[smem:$0x3FAD] =	sst s1  }
0xa: {  	[smem:$0x3FAE] =	sst s2  }
0xb: {  	[smem:$0x3FAF] =	sst s3  }
0xc: {  	[smem:$0x3FB0] =	sst s4  }
0xd: {  	[smem:$0x3FB1] =	sst s5  }
0xe: {  	[smem:$0x3FB2] =	sst s6  }
0xf: {  	[smem:$0x3FB3] =	sst s7  }
0x10: {  	[smem:$0x3FB4] =	sst s8  }
0x11: {  	[smem:$0x3FB5] =	sst s9;
	s0 =	simm.s32 @!p0 $0x0  }
0x12: {  	s1 =	sld [smem:$0x3F9B];
	s0 =	simm.s32 @p0 $0x1  }
0x13: {  	[smem:$0x3FB6] =	sst s0;
	s0 =	simm.s32 @!p1 $0x0  }
0x14: {  	s2 =	sld [smem:$0x3F9A];
	s0 =	simm.s32 @p1 $0x1  }
0x15: {  	[smem:$0x3FB7] =	sst s0;
	s0 =	simm.s32 @!p2 $0x0  }
0x16: {  	s3 =	sld [smem:$0x3FDB];
	s0 =	simm.s32 @p2 $0x1  }
0x17: {  	s4 =	simm.s32 $0x1BF5;
	[smem:$0x3FB9] =	sst s0  }
0x18: {  	s0 =	sld [smem:$0x3F9C];
	_ =	swait.ge [sflag:s4], $0x0  }
0x19: {  	s7 =	sld [smem:$0x3F9D]  }
0x1a: {  	s8 =	sadd.s32 $0xFFFFE003, lr  }
0x1b: {  	s9 =	sadd.s32 $0xFFFFFEF7, lr;
	s5 =	simm.s32 $0xFFFFFFFF;
	p2 =	slt.u32 s8, $0xFFFFF086  }
0x1c: {  	p1 =	slt.u32 s9, $0xF7A;
	s5 =	simm.s32 @!p2 $0x0  }
0x1d: {  	s5 =	simm.s32 @p1 $0x1;
	p0 =	seq.s32 s7, s2  }
0x1e: {  	s7 =	smul.u32 @!p0 $0xF7A, s2;
	p2 =	seq.s32 @!p0 s5, $0x0  }
0x1f: {  	s9 =	smul.u32 $0xF7A, s1;
	s8 =	simm.s32 @!p0 $0x1BF5;
	p2 =	por !p2, p0  }
0x20: {  	[sflag:s8] =	ssyncset.s32 @!p0 $0xFFFFF086;
	s6 =	sadd.s32 @!p0 s3, s7;
	s7 =	simm.s32 @!p0 $0x108  }
0x21: {  	s3 =	sadd.s32 s3, s9;
	s6 =	sadd.s32 @!p0 $0x88, s6;
	s7 =	simm.s32 @p2 $0x1082  }
0x22: {  	[simem:s7], [sflag:s8] =	dma.local @!p0 [hbm:s6], $0xF7A  }
0x23: {  	s9 =	sor.u32 $0xD0000000, s2;
	s6 =	simm.s32 $0x108;
	_ =	swait.ge @!p0 [sflag:s8], $0x0  }
0x24: {  	s3 =	sadd.s32 $0x88, s3;
	s6 =	simm.s32 @!p1 $0x1082;
	[sflag:s4] =	ssyncset.s32 $0xFFFFF086  }
0x25: {  	[simem:s6], [sflag:s4] =	dma.local [hbm:s3], $0xF7A  }
0x26: {  	[smem:$0x3F9D] =	sst s1;
	(tag) =	ssettag s2;
	_ =	strace s9  }
0x27: {  	s1 =	sld [smem:$0x3FAD]  }
0x28: {  	s2 =	sld [smem:$0x3FAE]  }
0x29: {  	s4 =	sld [smem:$0x3FB0]  }
0x2a: {  	p0 =	seq.s32 s5, $0x0;
	s5 =	sld [smem:$0x3FB1]  }
0x2b: {  	s6 =	sld [smem:$0x3FB2]  }
0x2c: {  	s7 =	sld [smem:$0x3FB3]  }
0x2d: {  	s3 =	simm.s32 $0x108;
	s8 =	sld [smem:$0x3FB4]  }
0x2e: {  	s3 =	simm.s32 @!p0 $0x1082;
	s9 =	sld [smem:$0x3FB5]  }
0x2f: {  	lr =	sadd.s32 s0, s3;
	s0 =	sld [smem:$0x3FAC]  }
0x30: {  	s3 =	sld [smem:$0x3FAF]  }
0x31: {  	[smem:$0x3FB8] =	sst s10  }
0x32: {  	s10 =	sld [smem:$0x3FB6];
	_ =	sdelay $0x3  }
0x33: {  	p0 =	seq.s32 s10, $0x1;
	s10 =	sld [smem:$0x3FB8];
	_ =	sdelay $0x3  }
0x34: {  	[smem:$0x3FB8] =	sst s10  }
0x35: {  	s10 =	sld [smem:$0x3FB7];
	_ =	sdelay $0x3  }
0x36: {  	p1 =	seq.s32 s10, $0x1;
	s10 =	sld [smem:$0x3FB8];
	_ =	sdelay $0x3  }
0x37: {  	[smem:$0x3FB8] =	sst s10  }
0x38: {  	s10 =	sld [smem:$0x3FB9]  }
0x39: {  	_ = 	snop;
	(pc) =	sbr.ind lr, $3  }
0x3a: {  	_ = 	snop  }
0x3b: {  	_ = 	snop  }
0x3c: {  	p2 =	seq.s32 s10, $0x1;
	s10 =	sld [smem:$0x3FB8]  }
0x3d: {  	_ =	shalt  }
0x3e: {  	_ =	shalt  }
0x3f: {  	_ =	shalt  }
0x40: {  	_ =	shalt  }
0x41: {  	_ =	shalt  }
0x42: {  	_ =	shalt  }
0x43: {  	_ =	shalt  }
0x44: {  	_ =	shalt  }
0x45: {  	_ =	shalt  }
0x46: {  	_ =	shalt  }
0x47: {  	_ =	shalt  }
0x48: {  	_ =	shalt  }
0x49: {  	_ =	shalt  }
0x4a: {  	_ =	shalt  }
0x4b: {  	_ =	shalt  }
0x4c: {  	_ =	shalt  }
0x4d: {  	_ =	shalt  }
0x4e: {  	_ =	shalt  }
0x4f: {  	_ =	shalt  }
0x50: {  	_ =	shalt  }
0x51: {  	_ =	shalt  }
0x52: {  	_ =	shalt  }
0x53: {  	_ =	shalt  }
0x54: {  	_ =	shalt  }
0x55: {  	_ =	shalt  }
0x56: {  	_ =	shalt  }
0x57: {  	_ =	shalt  }
0x58: {  	_ =	shalt  }
0x59: {  	_ =	shalt  }
0x5a: {  	_ =	shalt  }
0x5b: {  	_ =	shalt  }
0x5c: {  	_ =	shalt  }
0x5d: {  	_ =	shalt  }
0x5e: {  	_ =	shalt  }
0x5f: {  	_ =	shalt  }
0x60: {  	_ =	shalt  }
0x61: {  	_ =	shalt  }
0x62: {  	_ =	shalt  }
0x63: {  	_ =	shalt  }
0x64: {  	_ =	shalt  }
0x65: {  	_ =	shalt  }
0x66: {  	_ =	shalt  }
0x67: {  	_ =	shalt  }
0x68: {  	_ =	shalt  }
0x69: {  	_ =	shalt  }
0x6a: {  	_ =	shalt  }
0x6b: {  	_ =	shalt  }
0x6c: {  	_ =	shalt  }
0x6d: {  	_ =	shalt  }
0x6e: {  	_ =	shalt  }
0x6f: {  	_ =	shalt  }
0x70: {  	_ =	shalt  }
0x71: {  	_ =	shalt  }
0x72: {  	_ =	shalt  }
0x73: {  	_ =	shalt  }
0x74: {  	_ =	shalt  }
0x75: {  	_ =	shalt  }
0x76: {  	_ =	shalt  }
0x77: {  	_ =	shalt  }
0x78: {  	_ =	shalt  }
0x79: {  	_ =	shalt  }
0x7a: {  	_ =	shalt  }
0x7b: {  	_ =	shalt  }
0x7c: {  	_ =	shalt  }
0x7d: {  	_ =	shalt  }
0x7e: {  	_ =	shalt  }
0x7f: {  	_ =	shalt  }
0x80: {  	_ =	shalt  }
0x81: {  	_ =	shalt  }
0x82: {  	_ =	shalt  }
0x83: {  	_ =	shalt  }
0x84: {  	_ =	shalt  }
0x85: {  	_ =	shalt  }
0x86: {  	_ =	shalt  }
0x87: {  	_ =	shalt  }
.Lfunc_end0:
.L_simem_size_0:
called_computation.2_lowered:
.L_overlay_start_0:
0x88: {  	s2 =	sld [smem:$0x3FD9]  }
0x89: {  	s3 =	sld [smem:$0x3FFE];
	_ =	sdelay $0x1  }
0x8a: {  	s1 =	srdreg.scid  }
0x8b: {  	s0 =	sand.u32 $0x1, s1  }
0x8c: {  	s16 =	sshll.u32 s0, $0xA;
	s2 =	sadd.s32 s3, s2  }
0x8d: {  	s2 =	sadd.s32 s2, s16  }
0x8e: {  	[smem:$0x3FC4] =	sst s2  }
0x8f: {  	_ = 	snop  }
0x90: {  	(tm) =	ssettm $0x1  }
0x91: {  	s17 =	sld [smem:$0x3FFB];
	_ =	sdelay $0x3  }
0x92: {  	_ =	strace s17  }
0x93: {  	s2 =	sld [smem:$0x3FFC];
	_ =	sdelay $0x3  }
0x94: {  	_ =	strace s2  }
0x95: {  	s2 =	sld [smem:$0x3FFD];
	_ =	sdelay $0x3  }
0x96: {  	_ =	strace s2  }
0x97: {  	_ =	strace $0x8FFFFFFF  }
0x98: {  	s18 =	sld [smem:$0x3FDB];
	_ =	sdelay $0x1  }
0x99: {  	s19 =	simm.s32 $_scs_section_size  }
0x9a: {  	s4 =	simm.s32 $_size__tile_overlayer_lowered;
	s5 =	simm.s32 $_tile_overlayer_lowered  }
0x9b: {  	s22 =	simm.s32 $0x1BFF;
	s21 =	sshll.u32 s5, $0x1;
	s2 =	sadd.s32 s19, s18  }
0x9c: {  	s6 =	simm.s32 $0x0;
	s20 =	sshll.u32 s4, $0x1;
	s4 =	sadd.s32 s21, s2  }
0x9d: {  	[timem:s6], [sflag:s22] =	dma.local [hbm:s4], s20  }
0x9e: {  	_ =	swait.ge [sflag:s22], s20  }
0x9f: {  	s3 =	ssub.s32 $0x0, s20;
	[sflag:s22] =	ssyncset.done $0x0  }
0xa0: {  	[sflag:s22] =	ssyncadd.s32 s3;
	_ =	sdelay $0x1  }
0xa1: {  	s23 =	simm.s32 $0x1B8B  }
0xa2: {  	_ =	swait.ge [sflag:s23], $0x1  }
0xa3: {  	[sflag:s23] =	ssyncset.done $0x0  }
0xa4: {  	s25 =	simm.s32 $0x1B8E;
	s24 =	sld [smem:$0x3FFE];
	[sflag:s23] =	ssyncadd.s32 $0xFFFFFFFF  }
0xa5: {  	s26 =	simm.s32 $execute0_lowered;
	[smem:$0x3FD2] =	sst s25  }
0xa6: {  	s4 =	sshll.u32 s26, $0x1;
	_ =	strace $0x8000004C;
	[dreg:$0x1] =	wrdreg $0xFFFFFFFF  }
0xa7: {  	s28 =	simm.s32 $_size_execute0_lowered;
	s2 =	sadd.s32 s2, s4;
	[dreg:$0x0] =	wrdreg $0x0  }
0xa8: {  	s4 =	sshll.u32 s28, $0x1;
	[dreg:$0x2] =	wrdreg s2  }
0xa9: {  	[dreg:$0x3] =	wrdreg s4  }
0xaa: {  	[dreg:$0x4] =	wrdreg $0xC0  }
0xab: {  	_ =	task [dreg:s6], $0x5FFFF  }
0xac: {  	[dreg:$0x1] =	wrdreg $0xFFFFFFFF  }
0xad: {  	[dreg:$0x0] =	wrdreg $0x60  }
0xae: {  	[dreg:$0x2] =	wrdreg s24  }
0xaf: {  	[dreg:$0x3] =	wrdreg $0x9  }
0xb0: {  	_ =	task.clear_ibuf [dreg:s6], $0x4FFFF;
	_ =	strace $0x9000004C  }
0xb1: {  	s29 =	simm.s32 $0x9;
	_ =	strace $0x8000004E  }
0xb2: {  	_ =	swait.ge [sflag:s29], $0x1  }
0xb3: {  	[sflag:s29] =	ssyncadd.s32 $0xFFFFFFFF  }
0xb4: {  	_ =	strace $0x9000004E  }
0xb5: {  	_ =	sfence  }
0xb6: {  	s30 =	sld [smem:$0x0];
	_ =	sdelay $0x2  }
0xb7: {  	s31 =	sshll.u32 s1, $0xD;
	s1 =	sshrl.u32 s1, $0x2  }
0xb8: {  	s3 =	sand.u32 $0x4000, s31;
	s1 =	sadd.s32 s1, s30  }
0xb9: {  	s0 =	sor.u32 s3, s0;
	s1 =	sshll.u32 s1, $0x11  }
0xba: {  	s0 =	sor.u32 s1, s0  }
0xbb: {  	s0 =	sadd.s32 $0x8F2B, s0  }
0xbc: {  	[sflag:s0] =	ssyncadd.remote.s32 $0x1  }
0xbd: {  	_ =	sfence.sel $0xFFFF  }
0xbe: {  	[dreg:$0x0] =	wrdreg $0xFFFFFFFF;
	(pc) =	sbr.abs _section_cstart, $3  }
0xbf: {  	[dreg:$0x1] =	wrdreg $0xFFFFFFFF  }
0xc0: {  	_ =	task.clear_ibuf [dreg:s6], $0x2FFFF;
	_ =	strace $0x9FFFFFFF  }
0xc1: {  	(tm) =	ssettm $0x7FFFFFFF  }
tec
execute0_lowered:
.L_overlay_start_1:
0x0: {  	(tag) =	ssettag $0x1  }
0x1: {  	s1 =	srdreg.scid;
	s0 =	stileid.u32  }
0x2: {  	s6 =	sand.u32 $0x1, s1;
	s31 =	sshll.u32 s0, $0x1  }
0x3: {  	s1 =	sor.u32 s6, s31  }
0x4: {  	s5 =	rddreg [dreg:$0x0];
	s2 =	simm.s32 $0x0;
	s3 =	smul.u32 $0xC80, s1  }
0x5: {  	[smem:$0x7FF] =	sst s2  }
0x6: {  	s9 =	ssub.s32 $0x2, s6;
	s1 =	rddreg [dreg:$0x1];
	s8 =	sadd.s32 s3, s5  }
0x7: {  	_ =	strace $0x8000004D;
	s3 =	simm.s32 $0x2;
	s4 =	sadd.s32 $0xC9F200, s8  }
0x8: {  	[tilespmem:s2], [sflag:$0x2] =	stream.linear.gather [hbm4b:s4+s2], $0x6400, $0x38;
	[tilespmem:$0xC800] =	vst v63  }
0x9: {  	s7 =	simm.s32 $0x1;
	s10 =	sshrl.u32 s9, $0x1;
	_ =	swait.ge [sflag:s3], $0x6400  }
0xa: {  	s6 =	simm.s32 $0x6400;
	s9 =	ssub.s32 s9, s10;
	[sflag:s3] =	ssyncset.done $0x0  }
0xb: {  	s5 =	sadd.s32 $0x1400, s5;
	s9 =	smax.u32 s9, $0x1;
	[sflag:s3] =	ssyncadd.s32 $0xFFFF9C00  }
0xc: {  	[tilespmem:s6], [sflag:$0x1] =	stream.indirect.gather [hbm4b:s5+s6], $0x1, s2, s6, $0xb8;
	[tilespmem:$0xC800] =	vst v63  }
0xd: {  	p0 =	sne.s32 s9, $0x1;
	_ =	swait.ge [sflag:s7], $0x6400  }
.Ltmp0:
0xe: {  	[sflag:s7] =	ssyncset.done $0x0;
	(pc) =	sbr.rel @!p0 .LBB2_2-.Ltmp0, $4  }
0xf: {  	s8 =	sadd.s32 $0x1FE00, s8;
	[sflag:s7] =	ssyncadd.s32 $0xFFFF9C00  }
0x10: {  	[hbm4b:s8+s2] =	stream.linear.scatter [tilespmem:s6], [sflag:$0x2], $0x6400, $0x38;
	[tilespmem:$0xC800] =	vst v63  }
0x11: {  	_ =	swait.ge [sflag:s3], $0x6400  }
0x12: {  	s9 =	sadd.s32 $0xFFFFFFFF, s9;
	[sflag:s3] =	ssyncset.done $0x0  }
.LBB2_1:
0x13: {  	p0 =	sne.s32 s9, $0x1;
	s9 =	sadd.s32 $0xFFFFFFFF, s9;
	[sflag:s3] =	ssyncadd.s32 $0xFFFF9C00  }
0x14: {  	[tilespmem:s2], [sflag:$0x2] =	stream.linear.gather [hbm4b:s4+s2], $0x6400, $0x38;
	[tilespmem:$0xC800] =	vst v63  }
0x15: {  	_ =	swait.ge [sflag:s3], $0x6400  }
0x16: {  	[sflag:s3] =	ssyncset.done $0x0  }
0x17: {  	[sflag:s3] =	ssyncadd.s32 $0xFFFF9C00  }
0x18: {  	[tilespmem:s6], [sflag:$0x1] =	stream.indirect.gather [hbm4b:s5+s6], $0x1, s2, s6, $0xb8;
	[tilespmem:$0xC800] =	vst v63  }
0x19: {  	_ =	swait.ge [sflag:s7], $0x6400  }
.Ltmp1:
0x1a: {  	[sflag:s7] =	ssyncset.done $0x0;
	(pc) =	sbr.rel @p0 .LBB2_1-.Ltmp1, $4  }
0x1b: {  	[sflag:s7] =	ssyncadd.s32 $0xFFFF9C00  }
0x1c: {  	[hbm4b:s8+s2] =	stream.linear.scatter [tilespmem:s6], [sflag:$0x2], $0x6400, $0x38;
	[tilespmem:$0xC800] =	vst v63  }
0x1d: {  	_ =	swait.ge [sflag:s3], $0x6400  }
0x1e: {  	[sflag:s3] =	ssyncset.done $0x0  }
.LBB2_2:
0x1f: {  	[sflag:s3] =	ssyncadd.s32 $0xFFFF9C00  }
0x20: {  	_ =	sfence.sel $0x180000  }
0x21: {  	[bflag:$0x0] =	sbarrier.arrive $0xFFFF  }
0x22: {  	p0 =	sne.s32 s0, $0x0;
	_ =	strace $0x9000004D  }
0x23: {  	s0 =	sadd.s32 @!p0 $0x100000, s1;
	[bflag:$0x2] =	sbarrier.arrive $0xFFFF  }
0x24: {  	[sflag:s0] =	ssyncadd.tile.s32 @!p0 $0x1;
	_ =	shalt  }
.Lfunc_end2:
_tile_overlayer_lowered:
.L_overlay_start_2:
0x25: {  	(tag) =	ssettag $0x2  }
0x26: {  	s0 =	rddreg [dreg:$0x0];
	s2 =	stileid.u32  }
0x27: {  	s1 =	rddreg [dreg:$0x1];
	p0 =	sne.s32 s2, $0x0  }
0x28: {  	s3 =	rddreg [dreg:$0x2];
	[bflag:$0x3] =	sbarrier.arrive $0xFFFF;
	s2 =	simm.s32 @!p0 $0x1C02  }
0x29: {  	[timem:s3], [sflag:s2] =	dma.local @!p0 [hbm:s0], s1  }
0x2a: {  	s0 =	simm.s32 @!p0 $0x2  }
0x2b: {  	_ =	swait.ge @!p0 [sflag:s0], s1  }
0x2c: {  	s1 =	ssub.s32 @!p0 $0x0, s1;
	[sflag:s0] =	ssyncset.done @!p0 $0x0  }
0x2d: {  	[sflag:s0] =	ssyncadd.s32 @!p0 s1  }
0x2e: {  	[bflag:$0x3] =	sbarrier.arrive $0xFFFF  }
0x2f: {  	_ =	shalt  }

// kernel: kernel.8.cloned.1.call-start
scs
__scs_entry_jumppad:
0x0: {  	(pc) =	sbr.rel $0x88, $3  }
0x1: {  	(tag) =	ssettag $0x0;
	lr =	simm.s32 $0x1  }
0x2: {  	[smem:$0x3F9D] =	sst lr;
	_ =	strace $0xD0000000  }
0x3: {  	_ = 	snop  }
0x4: {  	_ = 	snop  }
0x5: {  	_ = 	snop  }
0x6: {  	_ = 	snop  }
0x7: {  	_ = 	snop  }
__scs_overlays_trampoline_lowered:
0x8: {  	[smem:$0x3FAC] =	sst s0  }
0x9: {  	[smem:$0x3FAD] =	sst s1  }
0xa: {  	[smem:$0x3FAE] =	sst s2  }
0xb: {  	[smem:$0x3FAF] =	sst s3  }
0xc: {  	[smem:$0x3FB0] =	sst s4  }
0xd: {  	[smem:$0x3FB1] =	sst s5  }
0xe: {  	[smem:$0x3FB2] =	sst s6  }
0xf: {  	[smem:$0x3FB3] =	sst s7  }
0x10: {  	[smem:$0x3FB4] =	sst s8  }
0x11: {  	[smem:$0x3FB5] =	sst s9;
	s0 =	simm.s32 @!p0 $0x0  }
0x12: {  	s1 =	sld [smem:$0x3F9B];
	s0 =	simm.s32 @p0 $0x1  }
0x13: {  	[smem:$0x3FB6] =	sst s0;
	s0 =	simm.s32 @!p1 $0x0  }
0x14: {  	s2 =	sld [smem:$0x3F9A];
	s0 =	simm.s32 @p1 $0x1  }
0x15: {  	[smem:$0x3FB7] =	sst s0;
	s0 =	simm.s32 @!p2 $0x0  }
0x16: {  	s3 =	sld [smem:$0x3FDB];
	s0 =	simm.s32 @p2 $0x1  }
0x17: {  	s4 =	simm.s32 $0x1BF5;
	[smem:$0x3FB9] =	sst s0  }
0x18: {  	s0 =	sld [smem:$0x3F9C];
	_ =	swait.ge [sflag:s4], $0x0  }
0x19: {  	s7 =	sld [smem:$0x3F9D]  }
0x1a: {  	s8 =	sadd.s32 $0xFFFFE003, lr  }
0x1b: {  	s9 =	sadd.s32 $0xFFFFFEF7, lr;
	s5 =	simm.s32 $0xFFFFFFFF;
	p2 =	slt.u32 s8, $0xFFFFF086  }
0x1c: {  	p1 =	slt.u32 s9, $0xF7A;
	s5 =	simm.s32 @!p2 $0x0  }
0x1d: {  	s5 =	simm.s32 @p1 $0x1;
	p0 =	seq.s32 s7, s2  }
0x1e: {  	s7 =	smul.u32 @!p0 $0xF7A, s2;
	p2 =	seq.s32 @!p0 s5, $0x0  }
0x1f: {  	s9 =	smul.u32 $0xF7A, s1;
	s8 =	simm.s32 @!p0 $0x1BF5;
	p2 =	por !p2, p0  }
0x20: {  	[sflag:s8] =	ssyncset.s32 @!p0 $0xFFFFF086;
	s6 =	sadd.s32 @!p0 s3, s7;
	s7 =	simm.s32 @!p0 $0x108  }
0x21: {  	s3 =	sadd.s32 s3, s9;
	s6 =	sadd.s32 @!p0 $0x88, s6;
	s7 =	simm.s32 @p2 $0x1082  }
0x22: {  	[simem:s7], [sflag:s8] =	dma.local @!p0 [hbm:s6], $0xF7A  }
0x23: {  	s9 =	sor.u32 $0xD0000000, s2;
	s6 =	simm.s32 $0x108;
	_ =	swait.ge @!p0 [sflag:s8], $0x0  }
0x24: {  	s3 =	sadd.s32 $0x88, s3;
	s6 =	simm.s32 @!p1 $0x1082;
	[sflag:s4] =	ssyncset.s32 $0xFFFFF086  }
0x25: {  	[simem:s6], [sflag:s4] =	dma.local [hbm:s3], $0xF7A  }
0x26: {  	[smem:$0x3F9D] =	sst s1;
	(tag) =	ssettag s2;
	_ =	strace s9  }
0x27: {  	s1 =	sld [smem:$0x3FAD]  }
0x28: {  	s2 =	sld [smem:$0x3FAE]  }
0x29: {  	s4 =	sld [smem:$0x3FB0]  }
0x2a: {  	p0 =	seq.s32 s5, $0x0;
	s5 =	sld [smem:$0x3FB1]  }
0x2b: {  	s6 =	sld [smem:$0x3FB2]  }
0x2c: {  	s7 =	sld [smem:$0x3FB3]  }
0x2d: {  	s3 =	simm.s32 $0x108;
	s8 =	sld [smem:$0x3FB4]  }
0x2e: {  	s3 =	simm.s32 @!p0 $0x1082;
	s9 =	sld [smem:$0x3FB5]  }
0x2f: {  	lr =	sadd.s32 s0, s3;
	s0 =	sld [smem:$0x3FAC]  }
0x30: {  	s3 =	sld [smem:$0x3FAF]  }
0x31: {  	[smem:$0x3FB8] =	sst s10  }
0x32: {  	s10 =	sld [smem:$0x3FB6];
	_ =	sdelay $0x3  }
0x33: {  	p0 =	seq.s32 s10, $0x1;
	s10 =	sld [smem:$0x3FB8];
	_ =	sdelay $0x3  }
0x34: {  	[smem:$0x3FB8] =	sst s10  }
0x35: {  	s10 =	sld [smem:$0x3FB7];
	_ =	sdelay $0x3  }
0x36: {  	p1 =	seq.s32 s10, $0x1;
	s10 =	sld [smem:$0x3FB8];
	_ =	sdelay $0x3  }
0x37: {  	[smem:$0x3FB8] =	sst s10  }
0x38: {  	s10 =	sld [smem:$0x3FB9]  }
0x39: {  	_ = 	snop;
	(pc) =	sbr.ind lr, $3  }
0x3a: {  	_ = 	snop  }
0x3b: {  	_ = 	snop  }
0x3c: {  	p2 =	seq.s32 s10, $0x1;
	s10 =	sld [smem:$0x3FB8]  }
0x3d: {  	_ =	shalt  }
0x3e: {  	_ =	shalt  }
0x3f: {  	_ =	shalt  }
0x40: {  	_ =	shalt  }
0x41: {  	_ =	shalt  }
0x42: {  	_ =	shalt  }
0x43: {  	_ =	shalt  }
0x44: {  	_ =	shalt  }
0x45: {  	_ =	shalt  }
0x46: {  	_ =	shalt  }
0x47: {  	_ =	shalt  }
0x48: {  	_ =	shalt  }
0x49: {  	_ =	shalt  }
0x4a: {  	_ =	shalt  }
0x4b: {  	_ =	shalt  }
0x4c: {  	_ =	shalt  }
0x4d: {  	_ =	shalt  }
0x4e: {  	_ =	shalt  }
0x4f: {  	_ =	shalt  }
0x50: {  	_ =	shalt  }
0x51: {  	_ =	shalt  }
0x52: {  	_ =	shalt  }
0x53: {  	_ =	shalt  }
0x54: {  	_ =	shalt  }
0x55: {  	_ =	shalt  }
0x56: {  	_ =	shalt  }
0x57: {  	_ =	shalt  }
0x58: {  	_ =	shalt  }
0x59: {  	_ =	shalt  }
0x5a: {  	_ =	shalt  }
0x5b: {  	_ =	shalt  }
0x5c: {  	_ =	shalt  }
0x5d: {  	_ =	shalt  }
0x5e: {  	_ =	shalt  }
0x5f: {  	_ =	shalt  }
0x60: {  	_ =	shalt  }
0x61: {  	_ =	shalt  }
0x62: {  	_ =	shalt  }
0x63: {  	_ =	shalt  }
0x64: {  	_ =	shalt  }
0x65: {  	_ =	shalt  }
0x66: {  	_ =	shalt  }
0x67: {  	_ =	shalt  }
0x68: {  	_ =	shalt  }
0x69: {  	_ =	shalt  }
0x6a: {  	_ =	shalt  }
0x6b: {  	_ =	shalt  }
0x6c: {  	_ =	shalt  }
0x6d: {  	_ =	shalt  }
0x6e: {  	_ =	shalt  }
0x6f: {  	_ =	shalt  }
0x70: {  	_ =	shalt  }
0x71: {  	_ =	shalt  }
0x72: {  	_ =	shalt  }
0x73: {  	_ =	shalt  }
0x74: {  	_ =	shalt  }
0x75: {  	_ =	shalt  }
0x76: {  	_ =	shalt  }
0x77: {  	_ =	shalt  }
0x78: {  	_ =	shalt  }
0x79: {  	_ =	shalt  }
0x7a: {  	_ =	shalt  }
0x7b: {  	_ =	shalt  }
0x7c: {  	_ =	shalt  }
0x7d: {  	_ =	shalt  }
0x7e: {  	_ =	shalt  }
0x7f: {  	_ =	shalt  }
0x80: {  	_ =	shalt  }
0x81: {  	_ =	shalt  }
0x82: {  	_ =	shalt  }
0x83: {  	_ =	shalt  }
0x84: {  	_ =	shalt  }
0x85: {  	_ =	shalt  }
0x86: {  	_ =	shalt  }
0x87: {  	_ =	shalt  }
.Lfunc_end0:
.L_simem_size_0:
called_computation.1_lowered:
.L_overlay_start_0:
0x88: {  	s2 =	sld [smem:$0x3FD9]  }
0x89: {  	s3 =	sld [smem:$0x3FFE];
	_ =	sdelay $0x1  }
0x8a: {  	s1 =	srdreg.scid  }
0x8b: {  	s0 =	sand.u32 $0x1, s1  }
0x8c: {  	s17 =	sshll.u32 s0, $0xA;
	s2 =	sadd.s32 s3, s2  }
0x8d: {  	s2 =	sadd.s32 s2, s17  }
0x8e: {  	[smem:$0x3FC4] =	sst s2  }
0x8f: {  	_ = 	snop  }
0x90: {  	(tm) =	ssettm $0x1  }
0x91: {  	s18 =	sld [smem:$0x3FFB];
	_ =	sdelay $0x3  }
0x92: {  	_ =	strace s18  }
0x93: {  	s2 =	sld [smem:$0x3FFC];
	_ =	sdelay $0x3  }
0x94: {  	_ =	strace s2  }
0x95: {  	s2 =	sld [smem:$0x3FFD];
	_ =	sdelay $0x3  }
0x96: {  	_ =	strace s2  }
0x97: {  	_ =	strace $0x8FFFFFFF  }
0x98: {  	s19 =	sld [smem:$0x3FDB];
	_ =	sdelay $0x1  }
0x99: {  	s20 =	simm.s32 $_scs_section_size  }
0x9a: {  	s4 =	simm.s32 $_size__tile_overlayer_lowered;
	s5 =	simm.s32 $_tile_overlayer_lowered  }
0x9b: {  	s6 =	simm.s32 $0x1BFF;
	s21 =	sshll.u32 s5, $0x1;
	s3 =	sadd.s32 s20, s19  }
0x9c: {  	s22 =	simm.s32 $0x0;
	s4 =	sshll.u32 s4, $0x1;
	s5 =	sadd.s32 s21, s3  }
0x9d: {  	[timem:s22], [sflag:s6] =	dma.local [hbm:s5], s4  }
0x9e: {  	_ =	swait.ge [sflag:s6], s4  }
0x9f: {  	s4 =	ssub.s32 $0x0, s4;
	[sflag:s6] =	ssyncset.done $0x0  }
0xa0: {  	[sflag:s6] =	ssyncadd.s32 s4;
	_ =	sdelay $0x1  }
0xa1: {  	s23 =	simm.s32 $0x1B8B  }
0xa2: {  	_ =	swait.ge [sflag:s23], $0x1  }
0xa3: {  	[sflag:s23] =	ssyncset.done $0x0  }
0xa4: {  	[sflag:s23] =	ssyncadd.s32 $0xFFFFFFFF  }
0xa5: {  	s4 =	sld [smem:$0x0]  }
0xa6: {  	s5 =	sand.u32 $0xFFFFFFFE, s1  }
0xa7: {  	p0 =	sne.s32 s1, s5  }
0xa8: {  	s5 =	sshll.u32 @p0 s5, $0xE  }
0xa9: {  	s5 =	sadd.s32 @p0 $0x11B8D, s5;
	s6 =	sshll.u32 @p0 s4, $0x11  }
0xaa: {  	s5 =	sor.u32 @p0 s6, s5  }
0xab: {  	[sflag:s5] =	ssyncadd.remote.s32 @p0 $0x1;
	_ =	sdelay $0x1  }
0xac: {  	s5 =	simm.s32 @p0 $0x1B8D  }
0xad: {  	_ =	swait.eq @p0 [sflag:s5], $0x1  }
0xae: {  	[sflag:s5] =	ssyncadd.s32 @p0 $0xFFFFFFFF  }
0xaf: {  	s6 =	sshll.u32 @!p0 s1, $0xE  }
0xb0: {  	s6 =	sor.u32 @!p0 $0x4000, s6;
	s5 =	simm.s32 @!p0 $0x1B8D  }
0xb1: {  	s4 =	sshll.u32 @!p0 s4, $0x11;
	s6 =	sadd.s32 @!p0 $0x11B8D, s6;
	_ =	swait.eq @!p0 [sflag:s5], $0x1  }
0xb2: {  	s4 =	sor.u32 @!p0 s4, s6;
	[sflag:s5] =	ssyncadd.s32 @!p0 $0xFFFFFFFF  }
0xb3: {  	s25 =	simm.s32 $0x1B8E;
	s24 =	sld [smem:$0x3FFE];
	[sflag:s4] =	ssyncadd.remote.s32 @!p0 $0x1  }
0xb4: {  	s26 =	simm.s32 $execute0_lowered;
	[smem:$0x3FD2] =	sst s25  }
0xb5: {  	s5 =	sshll.u32 s26, $0x1;
	_ =	strace $0x80000049;
	[dreg:$0x1] =	wrdreg $0xFFFFFFFF  }
0xb6: {  	s28 =	simm.s32 $_size_execute0_lowered;
	s3 =	sadd.s32 s3, s5;
	[dreg:$0x0] =	wrdreg $0x0  }
0xb7: {  	s5 =	sshll.u32 s28, $0x1;
	[dreg:$0x2] =	wrdreg s3  }
0xb8: {  	[dreg:$0x3] =	wrdreg s5  }
0xb9: {  	[dreg:$0x4] =	wrdreg $0xC0  }
0xba: {  	_ =	task [dreg:s22], $0x5FFFF  }
0xbb: {  	[dreg:$0x1] =	wrdreg $0xFFFFFFFF  }
0xbc: {  	[dreg:$0x0] =	wrdreg $0x60  }
0xbd: {  	[dreg:$0x2] =	wrdreg s24  }
0xbe: {  	[dreg:$0x3] =	wrdreg $0xA  }
0xbf: {  	_ =	task.clear_ibuf [dreg:s22], $0x4FFFF;
	_ =	strace $0x90000049  }
0xc0: {  	s29 =	simm.s32 $0xA;
	_ =	strace $0x8000004B  }
0xc1: {  	_ =	swait.ge [sflag:s29], $0x1  }
0xc2: {  	[sflag:s29] =	ssyncadd.s32 $0xFFFFFFFF  }
0xc3: {  	_ =	strace $0x9000004B  }
0xc4: {  	_ =	sfence  }
0xc5: {  	s30 =	sld [smem:$0x0];
	_ =	sdelay $0x2  }
0xc6: {  	s31 =	sshll.u32 s1, $0xD;
	s1 =	sshrl.u32 s1, $0x2  }
0xc7: {  	s4 =	sand.u32 $0x4000, s31;
	s1 =	sadd.s32 s1, s30  }
0xc8: {  	s0 =	sor.u32 s4, s0;
	s1 =	sshll.u32 s1, $0x11  }
0xc9: {  	s0 =	sor.u32 s1, s0  }
0xca: {  	s0 =	sadd.s32 $0x8F2B, s0  }
0xcb: {  	[sflag:s0] =	ssyncadd.remote.s32 $0x1  }
0xcc: {  	_ =	sfence.sel $0xFFFF  }
0xcd: {  	[dreg:$0x0] =	wrdreg $0xFFFFFFFF;
	(pc) =	sbr.abs _section_cstart, $3  }
0xce: {  	[dreg:$0x1] =	wrdreg $0xFFFFFFFF  }
0xcf: {  	_ =	task.clear_ibuf [dreg:s22], $0x2FFFF;
	_ =	strace $0x9FFFFFFF  }
0xd0: {  	(tm) =	ssettm $0x7FFFFFFF  }
0xd1: {  	_ =	shalt  }
tec
execute0_lowered:
.L_overlay_start_1:
0x0: {  	(tag) =	ssettag $0x1  }
0x1: {  	s13 =	rddreg [dreg:$0x0]  }
0x2: {  	s0 =	rddreg [dreg:$0x1];
	s2 =	simm.s32 $0x0;
	s3 =	srdreg.scid  }
0x3: {  	s1 =	stileid.u32;
	s15 =	simm.s32 $0x8000;
	s16 =	simm.s32 $0x1  }
0x4: {  	s17 =	simm.s32 $0x10000;
	s18 =	simm.s32 $0x3;
	s19 =	simm.s32 $0x2  }
0x5: {  	s20 =	simm.s32 $0x10100;
	[smem:$0x7FF] =	sst s2;
	s4 =	sand.u32 $0x1, s3  }
0x6: {  	s5 =	sshll.u32 s1, $0x1;
	s3 =	sadd.s32 $0x1002800, s13;
	s12 =	sadd.s32 $0x16E4800, s13  }
0x7: {  	_ =	strace $0x8000004A;
	s6 =	ssub.s32 $0x2, s4;
	s21 =	sor.u32 s4, s5  }
0x8: {  	s4 =	sadd.s32 $0xC91400, s13;
	s5 =	simm.s32 $0xD;
	s7 =	smul.u32 $0x38000, s21  }
.Ltmp0:
0x9: {  	s13 =	sadd.s32 $0xC9F040, s13;
	s31 =	sshrl.u32 s6, $0x1;
	(pc) =	sbr.rel .LBB2_1-.Ltmp0, $4  }
0xa: {  	p0 =	seq.s32 s21, $0x1F;
	s10 =	smul.u32 $0x1C0000, s21;
	s14 =	ssub.s32 s6, s31  }
0xb: {  	s6 =	smul.u32 $0x3800, s21;
	s5 =	simm.s32 @!p0 $0x1C;
	p0 =	sne.s32 s21, $0x1F  }
0xc: {  	s21 =	simm.s32 $0x0;
	s7 =	sadd.s32 s3, s7;
	s8 =	sshll.u32 s5, $0x1  }
0xd: {  	s14 =	smax.u32 s14, $0x1;
	s9 =	sadd.s32 $0x1000, s7;
	s11 =	sor.u32 $0x100, s6  }
.LBB2_11:
0xe: {  	s21 =	sadd.s32 $0x1, s21  }
0xf: {  	p1 =	sne.s32 s21, s14  }
.Ltmp1:
0x10: {  	_ = 	snop;
	(pc) =	sbr.rel @!p1 .LBB2_12-.Ltmp1, $1  }
0x11: {  	_ =	sdelay $0x3  }
.LBB2_1:
0x12: {  	[tilespmem:s2], [sflag:$0x1] =	stream.linear.gather [hbm4b:s7+s2], $0x8000, $0x38;
	[tilespmem:$0x10200] =	vst v63  }
0x13: {  	s22 =	simm.s32 $0x0  }
0x14: {  	[tilespmem:s15], [sflag:$0x2] =	stream.linear.gather [hbm4b:s9+s2], $0x8000, $0x38;
	[tilespmem:$0x10200] =	vst v63  }
.LBB2_2:
0x15: {  	v0 =	vlaneseq.u32  }
0x16: {  	v1 =	vshll.u32 v0, $0x7;
	_ =	sdelay $0x1  }
0x17: {  	_ =	swait.ge [sflag:s16], $0x8000;
	v2 =	vor.u32 $0x1, v1  }
0x18: {  	[sflag:s16] =	ssyncset.done $0x0  }
0x19: {  	[sflag:s16] =	ssyncadd.s32 $0xFFFF8000;
	v3 =	vor.u32 $0x2, v1  }
0x1a: {  	v4 =	vld.idx.msk [tilespmem:v1+s2+$0x0], $0xffff  }
0x1b: {  	v5 =	vor.u32 $0x3, v1  }
0x1c: {  	v2 =	vld.idx.msk [tilespmem:v2+s2+$0x0], $0xffff  }
0x1d: {  	v6 =	vor.u32 $0x4, v1  }
0x1e: {  	v3 =	vld.idx.msk [tilespmem:v3+s2+$0x0], $0xffff  }
0x1f: {  	v7 =	vor.u32 $0x5, v1;
	v4 =	vadd.f32 $0.0e+00, v4  }
0x20: {  	v5 =	vld.idx.msk [tilespmem:v5+s2+$0x0], $0xffff  }
0x21: {  	v8 =	vor.u32 $0x6, v1;
	v2 =	vadd.f32 v2, v4  }
0x22: {  	v20 =	vld.idx.msk [tilespmem:v6+s2+$0x0], $0xffff  }
0x23: {  	v21 =	vor.u32 $0x7, v1;
	v2 =	vadd.f32 v3, v2  }
0x24: {  	v3 =	vld.idx.msk [tilespmem:v7+s2+$0x0], $0xffff  }
0x25: {  	v22 =	vor.u32 $0x8, v1;
	v2 =	vadd.f32 v5, v2  }
0x26: {  	v23 =	vld.idx.msk [tilespmem:v8+s2+$0x0], $0xffff  }
0x27: {  	v24 =	vor.u32 $0x9, v1;
	v2 =	vadd.f32 v20, v2  }
0x28: {  	v25 =	vld.idx.msk [tilespmem:v21+s2+$0x0], $0xffff  }
0x29: {  	v26 =	vor.u32 $0xA, v1;
	v2 =	vadd.f32 v3, v2  }
0x2a: {  	v3 =	vld.idx.msk [tilespmem:v22+s2+$0x0], $0xffff  }
0x2b: {  	v27 =	vor.u32 $0xB, v1;
	v2 =	vadd.f32 v23, v2  }
0x2c: {  	v28 =	vld.idx.msk [tilespmem:v24+s2+$0x0], $0xffff  }
0x2d: {  	v29 =	vor.u32 $0xC, v1;
	v2 =	vadd.f32 v25, v2  }
0x2e: {  	v30 =	vld.idx.msk [tilespmem:v26+s2+$0x0], $0xffff  }
0x2f: {  	v31 =	vor.u32 $0xD, v1;
	v2 =	vadd.f32 v3, v2  }
0x30: {  	v3 =	vld.idx.msk [tilespmem:v27+s2+$0x0], $0xffff  }
0x31: {  	v32 =	vor.u32 $0xE, v1;
	v2 =	vadd.f32 v28, v2  }
0x32: {  	v33 =	vld.idx.msk [tilespmem:v29+s2+$0x0], $0xffff  }
0x33: {  	v34 =	vor.u32 $0xF, v1;
	v2 =	vadd.f32 v30, v2  }
0x34: {  	v35 =	vld.idx.msk [tilespmem:v31+s2+$0x0], $0xffff  }
0x35: {  	v36 =	vor.u32 $0x10, v1;
	v2 =	vadd.f32 v3, v2  }
0x36: {  	v3 =	vld.idx.msk [tilespmem:v32+s2+$0x0], $0xffff  }
0x37: {  	v37 =	vor.u32 $0x11, v1;
	v2 =	vadd.f32 v33, v2  }
0x38: {  	v38 =	vld.idx.msk [tilespmem:v34+s2+$0x0], $0xffff  }
0x39: {  	v39 =	vor.u32 $0x12, v1;
	v2 =	vadd.f32 v35, v2  }
0x3a: {  	v40 =	vld.idx.msk [tilespmem:v36+s2+$0x0], $0xffff  }
0x3b: {  	v41 =	vor.u32 $0x13, v1;
	v2 =	vadd.f32 v3, v2  }
0x3c: {  	v3 =	vld.idx.msk [tilespmem:v37+s2+$0x0], $0xffff  }
0x3d: {  	v42 =	vor.u32 $0x14, v1;
	v2 =	vadd.f32 v38, v2  }
0x3e: {  	v43 =	vld.idx.msk [tilespmem:v39+s2+$0x0], $0xffff  }
0x3f: {  	v44 =	vor.u32 $0x15, v1;
	v2 =	vadd.f32 v40, v2  }
0x40: {  	v45 =	vld.idx.msk [tilespmem:v41+s2+$0x0], $0xffff  }
0x41: {  	v46 =	vor.u32 $0x16, v1;
	v2 =	vadd.f32 v3, v2  }
0x42: {  	v3 =	vld.idx.msk [tilespmem:v42+s2+$0x0], $0xffff  }
0x43: {  	v47 =	vor.u32 $0x17, v1;
	v2 =	vadd.f32 v43, v2  }
0x44: {  	v48 =	vld.idx.msk [tilespmem:v44+s2+$0x0], $0xffff  }
0x45: {  	v49 =	vor.u32 $0x18, v1;
	v2 =	vadd.f32 v45, v2  }
0x46: {  	v50 =	vld.idx.msk [tilespmem:v46+s2+$0x0], $0xffff  }
0x47: {  	v51 =	vor.u32 $0x19, v1;
	v2 =	vadd.f32 v3, v2  }
0x48: {  	v3 =	vld.idx.msk [tilespmem:v47+s2+$0x0], $0xffff  }
0x49: {  	v52 =	vor.u32 $0x1A, v1;
	v2 =	vadd.f32 v48, v2  }
0x4a: {  	v53 =	vld.idx.msk [tilespmem:v49+s2+$0x0], $0xffff  }
0x4b: {  	v54 =	vor.u32 $0x1B, v1;
	v2 =	vadd.f32 v50, v2  }
0x4c: {  	v55 =	vld.idx.msk [tilespmem:v51+s2+$0x0], $0xffff  }
0x4d: {  	v56 =	vor.u32 $0x1C, v1;
	v2 =	vadd.f32 v3, v2  }
0x4e: {  	v3 =	vld.idx.msk [tilespmem:v52+s2+$0x0], $0xffff  }
0x4f: {  	v57 =	vor.u32 $0x1D, v1;
	v2 =	vadd.f32 v53, v2  }
0x50: {  	v58 =	vld.idx.msk [tilespmem:v54+s2+$0x0], $0xffff  }
0x51: {  	v59 =	vor.u32 $0x1E, v1;
	v2 =	vadd.f32 v55, v2  }
0x52: {  	v60 =	vld.idx.msk [tilespmem:v56+s2+$0x0], $0xffff  }
0x53: {  	v61 =	vor.u32 $0x1F, v1;
	v2 =	vadd.f32 v3, v2  }
0x54: {  	v3 =	vld.idx.msk [tilespmem:v57+s2+$0x0], $0xffff  }
0x55: {  	v62 =	vor.u32 $0x20, v1;
	v2 =	vadd.f32 v58, v2  }
0x56: {  	v63 =	vld.idx.msk [tilespmem:v59+s2+$0x0], $0xffff  }
0x57: {  	v12 =	vor.u32 $0x21, v1;
	v2 =	vadd.f32 v60, v2  }
0x58: {  	v13 =	vld.idx.msk [tilespmem:v61+s2+$0x0], $0xffff  }
0x59: {  	v14 =	vor.u32 $0x22, v1;
	v2 =	vadd.f32 v3, v2  }
0x5a: {  	v3 =	vld.idx.msk [tilespmem:v62+s2+$0x0], $0xffff  }
0x5b: {  	v15 =	vor.u32 $0x23, v1;
	v2 =	vadd.f32 v63, v2  }
0x5c: {  	v16 =	vld.idx.msk [tilespmem:v12+s2+$0x0], $0xffff  }
0x5d: {  	v17 =	vor.u32 $0x24, v1;
	v2 =	vadd.f32 v13, v2  }
0x5e: {  	v18 =	vld.idx.msk [tilespmem:v14+s2+$0x0], $0xffff  }
0x5f: {  	v19 =	vor.u32 $0x25, v1;
	v2 =	vadd.f32 v3, v2  }
0x60: {  	v3 =	vld.idx.msk [tilespmem:v15+s2+$0x0], $0xffff  }
0x61: {  	v20 =	vor.u32 $0x26, v1;
	v2 =	vadd.f32 v16, v2  }
0x62: {  	v21 =	vld.idx.msk [tilespmem:v17+s2+$0x0], $0xffff  }
0x63: {  	v22 =	vor.u32 $0x27, v1;
	v2 =	vadd.f32 v18, v2  }
0x64: {  	v23 =	vld.idx.msk [tilespmem:v19+s2+$0x0], $0xffff  }
0x65: {  	v24 =	vor.u32 $0x28, v1;
	v2 =	vadd.f32 v3, v2  }
0x66: {  	v3 =	vld.idx.msk [tilespmem:v20+s2+$0x0], $0xffff  }
0x67: {  	v25 =	vor.u32 $0x29, v1;
	v2 =	vadd.f32 v21, v2  }
0x68: {  	v26 =	vld.idx.msk [tilespmem:v22+s2+$0x0], $0xffff  }
0x69: {  	v27 =	vor.u32 $0x2A, v1;
	v2 =	vadd.f32 v23, v2  }
0x6a: {  	v28 =	vld.idx.msk [tilespmem:v24+s2+$0x0], $0xffff  }
0x6b: {  	v29 =	vor.u32 $0x2B, v1;
	v2 =	vadd.f32 v3, v2  }
0x6c: {  	v3 =	vld.idx.msk [tilespmem:v25+s2+$0x0], $0xffff  }
0x6d: {  	v30 =	vor.u32 $0x2C, v1;
	v2 =	vadd.f32 v26, v2  }
0x6e: {  	v31 =	vld.idx.msk [tilespmem:v27+s2+$0x0], $0xffff  }
0x6f: {  	v32 =	vor.u32 $0x2D, v1;
	v2 =	vadd.f32 v28, v2  }
0x70: {  	v33 =	vld.idx.msk [tilespmem:v29+s2+$0x0], $0xffff  }
0x71: {  	v34 =	vor.u32 $0x2E, v1;
	v2 =	vadd.f32 v3, v2  }
0x72: {  	v3 =	vld.idx.msk [tilespmem:v30+s2+$0x0], $0xffff  }
0x73: {  	v35 =	vor.u32 $0x2F, v1;
	v2 =	vadd.f32 v31, v2  }
0x74: {  	v36 =	vld.idx.msk [tilespmem:v32+s2+$0x0], $0xffff  }
0x75: {  	v37 =	vor.u32 $0x30, v1;
	v2 =	vadd.f32 v33, v2  }
0x76: {  	v38 =	vld.idx.msk [tilespmem:v34+s2+$0x0], $0xffff  }
0x77: {  	v39 =	vor.u32 $0x31, v1;
	v2 =	vadd.f32 v3, v2  }
0x78: {  	v3 =	vld.idx.msk [tilespmem:v35+s2+$0x0], $0xffff  }
0x79: {  	v40 =	vor.u32 $0x32, v1;
	v2 =	vadd.f32 v36, v2  }
0x7a: {  	v41 =	vld.idx.msk [tilespmem:v37+s2+$0x0], $0xffff  }
0x7b: {  	v42 =	vor.u32 $0x33, v1;
	v2 =	vadd.f32 v38, v2  }
0x7c: {  	v43 =	vld.idx.msk [tilespmem:v39+s2+$0x0], $0xffff  }
0x7d: {  	v44 =	vor.u32 $0x34, v1;
	v2 =	vadd.f32 v3, v2  }
0x7e: {  	v3 =	vld.idx.msk [tilespmem:v40+s2+$0x0], $0xffff  }
0x7f: {  	v45 =	vor.u32 $0x35, v1;
	v2 =	vadd.f32 v41, v2  }
0x80: {  	v46 =	vld.idx.msk [tilespmem:v42+s2+$0x0], $0xffff  }
0x81: {  	v47 =	vor.u32 $0x36, v1;
	v2 =	vadd.f32 v43, v2  }
0x82: {  	v48 =	vld.idx.msk [tilespmem:v44+s2+$0x0], $0xffff  }
0x83: {  	v49 =	vor.u32 $0x37, v1;
	v2 =	vadd.f32 v3, v2  }
0x84: {  	v3 =	vld.idx.msk [tilespmem:v45+s2+$0x0], $0xffff  }
0x85: {  	v50 =	vor.u32 $0x38, v1;
	v2 =	vadd.f32 v46, v2  }
0x86: {  	v51 =	vld.idx.msk [tilespmem:v47+s2+$0x0], $0xffff  }
0x87: {  	v52 =	vor.u32 $0x39, v1;
	v2 =	vadd.f32 v48, v2  }
0x88: {  	v53 =	vld.idx.msk [tilespmem:v49+s2+$0x0], $0xffff  }
0x89: {  	v54 =	vor.u32 $0x3A, v1;
	v2 =	vadd.f32 v3, v2  }
0x8a: {  	v3 =	vld.idx.msk [tilespmem:v50+s2+$0x0], $0xffff  }
0x8b: {  	v55 =	vor.u32 $0x3B, v1;
	v2 =	vadd.f32 v51, v2  }
0x8c: {  	v56 =	vld.idx.msk [tilespmem:v52+s2+$0x0], $0xffff  }
0x8d: {  	v57 =	vor.u32 $0x3C, v1;
	v2 =	vadd.f32 v53, v2  }
0x8e: {  	v58 =	vld.idx.msk [tilespmem:v54+s2+$0x0], $0xffff  }
0x8f: {  	v59 =	vor.u32 $0x3D, v1;
	v2 =	vadd.f32 v3, v2  }
0x90: {  	v3 =	vld.idx.msk [tilespmem:v55+s2+$0x0], $0xffff  }
0x91: {  	v60 =	vor.u32 $0x3E, v1;
	v2 =	vadd.f32 v56, v2  }
0x92: {  	v61 =	vld.idx.msk [tilespmem:v57+s2+$0x0], $0xffff  }
0x93: {  	v1 =	vor.u32 $0x3F, v1;
	v2 =	vadd.f32 v58, v2  }
0x94: {  	v62 =	vld.idx.msk [tilespmem:v59+s2+$0x0], $0xffff  }
0x95: {  	v2 =	vadd.f32 v3, v2  }
0x96: {  	v3 =	vld.idx.msk [tilespmem:v60+s2+$0x0], $0xffff  }
0x97: {  	v2 =	vadd.f32 v61, v2  }
0x98: {  	v63 =	vld.idx.msk [tilespmem:v1+s2+$0x0], $0xffff  }
0x99: {  	v1 =	vadd.f32 v62, v2;
	_ =	sdelay $0x1  }
0x9a: {  	v2 =	vadd.f32 v3, v1  }
0x9b: {  	v1 =	vadd.s32 $0x10, v0  }
0x9c: {  	s24 =	simm.s32 $0x0;
	s23 =	simm.s32 $0x40;
	s25 =	simm.s32 $0x80;
	v0 =	vshll.u32 v1, $0x7;
	v2 =	vadd.f32 v63, v2  }
.LBB2_3:
0x9d: {  	p1 =	sne.s32 s25, $0x3C0  }
0x9e: {  	v3 =	vor.u32 $0x1, v0;
	v2 =	vmul.f32 $1.562500000e-02, v2  }
0x9f: {  	s26 =	sshra.s32 s24, $0x2;
	s24 =	smov.u32 s23;
	s23 =	smov.u32 s25  }
0xa0: {  	v4 =	vor.u32 $0x2, v0;
	[tilespmem:s26+$0x10000] =	vst v2  }
0xa1: {  	v2 =	vld.idx.msk [tilespmem:v0+s2+$0x0], $0xffff  }
0xa2: {  	v5 =	vor.u32 $0x3, v0  }
0xa3: {  	v3 =	vld.idx.msk [tilespmem:v3+s2+$0x0], $0xffff  }
0xa4: {  	v6 =	vor.u32 $0x4, v0  }
0xa5: {  	v4 =	vld.idx.msk [tilespmem:v4+s2+$0x0], $0xffff  }
0xa6: {  	v7 =	vor.u32 $0x5, v0  }
0xa7: {  	v2 =	vadd.f32 $0.0e+00, v2;
	v5 =	vld.idx.msk [tilespmem:v5+s2+$0x0], $0xffff  }
0xa8: {  	v8 =	vor.u32 $0x6, v0  }
0xa9: {  	v2 =	vadd.f32 v3, v2;
	v3 =	vld.idx.msk [tilespmem:v6+s2+$0x0], $0xffff  }
0xaa: {  	v6 =	vor.u32 $0x7, v0  }
0xab: {  	v2 =	vadd.f32 v4, v2;
	v4 =	vld.idx.msk [tilespmem:v7+s2+$0x0], $0xffff  }
0xac: {  	v7 =	vor.u32 $0x8, v0  }
0xad: {  	v2 =	vadd.f32 v5, v2;
	v5 =	vld.idx.msk [tilespmem:v8+s2+$0x0], $0xffff  }
0xae: {  	v8 =	vor.u32 $0x9, v0  }
0xaf: {  	v2 =	vadd.f32 v3, v2;
	v3 =	vld.idx.msk [tilespmem:v6+s2+$0x0], $0xffff  }
0xb0: {  	v6 =	vor.u32 $0xA, v0  }
0xb1: {  	v2 =	vadd.f32 v4, v2;
	v4 =	vld.idx.msk [tilespmem:v7+s2+$0x0], $0xffff  }
0xb2: {  	v7 =	vor.u32 $0xB, v0  }
0xb3: {  	v2 =	vadd.f32 v5, v2;
	v5 =	vld.idx.msk [tilespmem:v8+s2+$0x0], $0xffff  }
0xb4: {  	v8 =	vor.u32 $0xC, v0  }
0xb5: {  	v2 =	vadd.f32 v3, v2;
	v3 =	vld.idx.msk [tilespmem:v6+s2+$0x0], $0xffff  }
0xb6: {  	v6 =	vor.u32 $0xD, v0  }
0xb7: {  	v2 =	vadd.f32 v4, v2;
	v4 =	vld.idx.msk [tilespmem:v7+s2+$0x0], $0xffff  }
0xb8: {  	v7 =	vor.u32 $0xE, v0  }
0xb9: {  	v2 =	vadd.f32 v5, v2;
	v5 =	vld.idx.msk [tilespmem:v8+s2+$0x0], $0xffff  }
0xba: {  	v8 =	vor.u32 $0xF, v0  }
0xbb: {  	v2 =	vadd.f32 v3, v2;
	v3 =	vld.idx.msk [tilespmem:v6+s2+$0x0], $0xffff  }
0xbc: {  	v6 =	vor.u32 $0x10, v0  }
0xbd: {  	v2 =	vadd.f32 v4, v2;
	v4 =	vld.idx.msk [tilespmem:v7+s2+$0x0], $0xffff  }
0xbe: {  	v7 =	vor.u32 $0x11, v0  }
0xbf: {  	v2 =	vadd.f32 v5, v2;
	v5 =	vld.idx.msk [tilespmem:v8+s2+$0x0], $0xffff  }
0xc0: {  	v8 =	vor.u32 $0x12, v0  }
0xc1: {  	v2 =	vadd.f32 v3, v2;
	v3 =	vld.idx.msk [tilespmem:v6+s2+$0x0], $0xffff  }
0xc2: {  	v6 =	vor.u32 $0x13, v0  }
0xc3: {  	v2 =	vadd.f32 v4, v2;
	v4 =	vld.idx.msk [tilespmem:v7+s2+$0x0], $0xffff  }
0xc4: {  	v7 =	vor.u32 $0x14, v0  }
0xc5: {  	v2 =	vadd.f32 v5, v2;
	v5 =	vld.idx.msk [tilespmem:v8+s2+$0x0], $0xffff  }
0xc6: {  	v8 =	vor.u32 $0x15, v0  }
0xc7: {  	v2 =	vadd.f32 v3, v2;
	v3 =	vld.idx.msk [tilespmem:v6+s2+$0x0], $0xffff  }
0xc8: {  	v6 =	vor.u32 $0x16, v0  }
0xc9: {  	v2 =	vadd.f32 v4, v2;
	v4 =	vld.idx.msk [tilespmem:v7+s2+$0x0], $0xffff  }
0xca: {  	v7 =	vor.u32 $0x17, v0  }
0xcb: {  	v2 =	vadd.f32 v5, v2;
	v5 =	vld.idx.msk [tilespmem:v8+s2+$0x0], $0xffff  }
0xcc: {  	v8 =	vor.u32 $0x18, v0  }
0xcd: {  	v2 =	vadd.f32 v3, v2;
	v3 =	vld.idx.msk [tilespmem:v6+s2+$0x0], $0xffff  }
0xce: {  	v6 =	vor.u32 $0x19, v0  }
0xcf: {  	v2 =	vadd.f32 v4, v2;
	v4 =	vld.idx.msk [tilespmem:v7+s2+$0x0], $0xffff  }
0xd0: {  	v7 =	vor.u32 $0x1A, v0  }
0xd1: {  	v2 =	vadd.f32 v5, v2;
	v5 =	vld.idx.msk [tilespmem:v8+s2+$0x0], $0xffff  }
0xd2: {  	v8 =	vor.u32 $0x1B, v0  }
0xd3: {  	v2 =	vadd.f32 v3, v2;
	v3 =	vld.idx.msk [tilespmem:v6+s2+$0x0], $0xffff  }
0xd4: {  	v6 =	vor.u32 $0x1C, v0  }
0xd5: {  	v2 =	vadd.f32 v4, v2;
	v4 =	vld.idx.msk [tilespmem:v7+s2+$0x0], $0xffff  }
0xd6: {  	v7 =	vor.u32 $0x1D, v0  }
0xd7: {  	v2 =	vadd.f32 v5, v2;
	v5 =	vld.idx.msk [tilespmem:v8+s2+$0x0], $0xffff  }
0xd8: {  	v8 =	vor.u32 $0x1E, v0  }
0xd9: {  	v2 =	vadd.f32 v3, v2;
	v3 =	vld.idx.msk [tilespmem:v6+s2+$0x0], $0xffff  }
0xda: {  	v6 =	vor.u32 $0x1F, v0  }
0xdb: {  	v2 =	vadd.f32 v4, v2;
	v4 =	vld.idx.msk [tilespmem:v7+s2+$0x0], $0xffff  }
0xdc: {  	v7 =	vor.u32 $0x20, v0  }
0xdd: {  	v2 =	vadd.f32 v5, v2;
	v5 =	vld.idx.msk [tilespmem:v8+s2+$0x0], $0xffff  }
0xde: {  	v8 =	vor.u32 $0x21, v0  }
0xdf: {  	v2 =	vadd.f32 v3, v2;
	v3 =	vld.idx.msk [tilespmem:v6+s2+$0x0], $0xffff  }
0xe0: {  	v6 =	vor.u32 $0x22, v0  }
0xe1: {  	v2 =	vadd.f32 v4, v2;
	v4 =	vld.idx.msk [tilespmem:v7+s2+$0x0], $0xffff  }
0xe2: {  	v7 =	vor.u32 $0x23, v0  }
0xe3: {  	v2 =	vadd.f32 v5, v2;
	v5 =	vld.idx.msk [tilespmem:v8+s2+$0x0], $0xffff  }
0xe4: {  	v8 =	vor.u32 $0x24, v0  }
0xe5: {  	v2 =	vadd.f32 v3, v2;
	v3 =	vld.idx.msk [tilespmem:v6+s2+$0x0], $0xffff  }
0xe6: {  	v6 =	vor.u32 $0x25, v0  }
0xe7: {  	v2 =	vadd.f32 v4, v2;
	v4 =	vld.idx.msk [tilespmem:v7+s2+$0x0], $0xffff  }
0xe8: {  	v7 =	vor.u32 $0x26, v0  }
0xe9: {  	v2 =	vadd.f32 v5, v2;
	v5 =	vld.idx.msk [tilespmem:v8+s2+$0x0], $0xffff  }
0xea: {  	v8 =	vor.u32 $0x27, v0  }
0xeb: {  	v2 =	vadd.f32 v3, v2;
	v3 =	vld.idx.msk [tilespmem:v6+s2+$0x0], $0xffff  }
0xec: {  	v6 =	vor.u32 $0x28, v0  }
0xed: {  	v2 =	vadd.f32 v4, v2;
	v4 =	vld.idx.msk [tilespmem:v7+s2+$0x0], $0xffff  }
0xee: {  	v7 =	vor.u32 $0x29, v0  }
0xef: {  	v2 =	vadd.f32 v5, v2;
	v5 =	vld.idx.msk [tilespmem:v8+s2+$0x0], $0xffff  }
0xf0: {  	v8 =	vor.u32 $0x2A, v0  }
0xf1: {  	v2 =	vadd.f32 v3, v2;
	v3 =	vld.idx.msk [tilespmem:v6+s2+$0x0], $0xffff  }
0xf2: {  	v6 =	vor.u32 $0x2B, v0  }
0xf3: {  	v2 =	vadd.f32 v4, v2;
	v4 =	vld.idx.msk [tilespmem:v7+s2+$0x0], $0xffff  }
0xf4: {  	v7 =	vor.u32 $0x2C, v0  }
0xf5: {  	v2 =	vadd.f32 v5, v2;
	v5 =	vld.idx.msk [tilespmem:v8+s2+$0x0], $0xffff  }
0xf6: {  	v8 =	vor.u32 $0x2D, v0  }
0xf7: {  	v2 =	vadd.f32 v3, v2;
	v3 =	vld.idx.msk [tilespmem:v6+s2+$0x0], $0xffff  }
0xf8: {  	v6 =	vor.u32 $0x2E, v0  }
0xf9: {  	v2 =	vadd.f32 v4, v2;
	v4 =	vld.idx.msk [tilespmem:v7+s2+$0x0], $0xffff  }
0xfa: {  	v7 =	vor.u32 $0x2F, v0  }
0xfb: {  	v2 =	vadd.f32 v5, v2;
	v5 =	vld.idx.msk [tilespmem:v8+s2+$0x0], $0xffff  }
0xfc: {  	v8 =	vor.u32 $0x30, v0  }
0xfd: {  	v2 =	vadd.f32 v3, v2;
	v3 =	vld.idx.msk [tilespmem:v6+s2+$0x0], $0xffff  }
0xfe: {  	v6 =	vor.u32 $0x31, v0  }
0xff: {  	v2 =	vadd.f32 v4, v2;
	v4 =	vld.idx.msk [tilespmem:v7+s2+$0x0], $0xffff  }
0x100: {  	v7 =	vor.u32 $0x32, v0  }
0x101: {  	v2 =	vadd.f32 v5, v2;
	v5 =	vld.idx.msk [tilespmem:v8+s2+$0x0], $0xffff  }
0x102: {  	v8 =	vor.u32 $0x33, v0  }
0x103: {  	v2 =	vadd.f32 v3, v2;
	v3 =	vld.idx.msk [tilespmem:v6+s2+$0x0], $0xffff  }
0x104: {  	v6 =	vor.u32 $0x34, v0  }
0x105: {  	v2 =	vadd.f32 v4, v2;
	v4 =	vld.idx.msk [tilespmem:v7+s2+$0x0], $0xffff  }
0x106: {  	v7 =	vor.u32 $0x35, v0  }
0x107: {  	v2 =	vadd.f32 v5, v2;
	v5 =	vld.idx.msk [tilespmem:v8+s2+$0x0], $0xffff  }
0x108: {  	v8 =	vor.u32 $0x36, v0  }
0x109: {  	v2 =	vadd.f32 v3, v2;
	v3 =	vld.idx.msk [tilespmem:v6+s2+$0x0], $0xffff  }
0x10a: {  	v6 =	vor.u32 $0x37, v0  }
0x10b: {  	v2 =	vadd.f32 v4, v2;
	v4 =	vld.idx.msk [tilespmem:v7+s2+$0x0], $0xffff  }
0x10c: {  	v7 =	vor.u32 $0x38, v0  }
0x10d: {  	v2 =	vadd.f32 v5, v2;
	v5 =	vld.idx.msk [tilespmem:v8+s2+$0x0], $0xffff  }
0x10e: {  	v8 =	vor.u32 $0x39, v0  }
0x10f: {  	v2 =	vadd.f32 v3, v2;
	v3 =	vld.idx.msk [tilespmem:v6+s2+$0x0], $0xffff  }
0x110: {  	v6 =	vor.u32 $0x3A, v0  }
0x111: {  	v2 =	vadd.f32 v4, v2;
	v4 =	vld.idx.msk [tilespmem:v7+s2+$0x0], $0xffff  }
0x112: {  	v7 =	vor.u32 $0x3B, v0  }
0x113: {  	v2 =	vadd.f32 v5, v2;
	v5 =	vld.idx.msk [tilespmem:v8+s2+$0x0], $0xffff  }
0x114: {  	v8 =	vor.u32 $0x3C, v0  }
0x115: {  	v2 =	vadd.f32 v3, v2;
	v3 =	vld.idx.msk [tilespmem:v6+s2+$0x0], $0xffff  }
0x116: {  	v6 =	vor.u32 $0x3D, v0  }
0x117: {  	v2 =	vadd.f32 v4, v2;
	v4 =	vld.idx.msk [tilespmem:v7+s2+$0x0], $0xffff  }
0x118: {  	v7 =	vor.u32 $0x3E, v0  }
0x119: {  	v2 =	vadd.f32 v5, v2;
	v5 =	vld.idx.msk [tilespmem:v8+s2+$0x0], $0xffff  }
0x11a: {  	v0 =	vor.u32 $0x3F, v0  }
0x11b: {  	v2 =	vadd.f32 v3, v2;
	v3 =	vld.idx.msk [tilespmem:v6+s2+$0x0], $0xffff;
	_ =	sdelay $0x1  }
0x11c: {  	v2 =	vadd.f32 v4, v2;
	v4 =	vld.idx.msk [tilespmem:v7+s2+$0x0], $0xffff;
	_ =	sdelay $0x1  }
0x11d: {  	v2 =	vadd.f32 v5, v2;
	v5 =	vld.idx.msk [tilespmem:v0+s2+$0x0], $0xffff;
	_ =	sdelay $0x1  }
.Ltmp2:
0x11e: {  	v0 =	vadd.f32 v3, v2;
	(pc) =	sbr.rel @p1 .LBB2_3-.Ltmp2, $4  }
0x11f: {  	_ = 	snop  }
0x120: {  	v2 =	vadd.f32 v4, v0  }
0x121: {  	v1 =	vadd.s32 $0x10, v1  }
0x122: {  	s25 =	sadd.s32 $0x40, s25;
	v0 =	vshll.u32 v1, $0x7;
	v2 =	vadd.f32 v5, v2  }
0x123: {  	_ = 	snop  }
0x124: {  	v1 =	vor.u32 $0x1, v0;
	v2 =	vmul.f32 $1.562500000e-02, v2  }
0x125: {  	s24 =	sshra.s32 s24, $0x2  }
0x126: {  	v3 =	vor.u32 $0x2, v0;
	[tilespmem:s24+$0x10000] =	vst v2  }
0x127: {  	v2 =	vld.idx.msk [tilespmem:v0+s2+$0x0], $0xffff  }
0x128: {  	v4 =	vor.u32 $0x3, v0  }
0x129: {  	v1 =	vld.idx.msk [tilespmem:v1+s2+$0x0], $0xffff  }
0x12a: {  	v5 =	vor.u32 $0x4, v0  }
0x12b: {  	v3 =	vld.idx.msk [tilespmem:v3+s2+$0x0], $0xffff  }
0x12c: {  	v6 =	vor.u32 $0x5, v0;
	v2 =	vadd.f32 $0.0e+00, v2  }
0x12d: {  	v4 =	vld.idx.msk [tilespmem:v4+s2+$0x0], $0xffff  }
0x12e: {  	v7 =	vor.u32 $0x6, v0;
	v1 =	vadd.f32 v1, v2  }
0x12f: {  	v2 =	vld.idx.msk [tilespmem:v5+s2+$0x0], $0xffff  }
0x130: {  	v51 =	vor.u32 $0x7, v0;
	v1 =	vadd.f32 v3, v1  }
0x131: {  	v3 =	vld.idx.msk [tilespmem:v6+s2+$0x0], $0xffff  }
0x132: {  	v52 =	vor.u32 $0x8, v0;
	v1 =	vadd.f32 v4, v1  }
0x133: {  	v53 =	vld.idx.msk [tilespmem:v7+s2+$0x0], $0xffff  }
0x134: {  	v54 =	vor.u32 $0x9, v0;
	v1 =	vadd.f32 v2, v1  }
0x135: {  	v2 =	vld.idx.msk [tilespmem:v51+s2+$0x0], $0xffff  }
0x136: {  	v55 =	vor.u32 $0xA, v0;
	v1 =	vadd.f32 v3, v1  }
0x137: {  	v3 =	vld.idx.msk [tilespmem:v52+s2+$0x0], $0xffff  }
0x138: {  	v56 =	vor.u32 $0xB, v0;
	v1 =	vadd.f32 v53, v1  }
0x139: {  	v57 =	vld.idx.msk [tilespmem:v54+s2+$0x0], $0xffff  }
0x13a: {  	v58 =	vor.u32 $0xC, v0;
	v1 =	vadd.f32 v2, v1  }
0x13b: {  	v2 =	vld.idx.msk [tilespmem:v55+s2+$0x0], $0xffff  }
0x13c: {  	v59 =	vor.u32 $0xD, v0;
	v1 =	vadd.f32 v3, v1  }
0x13d: {  	v3 =	vld.idx.msk [tilespmem:v56+s2+$0x0], $0xffff  }
0x13e: {  	v60 =	vor.u32 $0xE, v0;
	v1 =	vadd.f32 v57, v1  }
0x13f: {  	v61 =	vld.idx.msk [tilespmem:v58+s2+$0x0], $0xffff  }
0x140: {  	v62 =	vor.u32 $0xF, v0;
	v1 =	vadd.f32 v2, v1  }
0x141: {  	v2 =	vld.idx.msk [tilespmem:v59+s2+$0x0], $0xffff  }
0x142: {  	v63 =	vor.u32 $0x10, v0;
	v1 =	vadd.f32 v3, v1  }
0x143: {  	v3 =	vld.idx.msk [tilespmem:v60+s2+$0x0], $0xffff  }
0x144: {  	v9 =	vor.u32 $0x11, v0;
	v1 =	vadd.f32 v61, v1  }
0x145: {  	v10 =	vld.idx.msk [tilespmem:v62+s2+$0x0], $0xffff  }
0x146: {  	v11 =	vor.u32 $0x12, v0;
	v1 =	vadd.f32 v2, v1  }
0x147: {  	v2 =	vld.idx.msk [tilespmem:v63+s2+$0x0], $0xffff  }
0x148: {  	v12 =	vor.u32 $0x13, v0;
	v1 =	vadd.f32 v3, v1  }
0x149: {  	v3 =	vld.idx.msk [tilespmem:v9+s2+$0x0], $0xffff  }
0x14a: {  	v13 =	vor.u32 $0x14, v0;
	v1 =	vadd.f32 v10, v1  }
0x14b: {  	v14 =	vld.idx.msk [tilespmem:v11+s2+$0x0], $0xffff  }
0x14c: {  	v15 =	vor.u32 $0x15, v0;
	v1 =	vadd.f32 v2, v1  }
0x14d: {  	v2 =	vld.idx.msk [tilespmem:v12+s2+$0x0], $0xffff  }
0x14e: {  	v16 =	vor.u32 $0x16, v0;
	v1 =	vadd.f32 v3, v1  }
0x14f: {  	v3 =	vld.idx.msk [tilespmem:v13+s2+$0x0], $0xffff  }
0x150: {  	v17 =	vor.u32 $0x17, v0;
	v1 =	vadd.f32 v14, v1  }
0x151: {  	v18 =	vld.idx.msk [tilespmem:v15+s2+$0x0], $0xffff  }
0x152: {  	v19 =	vor.u32 $0x18, v0;
	v1 =	vadd.f32 v2, v1  }
0x153: {  	v2 =	vld.idx.msk [tilespmem:v16+s2+$0x0], $0xffff  }
0x154: {  	v20 =	vor.u32 $0x19, v0;
	v1 =	vadd.f32 v3, v1  }
0x155: {  	v3 =	vld.idx.msk [tilespmem:v17+s2+$0x0], $0xffff  }
0x156: {  	v21 =	vor.u32 $0x1A, v0;
	v1 =	vadd.f32 v18, v1  }
0x157: {  	v22 =	vld.idx.msk [tilespmem:v19+s2+$0x0], $0xffff  }
0x158: {  	v23 =	vor.u32 $0x1B, v0;
	v1 =	vadd.f32 v2, v1  }
0x159: {  	v2 =	vld.idx.msk [tilespmem:v20+s2+$0x0], $0xffff  }
0x15a: {  	v24 =	vor.u32 $0x1C, v0;
	v1 =	vadd.f32 v3, v1  }
0x15b: {  	v3 =	vld.idx.msk [tilespmem:v21+s2+$0x0], $0xffff  }
0x15c: {  	v25 =	vor.u32 $0x1D, v0;
	v1 =	vadd.f32 v22, v1  }
0x15d: {  	v26 =	vld.idx.msk [tilespmem:v23+s2+$0x0], $0xffff  }
0x15e: {  	v27 =	vor.u32 $0x1E, v0;
	v1 =	vadd.f32 v2, v1  }
0x15f: {  	v2 =	vld.idx.msk [tilespmem:v24+s2+$0x0], $0xffff  }
0x160: {  	v28 =	vor.u32 $0x1F, v0;
	v1 =	vadd.f32 v3, v1  }
0x161: {  	v3 =	vld.idx.msk [tilespmem:v25+s2+$0x0], $0xffff  }
0x162: {  	v29 =	vor.u32 $0x20, v0;
	v1 =	vadd.f32 v26, v1  }
0x163: {  	v30 =	vld.idx.msk [tilespmem:v27+s2+$0x0], $0xffff  }
0x164: {  	v31 =	vor.u32 $0x21, v0;
	v1 =	vadd.f32 v2, v1  }
0x165: {  	v2 =	vld.idx.msk [tilespmem:v28+s2+$0x0], $0xffff  }
0x166: {  	v32 =	vor.u32 $0x22, v0;
	v1 =	vadd.f32 v3, v1  }
0x167: {  	v3 =	vld.idx.msk [tilespmem:v29+s2+$0x0], $0xffff  }
0x168: {  	v33 =	vor.u32 $0x23, v0;
	v1 =	vadd.f32 v30, v1  }
0x169: {  	v34 =	vld.idx.msk [tilespmem:v31+s2+$0x0], $0xffff  }
0x16a: {  	v35 =	vor.u32 $0x24, v0;
	v1 =	vadd.f32 v2, v1  }
0x16b: {  	v2 =	vld.idx.msk [tilespmem:v32+s2+$0x0], $0xffff  }
0x16c: {  	v36 =	vor.u32 $0x25, v0;
	v1 =	vadd.f32 v3, v1  }
0x16d: {  	v3 =	vld.idx.msk [tilespmem:v33+s2+$0x0], $0xffff  }
0x16e: {  	v37 =	vor.u32 $0x26, v0;
	v1 =	vadd.f32 v34, v1  }
0x16f: {  	v38 =	vld.idx.msk [tilespmem:v35+s2+$0x0], $0xffff  }
0x170: {  	v39 =	vor.u32 $0x27, v0;
	v1 =	vadd.f32 v2, v1  }
0x171: {  	v2 =	vld.idx.msk [tilespmem:v36+s2+$0x0], $0xffff  }
0x172: {  	v40 =	vor.u32 $0x28, v0;
	v1 =	vadd.f32 v3, v1  }
0x173: {  	v3 =	vld.idx.msk [tilespmem:v37+s2+$0x0], $0xffff  }
0x174: {  	v41 =	vor.u32 $0x29, v0;
	v1 =	vadd.f32 v38, v1  }
0x175: {  	v42 =	vld.idx.msk [tilespmem:v39+s2+$0x0], $0xffff  }
0x176: {  	v43 =	vor.u32 $0x2A, v0;
	v1 =	vadd.f32 v2, v1  }
0x177: {  	v2 =	vld.idx.msk [tilespmem:v40+s2+$0x0], $0xffff  }
0x178: {  	v44 =	vor.u32 $0x2B, v0;
	v1 =	vadd.f32 v3, v1  }
0x179: {  	v3 =	vld.idx.msk [tilespmem:v41+s2+$0x0], $0xffff  }
0x17a: {  	v45 =	vor.u32 $0x2C, v0;
	v1 =	vadd.f32 v42, v1  }
0x17b: {  	v46 =	vld.idx.msk [tilespmem:v43+s2+$0x0], $0xffff  }
0x17c: {  	v47 =	vor.u32 $0x2D, v0;
	v1 =	vadd.f32 v2, v1  }
0x17d: {  	v2 =	vld.idx.msk [tilespmem:v44+s2+$0x0], $0xffff  }
0x17e: {  	v48 =	vor.u32 $0x2E, v0;
	v1 =	vadd.f32 v3, v1  }
0x17f: {  	v3 =	vld.idx.msk [tilespmem:v45+s2+$0x0], $0xffff  }
0x180: {  	v49 =	vor.u32 $0x2F, v0;
	v1 =	vadd.f32 v46, v1  }
0x181: {  	v50 =	vld.idx.msk [tilespmem:v47+s2+$0x0], $0xffff  }
0x182: {  	v51 =	vor.u32 $0x30, v0;
	v1 =	vadd.f32 v2, v1  }
0x183: {  	v2 =	vld.idx.msk [tilespmem:v48+s2+$0x0], $0xffff  }
0x184: {  	v52 =	vor.u32 $0x31, v0;
	v1 =	vadd.f32 v3, v1  }
0x185: {  	v3 =	vld.idx.msk [tilespmem:v49+s2+$0x0], $0xffff  }
0x186: {  	v53 =	vor.u32 $0x32, v0;
	v1 =	vadd.f32 v50, v1  }
0x187: {  	v54 =	vld.idx.msk [tilespmem:v51+s2+$0x0], $0xffff  }
0x188: {  	v55 =	vor.u32 $0x33, v0;
	v1 =	vadd.f32 v2, v1  }
0x189: {  	v2 =	vld.idx.msk [tilespmem:v52+s2+$0x0], $0xffff  }
0x18a: {  	v56 =	vor.u32 $0x34, v0;
	v1 =	vadd.f32 v3, v1  }
0x18b: {  	v3 =	vld.idx.msk [tilespmem:v53+s2+$0x0], $0xffff  }
0x18c: {  	v57 =	vor.u32 $0x35, v0;
	v1 =	vadd.f32 v54, v1  }
0x18d: {  	v58 =	vld.idx.msk [tilespmem:v55+s2+$0x0], $0xffff  }
0x18e: {  	v59 =	vor.u32 $0x36, v0;
	v1 =	vadd.f32 v2, v1  }
0x18f: {  	v2 =	vld.idx.msk [tilespmem:v56+s2+$0x0], $0xffff  }
0x190: {  	v60 =	vor.u32 $0x37, v0;
	v1 =	vadd.f32 v3, v1  }
0x191: {  	v3 =	vld.idx.msk [tilespmem:v57+s2+$0x0], $0xffff  }
0x192: {  	v61 =	vor.u32 $0x38, v0;
	v1 =	vadd.f32 v58, v1  }
0x193: {  	v62 =	vld.idx.msk [tilespmem:v59+s2+$0x0], $0xffff  }
0x194: {  	v63 =	vor.u32 $0x39, v0;
	v1 =	vadd.f32 v2, v1  }
0x195: {  	v2 =	vld.idx.msk [tilespmem:v60+s2+$0x0], $0xffff  }
0x196: {  	v9 =	vor.u32 $0x3A, v0;
	v1 =	vadd.f32 v3, v1  }
0x197: {  	v3 =	vld.idx.msk [tilespmem:v61+s2+$0x0], $0xffff  }
0x198: {  	v10 =	vor.u32 $0x3B, v0;
	v1 =	vadd.f32 v62, v1  }
0x199: {  	v11 =	vld.idx.msk [tilespmem:v63+s2+$0x0], $0xffff  }
0x19a: {  	v12 =	vor.u32 $0x3C, v0;
	v1 =	vadd.f32 v2, v1  }
0x19b: {  	v2 =	vld.idx.msk [tilespmem:v9+s2+$0x0], $0xffff  }
0x19c: {  	v13 =	vor.u32 $0x3D, v0;
	v1 =	vadd.f32 v3, v1  }
0x19d: {  	v3 =	vld.idx.msk [tilespmem:v10+s2+$0x0], $0xffff  }
0x19e: {  	v14 =	vor.u32 $0x3E, v0;
	v1 =	vadd.f32 v11, v1  }
0x19f: {  	v15 =	vld.idx.msk [tilespmem:v12+s2+$0x0], $0xffff  }
0x1a0: {  	v0 =	vor.u32 $0x3F, v0;
	v1 =	vadd.f32 v2, v1  }
0x1a1: {  	v2 =	vld.idx.msk [tilespmem:v13+s2+$0x0], $0xffff  }
0x1a2: {  	v1 =	vadd.f32 v3, v1  }
0x1a3: {  	v3 =	vld.idx.msk [tilespmem:v14+s2+$0x0], $0xffff  }
0x1a4: {  	v1 =	vadd.f32 v15, v1  }
0x1a5: {  	v0 =	vld.idx.msk [tilespmem:v0+s2+$0x0], $0xffff  }
0x1a6: {  	v1 =	vadd.f32 v2, v1;
	_ =	sdelay $0x1  }
0x1a7: {  	v1 =	vadd.f32 v3, v1;
	_ =	sdelay $0x1  }
0x1a8: {  	v0 =	vadd.f32 v0, v1  }
0x1a9: {  	s24 =	sshll.u32 s22, $0x9  }
0x1aa: {  	s25 =	sadd.s32 s6, s24;
	v0 =	vmul.f32 $1.562500000e-02, v0  }
0x1ab: {  	s23 =	sshra.s32 s23, $0x2;
	s25 =	sshrl.u32 s25, $0x3  }
0x1ac: {  	s25 =	sadd.s32 s4, s25;
	[tilespmem:s23+$0x10000] =	vst v0;
	s23 =	sshll.u32 s22, $0x1  }
0x1ad: {  	[hbm4b:s25+s2] =	stream.linear.scatter [tilespmem:s17], [sflag:$0x3], $0x100, $0x38;
	[tilespmem:$0x10200] =	vst v63  }
0x1ae: {  	s25 =	sadd.s32 $0x2, s23  }
0x1af: {  	p1 =	sge.u32 s25, s8  }
0x1b0: {  	s25 =	sshll.u32 @!p1 s25, $0xF  }
0x1b1: {  	_ =	swait.ge [sflag:s18], $0x100;
	s25 =	sadd.s32 @!p1 s10, s25  }
0x1b2: {  	v0 =	vlaneseq.u32;
	[sflag:s18] =	ssyncset.done $0x0;
	s25 =	sshrl.u32 @!p1 s25, $0x3  }
0x1b3: {  	v1 =	vshll.u32 v0, $0x7;
	s26 =	simm.s32 @!p1 $0x0;
	[sflag:s18] =	ssyncadd.s32 $0xFFFFFF00;
	s25 =	sadd.s32 @!p1 s3, s25  }
0x1b4: {  	[tilespmem:s26], [sflag:$0x1] =	stream.linear.gather @!p1 [hbm4b:s25+s26], $0x8000, $0x38;
	[tilespmem:$0x10200] =	vst v63  }
0x1b5: {  	v2 =	vor.u32 $0x1, v1;
	_ =	swait.ge [sflag:s19], $0x8000  }
0x1b6: {  	[sflag:s19] =	ssyncset.done $0x0  }
0x1b7: {  	v3 =	vor.u32 $0x2, v1;
	[sflag:s19] =	ssyncadd.s32 $0xFFFF8000  }
0x1b8: {  	v16 =	vld.idx.msk [tilespmem:v1+s15+$0x0], $0xffff  }
0x1b9: {  	v17 =	vor.u32 $0x3, v1  }
0x1ba: {  	v2 =	vld.idx.msk [tilespmem:v2+s15+$0x0], $0xffff  }
0x1bb: {  	v18 =	vor.u32 $0x4, v1  }
0x1bc: {  	v3 =	vld.idx.msk [tilespmem:v3+s15+$0x0], $0xffff  }
0x1bd: {  	v19 =	vor.u32 $0x5, v1;
	v4 =	vadd.f32 $0.0e+00, v16  }
0x1be: {  	v5 =	vld.idx.msk [tilespmem:v17+s15+$0x0], $0xffff  }
0x1bf: {  	v8 =	vor.u32 $0x6, v1;
	v2 =	vadd.f32 v2, v4  }
0x1c0: {  	v20 =	vld.idx.msk [tilespmem:v18+s15+$0x0], $0xffff  }
0x1c1: {  	v21 =	vor.u32 $0x7, v1;
	v2 =	vadd.f32 v3, v2  }
0x1c2: {  	v3 =	vld.idx.msk [tilespmem:v19+s15+$0x0], $0xffff  }
0x1c3: {  	v22 =	vor.u32 $0x8, v1;
	v2 =	vadd.f32 v5, v2  }
0x1c4: {  	v23 =	vld.idx.msk [tilespmem:v8+s15+$0x0], $0xffff  }
0x1c5: {  	v24 =	vor.u32 $0x9, v1;
	v2 =	vadd.f32 v20, v2  }
0x1c6: {  	v25 =	vld.idx.msk [tilespmem:v21+s15+$0x0], $0xffff  }
0x1c7: {  	v26 =	vor.u32 $0xA, v1;
	v2 =	vadd.f32 v3, v2  }
0x1c8: {  	v3 =	vld.idx.msk [tilespmem:v22+s15+$0x0], $0xffff  }
0x1c9: {  	v27 =	vor.u32 $0xB, v1;
	v2 =	vadd.f32 v23, v2  }
0x1ca: {  	v28 =	vld.idx.msk [tilespmem:v24+s15+$0x0], $0xffff  }
0x1cb: {  	v29 =	vor.u32 $0xC, v1;
	v2 =	vadd.f32 v25, v2  }
0x1cc: {  	v30 =	vld.idx.msk [tilespmem:v26+s15+$0x0], $0xffff  }
0x1cd: {  	v31 =	vor.u32 $0xD, v1;
	v2 =	vadd.f32 v3, v2  }
0x1ce: {  	v3 =	vld.idx.msk [tilespmem:v27+s15+$0x0], $0xffff  }
0x1cf: {  	v32 =	vor.u32 $0xE, v1;
	v2 =	vadd.f32 v28, v2  }
0x1d0: {  	v33 =	vld.idx.msk [tilespmem:v29+s15+$0x0], $0xffff  }
0x1d1: {  	v34 =	vor.u32 $0xF, v1;
	v2 =	vadd.f32 v30, v2  }
0x1d2: {  	v35 =	vld.idx.msk [tilespmem:v31+s15+$0x0], $0xffff  }
0x1d3: {  	v36 =	vor.u32 $0x10, v1;
	v2 =	vadd.f32 v3, v2  }
0x1d4: {  	v3 =	vld.idx.msk [tilespmem:v32+s15+$0x0], $0xffff  }
0x1d5: {  	v37 =	vor.u32 $0x11, v1;
	v2 =	vadd.f32 v33, v2  }
0x1d6: {  	v38 =	vld.idx.msk [tilespmem:v34+s15+$0x0], $0xffff  }
0x1d7: {  	v39 =	vor.u32 $0x12, v1;
	v2 =	vadd.f32 v35, v2  }
0x1d8: {  	v40 =	vld.idx.msk [tilespmem:v36+s15+$0x0], $0xffff  }
0x1d9: {  	v41 =	vor.u32 $0x13, v1;
	v2 =	vadd.f32 v3, v2  }
0x1da: {  	v3 =	vld.idx.msk [tilespmem:v37+s15+$0x0], $0xffff  }
0x1db: {  	v42 =	vor.u32 $0x14, v1;
	v2 =	vadd.f32 v38, v2  }
0x1dc: {  	v43 =	vld.idx.msk [tilespmem:v39+s15+$0x0], $0xffff  }
0x1dd: {  	v44 =	vor.u32 $0x15, v1;
	v2 =	vadd.f32 v40, v2  }
0x1de: {  	v45 =	vld.idx.msk [tilespmem:v41+s15+$0x0], $0xffff  }
0x1df: {  	v46 =	vor.u32 $0x16, v1;
	v2 =	vadd.f32 v3, v2  }
0x1e0: {  	v3 =	vld.idx.msk [tilespmem:v42+s15+$0x0], $0xffff  }
0x1e1: {  	v47 =	vor.u32 $0x17, v1;
	v2 =	vadd.f32 v43, v2  }
0x1e2: {  	v48 =	vld.idx.msk [tilespmem:v44+s15+$0x0], $0xffff  }
0x1e3: {  	v49 =	vor.u32 $0x18, v1;
	v2 =	vadd.f32 v45, v2  }
0x1e4: {  	v50 =	vld.idx.msk [tilespmem:v46+s15+$0x0], $0xffff  }
0x1e5: {  	v51 =	vor.u32 $0x19, v1;
	v2 =	vadd.f32 v3, v2  }
0x1e6: {  	v3 =	vld.idx.msk [tilespmem:v47+s15+$0x0], $0xffff  }
0x1e7: {  	v52 =	vor.u32 $0x1A, v1;
	v2 =	vadd.f32 v48, v2  }
0x1e8: {  	v53 =	vld.idx.msk [tilespmem:v49+s15+$0x0], $0xffff  }
0x1e9: {  	v54 =	vor.u32 $0x1B, v1;
	v2 =	vadd.f32 v50, v2  }
0x1ea: {  	v55 =	vld.idx.msk [tilespmem:v51+s15+$0x0], $0xffff  }
0x1eb: {  	v56 =	vor.u32 $0x1C, v1;
	v2 =	vadd.f32 v3, v2  }
0x1ec: {  	v3 =	vld.idx.msk [tilespmem:v52+s15+$0x0], $0xffff  }
0x1ed: {  	v57 =	vor.u32 $0x1D, v1;
	v2 =	vadd.f32 v53, v2  }
0x1ee: {  	v58 =	vld.idx.msk [tilespmem:v54+s15+$0x0], $0xffff  }
0x1ef: {  	v59 =	vor.u32 $0x1E, v1;
	v2 =	vadd.f32 v55, v2  }
0x1f0: {  	v60 =	vld.idx.msk [tilespmem:v56+s15+$0x0], $0xffff  }
0x1f1: {  	v61 =	vor.u32 $0x1F, v1;
	v2 =	vadd.f32 v3, v2  }
0x1f2: {  	v3 =	vld.idx.msk [tilespmem:v57+s15+$0x0], $0xffff  }
0x1f3: {  	v62 =	vor.u32 $0x20, v1;
	v2 =	vadd.f32 v58, v2  }
0x1f4: {  	v63 =	vld.idx.msk [tilespmem:v59+s15+$0x0], $0xffff  }
0x1f5: {  	v12 =	vor.u32 $0x21, v1;
	v2 =	vadd.f32 v60, v2  }
0x1f6: {  	v13 =	vld.idx.msk [tilespmem:v61+s15+$0x0], $0xffff  }
0x1f7: {  	v14 =	vor.u32 $0x22, v1;
	v2 =	vadd.f32 v3, v2  }
0x1f8: {  	v3 =	vld.idx.msk [tilespmem:v62+s15+$0x0], $0xffff  }
0x1f9: {  	v15 =	vor.u32 $0x23, v1;
	v2 =	vadd.f32 v63, v2  }
0x1fa: {  	v16 =	vld.idx.msk [tilespmem:v12+s15+$0x0], $0xffff  }
0x1fb: {  	v17 =	vor.u32 $0x24, v1;
	v2 =	vadd.f32 v13, v2  }
0x1fc: {  	v18 =	vld.idx.msk [tilespmem:v14+s15+$0x0], $0xffff  }
0x1fd: {  	v19 =	vor.u32 $0x25, v1;
	v2 =	vadd.f32 v3, v2  }
0x1fe: {  	v3 =	vld.idx.msk [tilespmem:v15+s15+$0x0], $0xffff  }
0x1ff: {  	v20 =	vor.u32 $0x26, v1;
	v2 =	vadd.f32 v16, v2  }
0x200: {  	v21 =	vld.idx.msk [tilespmem:v17+s15+$0x0], $0xffff  }
0x201: {  	v22 =	vor.u32 $0x27, v1;
	v2 =	vadd.f32 v18, v2  }
0x202: {  	v23 =	vld.idx.msk [tilespmem:v19+s15+$0x0], $0xffff  }
0x203: {  	v24 =	vor.u32 $0x28, v1;
	v2 =	vadd.f32 v3, v2  }
0x204: {  	v3 =	vld.idx.msk [tilespmem:v20+s15+$0x0], $0xffff  }
0x205: {  	v25 =	vor.u32 $0x29, v1;
	v2 =	vadd.f32 v21, v2  }
0x206: {  	v26 =	vld.idx.msk [tilespmem:v22+s15+$0x0], $0xffff  }
0x207: {  	v27 =	vor.u32 $0x2A, v1;
	v2 =	vadd.f32 v23, v2  }
0x208: {  	v28 =	vld.idx.msk [tilespmem:v24+s15+$0x0], $0xffff  }
0x209: {  	v29 =	vor.u32 $0x2B, v1;
	v2 =	vadd.f32 v3, v2  }
0x20a: {  	v3 =	vld.idx.msk [tilespmem:v25+s15+$0x0], $0xffff  }
0x20b: {  	v30 =	vor.u32 $0x2C, v1;
	v2 =	vadd.f32 v26, v2  }
0x20c: {  	v31 =	vld.idx.msk [tilespmem:v27+s15+$0x0], $0xffff  }
0x20d: {  	v32 =	vor.u32 $0x2D, v1;
	v2 =	vadd.f32 v28, v2  }
0x20e: {  	v33 =	vld.idx.msk [tilespmem:v29+s15+$0x0], $0xffff  }
0x20f: {  	v34 =	vor.u32 $0x2E, v1;
	v2 =	vadd.f32 v3, v2  }
0x210: {  	v3 =	vld.idx.msk [tilespmem:v30+s15+$0x0], $0xffff  }
0x211: {  	v35 =	vor.u32 $0x2F, v1;
	v2 =	vadd.f32 v31, v2  }
0x212: {  	v36 =	vld.idx.msk [tilespmem:v32+s15+$0x0], $0xffff  }
0x213: {  	v37 =	vor.u32 $0x30, v1;
	v2 =	vadd.f32 v33, v2  }
0x214: {  	v38 =	vld.idx.msk [tilespmem:v34+s15+$0x0], $0xffff  }
0x215: {  	v39 =	vor.u32 $0x31, v1;
	v2 =	vadd.f32 v3, v2  }
0x216: {  	v3 =	vld.idx.msk [tilespmem:v35+s15+$0x0], $0xffff  }
0x217: {  	v40 =	vor.u32 $0x32, v1;
	v2 =	vadd.f32 v36, v2  }
0x218: {  	v41 =	vld.idx.msk [tilespmem:v37+s15+$0x0], $0xffff  }
0x219: {  	v42 =	vor.u32 $0x33, v1;
	v2 =	vadd.f32 v38, v2  }
0x21a: {  	v43 =	vld.idx.msk [tilespmem:v39+s15+$0x0], $0xffff  }
0x21b: {  	v44 =	vor.u32 $0x34, v1;
	v2 =	vadd.f32 v3, v2  }
0x21c: {  	v3 =	vld.idx.msk [tilespmem:v40+s15+$0x0], $0xffff  }
0x21d: {  	v45 =	vor.u32 $0x35, v1;
	v2 =	vadd.f32 v41, v2  }
0x21e: {  	v46 =	vld.idx.msk [tilespmem:v42+s15+$0x0], $0xffff  }
0x21f: {  	v47 =	vor.u32 $0x36, v1;
	v2 =	vadd.f32 v43, v2  }
0x220: {  	v48 =	vld.idx.msk [tilespmem:v44+s15+$0x0], $0xffff  }
0x221: {  	v49 =	vor.u32 $0x37, v1;
	v2 =	vadd.f32 v3, v2  }
0x222: {  	v3 =	vld.idx.msk [tilespmem:v45+s15+$0x0], $0xffff  }
0x223: {  	v50 =	vor.u32 $0x38, v1;
	v2 =	vadd.f32 v46, v2  }
0x224: {  	v51 =	vld.idx.msk [tilespmem:v47+s15+$0x0], $0xffff  }
0x225: {  	v52 =	vor.u32 $0x39, v1;
	v2 =	vadd.f32 v48, v2  }
0x226: {  	v53 =	vld.idx.msk [tilespmem:v49+s15+$0x0], $0xffff  }
0x227: {  	v54 =	vor.u32 $0x3A, v1;
	v2 =	vadd.f32 v3, v2  }
0x228: {  	v3 =	vld.idx.msk [tilespmem:v50+s15+$0x0], $0xffff  }
0x229: {  	v55 =	vor.u32 $0x3B, v1;
	v2 =	vadd.f32 v51, v2  }
0x22a: {  	v56 =	vld.idx.msk [tilespmem:v52+s15+$0x0], $0xffff  }
0x22b: {  	v57 =	vor.u32 $0x3C, v1;
	v2 =	vadd.f32 v53, v2  }
0x22c: {  	v58 =	vld.idx.msk [tilespmem:v54+s15+$0x0], $0xffff  }
0x22d: {  	v59 =	vor.u32 $0x3D, v1;
	v2 =	vadd.f32 v3, v2  }
0x22e: {  	v3 =	vld.idx.msk [tilespmem:v55+s15+$0x0], $0xffff  }
0x22f: {  	v60 =	vor.u32 $0x3E, v1;
	v2 =	vadd.f32 v56, v2  }
0x230: {  	v61 =	vld.idx.msk [tilespmem:v57+s15+$0x0], $0xffff  }
0x231: {  	v1 =	vor.u32 $0x3F, v1;
	v2 =	vadd.f32 v58, v2  }
0x232: {  	v62 =	vld.idx.msk [tilespmem:v59+s15+$0x0], $0xffff  }
0x233: {  	v2 =	vadd.f32 v3, v2  }
0x234: {  	v3 =	vld.idx.msk [tilespmem:v60+s15+$0x0], $0xffff  }
0x235: {  	v2 =	vadd.f32 v61, v2  }
0x236: {  	v63 =	vld.idx.msk [tilespmem:v1+s15+$0x0], $0xffff  }
0x237: {  	v1 =	vadd.f32 v62, v2;
	_ =	sdelay $0x1  }
0x238: {  	v2 =	vadd.f32 v3, v1  }
0x239: {  	v1 =	vadd.s32 $0x10, v0  }
0x23a: {  	s28 =	simm.s32 $0x80;
	s26 =	simm.s32 $0x0;
	s25 =	simm.s32 $0x40;
	v0 =	vshll.u32 v1, $0x7;
	v2 =	vadd.f32 v63, v2  }
.LBB2_5:
0x23b: {  	p1 =	sne.s32 s28, $0x3C0  }
0x23c: {  	v3 =	vor.u32 $0x1, v0;
	v2 =	vmul.f32 $1.562500000e-02, v2  }
0x23d: {  	s29 =	sshra.s32 s26, $0x2;
	s26 =	smov.u32 s25;
	s25 =	smov.u32 s28  }
0x23e: {  	v4 =	vor.u32 $0x2, v0;
	[tilespmem:s29+$0x10100] =	vst v2  }
0x23f: {  	v2 =	vld.idx.msk [tilespmem:v0+s15+$0x0], $0xffff  }
0x240: {  	v5 =	vor.u32 $0x3, v0  }
0x241: {  	v3 =	vld.idx.msk [tilespmem:v3+s15+$0x0], $0xffff  }
0x242: {  	v6 =	vor.u32 $0x4, v0  }
0x243: {  	v4 =	vld.idx.msk [tilespmem:v4+s15+$0x0], $0xffff  }
0x244: {  	v7 =	vor.u32 $0x5, v0  }
0x245: {  	v2 =	vadd.f32 $0.0e+00, v2;
	v5 =	vld.idx.msk [tilespmem:v5+s15+$0x0], $0xffff  }
0x246: {  	v8 =	vor.u32 $0x6, v0  }
0x247: {  	v2 =	vadd.f32 v3, v2;
	v3 =	vld.idx.msk [tilespmem:v6+s15+$0x0], $0xffff  }
0x248: {  	v6 =	vor.u32 $0x7, v0  }
0x249: {  	v2 =	vadd.f32 v4, v2;
	v4 =	vld.idx.msk [tilespmem:v7+s15+$0x0], $0xffff  }
0x24a: {  	v7 =	vor.u32 $0x8, v0  }
0x24b: {  	v2 =	vadd.f32 v5, v2;
	v5 =	vld.idx.msk [tilespmem:v8+s15+$0x0], $0xffff  }
0x24c: {  	v8 =	vor.u32 $0x9, v0  }
0x24d: {  	v2 =	vadd.f32 v3, v2;
	v3 =	vld.idx.msk [tilespmem:v6+s15+$0x0], $0xffff  }
0x24e: {  	v6 =	vor.u32 $0xA, v0  }
0x24f: {  	v2 =	vadd.f32 v4, v2;
	v4 =	vld.idx.msk [tilespmem:v7+s15+$0x0], $0xffff  }
0x250: {  	v7 =	vor.u32 $0xB, v0  }
0x251: {  	v2 =	vadd.f32 v5, v2;
	v5 =	vld.idx.msk [tilespmem:v8+s15+$0x0], $0xffff  }
0x252: {  	v8 =	vor.u32 $0xC, v0  }
0x253: {  	v2 =	vadd.f32 v3, v2;
	v3 =	vld.idx.msk [tilespmem:v6+s15+$0x0], $0xffff  }
0x254: {  	v6 =	vor.u32 $0xD, v0  }
0x255: {  	v2 =	vadd.f32 v4, v2;
	v4 =	vld.idx.msk [tilespmem:v7+s15+$0x0], $0xffff  }
0x256: {  	v7 =	vor.u32 $0xE, v0  }
0x257: {  	v2 =	vadd.f32 v5, v2;
	v5 =	vld.idx.msk [tilespmem:v8+s15+$0x0], $0xffff  }
0x258: {  	v8 =	vor.u32 $0xF, v0  }
0x259: {  	v2 =	vadd.f32 v3, v2;
	v3 =	vld.idx.msk [tilespmem:v6+s15+$0x0], $0xffff  }
0x25a: {  	v6 =	vor.u32 $0x10, v0  }
0x25b: {  	v2 =	vadd.f32 v4, v2;
	v4 =	vld.idx.msk [tilespmem:v7+s15+$0x0], $0xffff  }
0x25c: {  	v7 =	vor.u32 $0x11, v0  }
0x25d: {  	v2 =	vadd.f32 v5, v2;
	v5 =	vld.idx.msk [tilespmem:v8+s15+$0x0], $0xffff  }
0x25e: {  	v8 =	vor.u32 $0x12, v0  }
0x25f: {  	v2 =	vadd.f32 v3, v2;
	v3 =	vld.idx.msk [tilespmem:v6+s15+$0x0], $0xffff  }
0x260: {  	v6 =	vor.u32 $0x13, v0  }
0x261: {  	v2 =	vadd.f32 v4, v2;
	v4 =	vld.idx.msk [tilespmem:v7+s15+$0x0], $0xffff  }
0x262: {  	v7 =	vor.u32 $0x14, v0  }
0x263: {  	v2 =	vadd.f32 v5, v2;
	v5 =	vld.idx.msk [tilespmem:v8+s15+$0x0], $0xffff  }
0x264: {  	v8 =	vor.u32 $0x15, v0  }
0x265: {  	v2 =	vadd.f32 v3, v2;
	v3 =	vld.idx.msk [tilespmem:v6+s15+$0x0], $0xffff  }
0x266: {  	v6 =	vor.u32 $0x16, v0  }
0x267: {  	v2 =	vadd.f32 v4, v2;
	v4 =	vld.idx.msk [tilespmem:v7+s15+$0x0], $0xffff  }
0x268: {  	v7 =	vor.u32 $0x17, v0  }
0x269: {  	v2 =	vadd.f32 v5, v2;
	v5 =	vld.idx.msk [tilespmem:v8+s15+$0x0], $0xffff  }
0x26a: {  	v8 =	vor.u32 $0x18, v0  }
0x26b: {  	v2 =	vadd.f32 v3, v2;
	v3 =	vld.idx.msk [tilespmem:v6+s15+$0x0], $0xffff  }
0x26c: {  	v6 =	vor.u32 $0x19, v0  }
0x26d: {  	v2 =	vadd.f32 v4, v2;
	v4 =	vld.idx.msk [tilespmem:v7+s15+$0x0], $0xffff  }
0x26e: {  	v7 =	vor.u32 $0x1A, v0  }
0x26f: {  	v2 =	vadd.f32 v5, v2;
	v5 =	vld.idx.msk [tilespmem:v8+s15+$0x0], $0xffff  }
0x270: {  	v8 =	vor.u32 $0x1B, v0  }
0x271: {  	v2 =	vadd.f32 v3, v2;
	v3 =	vld.idx.msk [tilespmem:v6+s15+$0x0], $0xffff  }
0x272: {  	v6 =	vor.u32 $0x1C, v0  }
0x273: {  	v2 =	vadd.f32 v4, v2;
	v4 =	vld.idx.msk [tilespmem:v7+s15+$0x0], $0xffff  }
0x274: {  	v7 =	vor.u32 $0x1D, v0  }
0x275: {  	v2 =	vadd.f32 v5, v2;
	v5 =	vld.idx.msk [tilespmem:v8+s15+$0x0], $0xffff  }
0x276: {  	v8 =	vor.u32 $0x1E, v0  }
0x277: {  	v2 =	vadd.f32 v3, v2;
	v3 =	vld.idx.msk [tilespmem:v6+s15+$0x0], $0xffff  }
0x278: {  	v6 =	vor.u32 $0x1F, v0  }
0x279: {  	v2 =	vadd.f32 v4, v2;
	v4 =	vld.idx.msk [tilespmem:v7+s15+$0x0], $0xffff  }
0x27a: {  	v7 =	vor.u32 $0x20, v0  }
0x27b: {  	v2 =	vadd.f32 v5, v2;
	v5 =	vld.idx.msk [tilespmem:v8+s15+$0x0], $0xffff  }
0x27c: {  	v8 =	vor.u32 $0x21, v0  }
0x27d: {  	v2 =	vadd.f32 v3, v2;
	v3 =	vld.idx.msk [tilespmem:v6+s15+$0x0], $0xffff  }
0x27e: {  	v6 =	vor.u32 $0x22, v0  }
0x27f: {  	v2 =	vadd.f32 v4, v2;
	v4 =	vld.idx.msk [tilespmem:v7+s15+$0x0], $0xffff  }
0x280: {  	v7 =	vor.u32 $0x23, v0  }
0x281: {  	v2 =	vadd.f32 v5, v2;
	v5 =	vld.idx.msk [tilespmem:v8+s15+$0x0], $0xffff  }
0x282: {  	v8 =	vor.u32 $0x24, v0  }
0x283: {  	v2 =	vadd.f32 v3, v2;
	v3 =	vld.idx.msk [tilespmem:v6+s15+$0x0], $0xffff  }
0x284: {  	v6 =	vor.u32 $0x25, v0  }
0x285: {  	v2 =	vadd.f32 v4, v2;
	v4 =	vld.idx.msk [tilespmem:v7+s15+$0x0], $0xffff  }
0x286: {  	v7 =	vor.u32 $0x26, v0  }
0x287: {  	v2 =	vadd.f32 v5, v2;
	v5 =	vld.idx.msk [tilespmem:v8+s15+$0x0], $0xffff  }
0x288: {  	v8 =	vor.u32 $0x27, v0  }
0x289: {  	v2 =	vadd.f32 v3, v2;
	v3 =	vld.idx.msk [tilespmem:v6+s15+$0x0], $0xffff  }
0x28a: {  	v6 =	vor.u32 $0x28, v0  }
0x28b: {  	v2 =	vadd.f32 v4, v2;
	v4 =	vld.idx.msk [tilespmem:v7+s15+$0x0], $0xffff  }
0x28c: {  	v7 =	vor.u32 $0x29, v0  }
0x28d: {  	v2 =	vadd.f32 v5, v2;
	v5 =	vld.idx.msk [tilespmem:v8+s15+$0x0], $0xffff  }
0x28e: {  	v8 =	vor.u32 $0x2A, v0  }
0x28f: {  	v2 =	vadd.f32 v3, v2;
	v3 =	vld.idx.msk [tilespmem:v6+s15+$0x0], $0xffff  }
0x290: {  	v6 =	vor.u32 $0x2B, v0  }
0x291: {  	v2 =	vadd.f32 v4, v2;
	v4 =	vld.idx.msk [tilespmem:v7+s15+$0x0], $0xffff  }
0x292: {  	v7 =	vor.u32 $0x2C, v0  }
0x293: {  	v2 =	vadd.f32 v5, v2;
	v5 =	vld.idx.msk [tilespmem:v8+s15+$0x0], $0xffff  }
0x294: {  	v8 =	vor.u32 $0x2D, v0  }
0x295: {  	v2 =	vadd.f32 v3, v2;
	v3 =	vld.idx.msk [tilespmem:v6+s15+$0x0], $0xffff  }
0x296: {  	v6 =	vor.u32 $0x2E, v0  }
0x297: {  	v2 =	vadd.f32 v4, v2;
	v4 =	vld.idx.msk [tilespmem:v7+s15+$0x0], $0xffff  }
0x298: {  	v7 =	vor.u32 $0x2F, v0  }
0x299: {  	v2 =	vadd.f32 v5, v2;
	v5 =	vld.idx.msk [tilespmem:v8+s15+$0x0], $0xffff  }
0x29a: {  	v8 =	vor.u32 $0x30, v0  }
0x29b: {  	v2 =	vadd.f32 v3, v2;
	v3 =	vld.idx.msk [tilespmem:v6+s15+$0x0], $0xffff  }
0x29c: {  	v6 =	vor.u32 $0x31, v0  }
0x29d: {  	v2 =	vadd.f32 v4, v2;
	v4 =	vld.idx.msk [tilespmem:v7+s15+$0x0], $0xffff  }
0x29e: {  	v7 =	vor.u32 $0x32, v0  }
0x29f: {  	v2 =	vadd.f32 v5, v2;
	v5 =	vld.idx.msk [tilespmem:v8+s15+$0x0], $0xffff  }
0x2a0: {  	v8 =	vor.u32 $0x33, v0  }
0x2a1: {  	v2 =	vadd.f32 v3, v2;
	v3 =	vld.idx.msk [tilespmem:v6+s15+$0x0], $0xffff  }
0x2a2: {  	v6 =	vor.u32 $0x34, v0  }
0x2a3: {  	v2 =	vadd.f32 v4, v2;
	v4 =	vld.idx.msk [tilespmem:v7+s15+$0x0], $0xffff  }
0x2a4: {  	v7 =	vor.u32 $0x35, v0  }
0x2a5: {  	v2 =	vadd.f32 v5, v2;
	v5 =	vld.idx.msk [tilespmem:v8+s15+$0x0], $0xffff  }
0x2a6: {  	v8 =	vor.u32 $0x36, v0  }
0x2a7: {  	v2 =	vadd.f32 v3, v2;
	v3 =	vld.idx.msk [tilespmem:v6+s15+$0x0], $0xffff  }
0x2a8: {  	v6 =	vor.u32 $0x37, v0  }
0x2a9: {  	v2 =	vadd.f32 v4, v2;
	v4 =	vld.idx.msk [tilespmem:v7+s15+$0x0], $0xffff  }
0x2aa: {  	v7 =	vor.u32 $0x38, v0  }
0x2ab: {  	v2 =	vadd.f32 v5, v2;
	v5 =	vld.idx.msk [tilespmem:v8+s15+$0x0], $0xffff  }
0x2ac: {  	v8 =	vor.u32 $0x39, v0  }
0x2ad: {  	v2 =	vadd.f32 v3, v2;
	v3 =	vld.idx.msk [tilespmem:v6+s15+$0x0], $0xffff  }
0x2ae: {  	v6 =	vor.u32 $0x3A, v0  }
0x2af: {  	v2 =	vadd.f32 v4, v2;
	v4 =	vld.idx.msk [tilespmem:v7+s15+$0x0], $0xffff  }
0x2b0: {  	v7 =	vor.u32 $0x3B, v0  }
0x2b1: {  	v2 =	vadd.f32 v5, v2;
	v5 =	vld.idx.msk [tilespmem:v8+s15+$0x0], $0xffff  }
0x2b2: {  	v8 =	vor.u32 $0x3C, v0  }
0x2b3: {  	v2 =	vadd.f32 v3, v2;
	v3 =	vld.idx.msk [tilespmem:v6+s15+$0x0], $0xffff  }
0x2b4: {  	v6 =	vor.u32 $0x3D, v0  }
0x2b5: {  	v2 =	vadd.f32 v4, v2;
	v4 =	vld.idx.msk [tilespmem:v7+s15+$0x0], $0xffff  }
0x2b6: {  	v7 =	vor.u32 $0x3E, v0  }
0x2b7: {  	v2 =	vadd.f32 v5, v2;
	v5 =	vld.idx.msk [tilespmem:v8+s15+$0x0], $0xffff  }
0x2b8: {  	v0 =	vor.u32 $0x3F, v0  }
0x2b9: {  	v2 =	vadd.f32 v3, v2;
	v3 =	vld.idx.msk [tilespmem:v6+s15+$0x0], $0xffff;
	_ =	sdelay $0x1  }
0x2ba: {  	v2 =	vadd.f32 v4, v2;
	v4 =	vld.idx.msk [tilespmem:v7+s15+$0x0], $0xffff;
	_ =	sdelay $0x1  }
0x2bb: {  	v2 =	vadd.f32 v5, v2;
	v5 =	vld.idx.msk [tilespmem:v0+s15+$0x0], $0xffff;
	_ =	sdelay $0x1  }
.Ltmp3:
0x2bc: {  	v0 =	vadd.f32 v3, v2;
	(pc) =	sbr.rel @p1 .LBB2_5-.Ltmp3, $4  }
0x2bd: {  	_ = 	snop  }
0x2be: {  	v2 =	vadd.f32 v4, v0  }
0x2bf: {  	v1 =	vadd.s32 $0x10, v1  }
0x2c0: {  	s28 =	sadd.s32 $0x40, s28;
	v0 =	vshll.u32 v1, $0x7;
	v2 =	vadd.f32 v5, v2  }
0x2c1: {  	_ = 	snop  }
0x2c2: {  	v1 =	vor.u32 $0x1, v0;
	v2 =	vmul.f32 $1.562500000e-02, v2  }
0x2c3: {  	s26 =	sshra.s32 s26, $0x2  }
0x2c4: {  	v3 =	vor.u32 $0x2, v0;
	[tilespmem:s26+$0x10100] =	vst v2  }
0x2c5: {  	v2 =	vld.idx.msk [tilespmem:v0+s15+$0x0], $0xffff  }
0x2c6: {  	v4 =	vor.u32 $0x3, v0  }
0x2c7: {  	v1 =	vld.idx.msk [tilespmem:v1+s15+$0x0], $0xffff  }
0x2c8: {  	v5 =	vor.u32 $0x4, v0  }
0x2c9: {  	v3 =	vld.idx.msk [tilespmem:v3+s15+$0x0], $0xffff  }
0x2ca: {  	v6 =	vor.u32 $0x5, v0;
	v2 =	vadd.f32 $0.0e+00, v2  }
0x2cb: {  	v4 =	vld.idx.msk [tilespmem:v4+s15+$0x0], $0xffff  }
0x2cc: {  	v7 =	vor.u32 $0x6, v0;
	v1 =	vadd.f32 v1, v2  }
0x2cd: {  	v58 =	vld.idx.msk [tilespmem:v5+s15+$0x0], $0xffff  }
0x2ce: {  	v59 =	vor.u32 $0x7, v0;
	v1 =	vadd.f32 v3, v1  }
0x2cf: {  	v60 =	vld.idx.msk [tilespmem:v6+s15+$0x0], $0xffff  }
0x2d0: {  	v61 =	vor.u32 $0x8, v0;
	v1 =	vadd.f32 v4, v1  }
0x2d1: {  	v62 =	vld.idx.msk [tilespmem:v7+s15+$0x0], $0xffff  }
0x2d2: {  	v63 =	vor.u32 $0x9, v0;
	v1 =	vadd.f32 v58, v1  }
0x2d3: {  	v9 =	vld.idx.msk [tilespmem:v59+s15+$0x0], $0xffff  }
0x2d4: {  	v10 =	vor.u32 $0xA, v0;
	v1 =	vadd.f32 v60, v1  }
0x2d5: {  	v11 =	vld.idx.msk [tilespmem:v61+s15+$0x0], $0xffff  }
0x2d6: {  	v12 =	vor.u32 $0xB, v0;
	v1 =	vadd.f32 v62, v1  }
0x2d7: {  	v13 =	vld.idx.msk [tilespmem:v63+s15+$0x0], $0xffff  }
0x2d8: {  	v14 =	vor.u32 $0xC, v0;
	v1 =	vadd.f32 v9, v1  }
0x2d9: {  	v15 =	vld.idx.msk [tilespmem:v10+s15+$0x0], $0xffff  }
0x2da: {  	v16 =	vor.u32 $0xD, v0;
	v1 =	vadd.f32 v11, v1  }
0x2db: {  	v17 =	vld.idx.msk [tilespmem:v12+s15+$0x0], $0xffff  }
0x2dc: {  	v18 =	vor.u32 $0xE, v0;
	v1 =	vadd.f32 v13, v1  }
0x2dd: {  	v19 =	vld.idx.msk [tilespmem:v14+s15+$0x0], $0xffff  }
0x2de: {  	v20 =	vor.u32 $0xF, v0;
	v1 =	vadd.f32 v15, v1  }
0x2df: {  	v21 =	vld.idx.msk [tilespmem:v16+s15+$0x0], $0xffff  }
0x2e0: {  	v22 =	vor.u32 $0x10, v0;
	v1 =	vadd.f32 v17, v1  }
0x2e1: {  	v23 =	vld.idx.msk [tilespmem:v18+s15+$0x0], $0xffff  }
0x2e2: {  	v24 =	vor.u32 $0x11, v0;
	v1 =	vadd.f32 v19, v1  }
0x2e3: {  	v25 =	vld.idx.msk [tilespmem:v20+s15+$0x0], $0xffff  }
0x2e4: {  	v26 =	vor.u32 $0x12, v0;
	v1 =	vadd.f32 v21, v1  }
0x2e5: {  	v27 =	vld.idx.msk [tilespmem:v22+s15+$0x0], $0xffff  }
0x2e6: {  	v28 =	vor.u32 $0x13, v0;
	v1 =	vadd.f32 v23, v1  }
0x2e7: {  	v29 =	vld.idx.msk [tilespmem:v24+s15+$0x0], $0xffff  }
0x2e8: {  	v30 =	vor.u32 $0x14, v0;
	v1 =	vadd.f32 v25, v1  }
0x2e9: {  	v31 =	vld.idx.msk [tilespmem:v26+s15+$0x0], $0xffff  }
0x2ea: {  	v32 =	vor.u32 $0x15, v0;
	v1 =	vadd.f32 v27, v1  }
0x2eb: {  	v33 =	vld.idx.msk [tilespmem:v28+s15+$0x0], $0xffff  }
0x2ec: {  	v34 =	vor.u32 $0x16, v0;
	v1 =	vadd.f32 v29, v1  }
0x2ed: {  	v35 =	vld.idx.msk [tilespmem:v30+s15+$0x0], $0xffff  }
0x2ee: {  	v36 =	vor.u32 $0x17, v0;
	v1 =	vadd.f32 v31, v1  }
0x2ef: {  	v37 =	vld.idx.msk [tilespmem:v32+s15+$0x0], $0xffff  }
0x2f0: {  	v38 =	vor.u32 $0x18, v0;
	v1 =	vadd.f32 v33, v1  }
0x2f1: {  	v39 =	vld.idx.msk [tilespmem:v34+s15+$0x0], $0xffff  }
0x2f2: {  	v40 =	vor.u32 $0x19, v0;
	v1 =	vadd.f32 v35, v1  }
0x2f3: {  	v41 =	vld.idx.msk [tilespmem:v36+s15+$0x0], $0xffff  }
0x2f4: {  	v42 =	vor.u32 $0x1A, v0;
	v1 =	vadd.f32 v37, v1  }
0x2f5: {  	v43 =	vld.idx.msk [tilespmem:v38+s15+$0x0], $0xffff  }
0x2f6: {  	v44 =	vor.u32 $0x1B, v0;
	v1 =	vadd.f32 v39, v1  }
0x2f7: {  	v45 =	vld.idx.msk [tilespmem:v40+s15+$0x0], $0xffff  }
0x2f8: {  	v46 =	vor.u32 $0x1C, v0;
	v1 =	vadd.f32 v41, v1  }
0x2f9: {  	v47 =	vld.idx.msk [tilespmem:v42+s15+$0x0], $0xffff  }
0x2fa: {  	v48 =	vor.u32 $0x1D, v0;
	v1 =	vadd.f32 v43, v1  }
0x2fb: {  	v49 =	vld.idx.msk [tilespmem:v44+s15+$0x0], $0xffff  }
0x2fc: {  	v50 =	vor.u32 $0x1E, v0;
	v1 =	vadd.f32 v45, v1  }
0x2fd: {  	v51 =	vld.idx.msk [tilespmem:v46+s15+$0x0], $0xffff  }
0x2fe: {  	v52 =	vor.u32 $0x1F, v0;
	v1 =	vadd.f32 v47, v1  }
0x2ff: {  	v53 =	vld.idx.msk [tilespmem:v48+s15+$0x0], $0xffff  }
0x300: {  	v54 =	vor.u32 $0x20, v0;
	v1 =	vadd.f32 v49, v1  }
0x301: {  	v55 =	vld.idx.msk [tilespmem:v50+s15+$0x0], $0xffff  }
0x302: {  	v56 =	vor.u32 $0x21, v0;
	v1 =	vadd.f32 v51, v1  }
0x303: {  	v57 =	vld.idx.msk [tilespmem:v52+s15+$0x0], $0xffff  }
0x304: {  	v58 =	vor.u32 $0x22, v0;
	v1 =	vadd.f32 v53, v1  }
0x305: {  	v59 =	vld.idx.msk [tilespmem:v54+s15+$0x0], $0xffff  }
0x306: {  	v60 =	vor.u32 $0x23, v0;
	v1 =	vadd.f32 v55, v1  }
0x307: {  	v61 =	vld.idx.msk [tilespmem:v56+s15+$0x0], $0xffff  }
0x308: {  	v62 =	vor.u32 $0x24, v0;
	v1 =	vadd.f32 v57, v1  }
0x309: {  	v63 =	vld.idx.msk [tilespmem:v58+s15+$0x0], $0xffff  }
0x30a: {  	v9 =	vor.u32 $0x25, v0;
	v1 =	vadd.f32 v59, v1  }
0x30b: {  	v10 =	vld.idx.msk [tilespmem:v60+s15+$0x0], $0xffff  }
0x30c: {  	v11 =	vor.u32 $0x26, v0;
	v1 =	vadd.f32 v61, v1  }
0x30d: {  	v12 =	vld.idx.msk [tilespmem:v62+s15+$0x0], $0xffff  }
0x30e: {  	v13 =	vor.u32 $0x27, v0;
	v1 =	vadd.f32 v63, v1  }
0x30f: {  	v14 =	vld.idx.msk [tilespmem:v9+s15+$0x0], $0xffff  }
0x310: {  	v15 =	vor.u32 $0x28, v0;
	v1 =	vadd.f32 v10, v1  }
0x311: {  	v16 =	vld.idx.msk [tilespmem:v11+s15+$0x0], $0xffff  }
0x312: {  	v17 =	vor.u32 $0x29, v0;
	v1 =	vadd.f32 v12, v1  }
0x313: {  	v18 =	vld.idx.msk [tilespmem:v13+s15+$0x0], $0xffff  }
0x314: {  	v19 =	vor.u32 $0x2A, v0;
	v1 =	vadd.f32 v14, v1  }
0x315: {  	v20 =	vld.idx.msk [tilespmem:v15+s15+$0x0], $0xffff  }
0x316: {  	v21 =	vor.u32 $0x2B, v0;
	v1 =	vadd.f32 v16, v1  }
0x317: {  	v22 =	vld.idx.msk [tilespmem:v17+s15+$0x0], $0xffff  }
0x318: {  	v23 =	vor.u32 $0x2C, v0;
	v1 =	vadd.f32 v18, v1  }
0x319: {  	v24 =	vld.idx.msk [tilespmem:v19+s15+$0x0], $0xffff  }
0x31a: {  	v25 =	vor.u32 $0x2D, v0;
	v1 =	vadd.f32 v20, v1  }
0x31b: {  	v26 =	vld.idx.msk [tilespmem:v21+s15+$0x0], $0xffff  }
0x31c: {  	v27 =	vor.u32 $0x2E, v0;
	v1 =	vadd.f32 v22, v1  }
0x31d: {  	v28 =	vld.idx.msk [tilespmem:v23+s15+$0x0], $0xffff  }
0x31e: {  	v29 =	vor.u32 $0x2F, v0;
	v1 =	vadd.f32 v24, v1  }
0x31f: {  	v30 =	vld.idx.msk [tilespmem:v25+s15+$0x0], $0xffff  }
0x320: {  	v31 =	vor.u32 $0x30, v0;
	v1 =	vadd.f32 v26, v1  }
0x321: {  	v32 =	vld.idx.msk [tilespmem:v27+s15+$0x0], $0xffff  }
0x322: {  	v33 =	vor.u32 $0x31, v0;
	v1 =	vadd.f32 v28, v1  }
0x323: {  	v34 =	vld.idx.msk [tilespmem:v29+s15+$0x0], $0xffff  }
0x324: {  	v35 =	vor.u32 $0x32, v0;
	v1 =	vadd.f32 v30, v1  }
0x325: {  	v36 =	vld.idx.msk [tilespmem:v31+s15+$0x0], $0xffff  }
0x326: {  	v37 =	vor.u32 $0x33, v0;
	v1 =	vadd.f32 v32, v1  }
0x327: {  	v38 =	vld.idx.msk [tilespmem:v33+s15+$0x0], $0xffff  }
0x328: {  	v39 =	vor.u32 $0x34, v0;
	v1 =	vadd.f32 v34, v1  }
0x329: {  	v40 =	vld.idx.msk [tilespmem:v35+s15+$0x0], $0xffff  }
0x32a: {  	v41 =	vor.u32 $0x35, v0;
	v1 =	vadd.f32 v36, v1  }
0x32b: {  	v42 =	vld.idx.msk [tilespmem:v37+s15+$0x0], $0xffff  }
0x32c: {  	v43 =	vor.u32 $0x36, v0;
	v1 =	vadd.f32 v38, v1  }
0x32d: {  	v44 =	vld.idx.msk [tilespmem:v39+s15+$0x0], $0xffff  }
0x32e: {  	v45 =	vor.u32 $0x37, v0;
	v1 =	vadd.f32 v40, v1  }
0x32f: {  	v46 =	vld.idx.msk [tilespmem:v41+s15+$0x0], $0xffff  }
0x330: {  	v47 =	vor.u32 $0x38, v0;
	v1 =	vadd.f32 v42, v1  }
0x331: {  	v48 =	vld.idx.msk [tilespmem:v43+s15+$0x0], $0xffff  }
0x332: {  	v49 =	vor.u32 $0x39, v0;
	v1 =	vadd.f32 v44, v1  }
0x333: {  	v50 =	vld.idx.msk [tilespmem:v45+s15+$0x0], $0xffff  }
0x334: {  	v51 =	vor.u32 $0x3A, v0;
	v1 =	vadd.f32 v46, v1  }
0x335: {  	v52 =	vld.idx.msk [tilespmem:v47+s15+$0x0], $0xffff  }
0x336: {  	v53 =	vor.u32 $0x3B, v0;
	v1 =	vadd.f32 v48, v1  }
0x337: {  	v54 =	vld.idx.msk [tilespmem:v49+s15+$0x0], $0xffff  }
0x338: {  	v55 =	vor.u32 $0x3C, v0;
	v1 =	vadd.f32 v50, v1  }
0x339: {  	v56 =	vld.idx.msk [tilespmem:v51+s15+$0x0], $0xffff  }
0x33a: {  	v57 =	vor.u32 $0x3D, v0;
	v1 =	vadd.f32 v52, v1  }
0x33b: {  	v58 =	vld.idx.msk [tilespmem:v53+s15+$0x0], $0xffff  }
0x33c: {  	v59 =	vor.u32 $0x3E, v0;
	v1 =	vadd.f32 v54, v1  }
0x33d: {  	v60 =	vld.idx.msk [tilespmem:v55+s15+$0x0], $0xffff  }
0x33e: {  	v61 =	vor.u32 $0x3F, v0;
	v1 =	vadd.f32 v56, v1  }
0x33f: {  	v62 =	vld.idx.msk [tilespmem:v57+s15+$0x0], $0xffff  }
0x340: {  	v1 =	vadd.f32 v58, v1  }
0x341: {  	v63 =	vld.idx.msk [tilespmem:v59+s15+$0x0], $0xffff  }
0x342: {  	v1 =	vadd.f32 v60, v1  }
0x343: {  	v0 =	vld.idx.msk [tilespmem:v61+s15+$0x0], $0xffff  }
0x344: {  	v1 =	vadd.f32 v62, v1;
	_ =	sdelay $0x1  }
0x345: {  	v1 =	vadd.f32 v63, v1;
	_ =	sdelay $0x1  }
0x346: {  	v0 =	vadd.f32 v0, v1  }
0x347: {  	s23 =	sadd.s32 $0x3, s23  }
0x348: {  	s24 =	sadd.s32 s24, s11;
	p1 =	sge.u32 s23, s8;
	v0 =	vmul.f32 $1.562500000e-02, v0  }
0x349: {  	s25 =	sshra.s32 s25, $0x2;
	s24 =	sshrl.u32 s24, $0x3;
	s23 =	sshll.u32 @!p1 s23, $0xF  }
0x34a: {  	s24 =	sadd.s32 s4, s24;
	s23 =	sadd.s32 @!p1 s10, s23;
	[tilespmem:s25+$0x10100] =	vst v0  }
0x34b: {  	[hbm4b:s24+s2] =	stream.linear.scatter [tilespmem:s20], [sflag:$0x3], $0x100, $0x38;
	[tilespmem:$0x10200] =	vst v63  }
0x34c: {  	s23 =	sshrl.u32 @!p1 s23, $0x3;
	_ =	swait.ge [sflag:s18], $0x100  }
0x34d: {  	s22 =	sadd.s32 $0x1, s22;
	s23 =	sadd.s32 @!p1 s3, s23;
	[sflag:s18] =	ssyncset.done $0x0  }
0x34e: {  	s25 =	simm.s32 @!p1 $0x8000;
	s24 =	simm.s32 @!p1 $0x0;
	[sflag:s18] =	ssyncadd.s32 $0xFFFFFF00  }
0x34f: {  	[tilespmem:s25], [sflag:$0x2] =	stream.linear.gather @!p1 [hbm4b:s23+s24], $0x8000, $0x38;
	[tilespmem:$0x10200] =	vst v63  }
0x350: {  	p1 =	sne.s32 s22, s5  }
.Ltmp4:
0x351: {  	_ = 	snop;
	(pc) =	sbr.rel @p1 .LBB2_2-.Ltmp4, $1  }
0x352: {  	_ =	sdelay $0x3  }
.Ltmp5:
0x353: {  	(pc) =	sbr.rel @p0 .LBB2_11-.Ltmp5, $1  }
0x354: {  	_ =	sdelay $0x3  }
0x355: {  	v0 =	vlaneseq.u32  }
0x356: {  	s22 =	simm.s32 $0x0;
	v1 =	vshll.u32 v0, $0x7  }
0x357: {  	[tilespmem:s22], [sflag:$0x1] =	stream.linear.gather [hbm4b:s12+s22], $0x2000, $0x38;
	[tilespmem:$0x10200] =	vst v63  }
0x358: {  	_ =	swait.ge [sflag:s16], $0x2000;
	v2 =	vor.u32 $0x1, v1  }
0x359: {  	[sflag:s16] =	ssyncset.done $0x0  }
0x35a: {  	v3 =	vor.u32 $0x2, v1;
	[sflag:s16] =	ssyncadd.s32 $0xFFFFE000  }
0x35b: {  	v4 =	vld.idx.msk [tilespmem:v1+s2+$0x0], $0xffff  }
0x35c: {  	v5 =	vor.u32 $0x3, v1  }
0x35d: {  	v2 =	vld.idx.msk [tilespmem:v2+s2+$0x0], $0xffff  }
0x35e: {  	v6 =	vor.u32 $0x4, v1  }
0x35f: {  	v3 =	vld.idx.msk [tilespmem:v3+s2+$0x0], $0xffff  }
0x360: {  	v7 =	vor.u32 $0x5, v1;
	v4 =	vadd.f32 $0.0e+00, v4  }
0x361: {  	v5 =	vld.idx.msk [tilespmem:v5+s2+$0x0], $0xffff  }
0x362: {  	v8 =	vor.u32 $0x6, v1;
	v2 =	vadd.f32 v2, v4  }
0x363: {  	v20 =	vld.idx.msk [tilespmem:v6+s2+$0x0], $0xffff  }
0x364: {  	v21 =	vor.u32 $0x7, v1;
	v2 =	vadd.f32 v3, v2  }
0x365: {  	v3 =	vld.idx.msk [tilespmem:v7+s2+$0x0], $0xffff  }
0x366: {  	v22 =	vor.u32 $0x8, v1;
	v2 =	vadd.f32 v5, v2  }
0x367: {  	v23 =	vld.idx.msk [tilespmem:v8+s2+$0x0], $0xffff  }
0x368: {  	v24 =	vor.u32 $0x9, v1;
	v2 =	vadd.f32 v20, v2  }
0x369: {  	v25 =	vld.idx.msk [tilespmem:v21+s2+$0x0], $0xffff  }
0x36a: {  	v26 =	vor.u32 $0xA, v1;
	v2 =	vadd.f32 v3, v2  }
0x36b: {  	v3 =	vld.idx.msk [tilespmem:v22+s2+$0x0], $0xffff  }
0x36c: {  	v27 =	vor.u32 $0xB, v1;
	v2 =	vadd.f32 v23, v2  }
0x36d: {  	v28 =	vld.idx.msk [tilespmem:v24+s2+$0x0], $0xffff  }
0x36e: {  	v29 =	vor.u32 $0xC, v1;
	v2 =	vadd.f32 v25, v2  }
0x36f: {  	v30 =	vld.idx.msk [tilespmem:v26+s2+$0x0], $0xffff  }
0x370: {  	v31 =	vor.u32 $0xD, v1;
	v2 =	vadd.f32 v3, v2  }
0x371: {  	v3 =	vld.idx.msk [tilespmem:v27+s2+$0x0], $0xffff  }
0x372: {  	v32 =	vor.u32 $0xE, v1;
	v2 =	vadd.f32 v28, v2  }
0x373: {  	v33 =	vld.idx.msk [tilespmem:v29+s2+$0x0], $0xffff  }
0x374: {  	v34 =	vor.u32 $0xF, v1;
	v2 =	vadd.f32 v30, v2  }
0x375: {  	v35 =	vld.idx.msk [tilespmem:v31+s2+$0x0], $0xffff  }
0x376: {  	v36 =	vor.u32 $0x10, v1;
	v2 =	vadd.f32 v3, v2  }
0x377: {  	v3 =	vld.idx.msk [tilespmem:v32+s2+$0x0], $0xffff  }
0x378: {  	v37 =	vor.u32 $0x11, v1;
	v2 =	vadd.f32 v33, v2  }
0x379: {  	v38 =	vld.idx.msk [tilespmem:v34+s2+$0x0], $0xffff  }
0x37a: {  	v39 =	vor.u32 $0x12, v1;
	v2 =	vadd.f32 v35, v2  }
0x37b: {  	v40 =	vld.idx.msk [tilespmem:v36+s2+$0x0], $0xffff  }
0x37c: {  	v41 =	vor.u32 $0x13, v1;
	v2 =	vadd.f32 v3, v2  }
0x37d: {  	v3 =	vld.idx.msk [tilespmem:v37+s2+$0x0], $0xffff  }
0x37e: {  	v42 =	vor.u32 $0x14, v1;
	v2 =	vadd.f32 v38, v2  }
0x37f: {  	v43 =	vld.idx.msk [tilespmem:v39+s2+$0x0], $0xffff  }
0x380: {  	v44 =	vor.u32 $0x15, v1;
	v2 =	vadd.f32 v40, v2  }
0x381: {  	v45 =	vld.idx.msk [tilespmem:v41+s2+$0x0], $0xffff  }
0x382: {  	v46 =	vor.u32 $0x16, v1;
	v2 =	vadd.f32 v3, v2  }
0x383: {  	v3 =	vld.idx.msk [tilespmem:v42+s2+$0x0], $0xffff  }
0x384: {  	v47 =	vor.u32 $0x17, v1;
	v2 =	vadd.f32 v43, v2  }
0x385: {  	v48 =	vld.idx.msk [tilespmem:v44+s2+$0x0], $0xffff  }
0x386: {  	v49 =	vor.u32 $0x18, v1;
	v2 =	vadd.f32 v45, v2  }
0x387: {  	v50 =	vld.idx.msk [tilespmem:v46+s2+$0x0], $0xffff  }
0x388: {  	v51 =	vor.u32 $0x19, v1;
	v2 =	vadd.f32 v3, v2  }
0x389: {  	v3 =	vld.idx.msk [tilespmem:v47+s2+$0x0], $0xffff  }
0x38a: {  	v52 =	vor.u32 $0x1A, v1;
	v2 =	vadd.f32 v48, v2  }
0x38b: {  	v53 =	vld.idx.msk [tilespmem:v49+s2+$0x0], $0xffff  }
0x38c: {  	v54 =	vor.u32 $0x1B, v1;
	v2 =	vadd.f32 v50, v2  }
0x38d: {  	v55 =	vld.idx.msk [tilespmem:v51+s2+$0x0], $0xffff  }
0x38e: {  	v56 =	vor.u32 $0x1C, v1;
	v2 =	vadd.f32 v3, v2  }
0x38f: {  	v3 =	vld.idx.msk [tilespmem:v52+s2+$0x0], $0xffff  }
0x390: {  	v57 =	vor.u32 $0x1D, v1;
	v2 =	vadd.f32 v53, v2  }
0x391: {  	v58 =	vld.idx.msk [tilespmem:v54+s2+$0x0], $0xffff  }
0x392: {  	v59 =	vor.u32 $0x1E, v1;
	v2 =	vadd.f32 v55, v2  }
0x393: {  	v60 =	vld.idx.msk [tilespmem:v56+s2+$0x0], $0xffff  }
0x394: {  	v61 =	vor.u32 $0x1F, v1;
	v2 =	vadd.f32 v3, v2  }
0x395: {  	v3 =	vld.idx.msk [tilespmem:v57+s2+$0x0], $0xffff  }
0x396: {  	v62 =	vor.u32 $0x20, v1;
	v2 =	vadd.f32 v58, v2  }
0x397: {  	v63 =	vld.idx.msk [tilespmem:v59+s2+$0x0], $0xffff  }
0x398: {  	v12 =	vor.u32 $0x21, v1;
	v2 =	vadd.f32 v60, v2  }
0x399: {  	v13 =	vld.idx.msk [tilespmem:v61+s2+$0x0], $0xffff  }
0x39a: {  	v14 =	vor.u32 $0x22, v1;
	v2 =	vadd.f32 v3, v2  }
0x39b: {  	v3 =	vld.idx.msk [tilespmem:v62+s2+$0x0], $0xffff  }
0x39c: {  	v15 =	vor.u32 $0x23, v1;
	v2 =	vadd.f32 v63, v2  }
0x39d: {  	v16 =	vld.idx.msk [tilespmem:v12+s2+$0x0], $0xffff  }
0x39e: {  	v17 =	vor.u32 $0x24, v1;
	v2 =	vadd.f32 v13, v2  }
0x39f: {  	v18 =	vld.idx.msk [tilespmem:v14+s2+$0x0], $0xffff  }
0x3a0: {  	v19 =	vor.u32 $0x25, v1;
	v2 =	vadd.f32 v3, v2  }
0x3a1: {  	v3 =	vld.idx.msk [tilespmem:v15+s2+$0x0], $0xffff  }
0x3a2: {  	v20 =	vor.u32 $0x26, v1;
	v2 =	vadd.f32 v16, v2  }
0x3a3: {  	v21 =	vld.idx.msk [tilespmem:v17+s2+$0x0], $0xffff  }
0x3a4: {  	v22 =	vor.u32 $0x27, v1;
	v2 =	vadd.f32 v18, v2  }
0x3a5: {  	v23 =	vld.idx.msk [tilespmem:v19+s2+$0x0], $0xffff  }
0x3a6: {  	v24 =	vor.u32 $0x28, v1;
	v2 =	vadd.f32 v3, v2  }
0x3a7: {  	v3 =	vld.idx.msk [tilespmem:v20+s2+$0x0], $0xffff  }
0x3a8: {  	v25 =	vor.u32 $0x29, v1;
	v2 =	vadd.f32 v21, v2  }
0x3a9: {  	v26 =	vld.idx.msk [tilespmem:v22+s2+$0x0], $0xffff  }
0x3aa: {  	v27 =	vor.u32 $0x2A, v1;
	v2 =	vadd.f32 v23, v2  }
0x3ab: {  	v28 =	vld.idx.msk [tilespmem:v24+s2+$0x0], $0xffff  }
0x3ac: {  	v29 =	vor.u32 $0x2B, v1;
	v2 =	vadd.f32 v3, v2  }
0x3ad: {  	v3 =	vld.idx.msk [tilespmem:v25+s2+$0x0], $0xffff  }
0x3ae: {  	v30 =	vor.u32 $0x2C, v1;
	v2 =	vadd.f32 v26, v2  }
0x3af: {  	v31 =	vld.idx.msk [tilespmem:v27+s2+$0x0], $0xffff  }
0x3b0: {  	v32 =	vor.u32 $0x2D, v1;
	v2 =	vadd.f32 v28, v2  }
0x3b1: {  	v33 =	vld.idx.msk [tilespmem:v29+s2+$0x0], $0xffff  }
0x3b2: {  	v34 =	vor.u32 $0x2E, v1;
	v2 =	vadd.f32 v3, v2  }
0x3b3: {  	v3 =	vld.idx.msk [tilespmem:v30+s2+$0x0], $0xffff  }
0x3b4: {  	v35 =	vor.u32 $0x2F, v1;
	v2 =	vadd.f32 v31, v2  }
0x3b5: {  	v36 =	vld.idx.msk [tilespmem:v32+s2+$0x0], $0xffff  }
0x3b6: {  	v37 =	vor.u32 $0x30, v1;
	v2 =	vadd.f32 v33, v2  }
0x3b7: {  	v38 =	vld.idx.msk [tilespmem:v34+s2+$0x0], $0xffff  }
0x3b8: {  	v39 =	vor.u32 $0x31, v1;
	v2 =	vadd.f32 v3, v2  }
0x3b9: {  	v3 =	vld.idx.msk [tilespmem:v35+s2+$0x0], $0xffff  }
0x3ba: {  	v40 =	vor.u32 $0x32, v1;
	v2 =	vadd.f32 v36, v2  }
0x3bb: {  	v41 =	vld.idx.msk [tilespmem:v37+s2+$0x0], $0xffff  }
0x3bc: {  	v42 =	vor.u32 $0x33, v1;
	v2 =	vadd.f32 v38, v2  }
0x3bd: {  	v43 =	vld.idx.msk [tilespmem:v39+s2+$0x0], $0xffff  }
0x3be: {  	v44 =	vor.u32 $0x34, v1;
	v2 =	vadd.f32 v3, v2  }
0x3bf: {  	v3 =	vld.idx.msk [tilespmem:v40+s2+$0x0], $0xffff  }
0x3c0: {  	v45 =	vor.u32 $0x35, v1;
	v2 =	vadd.f32 v41, v2  }
0x3c1: {  	v46 =	vld.idx.msk [tilespmem:v42+s2+$0x0], $0xffff  }
0x3c2: {  	v47 =	vor.u32 $0x36, v1;
	v2 =	vadd.f32 v43, v2  }
0x3c3: {  	v48 =	vld.idx.msk [tilespmem:v44+s2+$0x0], $0xffff  }
0x3c4: {  	v49 =	vor.u32 $0x37, v1;
	v2 =	vadd.f32 v3, v2  }
0x3c5: {  	v3 =	vld.idx.msk [tilespmem:v45+s2+$0x0], $0xffff  }
0x3c6: {  	v50 =	vor.u32 $0x38, v1;
	v2 =	vadd.f32 v46, v2  }
0x3c7: {  	v51 =	vld.idx.msk [tilespmem:v47+s2+$0x0], $0xffff  }
0x3c8: {  	v52 =	vor.u32 $0x39, v1;
	v2 =	vadd.f32 v48, v2  }
0x3c9: {  	v53 =	vld.idx.msk [tilespmem:v49+s2+$0x0], $0xffff  }
0x3ca: {  	v54 =	vor.u32 $0x3A, v1;
	v2 =	vadd.f32 v3, v2  }
0x3cb: {  	v3 =	vld.idx.msk [tilespmem:v50+s2+$0x0], $0xffff  }
0x3cc: {  	v55 =	vor.u32 $0x3B, v1;
	v2 =	vadd.f32 v51, v2  }
0x3cd: {  	v56 =	vld.idx.msk [tilespmem:v52+s2+$0x0], $0xffff  }
0x3ce: {  	v57 =	vor.u32 $0x3C, v1;
	v2 =	vadd.f32 v53, v2  }
0x3cf: {  	v58 =	vld.idx.msk [tilespmem:v54+s2+$0x0], $0xffff  }
0x3d0: {  	v59 =	vor.u32 $0x3D, v1;
	v2 =	vadd.f32 v3, v2  }
0x3d1: {  	v3 =	vld.idx.msk [tilespmem:v55+s2+$0x0], $0xffff  }
0x3d2: {  	v60 =	vor.u32 $0x3E, v1;
	v2 =	vadd.f32 v56, v2  }
0x3d3: {  	v61 =	vld.idx.msk [tilespmem:v57+s2+$0x0], $0xffff  }
0x3d4: {  	v1 =	vor.u32 $0x3F, v1;
	v2 =	vadd.f32 v58, v2  }
0x3d5: {  	v62 =	vld.idx.msk [tilespmem:v59+s2+$0x0], $0xffff  }
0x3d6: {  	v2 =	vadd.f32 v3, v2  }
0x3d7: {  	v3 =	vld.idx.msk [tilespmem:v60+s2+$0x0], $0xffff  }
0x3d8: {  	v2 =	vadd.f32 v61, v2  }
0x3d9: {  	v63 =	vld.idx.msk [tilespmem:v1+s2+$0x0], $0xffff  }
0x3da: {  	v1 =	vadd.f32 v62, v2;
	_ =	sdelay $0x1  }
0x3db: {  	v2 =	vadd.f32 v3, v1  }
0x3dc: {  	v1 =	vadd.s32 $0x10, v0  }
0x3dd: {  	s23 =	simm.s32 $0x40;
	s24 =	simm.s32 $0x80;
	v0 =	vshll.u32 v1, $0x7;
	v2 =	vadd.f32 v63, v2  }
.LBB2_9:
0x3de: {  	p1 =	sne.s32 s24, $0xC0  }
0x3df: {  	v3 =	vor.u32 $0x1, v0;
	v2 =	vmul.f32 $1.562500000e-02, v2  }
0x3e0: {  	s25 =	sshra.s32 s22, $0x2;
	s22 =	smov.u32 s23;
	s23 =	smov.u32 s24  }
0x3e1: {  	v4 =	vor.u32 $0x2, v0;
	[tilespmem:s25+$0x10000] =	vst v2  }
0x3e2: {  	v2 =	vld.idx.msk [tilespmem:v0+s2+$0x0], $0xffff  }
0x3e3: {  	v5 =	vor.u32 $0x3, v0  }
0x3e4: {  	v3 =	vld.idx.msk [tilespmem:v3+s2+$0x0], $0xffff  }
0x3e5: {  	v6 =	vor.u32 $0x4, v0  }
0x3e6: {  	v4 =	vld.idx.msk [tilespmem:v4+s2+$0x0], $0xffff  }
0x3e7: {  	v7 =	vor.u32 $0x5, v0  }
0x3e8: {  	v2 =	vadd.f32 $0.0e+00, v2;
	v5 =	vld.idx.msk [tilespmem:v5+s2+$0x0], $0xffff  }
0x3e9: {  	v8 =	vor.u32 $0x6, v0  }
0x3ea: {  	v2 =	vadd.f32 v3, v2;
	v3 =	vld.idx.msk [tilespmem:v6+s2+$0x0], $0xffff  }
0x3eb: {  	v6 =	vor.u32 $0x7, v0  }
0x3ec: {  	v2 =	vadd.f32 v4, v2;
	v4 =	vld.idx.msk [tilespmem:v7+s2+$0x0], $0xffff  }
0x3ed: {  	v7 =	vor.u32 $0x8, v0  }
0x3ee: {  	v2 =	vadd.f32 v5, v2;
	v5 =	vld.idx.msk [tilespmem:v8+s2+$0x0], $0xffff  }
0x3ef: {  	v8 =	vor.u32 $0x9, v0  }
0x3f0: {  	v2 =	vadd.f32 v3, v2;
	v3 =	vld.idx.msk [tilespmem:v6+s2+$0x0], $0xffff  }
0x3f1: {  	v6 =	vor.u32 $0xA, v0  }
0x3f2: {  	v2 =	vadd.f32 v4, v2;
	v4 =	vld.idx.msk [tilespmem:v7+s2+$0x0], $0xffff  }
0x3f3: {  	v7 =	vor.u32 $0xB, v0  }
0x3f4: {  	v2 =	vadd.f32 v5, v2;
	v5 =	vld.idx.msk [tilespmem:v8+s2+$0x0], $0xffff  }
0x3f5: {  	v8 =	vor.u32 $0xC, v0  }
0x3f6: {  	v2 =	vadd.f32 v3, v2;
	v3 =	vld.idx.msk [tilespmem:v6+s2+$0x0], $0xffff  }
0x3f7: {  	v6 =	vor.u32 $0xD, v0  }
0x3f8: {  	v2 =	vadd.f32 v4, v2;
	v4 =	vld.idx.msk [tilespmem:v7+s2+$0x0], $0xffff  }
0x3f9: {  	v7 =	vor.u32 $0xE, v0  }
0x3fa: {  	v2 =	vadd.f32 v5, v2;
	v5 =	vld.idx.msk [tilespmem:v8+s2+$0x0], $0xffff  }
0x3fb: {  	v8 =	vor.u32 $0xF, v0  }
0x3fc: {  	v2 =	vadd.f32 v3, v2;
	v3 =	vld.idx.msk [tilespmem:v6+s2+$0x0], $0xffff  }
0x3fd: {  	v6 =	vor.u32 $0x10, v0  }
0x3fe: {  	v2 =	vadd.f32 v4, v2;
	v4 =	vld.idx.msk [tilespmem:v7+s2+$0x0], $0xffff  }
0x3ff: {  	v7 =	vor.u32 $0x11, v0  }
0x400: {  	v2 =	vadd.f32 v5, v2;
	v5 =	vld.idx.msk [tilespmem:v8+s2+$0x0], $0xffff  }
0x401: {  	v8 =	vor.u32 $0x12, v0  }
0x402: {  	v2 =	vadd.f32 v3, v2;
	v3 =	vld.idx.msk [tilespmem:v6+s2+$0x0], $0xffff  }
0x403: {  	v6 =	vor.u32 $0x13, v0  }
0x404: {  	v2 =	vadd.f32 v4, v2;
	v4 =	vld.idx.msk [tilespmem:v7+s2+$0x0], $0xffff  }
0x405: {  	v7 =	vor.u32 $0x14, v0  }
0x406: {  	v2 =	vadd.f32 v5, v2;
	v5 =	vld.idx.msk [tilespmem:v8+s2+$0x0], $0xffff  }
0x407: {  	v8 =	vor.u32 $0x15, v0  }
0x408: {  	v2 =	vadd.f32 v3, v2;
	v3 =	vld.idx.msk [tilespmem:v6+s2+$0x0], $0xffff  }
0x409: {  	v6 =	vor.u32 $0x16, v0  }
0x40a: {  	v2 =	vadd.f32 v4, v2;
	v4 =	vld.idx.msk [tilespmem:v7+s2+$0x0], $0xffff  }
0x40b: {  	v7 =	vor.u32 $0x17, v0  }
0x40c: {  	v2 =	vadd.f32 v5, v2;
	v5 =	vld.idx.msk [tilespmem:v8+s2+$0x0], $0xffff  }
0x40d: {  	v8 =	vor.u32 $0x18, v0  }
0x40e: {  	v2 =	vadd.f32 v3, v2;
	v3 =	vld.idx.msk [tilespmem:v6+s2+$0x0], $0xffff  }
0x40f: {  	v6 =	vor.u32 $0x19, v0  }
0x410: {  	v2 =	vadd.f32 v4, v2;
	v4 =	vld.idx.msk [tilespmem:v7+s2+$0x0], $0xffff  }
0x411: {  	v7 =	vor.u32 $0x1A, v0  }
0x412: {  	v2 =	vadd.f32 v5, v2;
	v5 =	vld.idx.msk [tilespmem:v8+s2+$0x0], $0xffff  }
0x413: {  	v8 =	vor.u32 $0x1B, v0  }
0x414: {  	v2 =	vadd.f32 v3, v2;
	v3 =	vld.idx.msk [tilespmem:v6+s2+$0x0], $0xffff  }
0x415: {  	v6 =	vor.u32 $0x1C, v0  }
0x416: {  	v2 =	vadd.f32 v4, v2;
	v4 =	vld.idx.msk [tilespmem:v7+s2+$0x0], $0xffff  }
0x417: {  	v7 =	vor.u32 $0x1D, v0  }
0x418: {  	v2 =	vadd.f32 v5, v2;
	v5 =	vld.idx.msk [tilespmem:v8+s2+$0x0], $0xffff  }
0x419: {  	v8 =	vor.u32 $0x1E, v0  }
0x41a: {  	v2 =	vadd.f32 v3, v2;
	v3 =	vld.idx.msk [tilespmem:v6+s2+$0x0], $0xffff  }
0x41b: {  	v6 =	vor.u32 $0x1F, v0  }
0x41c: {  	v2 =	vadd.f32 v4, v2;
	v4 =	vld.idx.msk [tilespmem:v7+s2+$0x0], $0xffff  }
0x41d: {  	v7 =	vor.u32 $0x20, v0  }
0x41e: {  	v2 =	vadd.f32 v5, v2;
	v5 =	vld.idx.msk [tilespmem:v8+s2+$0x0], $0xffff  }
0x41f: {  	v8 =	vor.u32 $0x21, v0  }
0x420: {  	v2 =	vadd.f32 v3, v2;
	v3 =	vld.idx.msk [tilespmem:v6+s2+$0x0], $0xffff  }
0x421: {  	v6 =	vor.u32 $0x22, v0  }
0x422: {  	v2 =	vadd.f32 v4, v2;
	v4 =	vld.idx.msk [tilespmem:v7+s2+$0x0], $0xffff  }
0x423: {  	v7 =	vor.u32 $0x23, v0  }
0x424: {  	v2 =	vadd.f32 v5, v2;
	v5 =	vld.idx.msk [tilespmem:v8+s2+$0x0], $0xffff  }
0x425: {  	v8 =	vor.u32 $0x24, v0  }
0x426: {  	v2 =	vadd.f32 v3, v2;
	v3 =	vld.idx.msk [tilespmem:v6+s2+$0x0], $0xffff  }
0x427: {  	v6 =	vor.u32 $0x25, v0  }
0x428: {  	v2 =	vadd.f32 v4, v2;
	v4 =	vld.idx.msk [tilespmem:v7+s2+$0x0], $0xffff  }
0x429: {  	v7 =	vor.u32 $0x26, v0  }
0x42a: {  	v2 =	vadd.f32 v5, v2;
	v5 =	vld.idx.msk [tilespmem:v8+s2+$0x0], $0xffff  }
0x42b: {  	v8 =	vor.u32 $0x27, v0  }
0x42c: {  	v2 =	vadd.f32 v3, v2;
	v3 =	vld.idx.msk [tilespmem:v6+s2+$0x0], $0xffff  }
0x42d: {  	v6 =	vor.u32 $0x28, v0  }
0x42e: {  	v2 =	vadd.f32 v4, v2;
	v4 =	vld.idx.msk [tilespmem:v7+s2+$0x0], $0xffff  }
0x42f: {  	v7 =	vor.u32 $0x29, v0  }
0x430: {  	v2 =	vadd.f32 v5, v2;
	v5 =	vld.idx.msk [tilespmem:v8+s2+$0x0], $0xffff  }
0x431: {  	v8 =	vor.u32 $0x2A, v0  }
0x432: {  	v2 =	vadd.f32 v3, v2;
	v3 =	vld.idx.msk [tilespmem:v6+s2+$0x0], $0xffff  }
0x433: {  	v6 =	vor.u32 $0x2B, v0  }
0x434: {  	v2 =	vadd.f32 v4, v2;
	v4 =	vld.idx.msk [tilespmem:v7+s2+$0x0], $0xffff  }
0x435: {  	v7 =	vor.u32 $0x2C, v0  }
0x436: {  	v2 =	vadd.f32 v5, v2;
	v5 =	vld.idx.msk [tilespmem:v8+s2+$0x0], $0xffff  }
0x437: {  	v8 =	vor.u32 $0x2D, v0  }
0x438: {  	v2 =	vadd.f32 v3, v2;
	v3 =	vld.idx.msk [tilespmem:v6+s2+$0x0], $0xffff  }
0x439: {  	v6 =	vor.u32 $0x2E, v0  }
0x43a: {  	v2 =	vadd.f32 v4, v2;
	v4 =	vld.idx.msk [tilespmem:v7+s2+$0x0], $0xffff  }
0x43b: {  	v7 =	vor.u32 $0x2F, v0  }
0x43c: {  	v2 =	vadd.f32 v5, v2;
	v5 =	vld.idx.msk [tilespmem:v8+s2+$0x0], $0xffff  }
0x43d: {  	v8 =	vor.u32 $0x30, v0  }
0x43e: {  	v2 =	vadd.f32 v3, v2;
	v3 =	vld.idx.msk [tilespmem:v6+s2+$0x0], $0xffff  }
0x43f: {  	v6 =	vor.u32 $0x31, v0  }
0x440: {  	v2 =	vadd.f32 v4, v2;
	v4 =	vld.idx.msk [tilespmem:v7+s2+$0x0], $0xffff  }
0x441: {  	v7 =	vor.u32 $0x32, v0  }
0x442: {  	v2 =	vadd.f32 v5, v2;
	v5 =	vld.idx.msk [tilespmem:v8+s2+$0x0], $0xffff  }
0x443: {  	v8 =	vor.u32 $0x33, v0  }
0x444: {  	v2 =	vadd.f32 v3, v2;
	v3 =	vld.idx.msk [tilespmem:v6+s2+$0x0], $0xffff  }
0x445: {  	v6 =	vor.u32 $0x34, v0  }
0x446: {  	v2 =	vadd.f32 v4, v2;
	v4 =	vld.idx.msk [tilespmem:v7+s2+$0x0], $0xffff  }
0x447: {  	v7 =	vor.u32 $0x35, v0  }
0x448: {  	v2 =	vadd.f32 v5, v2;
	v5 =	vld.idx.msk [tilespmem:v8+s2+$0x0], $0xffff  }
0x449: {  	v8 =	vor.u32 $0x36, v0  }
0x44a: {  	v2 =	vadd.f32 v3, v2;
	v3 =	vld.idx.msk [tilespmem:v6+s2+$0x0], $0xffff  }
0x44b: {  	v6 =	vor.u32 $0x37, v0  }
0x44c: {  	v2 =	vadd.f32 v4, v2;
	v4 =	vld.idx.msk [tilespmem:v7+s2+$0x0], $0xffff  }
0x44d: {  	v7 =	vor.u32 $0x38, v0  }
0x44e: {  	v2 =	vadd.f32 v5, v2;
	v5 =	vld.idx.msk [tilespmem:v8+s2+$0x0], $0xffff  }
0x44f: {  	v8 =	vor.u32 $0x39, v0  }
0x450: {  	v2 =	vadd.f32 v3, v2;
	v3 =	vld.idx.msk [tilespmem:v6+s2+$0x0], $0xffff  }
0x451: {  	v6 =	vor.u32 $0x3A, v0  }
0x452: {  	v2 =	vadd.f32 v4, v2;
	v4 =	vld.idx.msk [tilespmem:v7+s2+$0x0], $0xffff  }
0x453: {  	v7 =	vor.u32 $0x3B, v0  }
0x454: {  	v2 =	vadd.f32 v5, v2;
	v5 =	vld.idx.msk [tilespmem:v8+s2+$0x0], $0xffff  }
0x455: {  	v8 =	vor.u32 $0x3C, v0  }
0x456: {  	v2 =	vadd.f32 v3, v2;
	v3 =	vld.idx.msk [tilespmem:v6+s2+$0x0], $0xffff  }
0x457: {  	v6 =	vor.u32 $0x3D, v0  }
0x458: {  	v2 =	vadd.f32 v4, v2;
	v4 =	vld.idx.msk [tilespmem:v7+s2+$0x0], $0xffff  }
0x459: {  	v7 =	vor.u32 $0x3E, v0  }
0x45a: {  	v2 =	vadd.f32 v5, v2;
	v5 =	vld.idx.msk [tilespmem:v8+s2+$0x0], $0xffff  }
0x45b: {  	v0 =	vor.u32 $0x3F, v0  }
0x45c: {  	v2 =	vadd.f32 v3, v2;
	v3 =	vld.idx.msk [tilespmem:v6+s2+$0x0], $0xffff;
	_ =	sdelay $0x1  }
0x45d: {  	v2 =	vadd.f32 v4, v2;
	v4 =	vld.idx.msk [tilespmem:v7+s2+$0x0], $0xffff;
	_ =	sdelay $0x1  }
0x45e: {  	v2 =	vadd.f32 v5, v2;
	v5 =	vld.idx.msk [tilespmem:v0+s2+$0x0], $0xffff;
	_ =	sdelay $0x1  }
.Ltmp6:
0x45f: {  	v0 =	vadd.f32 v3, v2;
	(pc) =	sbr.rel @p1 .LBB2_9-.Ltmp6, $4  }
0x460: {  	_ = 	snop  }
0x461: {  	v2 =	vadd.f32 v4, v0  }
0x462: {  	v1 =	vadd.s32 $0x10, v1  }
0x463: {  	s24 =	sadd.s32 $0x40, s24;
	v0 =	vshll.u32 v1, $0x7;
	v2 =	vadd.f32 v5, v2  }
0x464: {  	_ = 	snop  }
0x465: {  	v1 =	vor.u32 $0x1, v0;
	v2 =	vmul.f32 $1.562500000e-02, v2  }
0x466: {  	s22 =	sshra.s32 s22, $0x2  }
0x467: {  	v3 =	vor.u32 $0x2, v0;
	[tilespmem:s22+$0x10000] =	vst v2  }
0x468: {  	v2 =	vld.idx.msk [tilespmem:v0+s2+$0x0], $0xffff  }
0x469: {  	v4 =	vor.u32 $0x3, v0  }
0x46a: {  	v1 =	vld.idx.msk [tilespmem:v1+s2+$0x0], $0xffff  }
0x46b: {  	v5 =	vor.u32 $0x4, v0  }
0x46c: {  	v3 =	vld.idx.msk [tilespmem:v3+s2+$0x0], $0xffff  }
0x46d: {  	v6 =	vor.u32 $0x5, v0;
	v2 =	vadd.f32 $0.0e+00, v2  }
0x46e: {  	v4 =	vld.idx.msk [tilespmem:v4+s2+$0x0], $0xffff  }
0x46f: {  	v7 =	vor.u32 $0x6, v0;
	v1 =	vadd.f32 v1, v2  }
0x470: {  	v58 =	vld.idx.msk [tilespmem:v5+s2+$0x0], $0xffff  }
0x471: {  	v59 =	vor.u32 $0x7, v0;
	v1 =	vadd.f32 v3, v1  }
0x472: {  	v60 =	vld.idx.msk [tilespmem:v6+s2+$0x0], $0xffff  }
0x473: {  	v61 =	vor.u32 $0x8, v0;
	v1 =	vadd.f32 v4, v1  }
0x474: {  	v62 =	vld.idx.msk [tilespmem:v7+s2+$0x0], $0xffff  }
0x475: {  	v63 =	vor.u32 $0x9, v0;
	v1 =	vadd.f32 v58, v1  }
0x476: {  	v9 =	vld.idx.msk [tilespmem:v59+s2+$0x0], $0xffff  }
0x477: {  	v10 =	vor.u32 $0xA, v0;
	v1 =	vadd.f32 v60, v1  }
0x478: {  	v11 =	vld.idx.msk [tilespmem:v61+s2+$0x0], $0xffff  }
0x479: {  	v12 =	vor.u32 $0xB, v0;
	v1 =	vadd.f32 v62, v1  }
0x47a: {  	v13 =	vld.idx.msk [tilespmem:v63+s2+$0x0], $0xffff  }
0x47b: {  	v14 =	vor.u32 $0xC, v0;
	v1 =	vadd.f32 v9, v1  }
0x47c: {  	v15 =	vld.idx.msk [tilespmem:v10+s2+$0x0], $0xffff  }
0x47d: {  	v16 =	vor.u32 $0xD, v0;
	v1 =	vadd.f32 v11, v1  }
0x47e: {  	v17 =	vld.idx.msk [tilespmem:v12+s2+$0x0], $0xffff  }
0x47f: {  	v18 =	vor.u32 $0xE, v0;
	v1 =	vadd.f32 v13, v1  }
0x480: {  	v19 =	vld.idx.msk [tilespmem:v14+s2+$0x0], $0xffff  }
0x481: {  	v20 =	vor.u32 $0xF, v0;
	v1 =	vadd.f32 v15, v1  }
0x482: {  	v21 =	vld.idx.msk [tilespmem:v16+s2+$0x0], $0xffff  }
0x483: {  	v22 =	vor.u32 $0x10, v0;
	v1 =	vadd.f32 v17, v1  }
0x484: {  	v23 =	vld.idx.msk [tilespmem:v18+s2+$0x0], $0xffff  }
0x485: {  	v24 =	vor.u32 $0x11, v0;
	v1 =	vadd.f32 v19, v1  }
0x486: {  	v25 =	vld.idx.msk [tilespmem:v20+s2+$0x0], $0xffff  }
0x487: {  	v26 =	vor.u32 $0x12, v0;
	v1 =	vadd.f32 v21, v1  }
0x488: {  	v27 =	vld.idx.msk [tilespmem:v22+s2+$0x0], $0xffff  }
0x489: {  	v28 =	vor.u32 $0x13, v0;
	v1 =	vadd.f32 v23, v1  }
0x48a: {  	v29 =	vld.idx.msk [tilespmem:v24+s2+$0x0], $0xffff  }
0x48b: {  	v30 =	vor.u32 $0x14, v0;
	v1 =	vadd.f32 v25, v1  }
0x48c: {  	v31 =	vld.idx.msk [tilespmem:v26+s2+$0x0], $0xffff  }
0x48d: {  	v32 =	vor.u32 $0x15, v0;
	v1 =	vadd.f32 v27, v1  }
0x48e: {  	v33 =	vld.idx.msk [tilespmem:v28+s2+$0x0], $0xffff  }
0x48f: {  	v34 =	vor.u32 $0x16, v0;
	v1 =	vadd.f32 v29, v1  }
0x490: {  	v35 =	vld.idx.msk [tilespmem:v30+s2+$0x0], $0xffff  }
0x491: {  	v36 =	vor.u32 $0x17, v0;
	v1 =	vadd.f32 v31, v1  }
0x492: {  	v37 =	vld.idx.msk [tilespmem:v32+s2+$0x0], $0xffff  }
0x493: {  	v38 =	vor.u32 $0x18, v0;
	v1 =	vadd.f32 v33, v1  }
0x494: {  	v39 =	vld.idx.msk [tilespmem:v34+s2+$0x0], $0xffff  }
0x495: {  	v40 =	vor.u32 $0x19, v0;
	v1 =	vadd.f32 v35, v1  }
0x496: {  	v41 =	vld.idx.msk [tilespmem:v36+s2+$0x0], $0xffff  }
0x497: {  	v42 =	vor.u32 $0x1A, v0;
	v1 =	vadd.f32 v37, v1  }
0x498: {  	v43 =	vld.idx.msk [tilespmem:v38+s2+$0x0], $0xffff  }
0x499: {  	v44 =	vor.u32 $0x1B, v0;
	v1 =	vadd.f32 v39, v1  }
0x49a: {  	v45 =	vld.idx.msk [tilespmem:v40+s2+$0x0], $0xffff  }
0x49b: {  	v46 =	vor.u32 $0x1C, v0;
	v1 =	vadd.f32 v41, v1  }
0x49c: {  	v47 =	vld.idx.msk [tilespmem:v42+s2+$0x0], $0xffff  }
0x49d: {  	v48 =	vor.u32 $0x1D, v0;
	v1 =	vadd.f32 v43, v1  }
0x49e: {  	v49 =	vld.idx.msk [tilespmem:v44+s2+$0x0], $0xffff  }
0x49f: {  	v50 =	vor.u32 $0x1E, v0;
	v1 =	vadd.f32 v45, v1  }
0x4a0: {  	v51 =	vld.idx.msk [tilespmem:v46+s2+$0x0], $0xffff  }
0x4a1: {  	v52 =	vor.u32 $0x1F, v0;
	v1 =	vadd.f32 v47, v1  }
0x4a2: {  	v53 =	vld.idx.msk [tilespmem:v48+s2+$0x0], $0xffff  }
0x4a3: {  	v54 =	vor.u32 $0x20, v0;
	v1 =	vadd.f32 v49, v1  }
0x4a4: {  	v55 =	vld.idx.msk [tilespmem:v50+s2+$0x0], $0xffff  }
0x4a5: {  	v56 =	vor.u32 $0x21, v0;
	v1 =	vadd.f32 v51, v1  }
0x4a6: {  	v57 =	vld.idx.msk [tilespmem:v52+s2+$0x0], $0xffff  }
0x4a7: {  	v58 =	vor.u32 $0x22, v0;
	v1 =	vadd.f32 v53, v1  }
0x4a8: {  	v59 =	vld.idx.msk [tilespmem:v54+s2+$0x0], $0xffff  }
0x4a9: {  	v60 =	vor.u32 $0x23, v0;
	v1 =	vadd.f32 v55, v1  }
0x4aa: {  	v61 =	vld.idx.msk [tilespmem:v56+s2+$0x0], $0xffff  }
0x4ab: {  	v62 =	vor.u32 $0x24, v0;
	v1 =	vadd.f32 v57, v1  }
0x4ac: {  	v63 =	vld.idx.msk [tilespmem:v58+s2+$0x0], $0xffff  }
0x4ad: {  	v9 =	vor.u32 $0x25, v0;
	v1 =	vadd.f32 v59, v1  }
0x4ae: {  	v10 =	vld.idx.msk [tilespmem:v60+s2+$0x0], $0xffff  }
0x4af: {  	v11 =	vor.u32 $0x26, v0;
	v1 =	vadd.f32 v61, v1  }
0x4b0: {  	v12 =	vld.idx.msk [tilespmem:v62+s2+$0x0], $0xffff  }
0x4b1: {  	v13 =	vor.u32 $0x27, v0;
	v1 =	vadd.f32 v63, v1  }
0x4b2: {  	v14 =	vld.idx.msk [tilespmem:v9+s2+$0x0], $0xffff  }
0x4b3: {  	v15 =	vor.u32 $0x28, v0;
	v1 =	vadd.f32 v10, v1  }
0x4b4: {  	v16 =	vld.idx.msk [tilespmem:v11+s2+$0x0], $0xffff  }
0x4b5: {  	v17 =	vor.u32 $0x29, v0;
	v1 =	vadd.f32 v12, v1  }
0x4b6: {  	v18 =	vld.idx.msk [tilespmem:v13+s2+$0x0], $0xffff  }
0x4b7: {  	v19 =	vor.u32 $0x2A, v0;
	v1 =	vadd.f32 v14, v1  }
0x4b8: {  	v20 =	vld.idx.msk [tilespmem:v15+s2+$0x0], $0xffff  }
0x4b9: {  	v21 =	vor.u32 $0x2B, v0;
	v1 =	vadd.f32 v16, v1  }
0x4ba: {  	v22 =	vld.idx.msk [tilespmem:v17+s2+$0x0], $0xffff  }
0x4bb: {  	v23 =	vor.u32 $0x2C, v0;
	v1 =	vadd.f32 v18, v1  }
0x4bc: {  	v24 =	vld.idx.msk [tilespmem:v19+s2+$0x0], $0xffff  }
0x4bd: {  	v25 =	vor.u32 $0x2D, v0;
	v1 =	vadd.f32 v20, v1  }
0x4be: {  	v26 =	vld.idx.msk [tilespmem:v21+s2+$0x0], $0xffff  }
0x4bf: {  	v27 =	vor.u32 $0x2E, v0;
	v1 =	vadd.f32 v22, v1  }
0x4c0: {  	v28 =	vld.idx.msk [tilespmem:v23+s2+$0x0], $0xffff  }
0x4c1: {  	v29 =	vor.u32 $0x2F, v0;
	v1 =	vadd.f32 v24, v1  }
0x4c2: {  	v30 =	vld.idx.msk [tilespmem:v25+s2+$0x0], $0xffff  }
0x4c3: {  	v31 =	vor.u32 $0x30, v0;
	v1 =	vadd.f32 v26, v1  }
0x4c4: {  	v32 =	vld.idx.msk [tilespmem:v27+s2+$0x0], $0xffff  }
0x4c5: {  	v33 =	vor.u32 $0x31, v0;
	v1 =	vadd.f32 v28, v1  }
0x4c6: {  	v34 =	vld.idx.msk [tilespmem:v29+s2+$0x0], $0xffff  }
0x4c7: {  	v35 =	vor.u32 $0x32, v0;
	v1 =	vadd.f32 v30, v1  }
0x4c8: {  	v36 =	vld.idx.msk [tilespmem:v31+s2+$0x0], $0xffff  }
0x4c9: {  	v37 =	vor.u32 $0x33, v0;
	v1 =	vadd.f32 v32, v1  }
0x4ca: {  	v38 =	vld.idx.msk [tilespmem:v33+s2+$0x0], $0xffff  }
0x4cb: {  	v39 =	vor.u32 $0x34, v0;
	v1 =	vadd.f32 v34, v1  }
0x4cc: {  	v40 =	vld.idx.msk [tilespmem:v35+s2+$0x0], $0xffff  }
0x4cd: {  	v41 =	vor.u32 $0x35, v0;
	v1 =	vadd.f32 v36, v1  }
0x4ce: {  	v42 =	vld.idx.msk [tilespmem:v37+s2+$0x0], $0xffff  }
0x4cf: {  	v43 =	vor.u32 $0x36, v0;
	v1 =	vadd.f32 v38, v1  }
0x4d0: {  	v44 =	vld.idx.msk [tilespmem:v39+s2+$0x0], $0xffff  }
0x4d1: {  	v45 =	vor.u32 $0x37, v0;
	v1 =	vadd.f32 v40, v1  }
0x4d2: {  	v46 =	vld.idx.msk [tilespmem:v41+s2+$0x0], $0xffff  }
0x4d3: {  	v47 =	vor.u32 $0x38, v0;
	v1 =	vadd.f32 v42, v1  }
0x4d4: {  	v48 =	vld.idx.msk [tilespmem:v43+s2+$0x0], $0xffff  }
0x4d5: {  	v49 =	vor.u32 $0x39, v0;
	v1 =	vadd.f32 v44, v1  }
0x4d6: {  	v50 =	vld.idx.msk [tilespmem:v45+s2+$0x0], $0xffff  }
0x4d7: {  	v51 =	vor.u32 $0x3A, v0;
	v1 =	vadd.f32 v46, v1  }
0x4d8: {  	v52 =	vld.idx.msk [tilespmem:v47+s2+$0x0], $0xffff  }
0x4d9: {  	v53 =	vor.u32 $0x3B, v0;
	v1 =	vadd.f32 v48, v1  }
0x4da: {  	v54 =	vld.idx.msk [tilespmem:v49+s2+$0x0], $0xffff  }
0x4db: {  	v55 =	vor.u32 $0x3C, v0;
	v1 =	vadd.f32 v50, v1  }
0x4dc: {  	v56 =	vld.idx.msk [tilespmem:v51+s2+$0x0], $0xffff  }
0x4dd: {  	v57 =	vor.u32 $0x3D, v0;
	v1 =	vadd.f32 v52, v1  }
0x4de: {  	v58 =	vld.idx.msk [tilespmem:v53+s2+$0x0], $0xffff  }
0x4df: {  	v59 =	vor.u32 $0x3E, v0;
	v1 =	vadd.f32 v54, v1  }
0x4e0: {  	v60 =	vld.idx.msk [tilespmem:v55+s2+$0x0], $0xffff  }
0x4e1: {  	v61 =	vor.u32 $0x3F, v0;
	v1 =	vadd.f32 v56, v1  }
0x4e2: {  	v62 =	vld.idx.msk [tilespmem:v57+s2+$0x0], $0xffff  }
0x4e3: {  	v1 =	vadd.f32 v58, v1  }
0x4e4: {  	v63 =	vld.idx.msk [tilespmem:v59+s2+$0x0], $0xffff  }
0x4e5: {  	v1 =	vadd.f32 v60, v1  }
0x4e6: {  	v0 =	vld.idx.msk [tilespmem:v61+s2+$0x0], $0xffff  }
0x4e7: {  	v1 =	vadd.f32 v62, v1;
	_ =	sdelay $0x1  }
0x4e8: {  	v1 =	vadd.f32 v63, v1;
	_ =	sdelay $0x1  }
0x4e9: {  	v0 =	vadd.f32 v0, v1;
	_ =	sdelay $0x1  }
0x4ea: {  	v0 =	vmul.f32 $1.562500000e-02, v0  }
0x4eb: {  	s31 =	sshra.s32 s23, $0x2  }
.Ltmp7:
0x4ec: {  	[tilespmem:s31+$0x10000] =	vst v0;
	(pc) =	sbr.rel .LBB2_11-.Ltmp7, $4  }
0x4ed: {  	[hbm4b:s13+s2] =	stream.linear.scatter [tilespmem:s17], [sflag:$0x3], $0x40, $0x38;
	[tilespmem:$0x10200] =	vst v63  }
0x4ee: {  	_ =	swait.ge [sflag:s18], $0x40  }
0x4ef: {  	[sflag:s18] =	ssyncset.done $0x0  }
0x4f0: {  	[sflag:s18] =	ssyncadd.s32 $0xFFFFFFC0  }
.LBB2_12:
0x4f1: {  	_ =	sfence.sel $0x180000  }
0x4f2: {  	[bflag:$0x0] =	sbarrier.arrive $0xFFFF  }
0x4f3: {  	p0 =	sne.s32 s1, $0x0;
	_ =	strace $0x9000004A  }
0x4f4: {  	s0 =	sadd.s32 @!p0 $0x100000, s0;
	[bflag:$0x2] =	sbarrier.arrive $0xFFFF  }
0x4f5: {  	[sflag:s0] =	ssyncadd.tile.s32 @!p0 $0x1;
	_ =	shalt  }
.Lfunc_end2:
_tile_overlayer_lowered:
.L_overlay_start_2:
0x4f6: {  	(tag) =	ssettag $0x2  }
0x4f7: {  	s0 =	rddreg [dreg:$0x0];
	s2 =	stileid.u32  }
0x4f8: {  	s1 =	rddreg [dreg:$0x1];
	p0 =	sne.s32 s2, $0x0  }
0x4f9: {  	s3 =	rddreg [dreg:$0x2];
	[bflag:$0x3] =	sbarrier.arrive $0xFFFF;
	s2 =	simm.s32 @!p0 $0x1C03  }
0x4fa: {  	[timem:s3], [sflag:s2] =	dma.local @!p0 [hbm:s0], s1  }
0x4fb: {  	s0 =	simm.s32 @!p0 $0x3  }
0x4fc: {  	_ =	swait.ge @!p0 [sflag:s0], s1  }
0x4fd: {  	s1 =	ssub.s32 @!p0 $0x0, s1;
	[sflag:s0] =	ssyncset.done @!p0 $0x0  }
0x4fe: {  	[sflag:s0] =	ssyncadd.s32 @!p0 s1  }
0x4ff: {  	[bflag:$0x3] =	sbarrier.arrive $0xFFFF  }
0x500: {  	_ =	shalt  }

// kernel: sparse-core-data-format-call.cloned.1.call-start
scs
called_computation_lowered:
.L_overlay_start_0:
0x0: {  	s1 =	sld [smem:$0x3FD9]  }
0x1: {  	s2 =	sld [smem:$0x3FFE];
	_ =	sdelay $0x1  }
0x2: {  	s3 =	srdreg.scid  }
0x3: {  	s0 =	sand.u32 $0x1, s3  }
0x4: {  	s17 =	sshll.u32 s0, $0xA;
	s1 =	sadd.s32 s2, s1  }
0x5: {  	s1 =	sadd.s32 s1, s17  }
0x6: {  	[smem:$0x3FC4] =	sst s1  }
0x7: {  	_ = 	snop  }
0x8: {  	(tm) =	ssettm $0x1  }
0x9: {  	s18 =	sld [smem:$0x3FFB];
	_ =	sdelay $0x3  }
0xa: {  	_ =	strace s18  }
0xb: {  	s1 =	sld [smem:$0x3FFC];
	_ =	sdelay $0x3  }
0xc: {  	_ =	strace s1  }
0xd: {  	s1 =	sld [smem:$0x3FFD];
	_ =	sdelay $0x3  }
0xe: {  	_ =	strace s1  }
0xf: {  	_ =	strace $0x8FFFFFFF  }
0x10: {  	s19 =	sld [smem:$0x3FDB];
	_ =	sdelay $0x1  }
0x11: {  	s20 =	simm.s32 $_scs_section_size  }
0x12: {  	s4 =	simm.s32 $_size__tile_overlayer_lowered;
	s5 =	simm.s32 $_tile_overlayer_lowered  }
0x13: {  	s23 =	simm.s32 $0x1BFF;
	s22 =	sshll.u32 s5, $0x1;
	s1 =	sadd.s32 s20, s19  }
0x14: {  	s6 =	simm.s32 $0x0;
	s21 =	sshll.u32 s4, $0x1;
	s4 =	sadd.s32 s22, s1  }
0x15: {  	[timem:s6], [sflag:s23] =	dma.local [hbm:s4], s21  }
0x16: {  	_ =	swait.ge [sflag:s23], s21  }
0x17: {  	s2 =	ssub.s32 $0x0, s21;
	[sflag:s23] =	ssyncset.done $0x0  }
0x18: {  	[sflag:s23] =	ssyncadd.s32 s2;
	_ =	sdelay $0x1  }
0x19: {  	s24 =	simm.s32 $0x1B8B  }
0x1a: {  	_ =	swait.ge [sflag:s24], $0x1  }
0x1b: {  	[sflag:s24] =	ssyncset.done $0x0  }
0x1c: {  	s26 =	simm.s32 $0x1B8E;
	s25 =	sld [smem:$0x3FFE];
	[sflag:s24] =	ssyncadd.s32 $0xFFFFFFFF  }
0x1d: {  	s27 =	simm.s32 $execute0_lowered;
	[smem:$0x3FD2] =	sst s26  }
0x1e: {  	s4 =	sshll.u32 s27, $0x1;
	_ =	strace $0x80000046;
	[dreg:$0x1] =	wrdreg $0xFFFFFFFF  }
0x1f: {  	s28 =	simm.s32 $_size_execute0_lowered;
	s1 =	sadd.s32 s1, s4;
	[dreg:$0x0] =	wrdreg $0x0  }
0x20: {  	s4 =	sshll.u32 s28, $0x1;
	[dreg:$0x2] =	wrdreg s1  }
0x21: {  	[dreg:$0x3] =	wrdreg s4  }
0x22: {  	[dreg:$0x4] =	wrdreg $0xC0  }
0x23: {  	_ =	task [dreg:s6], $0x5FFFF  }
0x24: {  	[dreg:$0x1] =	wrdreg $0xFFFFFFFF  }
0x25: {  	[dreg:$0x0] =	wrdreg $0x60  }
0x26: {  	[dreg:$0x2] =	wrdreg s25  }
0x27: {  	[dreg:$0x3] =	wrdreg $0x9  }
0x28: {  	_ =	task.clear_ibuf [dreg:s6], $0x4FFFF;
	_ =	strace $0x90000046  }
0x29: {  	s29 =	simm.s32 $0x9;
	_ =	strace $0x80000048  }
0x2a: {  	_ =	swait.ge [sflag:s29], $0x1  }
0x2b: {  	[sflag:s29] =	ssyncadd.s32 $0xFFFFFFFF  }
0x2c: {  	_ =	strace $0x90000048  }
0x2d: {  	_ =	sfence  }
0x2e: {  	s30 =	sld [smem:$0x0];
	_ =	sdelay $0x2  }
0x2f: {  	s31 =	sshll.u32 s3, $0xD;
	s3 =	sshrl.u32 s3, $0x2  }
0x30: {  	s2 =	sand.u32 $0x4000, s31;
	s1 =	sadd.s32 s3, s30  }
0x31: {  	s0 =	sor.u32 s2, s0;
	s1 =	sshll.u32 s1, $0x11  }
0x32: {  	s0 =	sor.u32 s1, s0  }
0x33: {  	s0 =	sadd.s32 $0x8F2B, s0  }
0x34: {  	[sflag:s0] =	ssyncadd.remote.s32 $0x1  }
0x35: {  	_ =	sfence.sel $0xFFFF  }
0x36: {  	[dreg:$0x0] =	wrdreg $0xFFFFFFFF;
	(pc) =	sbr.abs _section_cstart, $3  }
0x37: {  	[dreg:$0x1] =	wrdreg $0xFFFFFFFF  }
0x38: {  	_ =	task.clear_ibuf [dreg:s6], $0x2FFFF;
	_ =	strace $0x9FFFFFFF  }
0x39: {  	(tm) =	ssettm $0x7FFFFFFF  }
tec
execute0_lowered:
.L_overlay_start_1:
0x0: {  	(tag) =	ssettag $0x1  }
0x1: {  	s0 =	srdreg.scid  }
0x2: {  	s6 =	rddreg [dreg:$0x0];
	s7 =	simm.s32 $0x1;
	s1 =	sshll.u32 s0, $0x4  }
0x3: {  	s8 =	simm.s32 $0x2;
	s0 =	stileid.u32;
	s1 =	sand.u32 $0x10, s1  }
0x4: {  	s13 =	simm.s32 $0x0;
	s12 =	simm.s32 $0x0;
	s1 =	sor.u32 s0, s1  }
0x5: {  	s10 =	simm.s32 $0x0;
	s11 =	simm.s32 $0x0;
	s2 =	sshll.u32 s1, $0x8  }
0x6: {  	s3 =	sadd.s32 $0x1400, s6;
	s6 =	sadd.s32 $0x431400, s6;
	s5 =	ssub.s32 $0x86000, s2  }
.Ltmp0:
0x7: {  	s1 =	rddreg [dreg:$0x1];
	s4 =	sand.u32 $0x1F00, s5;
	(pc) =	sbr.rel .LBB1_1-.Ltmp0, $4  }
0x8: {  	_ =	strace $0x80000047;
	s9 =	smov.u32 s2;
	p0 =	sne.s32 s4, $0x0  }
0x9: {  	s5 =	sshrl.u32 s5, $0xD;
	s4 =	simm.s32 $0x1;
	s7 =	simm.s32 @!p0 $0x0  }
0xa: {  	[sflag:s4] =	ssyncpa.u1 $0x0;
	p0 =	por $0x0, $0x0;
	s5 =	sadd.s32 s7, s5  }
0xb: {  	[sflag:s8] =	ssyncpa.u1 $0x0;
	s8 =	simm.s32 $0x80;
	s7 =	sadd.s32 $0x1, s5  }
.LBB1_4:
0xc: {  	_ =	sdelay $0x3  }
0xd: {  	s21 =	sor.u32 s24, s23;
	v47 =	vld.idx.msk [tilespmem:v0+s16+$0x470 ss:$0x1], $0xffff  }
0xe: {  	v57 =	vld.idx.msk [tilespmem:v0+s21+$0x410 ss:$0x1], $0xffff  }
0xf: {  	v58 =	vld.idx.msk [tilespmem:v0+s21+$0x420 ss:$0x1], $0xffff  }
0x10: {  	[tilespmem:s18+$0x1860 ss:$0x41] =	vst.msk $0xffff, v8;
	v59 =	vld.idx.msk [tilespmem:v0+s21+$0x430 ss:$0x1], $0xffff  }
0x11: {  	[tilespmem:s18+$0x1C70 ss:$0x41] =	vst.msk $0xffff, v7;
	v60 =	vld.idx.msk [tilespmem:v0+s21+$0x440 ss:$0x1], $0xffff  }
0x12: {  	[tilespmem:s18+$0x2490 ss:$0x41] =	vst.msk $0xffff, v1;
	s22 =	sand.u32 $0x3B00, s21;
	v61 =	vld.idx.msk [tilespmem:v0+s21+$0x450 ss:$0x1], $0xffff  }
0x13: {  	s20 =	sand.u32 $0x80, s20;
	[tilespmem:s18+$0x28A0 ss:$0x41] =	vst.msk $0xffff, v2;
	v62 =	vld.idx.msk [tilespmem:v0+s21+$0x460 ss:$0x1], $0xffff;
	s15 =	sadd.s32 s22, s15  }
0x14: {  	[tilespmem:s18+$0x2CB0 ss:$0x41] =	vst.msk $0xffff, v3;
	v63 =	vld.idx.msk [tilespmem:v0+s21+$0x470 ss:$0x1], $0xffff;
	s15 =	sadd.s32 s20, s15  }
0x15: {  	[tilespmem:s18+$0x30C0 ss:$0x41] =	vst.msk $0xffff, v4;
	v48 =	vld [tilespmem:s15+$0x400]  }
0x16: {  	[tilespmem:s18+$0x34D0 ss:$0x41] =	vst.msk $0xffff, v5;
	v49 =	vld [tilespmem:s15+$0x0]  }
0x17: {  	s25 =	sshra.s32 s19, $0x2;
	[tilespmem:s18+$0x38E0 ss:$0x41] =	vst.msk $0xffff, v6;
	v50 =	vld [tilespmem:s15+$0x10]  }
0x18: {  	s16 =	sadd.s32 s25, s17;
	v51 =	vld [tilespmem:s15+$0x20];
	[tilespmem:s18+$0x3CF0 ss:$0x41] =	vst.msk $0xffff, v47  }
0x19: {  	v52 =	vld [tilespmem:s15+$0x30];
	[tilespmem:s16+$0x2490 ss:$0x41] =	vst.msk $0xffff, v57  }
0x1a: {  	v53 =	vld [tilespmem:s15+$0x40];
	[tilespmem:s16+$0x28A0 ss:$0x41] =	vst.msk $0xffff, v58  }
0x1b: {  	v54 =	vld [tilespmem:s15+$0x50];
	[tilespmem:s16+$0x2CB0 ss:$0x41] =	vst.msk $0xffff, v59  }
0x1c: {  	s13 =	sshll.u32 s13, $0x7;
	s26 =	sshll.u32 s12, $0x3;
	v55 =	vld [tilespmem:s15+$0x60];
	[tilespmem:s16+$0x30C0 ss:$0x41] =	vst.msk $0xffff, v60  }
0x1d: {  	s27 =	sand.u32 $0xFFFFFC00, s13;
	v56 =	vld [tilespmem:s15+$0x70];
	s15 =	sand.u32 $0xFFFFFC00, s26;
	[tilespmem:s16+$0x34D0 ss:$0x41] =	vst.msk $0xffff, v61  }
0x1e: {  	s13 =	sand.u32 $0x380, s13;
	s15 =	sadd.s32 s15, s27;
	[tilespmem:s16+$0x38E0 ss:$0x41] =	vst.msk $0xffff, v62  }
0x1f: {  	s13 =	sor.u32 s13, s15;
	[tilespmem:s16+$0x3CF0 ss:$0x41] =	vst.msk $0xffff, v63  }
0x20: {  	s13 =	sshrl.u32 s13, $0x7;
	[tilespmem:s16+$0x2080 ss:$0x41] =	vst.msk $0xffff, v48  }
0x21: {  	s28 =	smulhi.u32 $0x1E9131B, s13;
	[tilespmem:s16+$0x0 ss:$0x41] =	vst.msk $0xffff, v49  }
0x22: {  	[tilespmem:s16+$0x410 ss:$0x41] =	vst.msk $0xffff, v50  }
0x23: {  	[tilespmem:s16+$0x820 ss:$0x41] =	vst.msk $0xffff, v51;
	s15 =	sshrl.u32 s28, $0xC  }
0x24: {  	[tilespmem:s16+$0xC30 ss:$0x41] =	vst.msk $0xffff, v52;
	s15 =	smul.u32 $0x86000, s15  }
0x25: {  	s29 =	sshrl.u32 s12, $0x3;
	[tilespmem:s16+$0x1040 ss:$0x41] =	vst.msk $0xffff, v53  }
0x26: {  	s31 =	sand.u32 $0x7, s12;
	s30 =	sand.u32 $0xF, s29;
	[tilespmem:s16+$0x1450 ss:$0x41] =	vst.msk $0xffff, v54;
	s13 =	ssub.s32 s13, s15  }
0x27: {  	s12 =	sshll.u32 s31, $0x12;
	[tilespmem:s16+$0x1860 ss:$0x41] =	vst.msk $0xffff, v55;
	s15 =	sadd.s32 s6, s30;
	s13 =	sshll.u32 s13, $0x4  }
0x28: {  	s12 =	sor.u32 $0x40, s12;
	[tilespmem:s16+$0x1C70 ss:$0x41] =	vst.msk $0xffff, v56;
	s13 =	sadd.s32 s13, s15  }
0x29: {  	[hbm4b:s13+s12] =	stream.strided.scatter [tilespmem:s14], [sflag:$0x2], $0x4000, s8, s12, $0x18;
	[tilespmem:$0x10200] =	vst v63  }
.LBB1_5:
0x2a: {  	s14 =	sadd.s32 $0x2000, s9  }
0x2b: {  	s12 =	sadd.s32 $0x40, s10;
	s16 =	smov.u32 s10;
	p2 =	sgt.s32 s14, $0x85FFF  }
0x2c: {  	s16 =	smov.u32 @p2 s12  }
0x2d: {  	s14 =	smov.u32 @p2 s2;
	p2 =	sgt.s32 s16, $0x3F  }
0x2e: {  	s16 =	simm.s32 @p2 $0x0;
	p2 =	sne.s32 s11, s7  }
.Ltmp1:
0x2f: {  	p1 =	slt.u32 s11, $0x2;
	(pc) =	sbr.rel @!p2 .LBB1_6-.Ltmp1, $4  }
0x30: {  	s15 =	simm.s32 @!p1 $0x2  }
0x31: {  	s13 =	smov.u32 s9;
	p0 =	por !p0, !p0;
	_ =	swait.ge @!p1 [sflag:s15], $0x4000  }
0x32: {  	s12 =	smov.u32 s10;
	[sflag:s15] =	ssyncset.done @!p1 $0x0;
	s9 =	smov.u32 s14  }
0x33: {  	s11 =	sadd.s32 $0x1, s11;
	[sflag:s15] =	ssyncadd.s32 @!p1 $0xFFFFC000;
	s10 =	smov.u32 s16  }
.LBB1_1:
0x34: {  	p1 =	sge.u32 s11, s5  }
0x35: {  	s14 =	sshrl.u32 @!p1 s10, $0x3  }
0x36: {  	s15 =	sshll.u32 @!p1 s9, $0x3;
	s16 =	sshll.u32 @!p1 s10, $0x7;
	s14 =	smul.u32 @!p1 $0x430000, s14  }
0x37: {  	s17 =	sand.u32 @!p1 $0x7F, s9;
	s15 =	sand.u32 @!p1 $0xFFFFFC00, s15;
	s16 =	sand.u32 @!p1 $0x380, s16  }
0x38: {  	s14 =	sadd.s32 @!p1 s14, s15;
	s15 =	sor.u32 @!p1 s17, s16  }
0x39: {  	s15 =	sor.u32 @!p1 s14, s15  }
0x3a: {  	s16 =	smulhi.u32 @!p1 $0x7A44C6B, s15;
	_ =	sdelay $0x1  }
0x3b: {  	s14 =	smulhi.u32 @!p1 $0x7A44C6B, s14;
	s16 =	sshrl.u32 @!p1 s16, $0xE  }
0x3c: {  	s16 =	smul.u32 @!p1 $0x86000, s16  }
0x3d: {  	s31 =	sadd.s32 $0xFFFFFFFF, s11;
	s17 =	sxor.u32 @!p1 $0xFFFFFFFF, s11;
	s14 =	sshrl.u32 @!p1 s14, $0xE  }
0x3e: {  	s17 =	sshll.u32 @!p1 s17, $0xE;
	s14 =	sand.u32 @!p1 $0x3F, s14;
	s15 =	ssub.s32 @!p1 s15, s16  }
0x3f: {  	s14 =	smul.u32 @!p1 $0x10C00, s14;
	s16 =	sshrl.u32 @!p1 s15, $0x3;
	s15 =	sand.u32 @!p1 $0x7, s15  }
0x40: {  	s17 =	sand.u32 @!p1 $0x4000, s17;
	s16 =	sadd.s32 @!p1 s3, s16;
	s15 =	sshll.u32 @!p1 s15, $0x12  }
0x41: {  	s14 =	sadd.s32 @!p1 s14, s16;
	s15 =	sor.u32 @!p1 $0x800, s15;
	s16 =	simm.s32 @!p1 $0x430000  }
0x42: {  	[tilespmem:s17], [sflag:$0x1] =	stream.strided.gather @!p1 [hbm4b:s14+s15], $0x4000, s16, s15, $0x38;
	[tilespmem:$0x10200] =	vst v63  }
0x43: {  	p1 =	sge.u32 s31, s5  }
.Ltmp2:
0x44: {  	_ = 	snop;
	(pc) =	sbr.rel @p1 .LBB1_5-.Ltmp2, $1  }
0x45: {  	_ =	sdelay $0x3  }
0x46: {  	s17 =	simm.s32 $0x0  }
0x47: {  	s16 =	sand.u32 $0x3800, s17;
	s18 =	sand.u32 $0x380, s17  }
0x48: {  	s14 =	sand.u32 $0x1, s11;
	s16 =	sor.u32 s18, s16  }
0x49: {  	_ =	swait.ge [sflag:s4], $0x4000;
	s15 =	sshll.u32 s14, $0xE;
	s18 =	sand.u32 $0x3B00, s16  }
0x4a: {  	[sflag:s4] =	ssyncset.done $0x0;
	s17 =	sand.u32 $0x80, s17;
	s18 =	sadd.s32 s18, s15  }
0x4b: {  	[sflag:s4] =	ssyncadd.s32 $0xFFFFC000;
	s20 =	sadd.s32 s17, s18  }
0x4c: {  	v4 =	vld [tilespmem:s20+$0x400]  }
0x4d: {  	s19 =	simm.s32 $0x1;
	v5 =	vld [tilespmem:s20+$0x0]  }
0x4e: {  	s19 =	simm.s32 @!p0 $0x0;
	v6 =	vld [tilespmem:s20+$0x10]  }
0x4f: {  	v0 =	vmov s15;
	s31 =	smul.u32 $0x10400, s19;
	v7 =	vld [tilespmem:s20+$0x20]  }
0x50: {  	v9 =	vld [tilespmem:s20+$0x30]  }
0x51: {  	s17 =	sshrl.u32 s31, $0x2;
	v10 =	vld [tilespmem:s20+$0x40]  }
0x52: {  	s17 =	sor.u32 $0x8000, s17;
	v11 =	vld [tilespmem:s20+$0x50]  }
0x53: {  	v8 =	vld [tilespmem:s20+$0x60];
	s18 =	sadd.s32 $0x0, s17  }
0x54: {  	v1 =	vld.idx.msk [tilespmem:v0+s16+$0x410 ss:$0x1], $0xffff;
	[tilespmem:s18+$0x2080 ss:$0x41] =	vst.msk $0xffff, v4  }
0x55: {  	v2 =	vld.idx.msk [tilespmem:v0+s16+$0x420 ss:$0x1], $0xffff;
	[tilespmem:s18+$0x0 ss:$0x41] =	vst.msk $0xffff, v5  }
0x56: {  	v3 =	vld.idx.msk [tilespmem:v0+s16+$0x430 ss:$0x1], $0xffff;
	[tilespmem:s18+$0x410 ss:$0x41] =	vst.msk $0xffff, v6  }
0x57: {  	s14 =	smul.u32 $0x10400, s14;
	[tilespmem:s18+$0x820 ss:$0x41] =	vst.msk $0xffff, v7;
	v7 =	vld [tilespmem:s20+$0x70]  }
0x58: {  	s21 =	simm.s32 $0x100;
	s22 =	simm.s32 $0x8;
	[tilespmem:s18+$0xC30 ss:$0x41] =	vst.msk $0xffff, v9;
	v4 =	vld.idx.msk [tilespmem:v0+s16+$0x440 ss:$0x1], $0xffff  }
0x59: {  	s23 =	sand.u32 $0x3800, s21;
	s14 =	sshrl.u32 s14, $0x2;
	[tilespmem:s18+$0x1040 ss:$0x41] =	vst.msk $0xffff, v10;
	v5 =	vld.idx.msk [tilespmem:v0+s16+$0x450 ss:$0x1], $0xffff;
	s20 =	simm.s32 $0x80  }
0x5a: {  	s19 =	simm.s32 $0x4;
	s14 =	sor.u32 $0x8000, s14;
	[tilespmem:s18+$0x1450 ss:$0x41] =	vst.msk $0xffff, v11;
	v6 =	vld.idx.msk [tilespmem:v0+s16+$0x460 ss:$0x1], $0xffff;
	s24 =	sand.u32 $0x380, s20  }
.LBB1_3:
0x5b: {  	p1 =	sne.s32 s22, $0xFC;
	[tilespmem:s18+$0x1860 ss:$0x41] =	vst.msk $0xffff, v8;
	v8 =	vld.idx.msk [tilespmem:v0+s16+$0x470 ss:$0x1], $0xffff;
	s16 =	sor.u32 s24, s23  }
0x5c: {  	s23 =	sand.u32 $0x3B00, s16;
	v9 =	vld.idx.msk [tilespmem:v0+s16+$0x410 ss:$0x1], $0xffff;
	[tilespmem:s18+$0x1C70 ss:$0x41] =	vst.msk $0xffff, v7  }
0x5d: {  	s24 =	sand.u32 $0x80, s20;
	s23 =	sadd.s32 s23, s15;
	v7 =	vld.idx.msk [tilespmem:v0+s16+$0x420 ss:$0x1], $0xffff;
	[tilespmem:s18+$0x2490 ss:$0x41] =	vst.msk $0xffff, v1  }
0x5e: {  	s23 =	sadd.s32 s24, s23;
	v10 =	vld.idx.msk [tilespmem:v0+s16+$0x430 ss:$0x1], $0xffff;
	[tilespmem:s18+$0x28A0 ss:$0x41] =	vst.msk $0xffff, v2  }
0x5f: {  	v11 =	vld [tilespmem:s23+$0x400];
	[tilespmem:s18+$0x2CB0 ss:$0x41] =	vst.msk $0xffff, v3  }
0x60: {  	v12 =	vld [tilespmem:s23+$0x0];
	[tilespmem:s18+$0x30C0 ss:$0x41] =	vst.msk $0xffff, v4  }
0x61: {  	v4 =	vld [tilespmem:s23+$0x10];
	[tilespmem:s18+$0x34D0 ss:$0x41] =	vst.msk $0xffff, v5  }
0x62: {  	s24 =	sshra.s32 s19, $0x2;
	s19 =	smov.u32 s22;
	v1 =	vmov v9;
	v5 =	vld [tilespmem:s23+$0x20];
	[tilespmem:s18+$0x38E0 ss:$0x41] =	vst.msk $0xffff, v6  }
0x63: {  	v2 =	vmov v7;
	v6 =	vld [tilespmem:s23+$0x30];
	[tilespmem:s18+$0x3CF0 ss:$0x41] =	vst.msk $0xffff, v8;
	s18 =	sadd.s32 s24, s17  }
0x64: {  	v3 =	vmov v10;
	v9 =	vld [tilespmem:s23+$0x40];
	[tilespmem:s18+$0x2080 ss:$0x41] =	vst.msk $0xffff, v11  }
0x65: {  	[tilespmem:s18+$0x0 ss:$0x41] =	vst.msk $0xffff, v12;
	v10 =	vld [tilespmem:s23+$0x50]  }
.Ltmp3:
0x66: {  	[tilespmem:s18+$0x410 ss:$0x41] =	vst.msk $0xffff, v4;
	v8 =	vld [tilespmem:s23+$0x60];
	(pc) =	sbr.rel @p1 .LBB1_3-.Ltmp3, $4  }
0x67: {  	[tilespmem:s18+$0x820 ss:$0x41] =	vst.msk $0xffff, v5;
	v7 =	vld [tilespmem:s23+$0x70]  }
0x68: {  	[tilespmem:s18+$0xC30 ss:$0x41] =	vst.msk $0xffff, v6;
	v4 =	vld.idx.msk [tilespmem:v0+s16+$0x440 ss:$0x1], $0xffff  }
0x69: {  	s20 =	sadd.s32 $0x80, s20;
	s21 =	sadd.s32 $0x100, s21;
	[tilespmem:s18+$0x1040 ss:$0x41] =	vst.msk $0xffff, v9;
	v5 =	vld.idx.msk [tilespmem:v0+s16+$0x450 ss:$0x1], $0xffff  }
0x6a: {  	s22 =	sadd.s32 $0x4, s22;
	s24 =	sand.u32 $0x380, s20;
	s23 =	sand.u32 $0x3800, s21;
	[tilespmem:s18+$0x1450 ss:$0x41] =	vst.msk $0xffff, v10;
	v6 =	vld.idx.msk [tilespmem:v0+s16+$0x460 ss:$0x1], $0xffff  }
.Ltmp4:
0x6b: {  	_ = 	snop;
	(pc) =	sbr.rel .LBB1_4-.Ltmp4, $1  }
0x6c: {  	_ =	sdelay $0x3  }
.LBB1_6:
0x6d: {  	_ =	sfence.sel $0x180000  }
0x6e: {  	s2 =	simm.s32 $0x1;
	[bflag:$0x0] =	sbarrier.arrive $0xFFFF  }
0x6f: {  	s31 =	simm.s32 $0x2;
	[sflag:s2] =	ssyncpa.u1 $0x1  }
0x70: {  	[sflag:s31] =	ssyncpa.u1 $0x1  }
0x71: {  	p0 =	sne.s32 s0, $0x0;
	_ =	strace $0x90000047  }
0x72: {  	s0 =	sadd.s32 @!p0 $0x100000, s1;
	[bflag:$0x2] =	sbarrier.arrive $0xFFFF  }
0x73: {  	[sflag:s0] =	ssyncadd.tile.s32 @!p0 $0x1;
	_ =	shalt  }
.Lfunc_end1:
_tile_overlayer_lowered:
.L_overlay_start_2:
0x74: {  	(tag) =	ssettag $0x2  }
0x75: {  	s0 =	rddreg [dreg:$0x0];
	s2 =	stileid.u32  }
0x76: {  	s1 =	rddreg [dreg:$0x1];
	p0 =	sne.s32 s2, $0x0  }
0x77: {  	s3 =	rddreg [dreg:$0x2];
	[bflag:$0x3] =	sbarrier.arrive $0xFFFF;
	s2 =	simm.s32 @!p0 $0x1C01  }
0x78: {  	[timem:s3], [sflag:s2] =	dma.local @!p0 [hbm:s0], s1  }
0x79: {  	s0 =	simm.s32 @!p0 $0x1  }
0x7a: {  	_ =	swait.ge @!p0 [sflag:s0], s1  }
0x7b: {  	s1 =	ssub.s32 @!p0 $0x0, s1;
	[sflag:s0] =	ssyncset.done @!p0 $0x0  }
0x7c: {  	[sflag:s0] =	ssyncadd.s32 @!p0 s1  }
0x7d: {  	[bflag:$0x3] =	sbarrier.arrive $0xFFFF  }
0x7e: {  	_ =	shalt  }

</sc_bundles>
